<compile_context>
chip_gen: v7x
topology: tpu7x:2x2x1
jax: 0.10.2.dev20260603
libtpu: 0.0.44.dev20260713+nightly
codegen_flags: <defaults>
</compile_context>

<pallas_src>
import functools

import jax
import jax.numpy as jnp
from jax import lax
from jax.experimental import pallas as pl
from jax.experimental.pallas import tpu as pltpu
from jax.experimental.pallas import tpu_sc as plsc

N = 10000
D = 128
E = 320000
CH = 128
ROWS = E // CH
NC, NS = 2, 16
NW = NC * NS
WR = 80
ROWSP = NW * WR
IB = 8
NBLK = WR // IB
NACC = N + 16
NPAD = 10240
DEGW = 16
ZROW = NPAD // NS
RT = 624
RTAIL = N - NS * RT

_MESH = plsc.VectorSubcoreMesh(
    core_axis_name="c", subcore_axis_name="s", num_cores=NC, num_subcores=NS
)



@functools.partial(
    pl.kernel,
    out_type=jax.ShapeDtypeStruct((NC, NPAD, DEGW), jnp.float32),
    mesh=_MESH,
    scratch_types=[
        pltpu.VMEM_SHARED((NPAD, DEGW), jnp.float32),
        pltpu.VMEM((IB, CH), jnp.int32),
        pltpu.VMEM((IB, CH), jnp.int32),
        pltpu.VMEM((CH, DEGW), jnp.float32),
        pltpu.VMEM((ZROW, DEGW), jnp.float32),
        pltpu.SemaphoreType.DMA,
    ],
)
def _deg_kernel(dst_hbm, out_hbm, acc, jb0, jb1, ones, zbuf, sem):
    cid = lax.axis_index("c")
    sid = lax.axis_index("s")
    wid = sid * NC + cid
    base = wid * WR

    def _fill(i, c):
        ones[i, :] = jnp.ones((DEGW,), jnp.float32)
        return c

    lax.fori_loop(0, CH, _fill, 0)

    def _fillz(i, c):
        zbuf[i, :] = jnp.zeros((DEGW,), jnp.float32)
        return c

    lax.fori_loop(0, ZROW, _fillz, 0)
    pltpu.sync_copy(zbuf, acc.at[pl.ds(sid * ZROW, ZROW)])
    plsc.subcore_barrier()

    jbufs = (jb0, jb1)
    pltpu.async_copy(dst_hbm.at[pl.ds(base, IB)], jb0, sem)

    def _super(sb, c):
        for half in range(2):
            blk = sb * 2 + half
            jb = jbufs[half]
            pltpu.make_async_copy(dst_hbm.at[pl.ds(0, IB)], jb, sem).wait()

            @pl.when(blk < NBLK - 1)
            def _stage_next():
                pltpu.async_copy(
                    dst_hbm.at[pl.ds(base + (blk + 1) * IB, IB)],
                    jbufs[1 - half], sem)

            for q in range(IB):
                pltpu.sync_copy(ones, acc.at[jb.at[q]], add=True)
        return c

    lax.fori_loop(0, NBLK // 2, _super, 0)
    plsc.subcore_barrier()
    pltpu.sync_copy(
        acc.at[pl.ds(sid * ZROW, ZROW)],
        out_hbm.at[cid, pl.ds(sid * ZROW, ZROW)],
    )


@functools.partial(
    pl.kernel,
    out_type=jax.ShapeDtypeStruct((NC, N, D), jnp.float32),
    mesh=_MESH,
    scratch_types=[
        pltpu.VMEM_SHARED((NACC, D), jnp.float32),
        pltpu.VMEM((IB, CH), jnp.int32),
        pltpu.VMEM((IB, CH), jnp.int32),
        pltpu.VMEM((IB, CH), jnp.int32),
        pltpu.VMEM((IB, CH), jnp.int32),
        pltpu.VMEM((CH, D), jnp.float32),
        pltpu.VMEM((CH, D), jnp.float32),
        pltpu.SemaphoreType.DMA,
        pltpu.SemaphoreType.DMA,
        pltpu.SemaphoreType.DMA,
    ],
)
def _hop_kernel(g_hbm, src_hbm, dst_hbm, out_hbm,
                acc, ib0, ib1, jb0, jb1, rb0, rb1, sem_i, sem_g, sem_s):
    cid = lax.axis_index("c")
    sid = lax.axis_index("s")
    wid = sid * NC + cid
    base = wid * WR
    ibufs = (ib0, ib1)
    jbufs = (jb0, jb1)
    rbufs = (rb0, rb1)

    def _fillz(i, c):
        for j in range(D // 16):
            rb0[i, pl.ds(j * 16, 16)] = jnp.zeros((16,), jnp.float32)
        return c

    lax.fori_loop(0, CH, _fillz, 0)
    for k in range(4):
        pltpu.sync_copy(rb0, acc.at[pl.ds(sid * RT + k * CH, CH)])
    pltpu.sync_copy(rb0.at[pl.ds(0, RT - 4 * CH)],
                    acc.at[pl.ds(sid * RT + 4 * CH, RT - 4 * CH)])

    @pl.when(sid == 0)
    def _ztail():
        pltpu.sync_copy(rb0.at[pl.ds(0, RTAIL)], acc.at[pl.ds(NS * RT, RTAIL)])

    plsc.subcore_barrier()

    pltpu.async_copy(src_hbm.at[pl.ds(base, IB)], ib0, sem_i)
    pltpu.async_copy(dst_hbm.at[pl.ds(base, IB)], jb0, sem_i)

    def _super(sb, c):
        for half in range(2):
            blk = sb * 2 + half
            ib, jb = ibufs[half], jbufs[half]
            pltpu.make_async_copy(src_hbm.at[pl.ds(0, IB)], ib, sem_i).wait()
            pltpu.make_async_copy(dst_hbm.at[pl.ds(0, IB)], jb, sem_i).wait()

            @pl.when(blk < NBLK - 1)
            def _stage_next():
                nxt = base + (blk + 1) * IB
                pltpu.async_copy(src_hbm.at[pl.ds(nxt, IB)], ibufs[1 - half], sem_i)
                pltpu.async_copy(dst_hbm.at[pl.ds(nxt, IB)], jbufs[1 - half], sem_i)

            @pl.when(blk > 0)
            def _drain_top():
                pltpu.make_async_copy(g_hbm.at[pl.ds(0, CH)], rb0, sem_s).wait()

            pltpu.async_copy(g_hbm.at[ib.at[0]], rbufs[0], sem_g)
            for q in range(IB):
                if q < IB - 1:
                    if q == 0:
                        @pl.when(blk > 0)
                        def _drain_prev():
                            pltpu.make_async_copy(
                                g_hbm.at[pl.ds(0, CH)], rb1, sem_s).wait()
                    else:
                        pltpu.make_async_copy(
                            g_hbm.at[pl.ds(0, CH)], rbufs[(q + 1) % 2], sem_s).wait()
                    pltpu.async_copy(g_hbm.at[ib.at[q + 1]], rbufs[(q + 1) % 2], sem_g)
                pltpu.make_async_copy(g_hbm.at[pl.ds(0, CH)], rbufs[q % 2], sem_g).wait()
                pltpu.async_copy(rbufs[q % 2], acc.at[jb.at[q]], sem_s, add=True)
        return c

    lax.fori_loop(0, NBLK // 2, _super, 0)
    pltpu.make_async_copy(g_hbm.at[pl.ds(0, CH)], rb0, sem_s).wait()
    pltpu.make_async_copy(g_hbm.at[pl.ds(0, CH)], rb1, sem_s).wait()
    plsc.subcore_barrier()
    pltpu.sync_copy(
        acc.at[pl.ds(sid * RT, RT)],
        out_hbm.at[cid, pl.ds(sid * RT, RT)],
    )

    @pl.when(sid == 0)
    def _wtail():
        pltpu.sync_copy(
            acc.at[pl.ds(NS * RT, RTAIL)],
            out_hbm.at[cid, pl.ds(NS * RT, RTAIL)],
        )



_BR = 2000


def _mm_body(x_ref, s_ref, w_ref, o_ref):
    o_ref[:, :] = jnp.dot(x_ref[:, :] * s_ref[:, :], w_ref[:, :],
                          preferred_element_type=jnp.float32)


def _matmul_scaled(x, s_col, W):
    return pl.pallas_call(
        _mm_body,
        grid=(N // _BR,),
        in_specs=[
            pl.BlockSpec((_BR, D), lambda i: (i, 0)),
            pl.BlockSpec((_BR, 1), lambda i: (i, 0)),
            pl.BlockSpec((D, D), lambda i: (0, 0)),
        ],
        out_specs=pl.BlockSpec((_BR, D), lambda i: (i, 0)),
        out_shape=jax.ShapeDtypeStruct((N, D), jnp.float32),
    )(x, s_col, W)


def _comb_body(p_ref, g_ref, s_ref, o_ref):
    o_ref[:, :] = s_ref[:, :] * (p_ref[0] + p_ref[1] + g_ref[:, :])


def _combine_scale(parts, g, s_col):
    return pl.pallas_call(
        _comb_body,
        grid=(N // _BR,),
        in_specs=[
            pl.BlockSpec((NC, _BR, D), lambda i: (0, i, 0)),
            pl.BlockSpec((_BR, D), lambda i: (i, 0)),
            pl.BlockSpec((_BR, 1), lambda i: (i, 0)),
        ],
        out_specs=pl.BlockSpec((_BR, D), lambda i: (i, 0)),
        out_shape=jax.ShapeDtypeStruct((N, D), jnp.float32),
    )(parts, g, s_col)


def _final_body(p_ref, g_ref, s_ref, b_ref, o_ref):
    h = s_ref[:, :] * (p_ref[0] + p_ref[1] + g_ref[:, :])
    o_ref[:, :] = jax.nn.sigmoid(h + b_ref[:, :])


def _final(parts, g, s_col, b_row):
    return pl.pallas_call(
        _final_body,
        grid=(N // _BR,),
        in_specs=[
            pl.BlockSpec((NC, _BR, D), lambda i: (0, i, 0)),
            pl.BlockSpec((_BR, D), lambda i: (i, 0)),
            pl.BlockSpec((_BR, 1), lambda i: (i, 0)),
            pl.BlockSpec((1, D), lambda i: (0, 0)),
        ],
        out_specs=pl.BlockSpec((_BR, D), lambda i: (i, 0)),
        out_shape=jax.ShapeDtypeStruct((N, D), jnp.float32),
    )(parts, g, s_col, b_row)



def kernel(x, edge_index, W, b):
    src = edge_index[0].astype(jnp.int32).reshape(ROWS, CH)
    dst = edge_index[1].astype(jnp.int32).reshape(ROWS, CH)
    npad = ROWSP - ROWS
    lane = jnp.arange(npad * CH, dtype=jnp.int32).reshape(npad, CH) % 16
    src = jnp.concatenate([src, lane])
    dst = jnp.concatenate([dst, N + lane])

    degp = _deg_kernel(dst)
    deg = degp[0, :N, 0] + degp[1, :N, 0] + 1.0
    dinv = lax.rsqrt(deg)[:, None]
    dinv2 = dinv * dinv

    g0 = _matmul_scaled(x, dinv, W)
    q = _hop_kernel(g0, src, dst)
    g1 = _combine_scale(q, g0, dinv2)
    r = _hop_kernel(g1, src, dst)
    return _final(r, g1, dinv, b[None, :])

# --- scband reference (transcript-rebuilt; emitter-appended) ---
"""Pipeline reference for scband-sgconv-net-51196010169027 (READ-ONLY COPY).

The authoritative reference and input builder live on the scoring server;
editing this copy changes nothing except your own understanding.
"""

import jax, jax.numpy as jnp
import numpy as np

N_NODES = 10000
N_EDGES = 320000
D_IN = 128
D_OUT = 128
K_HOPS = 2


def setup_inputs(seed: int = 0) -> dict:
    key = jax.random.key(seed)
    k1, k2, k3, k4 = jax.random.split(key, 4)
    x = jax.random.normal(k1, (N_NODES, D_IN), dtype=jnp.float32)
    edge_index = jax.random.randint(k2, (2, N_EDGES), 0, N_NODES, dtype=jnp.int64)
    # Linear params (torch.nn.Linear(in_c, out_c)): weight [out_c, in_c], bias [out_c]
    limit = 1.0 / np.sqrt(D_IN)
    W = jax.random.uniform(k3, (D_IN, D_OUT), dtype=jnp.float32, minval=-limit, maxval=limit)
    b = jax.random.uniform(k4, (D_OUT,), dtype=jnp.float32, minval=-limit, maxval=limit)
    return {"x": x, "edge_index": edge_index, "W": W, "b": b}


def reference(x, edge_index, W, b):
    N = x.shape[0]
    src = edge_index[0]
    dst = edge_index[1]
    # add self-loops (PyG gcn_norm with add_self_loops=True)
    loop = jnp.arange(N, dtype=edge_index.dtype)
    src = jnp.concatenate([src, loop])
    dst = jnp.concatenate([dst, loop])
    ew = jnp.ones(src.shape[0], dtype=x.dtype)
    # symmetric normalization: deg computed over target nodes
    deg = jnp.zeros((N,), dtype=x.dtype).at[dst].add(ew)
    deg_inv_sqrt = jnp.where(deg > 0, 1.0 / jnp.sqrt(deg), 0.0)
    norm = deg_inv_sqrt[src] * ew * deg_inv_sqrt[dst]
    # K-hop propagation: x <- S x, K times (gather from src, scatter-add to dst)
    h = x
    for _ in range(K_HOPS):
        msgs = norm[:, None] * h[src]
        h = jnp.zeros((N, h.shape[1]), dtype=h.dtype).at[dst].add(msgs)
    out = h @ W + b
    return jax.nn.sigmoid(out)

if __name__ == "__main__":
    import jax
    _d = setup_inputs()
    print(jax.jit(kernel)(*tuple(_d.values())))

</pallas_src>

<mosaic_0001>
#map = affine_map<(d0, d1) -> (0, 0)>
#map1 = affine_map<(d0, d1) -> (0, 0, 0)>
module attributes {stable_mosaic.version = 14 : i64} {
  func.func @_hop_kernel(%arg0: i32, %arg1: i32, %arg2: memref<10000x128xf32, #tpu.memory_space<hbm>>, %arg3: memref<2560x128xi32, #tpu.memory_space<hbm>>, %arg4: memref<2560x128xi32, #tpu.memory_space<hbm>>, %arg5: memref<2x10000x128xf32, #tpu.memory_space<hbm>>, %arg6: memref<10016x128xf32, #tpu.memory_space<vmem_shared>>, %arg7: memref<8x128xi32, #tpu.memory_space<vmem>>, %arg8: memref<8x128xi32, #tpu.memory_space<vmem>>, %arg9: memref<8x128xi32, #tpu.memory_space<vmem>>, %arg10: memref<8x128xi32, #tpu.memory_space<vmem>>, %arg11: memref<128x128xf32, #tpu.memory_space<vmem>>, %arg12: memref<128x128xf32, #tpu.memory_space<vmem>>, %arg13: memref<!tpu.dma_semaphore, #tpu.memory_space<semaphore_mem>>, %arg14: memref<!tpu.dma_semaphore, #tpu.memory_space<semaphore_mem>>, %arg15: memref<!tpu.dma_semaphore, #tpu.memory_space<semaphore_mem>>) attributes {dimension_semantics = [#tpu.dimension_semantics<core_parallel>, #tpu.dimension_semantics<subcore_parallel>], iteration_bounds = array<i64: 2, 16>, scalar_prefetch = 0 : i64, scratch_operands = 10 : i64, tpu.core_type = #tpu.core_type<sc_vector_subcore>, window_params = [{transform_indices = #map}, {transform_indices = #map}, {transform_indices = #map}, {transform_indices = #map1}]} {
    %mul3A = arith.constant 2 : i32
    %mul3A_0 = arith.muli %arg1, %mul3A : i32
    %add3A = arith.addi %mul3A_0, %arg0 : i32
    %mul3A_1 = arith.constant 80 : i32
    %mul3A_2 = arith.muli %add3A, %mul3A_1 : i32
    %scan3A = arith.constant 0 : i32
    %scan3A_3 = arith.constant 0 : i32
    %scan3A_4 = arith.constant 128 : i32
    %scan3A_5 = arith.addi %scan3A_3, %scan3A_4 : i32
    %scan3A_6 = arith.constant 1 : i32
    scf.for %scan3A_64 = %scan3A_3 to %scan3A_5 step %scan3A_6  : i32 {
      %broadcast_in_dim3A = arith.constant 0.000000e+00 : f32
      %broadcast_in_dim3A_65 = vector.broadcast %broadcast_in_dim3A : f32 to vector<16xf32>
      %swap3A = arith.index_cast %scan3A_64 : i32 to index
      %swap3A_66 = arith.constant 0 : index
      %swap3A_67 = tpu.vector_load %arg11[%swap3A, %swap3A_66] {strides = array<i32>} : memref<128x128xf32, #tpu.memory_space<vmem>>, vector<1x16xf32>,
      %swap3A_68 = vector.shape_cast %swap3A_67 : vector<1x16xf32> to vector<16xf32>
      %swap3A_69 = vector.shape_cast %broadcast_in_dim3A_65 : vector<16xf32> to vector<1x16xf32>
      tpu.vector_store %arg11[%swap3A, %swap3A_66], %swap3A_69 {strides = array<i32>} : memref<128x128xf32, #tpu.memory_space<vmem>>, vector<1x16xf32>,
      %broadcast_in_dim3A_70 = arith.constant 0.000000e+00 : f32
      %broadcast_in_dim3A_71 = vector.broadcast %broadcast_in_dim3A_70 : f32 to vector<16xf32>
      %swap3A_72 = arith.index_cast %scan3A_64 : i32 to index
      %swap3A_73 = arith.constant 16 : index
      %swap3A_74 = tpu.vector_load %arg11[%swap3A_72, %swap3A_73] {strides = array<i32>} : memref<128x128xf32, #tpu.memory_space<vmem>>, vector<1x16xf32>,
      %swap3A_75 = vector.shape_cast %swap3A_74 : vector<1x16xf32> to vector<16xf32>
      %swap3A_76 = vector.shape_cast %broadcast_in_dim3A_71 : vector<16xf32> to vector<1x16xf32>
      tpu.vector_store %arg11[%swap3A_72, %swap3A_73], %swap3A_76 {strides = array<i32>} : memref<128x128xf32, #tpu.memory_space<vmem>>, vector<1x16xf32>,
      %broadcast_in_dim3A_77 = arith.constant 0.000000e+00 : f32
      %broadcast_in_dim3A_78 = vector.broadcast %broadcast_in_dim3A_77 : f32 to vector<16xf32>
      %swap3A_79 = arith.index_cast %scan3A_64 : i32 to index
      %swap3A_80 = arith.constant 32 : index
      %swap3A_81 = tpu.vector_load %arg11[%swap3A_79, %swap3A_80] {strides = array<i32>} : memref<128x128xf32, #tpu.memory_space<vmem>>, vector<1x16xf32>,
      %swap3A_82 = vector.shape_cast %swap3A_81 : vector<1x16xf32> to vector<16xf32>
      %swap3A_83 = vector.shape_cast %broadcast_in_dim3A_78 : vector<16xf32> to vector<1x16xf32>
      tpu.vector_store %arg11[%swap3A_79, %swap3A_80], %swap3A_83 {strides = array<i32>} : memref<128x128xf32, #tpu.memory_space<vmem>>, vector<1x16xf32>,
      %broadcast_in_dim3A_84 = arith.constant 0.000000e+00 : f32
      %broadcast_in_dim3A_85 = vector.broadcast %broadcast_in_dim3A_84 : f32 to vector<16xf32>
      %swap3A_86 = arith.index_cast %scan3A_64 : i32 to index
      %swap3A_87 = arith.constant 48 : index
      %swap3A_88 = tpu.vector_load %arg11[%swap3A_86, %swap3A_87] {strides = array<i32>} : memref<128x128xf32, #tpu.memory_space<vmem>>, vector<1x16xf32>,
      %swap3A_89 = vector.shape_cast %swap3A_88 : vector<1x16xf32> to vector<16xf32>
      %swap3A_90 = vector.shape_cast %broadcast_in_dim3A_85 : vector<16xf32> to vector<1x16xf32>
      tpu.vector_store %arg11[%swap3A_86, %swap3A_87], %swap3A_90 {strides = array<i32>} : memref<128x128xf32, #tpu.memory_space<vmem>>, vector<1x16xf32>,
      %broadcast_in_dim3A_91 = arith.constant 0.000000e+00 : f32
      %broadcast_in_dim3A_92 = vector.broadcast %broadcast_in_dim3A_91 : f32 to vector<16xf32>
      %swap3A_93 = arith.index_cast %scan3A_64 : i32 to index
      %swap3A_94 = arith.constant 64 : index
      %swap3A_95 = tpu.vector_load %arg11[%swap3A_93, %swap3A_94] {strides = array<i32>} : memref<128x128xf32, #tpu.memory_space<vmem>>, vector<1x16xf32>,
      %swap3A_96 = vector.shape_cast %swap3A_95 : vector<1x16xf32> to vector<16xf32>
      %swap3A_97 = vector.shape_cast %broadcast_in_dim3A_92 : vector<16xf32> to vector<1x16xf32>
      tpu.vector_store %arg11[%swap3A_93, %swap3A_94], %swap3A_97 {strides = array<i32>} : memref<128x128xf32, #tpu.memory_space<vmem>>, vector<1x16xf32>,
      %broadcast_in_dim3A_98 = arith.constant 0.000000e+00 : f32
      %broadcast_in_dim3A_99 = vector.broadcast %broadcast_in_dim3A_98 : f32 to vector<16xf32>
      %swap3A_100 = arith.index_cast %scan3A_64 : i32 to index
      %swap3A_101 = arith.constant 80 : index
      %swap3A_102 = tpu.vector_load %arg11[%swap3A_100, %swap3A_101] {strides = array<i32>} : memref<128x128xf32, #tpu.memory_space<vmem>>, vector<1x16xf32>,
      %swap3A_103 = vector.shape_cast %swap3A_102 : vector<1x16xf32> to vector<16xf32>
      %swap3A_104 = vector.shape_cast %broadcast_in_dim3A_99 : vector<16xf32> to vector<1x16xf32>
      tpu.vector_store %arg11[%swap3A_100, %swap3A_101], %swap3A_104 {strides = array<i32>} : memref<128x128xf32, #tpu.memory_space<vmem>>, vector<1x16xf32>,
      %broadcast_in_dim3A_105 = arith.constant 0.000000e+00 : f32
      %broadcast_in_dim3A_106 = vector.broadcast %broadcast_in_dim3A_105 : f32 to vector<16xf32>
      %swap3A_107 = arith.index_cast %scan3A_64 : i32 to index
      %swap3A_108 = arith.constant 96 : index
      %swap3A_109 = tpu.vector_load %arg11[%swap3A_107, %swap3A_108] {strides = array<i32>} : memref<128x128xf32, #tpu.memory_space<vmem>>, vector<1x16xf32>,
      %swap3A_110 = vector.shape_cast %swap3A_109 : vector<1x16xf32> to vector<16xf32>
      %swap3A_111 = vector.shape_cast %broadcast_in_dim3A_106 : vector<16xf32> to vector<1x16xf32>
      tpu.vector_store %arg11[%swap3A_107, %swap3A_108], %swap3A_111 {strides = array<i32>} : memref<128x128xf32, #tpu.memory_space<vmem>>, vector<1x16xf32>,
      %broadcast_in_dim3A_112 = arith.constant 0.000000e+00 : f32
      %broadcast_in_dim3A_113 = vector.broadcast %broadcast_in_dim3A_112 : f32 to vector<16xf32>
      %swap3A_114 = arith.index_cast %scan3A_64 : i32 to index
      %swap3A_115 = arith.constant 112 : index
      %swap3A_116 = tpu.vector_load %arg11[%swap3A_114, %swap3A_115] {strides = array<i32>} : memref<128x128xf32, #tpu.memory_space<vmem>>, vector<1x16xf32>,
      %swap3A_117 = vector.shape_cast %swap3A_116 : vector<1x16xf32> to vector<16xf32>
      %swap3A_118 = vector.shape_cast %broadcast_in_dim3A_113 : vector<16xf32> to vector<1x16xf32>
      tpu.vector_store %arg11[%swap3A_114, %swap3A_115], %swap3A_118 {strides = array<i32>} : memref<128x128xf32, #tpu.memory_space<vmem>>, vector<1x16xf32>,
    }
    %scan3A_7 = arith.constant 128 : i32
    %mul3A_8 = arith.constant 624 : i32
    %mul3A_9 = arith.muli %arg1, %mul3A_8 : i32
    %add3A_10 = arith.constant 0 : i32
    %add3A_11 = arith.addi %mul3A_9, %add3A_10 : i32
    "tpu.region"() ({
      %run_scoped3A = tpu.sem_alloc : memref<!tpu.dma_semaphore, #tpu.memory_space<semaphore_mem>>
      %dma_start3A_64 = arith.constant 0 : i32
      %dma_start3A_65 = tpu.memref_slice %arg6[%add3A_11, %dma_start3A_64] : memref<10016x128xf32, #tpu.memory_space<vmem_shared>> -> memref<128x128xf32, #tpu.memory_space<vmem_shared>>
      %dma_start3A_66 = arith.constant 0 : i32
      %dma_start3A_67 = tpu.memref_slice %arg6[%add3A_11, %dma_start3A_66] : memref<10016x128xf32, #tpu.memory_space<vmem_shared>> -> memref<128x128xf32, #tpu.memory_space<vmem_shared>>
      tpu.enqueue_dma source(%arg11 : memref<128x128xf32, #tpu.memory_space<vmem>>) target(%dma_start3A_67 : memref<128x128xf32, #tpu.memory_space<vmem_shared>>) target_semaphore(%run_scoped3A : memref<!tpu.dma_semaphore, #tpu.memory_space<semaphore_mem>>)
      %dma_wait3A_68 = arith.constant 0 : i32
      %dma_wait3A_69 = tpu.memref_slice %arg6[%add3A_11, %dma_wait3A_68] : memref<10016x128xf32, #tpu.memory_space<vmem_shared>> -> memref<128x128xf32, #tpu.memory_space<vmem_shared>>
      %dma_wait3A_70 = arith.constant 0 : i32
      %dma_wait3A_71 = tpu.memref_slice %arg6[%add3A_11, %dma_wait3A_70] : memref<10016x128xf32, #tpu.memory_space<vmem_shared>> -> memref<128x128xf32, #tpu.memory_space<vmem_shared>>
      tpu.wait_dma2 semaphore(%run_scoped3A : memref<!tpu.dma_semaphore, #tpu.memory_space<semaphore_mem>>) src(%arg11 : memref<128x128xf32, #tpu.memory_space<vmem>>) dst(%dma_wait3A_71 : memref<128x128xf32, #tpu.memory_space<vmem_shared>>)
      tpu.yield
    }) : () -> ()
    %mul3A_12 = arith.constant 624 : i32
    %mul3A_13 = arith.muli %arg1, %mul3A_12 : i32
    %add3A_14 = arith.constant 128 : i32
    %add3A_15 = arith.addi %mul3A_13, %add3A_14 : i32
    "tpu.region"() ({
      %run_scoped3A = tpu.sem_alloc : memref<!tpu.dma_semaphore, #tpu.memory_space<semaphore_mem>>
      %dma_start3A_64 = arith.constant 0 : i32
      %dma_start3A_65 = tpu.memref_slice %arg6[%add3A_15, %dma_start3A_64] : memref<10016x128xf32, #tpu.memory_space<vmem_shared>> -> memref<128x128xf32, #tpu.memory_space<vmem_shared>>
      %dma_start3A_66 = arith.constant 0 : i32
      %dma_start3A_67 = tpu.memref_slice %arg6[%add3A_15, %dma_start3A_66] : memref<10016x128xf32, #tpu.memory_space<vmem_shared>> -> memref<128x128xf32, #tpu.memory_space<vmem_shared>>
      tpu.enqueue_dma source(%arg11 : memref<128x128xf32, #tpu.memory_space<vmem>>) target(%dma_start3A_67 : memref<128x128xf32, #tpu.memory_space<vmem_shared>>) target_semaphore(%run_scoped3A : memref<!tpu.dma_semaphore, #tpu.memory_space<semaphore_mem>>)
      %dma_wait3A_68 = arith.constant 0 : i32
      %dma_wait3A_69 = tpu.memref_slice %arg6[%add3A_15, %dma_wait3A_68] : memref<10016x128xf32, #tpu.memory_space<vmem_shared>> -> memref<128x128xf32, #tpu.memory_space<vmem_shared>>
      %dma_wait3A_70 = arith.constant 0 : i32
      %dma_wait3A_71 = tpu.memref_slice %arg6[%add3A_15, %dma_wait3A_70] : memref<10016x128xf32, #tpu.memory_space<vmem_shared>> -> memref<128x128xf32, #tpu.memory_space<vmem_shared>>
      tpu.wait_dma2 semaphore(%run_scoped3A : memref<!tpu.dma_semaphore, #tpu.memory_space<semaphore_mem>>) src(%arg11 : memref<128x128xf32, #tpu.memory_space<vmem>>) dst(%dma_wait3A_71 : memref<128x128xf32, #tpu.memory_space<vmem_shared>>)
      tpu.yield
    }) : () -> ()
    %mul3A_16 = arith.constant 624 : i32
    %mul3A_17 = arith.muli %arg1, %mul3A_16 : i32
    %add3A_18 = arith.constant 256 : i32
    %add3A_19 = arith.addi %mul3A_17, %add3A_18 : i32
    "tpu.region"() ({
      %run_scoped3A = tpu.sem_alloc : memref<!tpu.dma_semaphore, #tpu.memory_space<semaphore_mem>>
      %dma_start3A_64 = arith.constant 0 : i32
      %dma_start3A_65 = tpu.memref_slice %arg6[%add3A_19, %dma_start3A_64] : memref<10016x128xf32, #tpu.memory_space<vmem_shared>> -> memref<128x128xf32, #tpu.memory_space<vmem_shared>>
      %dma_start3A_66 = arith.constant 0 : i32
      %dma_start3A_67 = tpu.memref_slice %arg6[%add3A_19, %dma_start3A_66] : memref<10016x128xf32, #tpu.memory_space<vmem_shared>> -> memref<128x128xf32, #tpu.memory_space<vmem_shared>>
      tpu.enqueue_dma source(%arg11 : memref<128x128xf32, #tpu.memory_space<vmem>>) target(%dma_start3A_67 : memref<128x128xf32, #tpu.memory_space<vmem_shared>>) target_semaphore(%run_scoped3A : memref<!tpu.dma_semaphore, #tpu.memory_space<semaphore_mem>>)
      %dma_wait3A_68 = arith.constant 0 : i32
      %dma_wait3A_69 = tpu.memref_slice %arg6[%add3A_19, %dma_wait3A_68] : memref<10016x128xf32, #tpu.memory_space<vmem_shared>> -> memref<128x128xf32, #tpu.memory_space<vmem_shared>>
      %dma_wait3A_70 = arith.constant 0 : i32
      %dma_wait3A_71 = tpu.memref_slice %arg6[%add3A_19, %dma_wait3A_70] : memref<10016x128xf32, #tpu.memory_space<vmem_shared>> -> memref<128x128xf32, #tpu.memory_space<vmem_shared>>
      tpu.wait_dma2 semaphore(%run_scoped3A : memref<!tpu.dma_semaphore, #tpu.memory_space<semaphore_mem>>) src(%arg11 : memref<128x128xf32, #tpu.memory_space<vmem>>) dst(%dma_wait3A_71 : memref<128x128xf32, #tpu.memory_space<vmem_shared>>)
      tpu.yield
    }) : () -> ()
    %mul3A_20 = arith.constant 624 : i32
    %mul3A_21 = arith.muli %arg1, %mul3A_20 : i32
    %add3A_22 = arith.constant 384 : i32
    %add3A_23 = arith.addi %mul3A_21, %add3A_22 : i32
    "tpu.region"() ({
      %run_scoped3A = tpu.sem_alloc : memref<!tpu.dma_semaphore, #tpu.memory_space<semaphore_mem>>
      %dma_start3A_64 = arith.constant 0 : i32
      %dma_start3A_65 = tpu.memref_slice %arg6[%add3A_23, %dma_start3A_64] : memref<10016x128xf32, #tpu.memory_space<vmem_shared>> -> memref<128x128xf32, #tpu.memory_space<vmem_shared>>
      %dma_start3A_66 = arith.constant 0 : i32
      %dma_start3A_67 = tpu.memref_slice %arg6[%add3A_23, %dma_start3A_66] : memref<10016x128xf32, #tpu.memory_space<vmem_shared>> -> memref<128x128xf32, #tpu.memory_space<vmem_shared>>
      tpu.enqueue_dma source(%arg11 : memref<128x128xf32, #tpu.memory_space<vmem>>) target(%dma_start3A_67 : memref<128x128xf32, #tpu.memory_space<vmem_shared>>) target_semaphore(%run_scoped3A : memref<!tpu.dma_semaphore, #tpu.memory_space<semaphore_mem>>)
      %dma_wait3A_68 = arith.constant 0 : i32
      %dma_wait3A_69 = tpu.memref_slice %arg6[%add3A_23, %dma_wait3A_68] : memref<10016x128xf32, #tpu.memory_space<vmem_shared>> -> memref<128x128xf32, #tpu.memory_space<vmem_shared>>
      %dma_wait3A_70 = arith.constant 0 : i32
      %dma_wait3A_71 = tpu.memref_slice %arg6[%add3A_23, %dma_wait3A_70] : memref<10016x128xf32, #tpu.memory_space<vmem_shared>> -> memref<128x128xf32, #tpu.memory_space<vmem_shared>>
      tpu.wait_dma2 semaphore(%run_scoped3A : memref<!tpu.dma_semaphore, #tpu.memory_space<semaphore_mem>>) src(%arg11 : memref<128x128xf32, #tpu.memory_space<vmem>>) dst(%dma_wait3A_71 : memref<128x128xf32, #tpu.memory_space<vmem_shared>>)
      tpu.yield
    }) : () -> ()
    %mul3A_24 = arith.constant 624 : i32
    %mul3A_25 = arith.muli %arg1, %mul3A_24 : i32
    %add3A_26 = arith.constant 512 : i32
    %add3A_27 = arith.addi %mul3A_25, %add3A_26 : i32
    "tpu.region"() ({
      %run_scoped3A = tpu.sem_alloc : memref<!tpu.dma_semaphore, #tpu.memory_space<semaphore_mem>>
      %dma_start3A_64 = arith.constant 0 : i32
      %dma_start3A_65 = arith.constant 0 : i32
      %dma_start3A_66 = tpu.memref_slice %arg11[%dma_start3A_64, %dma_start3A_65] : memref<128x128xf32, #tpu.memory_space<vmem>> -> memref<112x128xf32, #tpu.memory_space<vmem>>
      %dma_start3A_67 = arith.constant 0 : i32
      %dma_start3A_68 = tpu.memref_slice %arg6[%add3A_27, %dma_start3A_67] : memref<10016x128xf32, #tpu.memory_space<vmem_shared>> -> memref<112x128xf32, #tpu.memory_space<vmem_shared>>
      %dma_start3A_69 = arith.constant 0 : i32
      %dma_start3A_70 = tpu.memref_slice %arg6[%add3A_27, %dma_start3A_69] : memref<10016x128xf32, #tpu.memory_space<vmem_shared>> -> memref<112x128xf32, #tpu.memory_space<vmem_shared>>
      %dma_start3A_71 = arith.constant 0 : i32
      %dma_start3A_72 = arith.constant 0 : i32
      %dma_start3A_73 = tpu.memref_slice %arg11[%dma_start3A_71, %dma_start3A_72] : memref<128x128xf32, #tpu.memory_space<vmem>> -> memref<112x128xf32, #tpu.memory_space<vmem>>
      tpu.enqueue_dma source(%dma_start3A_73 : memref<112x128xf32, #tpu.memory_space<vmem>>) target(%dma_start3A_70 : memref<112x128xf32, #tpu.memory_space<vmem_shared>>) target_semaphore(%run_scoped3A : memref<!tpu.dma_semaphore, #tpu.memory_space<semaphore_mem>>)
      %dma_wait3A_74 = arith.constant 0 : i32
      %dma_wait3A_75 = arith.constant 0 : i32
      %dma_wait3A_76 = tpu.memref_slice %arg11[%dma_wait3A_74, %dma_wait3A_75] : memref<128x128xf32, #tpu.memory_space<vmem>> -> memref<112x128xf32, #tpu.memory_space<vmem>>
      %dma_wait3A_77 = arith.constant 0 : i32
      %dma_wait3A_78 = tpu.memref_slice %arg6[%add3A_27, %dma_wait3A_77] : memref<10016x128xf32, #tpu.memory_space<vmem_shared>> -> memref<112x128xf32, #tpu.memory_space<vmem_shared>>
      %dma_wait3A_79 = arith.constant 0 : i32
      %dma_wait3A_80 = tpu.memref_slice %arg6[%add3A_27, %dma_wait3A_79] : memref<10016x128xf32, #tpu.memory_space<vmem_shared>> -> memref<112x128xf32, #tpu.memory_space<vmem_shared>>
      %dma_wait3A_81 = arith.constant 0 : i32
      %dma_wait3A_82 = arith.constant 0 : i32
      %dma_wait3A_83 = tpu.memref_slice %arg11[%dma_wait3A_81, %dma_wait3A_82] : memref<128x128xf32, #tpu.memory_space<vmem>> -> memref<112x128xf32, #tpu.memory_space<vmem>>
      tpu.wait_dma2 semaphore(%run_scoped3A : memref<!tpu.dma_semaphore, #tpu.memory_space<semaphore_mem>>) src(%dma_wait3A_83 : memref<112x128xf32, #tpu.memory_space<vmem>>) dst(%dma_wait3A_80 : memref<112x128xf32, #tpu.memory_space<vmem_shared>>)
      tpu.yield
    }) : () -> ()
    %eq3A = arith.constant 0 : i32
    %eq3A_28 = arith.cmpi eq, %arg1, %eq3A : i32
    %convert_element_type3A = arith.extui %eq3A_28 : i1 to i32
    %cond3A = arith.constant 0 : i32
    %cond3A_29 = arith.cmpi ne, %convert_element_type3A, %cond3A : i32
    scf.if %cond3A_29 {
      "tpu.region"() ({
        %run_scoped3A = tpu.sem_alloc : memref<!tpu.dma_semaphore, #tpu.memory_space<semaphore_mem>>
        %dma_start3A_64 = arith.constant 0 : i32
        %dma_start3A_65 = arith.constant 0 : i32
        %dma_start3A_66 = tpu.memref_slice %arg11[%dma_start3A_64, %dma_start3A_65] : memref<128x128xf32, #tpu.memory_space<vmem>> -> memref<16x128xf32, #tpu.memory_space<vmem>>
        %dma_start3A_67 = arith.constant 9984 : i32
        %dma_start3A_68 = arith.constant 0 : i32
        %dma_start3A_69 = tpu.memref_slice %arg6[%dma_start3A_67, %dma_start3A_68] : memref<10016x128xf32, #tpu.memory_space<vmem_shared>> -> memref<16x128xf32, #tpu.memory_space<vmem_shared>>
        %dma_start3A_70 = arith.constant 9984 : i32
        %dma_start3A_71 = arith.constant 0 : i32
        %dma_start3A_72 = tpu.memref_slice %arg6[%dma_start3A_70, %dma_start3A_71] : memref<10016x128xf32, #tpu.memory_space<vmem_shared>> -> memref<16x128xf32, #tpu.memory_space<vmem_shared>>
        %dma_start3A_73 = arith.constant 0 : i32
        %dma_start3A_74 = arith.constant 0 : i32
        %dma_start3A_75 = tpu.memref_slice %arg11[%dma_start3A_73, %dma_start3A_74] : memref<128x128xf32, #tpu.memory_space<vmem>> -> memref<16x128xf32, #tpu.memory_space<vmem>>
        tpu.enqueue_dma source(%dma_start3A_75 : memref<16x128xf32, #tpu.memory_space<vmem>>) target(%dma_start3A_72 : memref<16x128xf32, #tpu.memory_space<vmem_shared>>) target_semaphore(%run_scoped3A : memref<!tpu.dma_semaphore, #tpu.memory_space<semaphore_mem>>)
        %dma_wait3A_76 = arith.constant 0 : i32
        %dma_wait3A_77 = arith.constant 0 : i32
        %dma_wait3A_78 = tpu.memref_slice %arg11[%dma_wait3A_76, %dma_wait3A_77] : memref<128x128xf32, #tpu.memory_space<vmem>> -> memref<16x128xf32, #tpu.memory_space<vmem>>
        %dma_wait3A_79 = arith.constant 9984 : i32
        %dma_wait3A_80 = arith.constant 0 : i32
        %dma_wait3A_81 = tpu.memref_slice %arg6[%dma_wait3A_79, %dma_wait3A_80] : memref<10016x128xf32, #tpu.memory_space<vmem_shared>> -> memref<16x128xf32, #tpu.memory_space<vmem_shared>>
        %dma_wait3A_82 = arith.constant 9984 : i32
        %dma_wait3A_83 = arith.constant 0 : i32
        %dma_wait3A_84 = tpu.memref_slice %arg6[%dma_wait3A_82, %dma_wait3A_83] : memref<10016x128xf32, #tpu.memory_space<vmem_shared>> -> memref<16x128xf32, #tpu.memory_space<vmem_shared>>
        %dma_wait3A_85 = arith.constant 0 : i32
        %dma_wait3A_86 = arith.constant 0 : i32
        %dma_wait3A_87 = tpu.memref_slice %arg11[%dma_wait3A_85, %dma_wait3A_86] : memref<128x128xf32, #tpu.memory_space<vmem>> -> memref<16x128xf32, #tpu.memory_space<vmem>>
        tpu.wait_dma2 semaphore(%run_scoped3A : memref<!tpu.dma_semaphore, #tpu.memory_space<semaphore_mem>>) src(%dma_wait3A_87 : memref<16x128xf32, #tpu.memory_space<vmem>>) dst(%dma_wait3A_84 : memref<16x128xf32, #tpu.memory_space<vmem_shared>>)
        tpu.yield
      }) : () -> ()
    } else {
    }
    %barrier3A = arith.constant 0 : index
    tpu.barrier barrier_id(%barrier3A)
    %dma_start3A = arith.constant 0 : i32
    %dma_start3A_30 = tpu.memref_slice %arg3[%mul3A_2, %dma_start3A] : memref<2560x128xi32, #tpu.memory_space<hbm>> -> memref<8x128xi32, #tpu.memory_space<hbm>>
    %dma_start3A_31 = arith.constant 0 : i32
    %dma_start3A_32 = tpu.memref_slice %arg3[%mul3A_2, %dma_start3A_31] : memref<2560x128xi32, #tpu.memory_space<hbm>> -> memref<8x128xi32, #tpu.memory_space<hbm>>
    tpu.enqueue_dma source(%dma_start3A_32 : memref<8x128xi32, #tpu.memory_space<hbm>>) target(%arg7 : memref<8x128xi32, #tpu.memory_space<vmem>>) target_semaphore(%arg13 : memref<!tpu.dma_semaphore, #tpu.memory_space<semaphore_mem>>)
    %dma_start3A_33 = arith.constant 0 : i32
    %dma_start3A_34 = tpu.memref_slice %arg4[%mul3A_2, %dma_start3A_33] : memref<2560x128xi32, #tpu.memory_space<hbm>> -> memref<8x128xi32, #tpu.memory_space<hbm>>
    %dma_start3A_35 = arith.constant 0 : i32
    %dma_start3A_36 = tpu.memref_slice %arg4[%mul3A_2, %dma_start3A_35] : memref<2560x128xi32, #tpu.memory_space<hbm>> -> memref<8x128xi32, #tpu.memory_space<hbm>>
    tpu.enqueue_dma source(%dma_start3A_36 : memref<8x128xi32, #tpu.memory_space<hbm>>) target(%arg9 : memref<8x128xi32, #tpu.memory_space<vmem>>) target_semaphore(%arg13 : memref<!tpu.dma_semaphore, #tpu.memory_space<semaphore_mem>>)
    %scan3A_37 = arith.constant 0 : i32
    %scan3A_38 = arith.constant 0 : i32
    %scan3A_39 = arith.constant 5 : i32
    %scan3A_40 = arith.addi %scan3A_38, %scan3A_39 : i32
    %scan3A_41 = arith.constant 1 : i32
    scf.for %scan3A_64 = %scan3A_38 to %scan3A_40 step %scan3A_41  : i32 {
      %mul3A_65 = arith.constant 2 : i32
      %mul3A_66 = arith.muli %scan3A_64, %mul3A_65 : i32
      %add3A_67 = arith.constant 0 : i32
      %add3A_68 = arith.addi %mul3A_66, %add3A_67 : i32
      %dma_wait3A_69 = arith.constant 0 : i32
      %dma_wait3A_70 = arith.constant 0 : i32
      %dma_wait3A_71 = tpu.memref_slice %arg3[%dma_wait3A_69, %dma_wait3A_70] : memref<2560x128xi32, #tpu.memory_space<hbm>> -> memref<8x128xi32, #tpu.memory_space<hbm>>
      %dma_wait3A_72 = arith.constant 0 : i32
      %dma_wait3A_73 = arith.constant 0 : i32
      %dma_wait3A_74 = tpu.memref_slice %arg3[%dma_wait3A_72, %dma_wait3A_73] : memref<2560x128xi32, #tpu.memory_space<hbm>> -> memref<8x128xi32, #tpu.memory_space<hbm>>
      tpu.wait_dma2 semaphore(%arg13 : memref<!tpu.dma_semaphore, #tpu.memory_space<semaphore_mem>>) src(%dma_wait3A_74 : memref<8x128xi32, #tpu.memory_space<hbm>>) dst(%arg7 : memref<8x128xi32, #tpu.memory_space<vmem>>)
      %dma_wait3A_75 = arith.constant 0 : i32
      %dma_wait3A_76 = arith.constant 0 : i32
      %dma_wait3A_77 = tpu.memref_slice %arg4[%dma_wait3A_75, %dma_wait3A_76] : memref<2560x128xi32, #tpu.memory_space<hbm>> -> memref<8x128xi32, #tpu.memory_space<hbm>>
      %dma_wait3A_78 = arith.constant 0 : i32
      %dma_wait3A_79 = arith.constant 0 : i32
      %dma_wait3A_80 = tpu.memref_slice %arg4[%dma_wait3A_78, %dma_wait3A_79] : memref<2560x128xi32, #tpu.memory_space<hbm>> -> memref<8x128xi32, #tpu.memory_space<hbm>>
      tpu.wait_dma2 semaphore(%arg13 : memref<!tpu.dma_semaphore, #tpu.memory_space<semaphore_mem>>) src(%dma_wait3A_80 : memref<8x128xi32, #tpu.memory_space<hbm>>) dst(%arg9 : memref<8x128xi32, #tpu.memory_space<vmem>>)
      %lt3A = arith.constant 9 : i32
      %lt3A_81 = arith.cmpi slt, %add3A_68, %lt3A : i32
      %convert_element_type3A_82 = arith.extui %lt3A_81 : i1 to i32
      %cond3A_83 = arith.constant 0 : i32
      %cond3A_84 = arith.cmpi ne, %convert_element_type3A_82, %cond3A_83 : i32
      scf.if %cond3A_84 {
        %add3A_517 = arith.constant 1 : i32
        %add3A_518 = arith.addi %add3A_68, %add3A_517 : i32
        %mul3A_519 = arith.constant 8 : i32
        %mul3A_520 = arith.muli %add3A_518, %mul3A_519 : i32
        %add3A_521 = arith.addi %mul3A_2, %mul3A_520 : i32
        %dma_start3A_522 = arith.constant 0 : i32
        %dma_start3A_523 = tpu.memref_slice %arg3[%add3A_521, %dma_start3A_522] : memref<2560x128xi32, #tpu.memory_space<hbm>> -> memref<8x128xi32, #tpu.memory_space<hbm>>
        %dma_start3A_524 = arith.constant 0 : i32
        %dma_start3A_525 = tpu.memref_slice %arg3[%add3A_521, %dma_start3A_524] : memref<2560x128xi32, #tpu.memory_space<hbm>> -> memref<8x128xi32, #tpu.memory_space<hbm>>
        tpu.enqueue_dma source(%dma_start3A_525 : memref<8x128xi32, #tpu.memory_space<hbm>>) target(%arg8 : memref<8x128xi32, #tpu.memory_space<vmem>>) target_semaphore(%arg13 : memref<!tpu.dma_semaphore, #tpu.memory_space<semaphore_mem>>)
        %dma_start3A_526 = arith.constant 0 : i32
        %dma_start3A_527 = tpu.memref_slice %arg4[%add3A_521, %dma_start3A_526] : memref<2560x128xi32, #tpu.memory_space<hbm>> -> memref<8x128xi32, #tpu.memory_space<hbm>>
        %dma_start3A_528 = arith.constant 0 : i32
        %dma_start3A_529 = tpu.memref_slice %arg4[%add3A_521, %dma_start3A_528] : memref<2560x128xi32, #tpu.memory_space<hbm>> -> memref<8x128xi32, #tpu.memory_space<hbm>>
        tpu.enqueue_dma source(%dma_start3A_529 : memref<8x128xi32, #tpu.memory_space<hbm>>) target(%arg10 : memref<8x128xi32, #tpu.memory_space<vmem>>) target_semaphore(%arg13 : memref<!tpu.dma_semaphore, #tpu.memory_space<semaphore_mem>>)
      } else {
      }
      %gt3A = arith.constant 0 : i32
      %gt3A_85 = arith.cmpi sgt, %add3A_68, %gt3A : i32
      %convert_element_type3A_86 = arith.extui %gt3A_85 : i1 to i32
      %cond3A_87 = arith.constant 0 : i32
      %cond3A_88 = arith.cmpi ne, %convert_element_type3A_86, %cond3A_87 : i32
      scf.if %cond3A_88 {
        %dma_wait3A_517 = arith.constant 0 : i32
        %dma_wait3A_518 = arith.constant 0 : i32
        %dma_wait3A_519 = tpu.memref_slice %arg2[%dma_wait3A_517, %dma_wait3A_518] : memref<10000x128xf32, #tpu.memory_space<hbm>> -> memref<128x128xf32, #tpu.memory_space<hbm>>
        %dma_wait3A_520 = arith.constant 0 : i32
        %dma_wait3A_521 = arith.constant 0 : i32
        %dma_wait3A_522 = tpu.memref_slice %arg2[%dma_wait3A_520, %dma_wait3A_521] : memref<10000x128xf32, #tpu.memory_space<hbm>> -> memref<128x128xf32, #tpu.memory_space<hbm>>
        tpu.wait_dma2 semaphore(%arg15 : memref<!tpu.dma_semaphore, #tpu.memory_space<semaphore_mem>>) src(%dma_wait3A_522 : memref<128x128xf32, #tpu.memory_space<hbm>>) dst(%arg11 : memref<128x128xf32, #tpu.memory_space<vmem>>)
      } else {
      }
      %dma_start3A_89 = arith.constant 0 : i32
      %dma_start3A_90 = arith.constant 0 : i32
      %dma_start3A_91 = tpu.memref_slice %arg7[%dma_start3A_89, %dma_start3A_90] : memref<8x128xi32, #tpu.memory_space<vmem>> -> memref<1x128xi32, #tpu.memory_space<vmem>>
      %dma_start3A_92 = tpu.memref_squeeze %dma_start3A_91 : memref<1x128xi32, #tpu.memory_space<vmem>> -> memref<128xi32, #tpu.memory_space<vmem>>
      %dma_start3A_93 = arith.constant 0 : i32
      %dma_start3A_94 = arith.constant 0 : i32
      %dma_start3A_95 = tpu.memref_slice %arg2[%dma_start3A_93, %dma_start3A_94] : memref<10000x128xf32, #tpu.memory_space<hbm>> -> memref<10000x128xf32, #tpu.memory_space<hbm>>
      tpu.enqueue_indirect_dma source(%dma_start3A_95 : memref<10000x128xf32, #tpu.memory_space<hbm>>) target(%arg11 : memref<128x128xf32, #tpu.memory_space<vmem>>) offsets(%dma_start3A_92 : memref<128xi32, #tpu.memory_space<vmem>>) semaphore(%arg14 : memref<!tpu.dma_semaphore, #tpu.memory_space<semaphore_mem>>)
      %gt3A_96 = arith.constant 0 : i32
      %gt3A_97 = arith.cmpi sgt, %add3A_68, %gt3A_96 : i32
      %convert_element_type3A_98 = arith.extui %gt3A_97 : i1 to i32
      %cond3A_99 = arith.constant 0 : i32
      %cond3A_100 = arith.cmpi ne, %convert_element_type3A_98, %cond3A_99 : i32
      scf.if %cond3A_100 {
        %dma_wait3A_517 = arith.constant 0 : i32
        %dma_wait3A_518 = arith.constant 0 : i32
        %dma_wait3A_519 = tpu.memref_slice %arg2[%dma_wait3A_517, %dma_wait3A_518] : memref<10000x128xf32, #tpu.memory_space<hbm>> -> memref<128x128xf32, #tpu.memory_space<hbm>>
        %dma_wait3A_520 = arith.constant 0 : i32
        %dma_wait3A_521 = arith.constant 0 : i32
        %dma_wait3A_522 = tpu.memref_slice %arg2[%dma_wait3A_520, %dma_wait3A_521] : memref<10000x128xf32, #tpu.memory_space<hbm>> -> memref<128x128xf32, #tpu.memory_space<hbm>>
        tpu.wait_dma2 semaphore(%arg15 : memref<!tpu.dma_semaphore, #tpu.memory_space<semaphore_mem>>) src(%dma_wait3A_522 : memref<128x128xf32, #tpu.memory_space<hbm>>) dst(%arg12 : memref<128x128xf32, #tpu.memory_space<vmem>>)
      } else {
      }
      %dma_start3A_101 = arith.constant 1 : i32
      %dma_start3A_102 = arith.constant 0 : i32
      %dma_start3A_103 = tpu.memref_slice %arg7[%dma_start3A_101, %dma_start3A_102] : memref<8x128xi32, #tpu.memory_space<vmem>> -> memref<1x128xi32, #tpu.memory_space<vmem>>
      %dma_start3A_104 = tpu.memref_squeeze %dma_start3A_103 : memref<1x128xi32, #tpu.memory_space<vmem>> -> memref<128xi32, #tpu.memory_space<vmem>>
      %dma_start3A_105 = arith.constant 0 : i32
      %dma_start3A_106 = arith.constant 0 : i32
      %dma_start3A_107 = tpu.memref_slice %arg2[%dma_start3A_105, %dma_start3A_106] : memref<10000x128xf32, #tpu.memory_space<hbm>> -> memref<10000x128xf32, #tpu.memory_space<hbm>>
      tpu.enqueue_indirect_dma source(%dma_start3A_107 : memref<10000x128xf32, #tpu.memory_space<hbm>>) target(%arg12 : memref<128x128xf32, #tpu.memory_space<vmem>>) offsets(%dma_start3A_104 : memref<128xi32, #tpu.memory_space<vmem>>) semaphore(%arg14 : memref<!tpu.dma_semaphore, #tpu.memory_space<semaphore_mem>>)
      %dma_wait3A_108 = arith.constant 0 : i32
      %dma_wait3A_109 = arith.constant 0 : i32
      %dma_wait3A_110 = tpu.memref_slice %arg2[%dma_wait3A_108, %dma_wait3A_109] : memref<10000x128xf32, #tpu.memory_space<hbm>> -> memref<128x128xf32, #tpu.memory_space<hbm>>
      %dma_wait3A_111 = arith.constant 0 : i32
      %dma_wait3A_112 = arith.constant 0 : i32
      %dma_wait3A_113 = tpu.memref_slice %arg2[%dma_wait3A_111, %dma_wait3A_112] : memref<10000x128xf32, #tpu.memory_space<hbm>> -> memref<128x128xf32, #tpu.memory_space<hbm>>
      tpu.wait_dma2 semaphore(%arg14 : memref<!tpu.dma_semaphore, #tpu.memory_space<semaphore_mem>>) src(%dma_wait3A_113 : memref<128x128xf32, #tpu.memory_space<hbm>>) dst(%arg11 : memref<128x128xf32, #tpu.memory_space<vmem>>)
      %dma_start3A_114 = arith.constant 0 : i32
      %dma_start3A_115 = arith.constant 0 : i32
      %dma_start3A_116 = tpu.memref_slice %arg9[%dma_start3A_114, %dma_start3A_115] : memref<8x128xi32, #tpu.memory_space<vmem>> -> memref<1x128xi32, #tpu.memory_space<vmem>>
      %dma_start3A_117 = tpu.memref_squeeze %dma_start3A_116 : memref<1x128xi32, #tpu.memory_space<vmem>> -> memref<128xi32, #tpu.memory_space<vmem>>
      %dma_start3A_118 = arith.constant 0 : i32
      %dma_start3A_119 = arith.constant 0 : i32
      %dma_start3A_120 = tpu.memref_slice %arg6[%dma_start3A_118, %dma_start3A_119] : memref<10016x128xf32, #tpu.memory_space<vmem_shared>> -> memref<10016x128xf32, #tpu.memory_space<vmem_shared>>
      tpu.enqueue_indirect_dma source(%arg11 : memref<128x128xf32, #tpu.memory_space<vmem>>) target(%dma_start3A_120 : memref<10016x128xf32, #tpu.memory_space<vmem_shared>>) offsets(%dma_start3A_117 : memref<128xi32, #tpu.memory_space<vmem>>) semaphore(%arg15 : memref<!tpu.dma_semaphore, #tpu.memory_space<semaphore_mem>>) {add = true}
      %dma_wait3A_121 = arith.constant 0 : i32
      %dma_wait3A_122 = arith.constant 0 : i32
      %dma_wait3A_123 = tpu.memref_slice %arg2[%dma_wait3A_121, %dma_wait3A_122] : memref<10000x128xf32, #tpu.memory_space<hbm>> -> memref<128x128xf32, #tpu.memory_space<hbm>>
      %dma_wait3A_124 = arith.constant 0 : i32
      %dma_wait3A_125 = arith.constant 0 : i32
      %dma_wait3A_126 = tpu.memref_slice %arg2[%dma_wait3A_124, %dma_wait3A_125] : memref<10000x128xf32, #tpu.memory_space<hbm>> -> memref<128x128xf32, #tpu.memory_space<hbm>>
      tpu.wait_dma2 semaphore(%arg15 : memref<!tpu.dma_semaphore, #tpu.memory_space<semaphore_mem>>) src(%dma_wait3A_126 : memref<128x128xf32, #tpu.memory_space<hbm>>) dst(%arg11 : memref<128x128xf32, #tpu.memory_space<vmem>>)
      %dma_start3A_127 = arith.constant 2 : i32
      %dma_start3A_128 = arith.constant 0 : i32
      %dma_start3A_129 = tpu.memref_slice %arg7[%dma_start3A_127, %dma_start3A_128] : memref<8x128xi32, #tpu.memory_space<vmem>> -> memref<1x128xi32, #tpu.memory_space<vmem>>
      %dma_start3A_130 = tpu.memref_squeeze %dma_start3A_129 : memref<1x128xi32, #tpu.memory_space<vmem>> -> memref<128xi32, #tpu.memory_space<vmem>>
      %dma_start3A_131 = arith.constant 0 : i32
      %dma_start3A_132 = arith.constant 0 : i32
      %dma_start3A_133 = tpu.memref_slice %arg2[%dma_start3A_131, %dma_start3A_132] : memref<10000x128xf32, #tpu.memory_space<hbm>> -> memref<10000x128xf32, #tpu.memory_space<hbm>>
      tpu.enqueue_indirect_dma source(%dma_start3A_133 : memref<10000x128xf32, #tpu.memory_space<hbm>>) target(%arg11 : memref<128x128xf32, #tpu.memory_space<vmem>>) offsets(%dma_start3A_130 : memref<128xi32, #tpu.memory_space<vmem>>) semaphore(%arg14 : memref<!tpu.dma_semaphore, #tpu.memory_space<semaphore_mem>>)
      %dma_wait3A_134 = arith.constant 0 : i32
      %dma_wait3A_135 = arith.constant 0 : i32
      %dma_wait3A_136 = tpu.memref_slice %arg2[%dma_wait3A_134, %dma_wait3A_135] : memref<10000x128xf32, #tpu.memory_space<hbm>> -> memref<128x128xf32, #tpu.memory_space<hbm>>
      %dma_wait3A_137 = arith.constant 0 : i32
      %dma_wait3A_138 = arith.constant 0 : i32
      %dma_wait3A_139 = tpu.memref_slice %arg2[%dma_wait3A_137, %dma_wait3A_138] : memref<10000x128xf32, #tpu.memory_space<hbm>> -> memref<128x128xf32, #tpu.memory_space<hbm>>
      tpu.wait_dma2 semaphore(%arg14 : memref<!tpu.dma_semaphore, #tpu.memory_space<semaphore_mem>>) src(%dma_wait3A_139 : memref<128x128xf32, #tpu.memory_space<hbm>>) dst(%arg12 : memref<128x128xf32, #tpu.memory_space<vmem>>)
      %dma_start3A_140 = arith.constant 1 : i32
      %dma_start3A_141 = arith.constant 0 : i32
      %dma_start3A_142 = tpu.memref_slice %arg9[%dma_start3A_140, %dma_start3A_141] : memref<8x128xi32, #tpu.memory_space<vmem>> -> memref<1x128xi32, #tpu.memory_space<vmem>>
      %dma_start3A_143 = tpu.memref_squeeze %dma_start3A_142 : memref<1x128xi32, #tpu.memory_space<vmem>> -> memref<128xi32, #tpu.memory_space<vmem>>
      %dma_start3A_144 = arith.constant 0 : i32
      %dma_start3A_145 = arith.constant 0 : i32
      %dma_start3A_146 = tpu.memref_slice %arg6[%dma_start3A_144, %dma_start3A_145] : memref<10016x128xf32, #tpu.memory_space<vmem_shared>> -> memref<10016x128xf32, #tpu.memory_space<vmem_shared>>
      tpu.enqueue_indirect_dma source(%arg12 : memref<128x128xf32, #tpu.memory_space<vmem>>) target(%dma_start3A_146 : memref<10016x128xf32, #tpu.memory_space<vmem_shared>>) offsets(%dma_start3A_143 : memref<128xi32, #tpu.memory_space<vmem>>) semaphore(%arg15 : memref<!tpu.dma_semaphore, #tpu.memory_space<semaphore_mem>>) {add = true}
      %dma_wait3A_147 = arith.constant 0 : i32
      %dma_wait3A_148 = arith.constant 0 : i32
      %dma_wait3A_149 = tpu.memref_slice %arg2[%dma_wait3A_147, %dma_wait3A_148] : memref<10000x128xf32, #tpu.memory_space<hbm>> -> memref<128x128xf32, #tpu.memory_space<hbm>>
      %dma_wait3A_150 = arith.constant 0 : i32
      %dma_wait3A_151 = arith.constant 0 : i32
      %dma_wait3A_152 = tpu.memref_slice %arg2[%dma_wait3A_150, %dma_wait3A_151] : memref<10000x128xf32, #tpu.memory_space<hbm>> -> memref<128x128xf32, #tpu.memory_space<hbm>>
      tpu.wait_dma2 semaphore(%arg15 : memref<!tpu.dma_semaphore, #tpu.memory_space<semaphore_mem>>) src(%dma_wait3A_152 : memref<128x128xf32, #tpu.memory_space<hbm>>) dst(%arg12 : memref<128x128xf32, #tpu.memory_space<vmem>>)
      %dma_start3A_153 = arith.constant 3 : i32
      %dma_start3A_154 = arith.constant 0 : i32
      %dma_start3A_155 = tpu.memref_slice %arg7[%dma_start3A_153, %dma_start3A_154] : memref<8x128xi32, #tpu.memory_space<vmem>> -> memref<1x128xi32, #tpu.memory_space<vmem>>
      %dma_start3A_156 = tpu.memref_squeeze %dma_start3A_155 : memref<1x128xi32, #tpu.memory_space<vmem>> -> memref<128xi32, #tpu.memory_space<vmem>>
      %dma_start3A_157 = arith.constant 0 : i32
      %dma_start3A_158 = arith.constant 0 : i32
      %dma_start3A_159 = tpu.memref_slice %arg2[%dma_start3A_157, %dma_start3A_158] : memref<10000x128xf32, #tpu.memory_space<hbm>> -> memref<10000x128xf32, #tpu.memory_space<hbm>>
      tpu.enqueue_indirect_dma source(%dma_start3A_159 : memref<10000x128xf32, #tpu.memory_space<hbm>>) target(%arg12 : memref<128x128xf32, #tpu.memory_space<vmem>>) offsets(%dma_start3A_156 : memref<128xi32, #tpu.memory_space<vmem>>) semaphore(%arg14 : memref<!tpu.dma_semaphore, #tpu.memory_space<semaphore_mem>>)
      %dma_wait3A_160 = arith.constant 0 : i32
      %dma_wait3A_161 = arith.constant 0 : i32
      %dma_wait3A_162 = tpu.memref_slice %arg2[%dma_wait3A_160, %dma_wait3A_161] : memref<10000x128xf32, #tpu.memory_space<hbm>> -> memref<128x128xf32, #tpu.memory_space<hbm>>
      %dma_wait3A_163 = arith.constant 0 : i32
      %dma_wait3A_164 = arith.constant 0 : i32
      %dma_wait3A_165 = tpu.memref_slice %arg2[%dma_wait3A_163, %dma_wait3A_164] : memref<10000x128xf32, #tpu.memory_space<hbm>> -> memref<128x128xf32, #tpu.memory_space<hbm>>
      tpu.wait_dma2 semaphore(%arg14 : memref<!tpu.dma_semaphore, #tpu.memory_space<semaphore_mem>>) src(%dma_wait3A_165 : memref<128x128xf32, #tpu.memory_space<hbm>>) dst(%arg11 : memref<128x128xf32, #tpu.memory_space<vmem>>)
      %dma_start3A_166 = arith.constant 2 : i32
      %dma_start3A_167 = arith.constant 0 : i32
      %dma_start3A_168 = tpu.memref_slice %arg9[%dma_start3A_166, %dma_start3A_167] : memref<8x128xi32, #tpu.memory_space<vmem>> -> memref<1x128xi32, #tpu.memory_space<vmem>>
      %dma_start3A_169 = tpu.memref_squeeze %dma_start3A_168 : memref<1x128xi32, #tpu.memory_space<vmem>> -> memref<128xi32, #tpu.memory_space<vmem>>
      %dma_start3A_170 = arith.constant 0 : i32
      %dma_start3A_171 = arith.constant 0 : i32
      %dma_start3A_172 = tpu.memref_slice %arg6[%dma_start3A_170, %dma_start3A_171] : memref<10016x128xf32, #tpu.memory_space<vmem_shared>> -> memref<10016x128xf32, #tpu.memory_space<vmem_shared>>
      tpu.enqueue_indirect_dma source(%arg11 : memref<128x128xf32, #tpu.memory_space<vmem>>) target(%dma_start3A_172 : memref<10016x128xf32, #tpu.memory_space<vmem_shared>>) offsets(%dma_start3A_169 : memref<128xi32, #tpu.memory_space<vmem>>) semaphore(%arg15 : memref<!tpu.dma_semaphore, #tpu.memory_space<semaphore_mem>>) {add = true}
      %dma_wait3A_173 = arith.constant 0 : i32
      %dma_wait3A_174 = arith.constant 0 : i32
      %dma_wait3A_175 = tpu.memref_slice %arg2[%dma_wait3A_173, %dma_wait3A_174] : memref<10000x128xf32, #tpu.memory_space<hbm>> -> memref<128x128xf32, #tpu.memory_space<hbm>>
      %dma_wait3A_176 = arith.constant 0 : i32
      %dma_wait3A_177 = arith.constant 0 : i32
      %dma_wait3A_178 = tpu.memref_slice %arg2[%dma_wait3A_176, %dma_wait3A_177] : memref<10000x128xf32, #tpu.memory_space<hbm>> -> memref<128x128xf32, #tpu.memory_space<hbm>>
      tpu.wait_dma2 semaphore(%arg15 : memref<!tpu.dma_semaphore, #tpu.memory_space<semaphore_mem>>) src(%dma_wait3A_178 : memref<128x128xf32, #tpu.memory_space<hbm>>) dst(%arg11 : memref<128x128xf32, #tpu.memory_space<vmem>>)
      %dma_start3A_179 = arith.constant 4 : i32
      %dma_start3A_180 = arith.constant 0 : i32
      %dma_start3A_181 = tpu.memref_slice %arg7[%dma_start3A_179, %dma_start3A_180] : memref<8x128xi32, #tpu.memory_space<vmem>> -> memref<1x128xi32, #tpu.memory_space<vmem>>
      %dma_start3A_182 = tpu.memref_squeeze %dma_start3A_181 : memref<1x128xi32, #tpu.memory_space<vmem>> -> memref<128xi32, #tpu.memory_space<vmem>>
      %dma_start3A_183 = arith.constant 0 : i32
      %dma_start3A_184 = arith.constant 0 : i32
      %dma_start3A_185 = tpu.memref_slice %arg2[%dma_start3A_183, %dma_start3A_184] : memref<10000x128xf32, #tpu.memory_space<hbm>> -> memref<10000x128xf32, #tpu.memory_space<hbm>>
      tpu.enqueue_indirect_dma source(%dma_start3A_185 : memref<10000x128xf32, #tpu.memory_space<hbm>>) target(%arg11 : memref<128x128xf32, #tpu.memory_space<vmem>>) offsets(%dma_start3A_182 : memref<128xi32, #tpu.memory_space<vmem>>) semaphore(%arg14 : memref<!tpu.dma_semaphore, #tpu.memory_space<semaphore_mem>>)
      %dma_wait3A_186 = arith.constant 0 : i32
      %dma_wait3A_187 = arith.constant 0 : i32
      %dma_wait3A_188 = tpu.memref_slice %arg2[%dma_wait3A_186, %dma_wait3A_187] : memref<10000x128xf32, #tpu.memory_space<hbm>> -> memref<128x128xf32, #tpu.memory_space<hbm>>
      %dma_wait3A_189 = arith.constant 0 : i32
      %dma_wait3A_190 = arith.constant 0 : i32
      %dma_wait3A_191 = tpu.memref_slice %arg2[%dma_wait3A_189, %dma_wait3A_190] : memref<10000x128xf32, #tpu.memory_space<hbm>> -> memref<128x128xf32, #tpu.memory_space<hbm>>
      tpu.wait_dma2 semaphore(%arg14 : memref<!tpu.dma_semaphore, #tpu.memory_space<semaphore_mem>>) src(%dma_wait3A_191 : memref<128x128xf32, #tpu.memory_space<hbm>>) dst(%arg12 : memref<128x128xf32, #tpu.memory_space<vmem>>)
      %dma_start3A_192 = arith.constant 3 : i32
      %dma_start3A_193 = arith.constant 0 : i32
      %dma_start3A_194 = tpu.memref_slice %arg9[%dma_start3A_192, %dma_start3A_193] : memref<8x128xi32, #tpu.memory_space<vmem>> -> memref<1x128xi32, #tpu.memory_space<vmem>>
      %dma_start3A_195 = tpu.memref_squeeze %dma_start3A_194 : memref<1x128xi32, #tpu.memory_space<vmem>> -> memref<128xi32, #tpu.memory_space<vmem>>
      %dma_start3A_196 = arith.constant 0 : i32
      %dma_start3A_197 = arith.constant 0 : i32
      %dma_start3A_198 = tpu.memref_slice %arg6[%dma_start3A_196, %dma_start3A_197] : memref<10016x128xf32, #tpu.memory_space<vmem_shared>> -> memref<10016x128xf32, #tpu.memory_space<vmem_shared>>
      tpu.enqueue_indirect_dma source(%arg12 : memref<128x128xf32, #tpu.memory_space<vmem>>) target(%dma_start3A_198 : memref<10016x128xf32, #tpu.memory_space<vmem_shared>>) offsets(%dma_start3A_195 : memref<128xi32, #tpu.memory_space<vmem>>) semaphore(%arg15 : memref<!tpu.dma_semaphore, #tpu.memory_space<semaphore_mem>>) {add = true}
      %dma_wait3A_199 = arith.constant 0 : i32
      %dma_wait3A_200 = arith.constant 0 : i32
      %dma_wait3A_201 = tpu.memref_slice %arg2[%dma_wait3A_199, %dma_wait3A_200] : memref<10000x128xf32, #tpu.memory_space<hbm>> -> memref<128x128xf32, #tpu.memory_space<hbm>>
      %dma_wait3A_202 = arith.constant 0 : i32
      %dma_wait3A_203 = arith.constant 0 : i32
      %dma_wait3A_204 = tpu.memref_slice %arg2[%dma_wait3A_202, %dma_wait3A_203] : memref<10000x128xf32, #tpu.memory_space<hbm>> -> memref<128x128xf32, #tpu.memory_space<hbm>>
      tpu.wait_dma2 semaphore(%arg15 : memref<!tpu.dma_semaphore, #tpu.memory_space<semaphore_mem>>) src(%dma_wait3A_204 : memref<128x128xf32, #tpu.memory_space<hbm>>) dst(%arg12 : memref<128x128xf32, #tpu.memory_space<vmem>>)
      %dma_start3A_205 = arith.constant 5 : i32
      %dma_start3A_206 = arith.constant 0 : i32
      %dma_start3A_207 = tpu.memref_slice %arg7[%dma_start3A_205, %dma_start3A_206] : memref<8x128xi32, #tpu.memory_space<vmem>> -> memref<1x128xi32, #tpu.memory_space<vmem>>
      %dma_start3A_208 = tpu.memref_squeeze %dma_start3A_207 : memref<1x128xi32, #tpu.memory_space<vmem>> -> memref<128xi32, #tpu.memory_space<vmem>>
      %dma_start3A_209 = arith.constant 0 : i32
      %dma_start3A_210 = arith.constant 0 : i32
      %dma_start3A_211 = tpu.memref_slice %arg2[%dma_start3A_209, %dma_start3A_210] : memref<10000x128xf32, #tpu.memory_space<hbm>> -> memref<10000x128xf32, #tpu.memory_space<hbm>>
      tpu.enqueue_indirect_dma source(%dma_start3A_211 : memref<10000x128xf32, #tpu.memory_space<hbm>>) target(%arg12 : memref<128x128xf32, #tpu.memory_space<vmem>>) offsets(%dma_start3A_208 : memref<128xi32, #tpu.memory_space<vmem>>) semaphore(%arg14 : memref<!tpu.dma_semaphore, #tpu.memory_space<semaphore_mem>>)
      %dma_wait3A_212 = arith.constant 0 : i32
      %dma_wait3A_213 = arith.constant 0 : i32
      %dma_wait3A_214 = tpu.memref_slice %arg2[%dma_wait3A_212, %dma_wait3A_213] : memref<10000x128xf32, #tpu.memory_space<hbm>> -> memref<128x128xf32, #tpu.memory_space<hbm>>
      %dma_wait3A_215 = arith.constant 0 : i32
      %dma_wait3A_216 = arith.constant 0 : i32
      %dma_wait3A_217 = tpu.memref_slice %arg2[%dma_wait3A_215, %dma_wait3A_216] : memref<10000x128xf32, #tpu.memory_space<hbm>> -> memref<128x128xf32, #tpu.memory_space<hbm>>
      tpu.wait_dma2 semaphore(%arg14 : memref<!tpu.dma_semaphore, #tpu.memory_space<semaphore_mem>>) src(%dma_wait3A_217 : memref<128x128xf32, #tpu.memory_space<hbm>>) dst(%arg11 : memref<128x128xf32, #tpu.memory_space<vmem>>)
      %dma_start3A_218 = arith.constant 4 : i32
      %dma_start3A_219 = arith.constant 0 : i32
      %dma_start3A_220 = tpu.memref_slice %arg9[%dma_start3A_218, %dma_start3A_219] : memref<8x128xi32, #tpu.memory_space<vmem>> -> memref<1x128xi32, #tpu.memory_space<vmem>>
      %dma_start3A_221 = tpu.memref_squeeze %dma_start3A_220 : memref<1x128xi32, #tpu.memory_space<vmem>> -> memref<128xi32, #tpu.memory_space<vmem>>
      %dma_start3A_222 = arith.constant 0 : i32
      %dma_start3A_223 = arith.constant 0 : i32
      %dma_start3A_224 = tpu.memref_slice %arg6[%dma_start3A_222, %dma_start3A_223] : memref<10016x128xf32, #tpu.memory_space<vmem_shared>> -> memref<10016x128xf32, #tpu.memory_space<vmem_shared>>
      tpu.enqueue_indirect_dma source(%arg11 : memref<128x128xf32, #tpu.memory_space<vmem>>) target(%dma_start3A_224 : memref<10016x128xf32, #tpu.memory_space<vmem_shared>>) offsets(%dma_start3A_221 : memref<128xi32, #tpu.memory_space<vmem>>) semaphore(%arg15 : memref<!tpu.dma_semaphore, #tpu.memory_space<semaphore_mem>>) {add = true}
      %dma_wait3A_225 = arith.constant 0 : i32
      %dma_wait3A_226 = arith.constant 0 : i32
      %dma_wait3A_227 = tpu.memref_slice %arg2[%dma_wait3A_225, %dma_wait3A_226] : memref<10000x128xf32, #tpu.memory_space<hbm>> -> memref<128x128xf32, #tpu.memory_space<hbm>>
      %dma_wait3A_228 = arith.constant 0 : i32
      %dma_wait3A_229 = arith.constant 0 : i32
      %dma_wait3A_230 = tpu.memref_slice %arg2[%dma_wait3A_228, %dma_wait3A_229] : memref<10000x128xf32, #tpu.memory_space<hbm>> -> memref<128x128xf32, #tpu.memory_space<hbm>>
      tpu.wait_dma2 semaphore(%arg15 : memref<!tpu.dma_semaphore, #tpu.memory_space<semaphore_mem>>) src(%dma_wait3A_230 : memref<128x128xf32, #tpu.memory_space<hbm>>) dst(%arg11 : memref<128x128xf32, #tpu.memory_space<vmem>>)
      %dma_start3A_231 = arith.constant 6 : i32
      %dma_start3A_232 = arith.constant 0 : i32
      %dma_start3A_233 = tpu.memref_slice %arg7[%dma_start3A_231, %dma_start3A_232] : memref<8x128xi32, #tpu.memory_space<vmem>> -> memref<1x128xi32, #tpu.memory_space<vmem>>
      %dma_start3A_234 = tpu.memref_squeeze %dma_start3A_233 : memref<1x128xi32, #tpu.memory_space<vmem>> -> memref<128xi32, #tpu.memory_space<vmem>>
      %dma_start3A_235 = arith.constant 0 : i32
      %dma_start3A_236 = arith.constant 0 : i32
      %dma_start3A_237 = tpu.memref_slice %arg2[%dma_start3A_235, %dma_start3A_236] : memref<10000x128xf32, #tpu.memory_space<hbm>> -> memref<10000x128xf32, #tpu.memory_space<hbm>>
      tpu.enqueue_indirect_dma source(%dma_start3A_237 : memref<10000x128xf32, #tpu.memory_space<hbm>>) target(%arg11 : memref<128x128xf32, #tpu.memory_space<vmem>>) offsets(%dma_start3A_234 : memref<128xi32, #tpu.memory_space<vmem>>) semaphore(%arg14 : memref<!tpu.dma_semaphore, #tpu.memory_space<semaphore_mem>>)
      %dma_wait3A_238 = arith.constant 0 : i32
      %dma_wait3A_239 = arith.constant 0 : i32
      %dma_wait3A_240 = tpu.memref_slice %arg2[%dma_wait3A_238, %dma_wait3A_239] : memref<10000x128xf32, #tpu.memory_space<hbm>> -> memref<128x128xf32, #tpu.memory_space<hbm>>
      %dma_wait3A_241 = arith.constant 0 : i32
      %dma_wait3A_242 = arith.constant 0 : i32
      %dma_wait3A_243 = tpu.memref_slice %arg2[%dma_wait3A_241, %dma_wait3A_242] : memref<10000x128xf32, #tpu.memory_space<hbm>> -> memref<128x128xf32, #tpu.memory_space<hbm>>
      tpu.wait_dma2 semaphore(%arg14 : memref<!tpu.dma_semaphore, #tpu.memory_space<semaphore_mem>>) src(%dma_wait3A_243 : memref<128x128xf32, #tpu.memory_space<hbm>>) dst(%arg12 : memref<128x128xf32, #tpu.memory_space<vmem>>)
      %dma_start3A_244 = arith.constant 5 : i32
      %dma_start3A_245 = arith.constant 0 : i32
      %dma_start3A_246 = tpu.memref_slice %arg9[%dma_start3A_244, %dma_start3A_245] : memref<8x128xi32, #tpu.memory_space<vmem>> -> memref<1x128xi32, #tpu.memory_space<vmem>>
      %dma_start3A_247 = tpu.memref_squeeze %dma_start3A_246 : memref<1x128xi32, #tpu.memory_space<vmem>> -> memref<128xi32, #tpu.memory_space<vmem>>
      %dma_start3A_248 = arith.constant 0 : i32
      %dma_start3A_249 = arith.constant 0 : i32
      %dma_start3A_250 = tpu.memref_slice %arg6[%dma_start3A_248, %dma_start3A_249] : memref<10016x128xf32, #tpu.memory_space<vmem_shared>> -> memref<10016x128xf32, #tpu.memory_space<vmem_shared>>
      tpu.enqueue_indirect_dma source(%arg12 : memref<128x128xf32, #tpu.memory_space<vmem>>) target(%dma_start3A_250 : memref<10016x128xf32, #tpu.memory_space<vmem_shared>>) offsets(%dma_start3A_247 : memref<128xi32, #tpu.memory_space<vmem>>) semaphore(%arg15 : memref<!tpu.dma_semaphore, #tpu.memory_space<semaphore_mem>>) {add = true}
      %dma_wait3A_251 = arith.constant 0 : i32
      %dma_wait3A_252 = arith.constant 0 : i32
      %dma_wait3A_253 = tpu.memref_slice %arg2[%dma_wait3A_251, %dma_wait3A_252] : memref<10000x128xf32, #tpu.memory_space<hbm>> -> memref<128x128xf32, #tpu.memory_space<hbm>>
      %dma_wait3A_254 = arith.constant 0 : i32
      %dma_wait3A_255 = arith.constant 0 : i32
      %dma_wait3A_256 = tpu.memref_slice %arg2[%dma_wait3A_254, %dma_wait3A_255] : memref<10000x128xf32, #tpu.memory_space<hbm>> -> memref<128x128xf32, #tpu.memory_space<hbm>>
      tpu.wait_dma2 semaphore(%arg15 : memref<!tpu.dma_semaphore, #tpu.memory_space<semaphore_mem>>) src(%dma_wait3A_256 : memref<128x128xf32, #tpu.memory_space<hbm>>) dst(%arg12 : memref<128x128xf32, #tpu.memory_space<vmem>>)
      %dma_start3A_257 = arith.constant 7 : i32
      %dma_start3A_258 = arith.constant 0 : i32
      %dma_start3A_259 = tpu.memref_slice %arg7[%dma_start3A_257, %dma_start3A_258] : memref<8x128xi32, #tpu.memory_space<vmem>> -> memref<1x128xi32, #tpu.memory_space<vmem>>
      %dma_start3A_260 = tpu.memref_squeeze %dma_start3A_259 : memref<1x128xi32, #tpu.memory_space<vmem>> -> memref<128xi32, #tpu.memory_space<vmem>>
      %dma_start3A_261 = arith.constant 0 : i32
      %dma_start3A_262 = arith.constant 0 : i32
      %dma_start3A_263 = tpu.memref_slice %arg2[%dma_start3A_261, %dma_start3A_262] : memref<10000x128xf32, #tpu.memory_space<hbm>> -> memref<10000x128xf32, #tpu.memory_space<hbm>>
      tpu.enqueue_indirect_dma source(%dma_start3A_263 : memref<10000x128xf32, #tpu.memory_space<hbm>>) target(%arg12 : memref<128x128xf32, #tpu.memory_space<vmem>>) offsets(%dma_start3A_260 : memref<128xi32, #tpu.memory_space<vmem>>) semaphore(%arg14 : memref<!tpu.dma_semaphore, #tpu.memory_space<semaphore_mem>>)
      %dma_wait3A_264 = arith.constant 0 : i32
      %dma_wait3A_265 = arith.constant 0 : i32
      %dma_wait3A_266 = tpu.memref_slice %arg2[%dma_wait3A_264, %dma_wait3A_265] : memref<10000x128xf32, #tpu.memory_space<hbm>> -> memref<128x128xf32, #tpu.memory_space<hbm>>
      %dma_wait3A_267 = arith.constant 0 : i32
      %dma_wait3A_268 = arith.constant 0 : i32
      %dma_wait3A_269 = tpu.memref_slice %arg2[%dma_wait3A_267, %dma_wait3A_268] : memref<10000x128xf32, #tpu.memory_space<hbm>> -> memref<128x128xf32, #tpu.memory_space<hbm>>
      tpu.wait_dma2 semaphore(%arg14 : memref<!tpu.dma_semaphore, #tpu.memory_space<semaphore_mem>>) src(%dma_wait3A_269 : memref<128x128xf32, #tpu.memory_space<hbm>>) dst(%arg11 : memref<128x128xf32, #tpu.memory_space<vmem>>)
      %dma_start3A_270 = arith.constant 6 : i32
      %dma_start3A_271 = arith.constant 0 : i32
      %dma_start3A_272 = tpu.memref_slice %arg9[%dma_start3A_270, %dma_start3A_271] : memref<8x128xi32, #tpu.memory_space<vmem>> -> memref<1x128xi32, #tpu.memory_space<vmem>>
      %dma_start3A_273 = tpu.memref_squeeze %dma_start3A_272 : memref<1x128xi32, #tpu.memory_space<vmem>> -> memref<128xi32, #tpu.memory_space<vmem>>
      %dma_start3A_274 = arith.constant 0 : i32
      %dma_start3A_275 = arith.constant 0 : i32
      %dma_start3A_276 = tpu.memref_slice %arg6[%dma_start3A_274, %dma_start3A_275] : memref<10016x128xf32, #tpu.memory_space<vmem_shared>> -> memref<10016x128xf32, #tpu.memory_space<vmem_shared>>
      tpu.enqueue_indirect_dma source(%arg11 : memref<128x128xf32, #tpu.memory_space<vmem>>) target(%dma_start3A_276 : memref<10016x128xf32, #tpu.memory_space<vmem_shared>>) offsets(%dma_start3A_273 : memref<128xi32, #tpu.memory_space<vmem>>) semaphore(%arg15 : memref<!tpu.dma_semaphore, #tpu.memory_space<semaphore_mem>>) {add = true}
      %dma_wait3A_277 = arith.constant 0 : i32
      %dma_wait3A_278 = arith.constant 0 : i32
      %dma_wait3A_279 = tpu.memref_slice %arg2[%dma_wait3A_277, %dma_wait3A_278] : memref<10000x128xf32, #tpu.memory_space<hbm>> -> memref<128x128xf32, #tpu.memory_space<hbm>>
      %dma_wait3A_280 = arith.constant 0 : i32
      %dma_wait3A_281 = arith.constant 0 : i32
      %dma_wait3A_282 = tpu.memref_slice %arg2[%dma_wait3A_280, %dma_wait3A_281] : memref<10000x128xf32, #tpu.memory_space<hbm>> -> memref<128x128xf32, #tpu.memory_space<hbm>>
      tpu.wait_dma2 semaphore(%arg14 : memref<!tpu.dma_semaphore, #tpu.memory_space<semaphore_mem>>) src(%dma_wait3A_282 : memref<128x128xf32, #tpu.memory_space<hbm>>) dst(%arg12 : memref<128x128xf32, #tpu.memory_space<vmem>>)
      %dma_start3A_283 = arith.constant 7 : i32
      %dma_start3A_284 = arith.constant 0 : i32
      %dma_start3A_285 = tpu.memref_slice %arg9[%dma_start3A_283, %dma_start3A_284] : memref<8x128xi32, #tpu.memory_space<vmem>> -> memref<1x128xi32, #tpu.memory_space<vmem>>
      %dma_start3A_286 = tpu.memref_squeeze %dma_start3A_285 : memref<1x128xi32, #tpu.memory_space<vmem>> -> memref<128xi32, #tpu.memory_space<vmem>>
      %dma_start3A_287 = arith.constant 0 : i32
      %dma_start3A_288 = arith.constant 0 : i32
      %dma_start3A_289 = tpu.memref_slice %arg6[%dma_start3A_287, %dma_start3A_288] : memref<10016x128xf32, #tpu.memory_space<vmem_shared>> -> memref<10016x128xf32, #tpu.memory_space<vmem_shared>>
      tpu.enqueue_indirect_dma source(%arg12 : memref<128x128xf32, #tpu.memory_space<vmem>>) target(%dma_start3A_289 : memref<10016x128xf32, #tpu.memory_space<vmem_shared>>) offsets(%dma_start3A_286 : memref<128xi32, #tpu.memory_space<vmem>>) semaphore(%arg15 : memref<!tpu.dma_semaphore, #tpu.memory_space<semaphore_mem>>) {add = true}
      %mul3A_290 = arith.constant 2 : i32
      %mul3A_291 = arith.muli %scan3A_64, %mul3A_290 : i32
      %add3A_292 = arith.constant 1 : i32
      %add3A_293 = arith.addi %mul3A_291, %add3A_292 : i32
      %dma_wait3A_294 = arith.constant 0 : i32
      %dma_wait3A_295 = arith.constant 0 : i32
      %dma_wait3A_296 = tpu.memref_slice %arg3[%dma_wait3A_294, %dma_wait3A_295] : memref<2560x128xi32, #tpu.memory_space<hbm>> -> memref<8x128xi32, #tpu.memory_space<hbm>>
      %dma_wait3A_297 = arith.constant 0 : i32
      %dma_wait3A_298 = arith.constant 0 : i32
      %dma_wait3A_299 = tpu.memref_slice %arg3[%dma_wait3A_297, %dma_wait3A_298] : memref<2560x128xi32, #tpu.memory_space<hbm>> -> memref<8x128xi32, #tpu.memory_space<hbm>>
      tpu.wait_dma2 semaphore(%arg13 : memref<!tpu.dma_semaphore, #tpu.memory_space<semaphore_mem>>) src(%dma_wait3A_299 : memref<8x128xi32, #tpu.memory_space<hbm>>) dst(%arg8 : memref<8x128xi32, #tpu.memory_space<vmem>>)
      %dma_wait3A_300 = arith.constant 0 : i32
      %dma_wait3A_301 = arith.constant 0 : i32
      %dma_wait3A_302 = tpu.memref_slice %arg4[%dma_wait3A_300, %dma_wait3A_301] : memref<2560x128xi32, #tpu.memory_space<hbm>> -> memref<8x128xi32, #tpu.memory_space<hbm>>
      %dma_wait3A_303 = arith.constant 0 : i32
      %dma_wait3A_304 = arith.constant 0 : i32
      %dma_wait3A_305 = tpu.memref_slice %arg4[%dma_wait3A_303, %dma_wait3A_304] : memref<2560x128xi32, #tpu.memory_space<hbm>> -> memref<8x128xi32, #tpu.memory_space<hbm>>
      tpu.wait_dma2 semaphore(%arg13 : memref<!tpu.dma_semaphore, #tpu.memory_space<semaphore_mem>>) src(%dma_wait3A_305 : memref<8x128xi32, #tpu.memory_space<hbm>>) dst(%arg10 : memref<8x128xi32, #tpu.memory_space<vmem>>)
      %lt3A_306 = arith.constant 9 : i32
      %lt3A_307 = arith.cmpi slt, %add3A_293, %lt3A_306 : i32
      %convert_element_type3A_308 = arith.extui %lt3A_307 : i1 to i32
      %cond3A_309 = arith.constant 0 : i32
      %cond3A_310 = arith.cmpi ne, %convert_element_type3A_308, %cond3A_309 : i32
      scf.if %cond3A_310 {
        %add3A_517 = arith.constant 1 : i32
        %add3A_518 = arith.addi %add3A_293, %add3A_517 : i32
        %mul3A_519 = arith.constant 8 : i32
        %mul3A_520 = arith.muli %add3A_518, %mul3A_519 : i32
        %add3A_521 = arith.addi %mul3A_2, %mul3A_520 : i32
        %dma_start3A_522 = arith.constant 0 : i32
        %dma_start3A_523 = tpu.memref_slice %arg3[%add3A_521, %dma_start3A_522] : memref<2560x128xi32, #tpu.memory_space<hbm>> -> memref<8x128xi32, #tpu.memory_space<hbm>>
        %dma_start3A_524 = arith.constant 0 : i32
        %dma_start3A_525 = tpu.memref_slice %arg3[%add3A_521, %dma_start3A_524] : memref<2560x128xi32, #tpu.memory_space<hbm>> -> memref<8x128xi32, #tpu.memory_space<hbm>>
        tpu.enqueue_dma source(%dma_start3A_525 : memref<8x128xi32, #tpu.memory_space<hbm>>) target(%arg7 : memref<8x128xi32, #tpu.memory_space<vmem>>) target_semaphore(%arg13 : memref<!tpu.dma_semaphore, #tpu.memory_space<semaphore_mem>>)
        %dma_start3A_526 = arith.constant 0 : i32
        %dma_start3A_527 = tpu.memref_slice %arg4[%add3A_521, %dma_start3A_526] : memref<2560x128xi32, #tpu.memory_space<hbm>> -> memref<8x128xi32, #tpu.memory_space<hbm>>
        %dma_start3A_528 = arith.constant 0 : i32
        %dma_start3A_529 = tpu.memref_slice %arg4[%add3A_521, %dma_start3A_528] : memref<2560x128xi32, #tpu.memory_space<hbm>> -> memref<8x128xi32, #tpu.memory_space<hbm>>
        tpu.enqueue_dma source(%dma_start3A_529 : memref<8x128xi32, #tpu.memory_space<hbm>>) target(%arg9 : memref<8x128xi32, #tpu.memory_space<vmem>>) target_semaphore(%arg13 : memref<!tpu.dma_semaphore, #tpu.memory_space<semaphore_mem>>)
      } else {
      }
      %gt3A_311 = arith.constant 0 : i32
      %gt3A_312 = arith.cmpi sgt, %add3A_293, %gt3A_311 : i32
      %convert_element_type3A_313 = arith.extui %gt3A_312 : i1 to i32
      %cond3A_314 = arith.constant 0 : i32
      %cond3A_315 = arith.cmpi ne, %convert_element_type3A_313, %cond3A_314 : i32
      scf.if %cond3A_315 {
        %dma_wait3A_517 = arith.constant 0 : i32
        %dma_wait3A_518 = arith.constant 0 : i32
        %dma_wait3A_519 = tpu.memref_slice %arg2[%dma_wait3A_517, %dma_wait3A_518] : memref<10000x128xf32, #tpu.memory_space<hbm>> -> memref<128x128xf32, #tpu.memory_space<hbm>>
        %dma_wait3A_520 = arith.constant 0 : i32
        %dma_wait3A_521 = arith.constant 0 : i32
        %dma_wait3A_522 = tpu.memref_slice %arg2[%dma_wait3A_520, %dma_wait3A_521] : memref<10000x128xf32, #tpu.memory_space<hbm>> -> memref<128x128xf32, #tpu.memory_space<hbm>>
        tpu.wait_dma2 semaphore(%arg15 : memref<!tpu.dma_semaphore, #tpu.memory_space<semaphore_mem>>) src(%dma_wait3A_522 : memref<128x128xf32, #tpu.memory_space<hbm>>) dst(%arg11 : memref<128x128xf32, #tpu.memory_space<vmem>>)
      } else {
      }
      %dma_start3A_316 = arith.constant 0 : i32
      %dma_start3A_317 = arith.constant 0 : i32
      %dma_start3A_318 = tpu.memref_slice %arg8[%dma_start3A_316, %dma_start3A_317] : memref<8x128xi32, #tpu.memory_space<vmem>> -> memref<1x128xi32, #tpu.memory_space<vmem>>
      %dma_start3A_319 = tpu.memref_squeeze %dma_start3A_318 : memref<1x128xi32, #tpu.memory_space<vmem>> -> memref<128xi32, #tpu.memory_space<vmem>>
      %dma_start3A_320 = arith.constant 0 : i32
      %dma_start3A_321 = arith.constant 0 : i32
      %dma_start3A_322 = tpu.memref_slice %arg2[%dma_start3A_320, %dma_start3A_321] : memref<10000x128xf32, #tpu.memory_space<hbm>> -> memref<10000x128xf32, #tpu.memory_space<hbm>>
      tpu.enqueue_indirect_dma source(%dma_start3A_322 : memref<10000x128xf32, #tpu.memory_space<hbm>>) target(%arg11 : memref<128x128xf32, #tpu.memory_space<vmem>>) offsets(%dma_start3A_319 : memref<128xi32, #tpu.memory_space<vmem>>) semaphore(%arg14 : memref<!tpu.dma_semaphore, #tpu.memory_space<semaphore_mem>>)
      %gt3A_323 = arith.constant 0 : i32
      %gt3A_324 = arith.cmpi sgt, %add3A_293, %gt3A_323 : i32
      %convert_element_type3A_325 = arith.extui %gt3A_324 : i1 to i32
      %cond3A_326 = arith.constant 0 : i32
      %cond3A_327 = arith.cmpi ne, %convert_element_type3A_325, %cond3A_326 : i32
      scf.if %cond3A_327 {
        %dma_wait3A_517 = arith.constant 0 : i32
        %dma_wait3A_518 = arith.constant 0 : i32
        %dma_wait3A_519 = tpu.memref_slice %arg2[%dma_wait3A_517, %dma_wait3A_518] : memref<10000x128xf32, #tpu.memory_space<hbm>> -> memref<128x128xf32, #tpu.memory_space<hbm>>
        %dma_wait3A_520 = arith.constant 0 : i32
        %dma_wait3A_521 = arith.constant 0 : i32
        %dma_wait3A_522 = tpu.memref_slice %arg2[%dma_wait3A_520, %dma_wait3A_521] : memref<10000x128xf32, #tpu.memory_space<hbm>> -> memref<128x128xf32, #tpu.memory_space<hbm>>
        tpu.wait_dma2 semaphore(%arg15 : memref<!tpu.dma_semaphore, #tpu.memory_space<semaphore_mem>>) src(%dma_wait3A_522 : memref<128x128xf32, #tpu.memory_space<hbm>>) dst(%arg12 : memref<128x128xf32, #tpu.memory_space<vmem>>)
      } else {
      }
      %dma_start3A_328 = arith.constant 1 : i32
      %dma_start3A_329 = arith.constant 0 : i32
      %dma_start3A_330 = tpu.memref_slice %arg8[%dma_start3A_328, %dma_start3A_329] : memref<8x128xi32, #tpu.memory_space<vmem>> -> memref<1x128xi32, #tpu.memory_space<vmem>>
      %dma_start3A_331 = tpu.memref_squeeze %dma_start3A_330 : memref<1x128xi32, #tpu.memory_space<vmem>> -> memref<128xi32, #tpu.memory_space<vmem>>
      %dma_start3A_332 = arith.constant 0 : i32
      %dma_start3A_333 = arith.constant 0 : i32
      %dma_start3A_334 = tpu.memref_slice %arg2[%dma_start3A_332, %dma_start3A_333] : memref<10000x128xf32, #tpu.memory_space<hbm>> -> memref<10000x128xf32, #tpu.memory_space<hbm>>
      tpu.enqueue_indirect_dma source(%dma_start3A_334 : memref<10000x128xf32, #tpu.memory_space<hbm>>) target(%arg12 : memref<128x128xf32, #tpu.memory_space<vmem>>) offsets(%dma_start3A_331 : memref<128xi32, #tpu.memory_space<vmem>>) semaphore(%arg14 : memref<!tpu.dma_semaphore, #tpu.memory_space<semaphore_mem>>)
      %dma_wait3A_335 = arith.constant 0 : i32
      %dma_wait3A_336 = arith.constant 0 : i32
      %dma_wait3A_337 = tpu.memref_slice %arg2[%dma_wait3A_335, %dma_wait3A_336] : memref<10000x128xf32, #tpu.memory_space<hbm>> -> memref<128x128xf32, #tpu.memory_space<hbm>>
      %dma_wait3A_338 = arith.constant 0 : i32
      %dma_wait3A_339 = arith.constant 0 : i32
      %dma_wait3A_340 = tpu.memref_slice %arg2[%dma_wait3A_338, %dma_wait3A_339] : memref<10000x128xf32, #tpu.memory_space<hbm>> -> memref<128x128xf32, #tpu.memory_space<hbm>>
      tpu.wait_dma2 semaphore(%arg14 : memref<!tpu.dma_semaphore, #tpu.memory_space<semaphore_mem>>) src(%dma_wait3A_340 : memref<128x128xf32, #tpu.memory_space<hbm>>) dst(%arg11 : memref<128x128xf32, #tpu.memory_space<vmem>>)
      %dma_start3A_341 = arith.constant 0 : i32
      %dma_start3A_342 = arith.constant 0 : i32
      %dma_start3A_343 = tpu.memref_slice %arg10[%dma_start3A_341, %dma_start3A_342] : memref<8x128xi32, #tpu.memory_space<vmem>> -> memref<1x128xi32, #tpu.memory_space<vmem>>
      %dma_start3A_344 = tpu.memref_squeeze %dma_start3A_343 : memref<1x128xi32, #tpu.memory_space<vmem>> -> memref<128xi32, #tpu.memory_space<vmem>>
      %dma_start3A_345 = arith.constant 0 : i32
      %dma_start3A_346 = arith.constant 0 : i32
      %dma_start3A_347 = tpu.memref_slice %arg6[%dma_start3A_345, %dma_start3A_346] : memref<10016x128xf32, #tpu.memory_space<vmem_shared>> -> memref<10016x128xf32, #tpu.memory_space<vmem_shared>>
      tpu.enqueue_indirect_dma source(%arg11 : memref<128x128xf32, #tpu.memory_space<vmem>>) target(%dma_start3A_347 : memref<10016x128xf32, #tpu.memory_space<vmem_shared>>) offsets(%dma_start3A_344 : memref<128xi32, #tpu.memory_space<vmem>>) semaphore(%arg15 : memref<!tpu.dma_semaphore, #tpu.memory_space<semaphore_mem>>) {add = true}
      %dma_wait3A_348 = arith.constant 0 : i32
      %dma_wait3A_349 = arith.constant 0 : i32
      %dma_wait3A_350 = tpu.memref_slice %arg2[%dma_wait3A_348, %dma_wait3A_349] : memref<10000x128xf32, #tpu.memory_space<hbm>> -> memref<128x128xf32, #tpu.memory_space<hbm>>
      %dma_wait3A_351 = arith.constant 0 : i32
      %dma_wait3A_352 = arith.constant 0 : i32
      %dma_wait3A_353 = tpu.memref_slice %arg2[%dma_wait3A_351, %dma_wait3A_352] : memref<10000x128xf32, #tpu.memory_space<hbm>> -> memref<128x128xf32, #tpu.memory_space<hbm>>
      tpu.wait_dma2 semaphore(%arg15 : memref<!tpu.dma_semaphore, #tpu.memory_space<semaphore_mem>>) src(%dma_wait3A_353 : memref<128x128xf32, #tpu.memory_space<hbm>>) dst(%arg11 : memref<128x128xf32, #tpu.memory_space<vmem>>)
      %dma_start3A_354 = arith.constant 2 : i32
      %dma_start3A_355 = arith.constant 0 : i32
      %dma_start3A_356 = tpu.memref_slice %arg8[%dma_start3A_354, %dma_start3A_355] : memref<8x128xi32, #tpu.memory_space<vmem>> -> memref<1x128xi32, #tpu.memory_space<vmem>>
      %dma_start3A_357 = tpu.memref_squeeze %dma_start3A_356 : memref<1x128xi32, #tpu.memory_space<vmem>> -> memref<128xi32, #tpu.memory_space<vmem>>
      %dma_start3A_358 = arith.constant 0 : i32
      %dma_start3A_359 = arith.constant 0 : i32
      %dma_start3A_360 = tpu.memref_slice %arg2[%dma_start3A_358, %dma_start3A_359] : memref<10000x128xf32, #tpu.memory_space<hbm>> -> memref<10000x128xf32, #tpu.memory_space<hbm>>
      tpu.enqueue_indirect_dma source(%dma_start3A_360 : memref<10000x128xf32, #tpu.memory_space<hbm>>) target(%arg11 : memref<128x128xf32, #tpu.memory_space<vmem>>) offsets(%dma_start3A_357 : memref<128xi32, #tpu.memory_space<vmem>>) semaphore(%arg14 : memref<!tpu.dma_semaphore, #tpu.memory_space<semaphore_mem>>)
      %dma_wait3A_361 = arith.constant 0 : i32
      %dma_wait3A_362 = arith.constant 0 : i32
      %dma_wait3A_363 = tpu.memref_slice %arg2[%dma_wait3A_361, %dma_wait3A_362] : memref<10000x128xf32, #tpu.memory_space<hbm>> -> memref<128x128xf32, #tpu.memory_space<hbm>>
      %dma_wait3A_364 = arith.constant 0 : i32
      %dma_wait3A_365 = arith.constant 0 : i32
      %dma_wait3A_366 = tpu.memref_slice %arg2[%dma_wait3A_364, %dma_wait3A_365] : memref<10000x128xf32, #tpu.memory_space<hbm>> -> memref<128x128xf32, #tpu.memory_space<hbm>>
      tpu.wait_dma2 semaphore(%arg14 : memref<!tpu.dma_semaphore, #tpu.memory_space<semaphore_mem>>) src(%dma_wait3A_366 : memref<128x128xf32, #tpu.memory_space<hbm>>) dst(%arg12 : memref<128x128xf32, #tpu.memory_space<vmem>>)
      %dma_start3A_367 = arith.constant 1 : i32
      %dma_start3A_368 = arith.constant 0 : i32
      %dma_start3A_369 = tpu.memref_slice %arg10[%dma_start3A_367, %dma_start3A_368] : memref<8x128xi32, #tpu.memory_space<vmem>> -> memref<1x128xi32, #tpu.memory_space<vmem>>
      %dma_start3A_370 = tpu.memref_squeeze %dma_start3A_369 : memref<1x128xi32, #tpu.memory_space<vmem>> -> memref<128xi32, #tpu.memory_space<vmem>>
      %dma_start3A_371 = arith.constant 0 : i32
      %dma_start3A_372 = arith.constant 0 : i32
      %dma_start3A_373 = tpu.memref_slice %arg6[%dma_start3A_371, %dma_start3A_372] : memref<10016x128xf32, #tpu.memory_space<vmem_shared>> -> memref<10016x128xf32, #tpu.memory_space<vmem_shared>>
      tpu.enqueue_indirect_dma source(%arg12 : memref<128x128xf32, #tpu.memory_space<vmem>>) target(%dma_start3A_373 : memref<10016x128xf32, #tpu.memory_space<vmem_shared>>) offsets(%dma_start3A_370 : memref<128xi32, #tpu.memory_space<vmem>>) semaphore(%arg15 : memref<!tpu.dma_semaphore, #tpu.memory_space<semaphore_mem>>) {add = true}
      %dma_wait3A_374 = arith.constant 0 : i32
      %dma_wait3A_375 = arith.constant 0 : i32
      %dma_wait3A_376 = tpu.memref_slice %arg2[%dma_wait3A_374, %dma_wait3A_375] : memref<10000x128xf32, #tpu.memory_space<hbm>> -> memref<128x128xf32, #tpu.memory_space<hbm>>
      %dma_wait3A_377 = arith.constant 0 : i32
      %dma_wait3A_378 = arith.constant 0 : i32
      %dma_wait3A_379 = tpu.memref_slice %arg2[%dma_wait3A_377, %dma_wait3A_378] : memref<10000x128xf32, #tpu.memory_space<hbm>> -> memref<128x128xf32, #tpu.memory_space<hbm>>
      tpu.wait_dma2 semaphore(%arg15 : memref<!tpu.dma_semaphore, #tpu.memory_space<semaphore_mem>>) src(%dma_wait3A_379 : memref<128x128xf32, #tpu.memory_space<hbm>>) dst(%arg12 : memref<128x128xf32, #tpu.memory_space<vmem>>)
      %dma_start3A_380 = arith.constant 3 : i32
      %dma_start3A_381 = arith.constant 0 : i32
      %dma_start3A_382 = tpu.memref_slice %arg8[%dma_start3A_380, %dma_start3A_381] : memref<8x128xi32, #tpu.memory_space<vmem>> -> memref<1x128xi32, #tpu.memory_space<vmem>>
      %dma_start3A_383 = tpu.memref_squeeze %dma_start3A_382 : memref<1x128xi32, #tpu.memory_space<vmem>> -> memref<128xi32, #tpu.memory_space<vmem>>
      %dma_start3A_384 = arith.constant 0 : i32
      %dma_start3A_385 = arith.constant 0 : i32
      %dma_start3A_386 = tpu.memref_slice %arg2[%dma_start3A_384, %dma_start3A_385] : memref<10000x128xf32, #tpu.memory_space<hbm>> -> memref<10000x128xf32, #tpu.memory_space<hbm>>
      tpu.enqueue_indirect_dma source(%dma_start3A_386 : memref<10000x128xf32, #tpu.memory_space<hbm>>) target(%arg12 : memref<128x128xf32, #tpu.memory_space<vmem>>) offsets(%dma_start3A_383 : memref<128xi32, #tpu.memory_space<vmem>>) semaphore(%arg14 : memref<!tpu.dma_semaphore, #tpu.memory_space<semaphore_mem>>)
      %dma_wait3A_387 = arith.constant 0 : i32
      %dma_wait3A_388 = arith.constant 0 : i32
      %dma_wait3A_389 = tpu.memref_slice %arg2[%dma_wait3A_387, %dma_wait3A_388] : memref<10000x128xf32, #tpu.memory_space<hbm>> -> memref<128x128xf32, #tpu.memory_space<hbm>>
      %dma_wait3A_390 = arith.constant 0 : i32
      %dma_wait3A_391 = arith.constant 0 : i32
      %dma_wait3A_392 = tpu.memref_slice %arg2[%dma_wait3A_390, %dma_wait3A_391] : memref<10000x128xf32, #tpu.memory_space<hbm>> -> memref<128x128xf32, #tpu.memory_space<hbm>>
      tpu.wait_dma2 semaphore(%arg14 : memref<!tpu.dma_semaphore, #tpu.memory_space<semaphore_mem>>) src(%dma_wait3A_392 : memref<128x128xf32, #tpu.memory_space<hbm>>) dst(%arg11 : memref<128x128xf32, #tpu.memory_space<vmem>>)
      %dma_start3A_393 = arith.constant 2 : i32
      %dma_start3A_394 = arith.constant 0 : i32
      %dma_start3A_395 = tpu.memref_slice %arg10[%dma_start3A_393, %dma_start3A_394] : memref<8x128xi32, #tpu.memory_space<vmem>> -> memref<1x128xi32, #tpu.memory_space<vmem>>
      %dma_start3A_396 = tpu.memref_squeeze %dma_start3A_395 : memref<1x128xi32, #tpu.memory_space<vmem>> -> memref<128xi32, #tpu.memory_space<vmem>>
      %dma_start3A_397 = arith.constant 0 : i32
      %dma_start3A_398 = arith.constant 0 : i32
      %dma_start3A_399 = tpu.memref_slice %arg6[%dma_start3A_397, %dma_start3A_398] : memref<10016x128xf32, #tpu.memory_space<vmem_shared>> -> memref<10016x128xf32, #tpu.memory_space<vmem_shared>>
      tpu.enqueue_indirect_dma source(%arg11 : memref<128x128xf32, #tpu.memory_space<vmem>>) target(%dma_start3A_399 : memref<10016x128xf32, #tpu.memory_space<vmem_shared>>) offsets(%dma_start3A_396 : memref<128xi32, #tpu.memory_space<vmem>>) semaphore(%arg15 : memref<!tpu.dma_semaphore, #tpu.memory_space<semaphore_mem>>) {add = true}
      %dma_wait3A_400 = arith.constant 0 : i32
      %dma_wait3A_401 = arith.constant 0 : i32
      %dma_wait3A_402 = tpu.memref_slice %arg2[%dma_wait3A_400, %dma_wait3A_401] : memref<10000x128xf32, #tpu.memory_space<hbm>> -> memref<128x128xf32, #tpu.memory_space<hbm>>
      %dma_wait3A_403 = arith.constant 0 : i32
      %dma_wait3A_404 = arith.constant 0 : i32
      %dma_wait3A_405 = tpu.memref_slice %arg2[%dma_wait3A_403, %dma_wait3A_404] : memref<10000x128xf32, #tpu.memory_space<hbm>> -> memref<128x128xf32, #tpu.memory_space<hbm>>
      tpu.wait_dma2 semaphore(%arg15 : memref<!tpu.dma_semaphore, #tpu.memory_space<semaphore_mem>>) src(%dma_wait3A_405 : memref<128x128xf32, #tpu.memory_space<hbm>>) dst(%arg11 : memref<128x128xf32, #tpu.memory_space<vmem>>)
      %dma_start3A_406 = arith.constant 4 : i32
      %dma_start3A_407 = arith.constant 0 : i32
      %dma_start3A_408 = tpu.memref_slice %arg8[%dma_start3A_406, %dma_start3A_407] : memref<8x128xi32, #tpu.memory_space<vmem>> -> memref<1x128xi32, #tpu.memory_space<vmem>>
      %dma_start3A_409 = tpu.memref_squeeze %dma_start3A_408 : memref<1x128xi32, #tpu.memory_space<vmem>> -> memref<128xi32, #tpu.memory_space<vmem>>
      %dma_start3A_410 = arith.constant 0 : i32
      %dma_start3A_411 = arith.constant 0 : i32
      %dma_start3A_412 = tpu.memref_slice %arg2[%dma_start3A_410, %dma_start3A_411] : memref<10000x128xf32, #tpu.memory_space<hbm>> -> memref<10000x128xf32, #tpu.memory_space<hbm>>
      tpu.enqueue_indirect_dma source(%dma_start3A_412 : memref<10000x128xf32, #tpu.memory_space<hbm>>) target(%arg11 : memref<128x128xf32, #tpu.memory_space<vmem>>) offsets(%dma_start3A_409 : memref<128xi32, #tpu.memory_space<vmem>>) semaphore(%arg14 : memref<!tpu.dma_semaphore, #tpu.memory_space<semaphore_mem>>)
      %dma_wait3A_413 = arith.constant 0 : i32
      %dma_wait3A_414 = arith.constant 0 : i32
      %dma_wait3A_415 = tpu.memref_slice %arg2[%dma_wait3A_413, %dma_wait3A_414] : memref<10000x128xf32, #tpu.memory_space<hbm>> -> memref<128x128xf32, #tpu.memory_space<hbm>>
      %dma_wait3A_416 = arith.constant 0 : i32
      %dma_wait3A_417 = arith.constant 0 : i32
      %dma_wait3A_418 = tpu.memref_slice %arg2[%dma_wait3A_416, %dma_wait3A_417] : memref<10000x128xf32, #tpu.memory_space<hbm>> -> memref<128x128xf32, #tpu.memory_space<hbm>>
      tpu.wait_dma2 semaphore(%arg14 : memref<!tpu.dma_semaphore, #tpu.memory_space<semaphore_mem>>) src(%dma_wait3A_418 : memref<128x128xf32, #tpu.memory_space<hbm>>) dst(%arg12 : memref<128x128xf32, #tpu.memory_space<vmem>>)
      %dma_start3A_419 = arith.constant 3 : i32
      %dma_start3A_420 = arith.constant 0 : i32
      %dma_start3A_421 = tpu.memref_slice %arg10[%dma_start3A_419, %dma_start3A_420] : memref<8x128xi32, #tpu.memory_space<vmem>> -> memref<1x128xi32, #tpu.memory_space<vmem>>
      %dma_start3A_422 = tpu.memref_squeeze %dma_start3A_421 : memref<1x128xi32, #tpu.memory_space<vmem>> -> memref<128xi32, #tpu.memory_space<vmem>>
      %dma_start3A_423 = arith.constant 0 : i32
      %dma_start3A_424 = arith.constant 0 : i32
      %dma_start3A_425 = tpu.memref_slice %arg6[%dma_start3A_423, %dma_start3A_424] : memref<10016x128xf32, #tpu.memory_space<vmem_shared>> -> memref<10016x128xf32, #tpu.memory_space<vmem_shared>>
      tpu.enqueue_indirect_dma source(%arg12 : memref<128x128xf32, #tpu.memory_space<vmem>>) target(%dma_start3A_425 : memref<10016x128xf32, #tpu.memory_space<vmem_shared>>) offsets(%dma_start3A_422 : memref<128xi32, #tpu.memory_space<vmem>>) semaphore(%arg15 : memref<!tpu.dma_semaphore, #tpu.memory_space<semaphore_mem>>) {add = true}
      %dma_wait3A_426 = arith.constant 0 : i32
      %dma_wait3A_427 = arith.constant 0 : i32
      %dma_wait3A_428 = tpu.memref_slice %arg2[%dma_wait3A_426, %dma_wait3A_427] : memref<10000x128xf32, #tpu.memory_space<hbm>> -> memref<128x128xf32, #tpu.memory_space<hbm>>
      %dma_wait3A_429 = arith.constant 0 : i32
      %dma_wait3A_430 = arith.constant 0 : i32
      %dma_wait3A_431 = tpu.memref_slice %arg2[%dma_wait3A_429, %dma_wait3A_430] : memref<10000x128xf32, #tpu.memory_space<hbm>> -> memref<128x128xf32, #tpu.memory_space<hbm>>
      tpu.wait_dma2 semaphore(%arg15 : memref<!tpu.dma_semaphore, #tpu.memory_space<semaphore_mem>>) src(%dma_wait3A_431 : memref<128x128xf32, #tpu.memory_space<hbm>>) dst(%arg12 : memref<128x128xf32, #tpu.memory_space<vmem>>)
      %dma_start3A_432 = arith.constant 5 : i32
      %dma_start3A_433 = arith.constant 0 : i32
      %dma_start3A_434 = tpu.memref_slice %arg8[%dma_start3A_432, %dma_start3A_433] : memref<8x128xi32, #tpu.memory_space<vmem>> -> memref<1x128xi32, #tpu.memory_space<vmem>>
      %dma_start3A_435 = tpu.memref_squeeze %dma_start3A_434 : memref<1x128xi32, #tpu.memory_space<vmem>> -> memref<128xi32, #tpu.memory_space<vmem>>
      %dma_start3A_436 = arith.constant 0 : i32
      %dma_start3A_437 = arith.constant 0 : i32
      %dma_start3A_438 = tpu.memref_slice %arg2[%dma_start3A_436, %dma_start3A_437] : memref<10000x128xf32, #tpu.memory_space<hbm>> -> memref<10000x128xf32, #tpu.memory_space<hbm>>
      tpu.enqueue_indirect_dma source(%dma_start3A_438 : memref<10000x128xf32, #tpu.memory_space<hbm>>) target(%arg12 : memref<128x128xf32, #tpu.memory_space<vmem>>) offsets(%dma_start3A_435 : memref<128xi32, #tpu.memory_space<vmem>>) semaphore(%arg14 : memref<!tpu.dma_semaphore, #tpu.memory_space<semaphore_mem>>)
      %dma_wait3A_439 = arith.constant 0 : i32
      %dma_wait3A_440 = arith.constant 0 : i32
      %dma_wait3A_441 = tpu.memref_slice %arg2[%dma_wait3A_439, %dma_wait3A_440] : memref<10000x128xf32, #tpu.memory_space<hbm>> -> memref<128x128xf32, #tpu.memory_space<hbm>>
      %dma_wait3A_442 = arith.constant 0 : i32
      %dma_wait3A_443 = arith.constant 0 : i32
      %dma_wait3A_444 = tpu.memref_slice %arg2[%dma_wait3A_442, %dma_wait3A_443] : memref<10000x128xf32, #tpu.memory_space<hbm>> -> memref<128x128xf32, #tpu.memory_space<hbm>>
      tpu.wait_dma2 semaphore(%arg14 : memref<!tpu.dma_semaphore, #tpu.memory_space<semaphore_mem>>) src(%dma_wait3A_444 : memref<128x128xf32, #tpu.memory_space<hbm>>) dst(%arg11 : memref<128x128xf32, #tpu.memory_space<vmem>>)
      %dma_start3A_445 = arith.constant 4 : i32
      %dma_start3A_446 = arith.constant 0 : i32
      %dma_start3A_447 = tpu.memref_slice %arg10[%dma_start3A_445, %dma_start3A_446] : memref<8x128xi32, #tpu.memory_space<vmem>> -> memref<1x128xi32, #tpu.memory_space<vmem>>
      %dma_start3A_448 = tpu.memref_squeeze %dma_start3A_447 : memref<1x128xi32, #tpu.memory_space<vmem>> -> memref<128xi32, #tpu.memory_space<vmem>>
      %dma_start3A_449 = arith.constant 0 : i32
      %dma_start3A_450 = arith.constant 0 : i32
      %dma_start3A_451 = tpu.memref_slice %arg6[%dma_start3A_449, %dma_start3A_450] : memref<10016x128xf32, #tpu.memory_space<vmem_shared>> -> memref<10016x128xf32, #tpu.memory_space<vmem_shared>>
      tpu.enqueue_indirect_dma source(%arg11 : memref<128x128xf32, #tpu.memory_space<vmem>>) target(%dma_start3A_451 : memref<10016x128xf32, #tpu.memory_space<vmem_shared>>) offsets(%dma_start3A_448 : memref<128xi32, #tpu.memory_space<vmem>>) semaphore(%arg15 : memref<!tpu.dma_semaphore, #tpu.memory_space<semaphore_mem>>) {add = true}
      %dma_wait3A_452 = arith.constant 0 : i32
      %dma_wait3A_453 = arith.constant 0 : i32
      %dma_wait3A_454 = tpu.memref_slice %arg2[%dma_wait3A_452, %dma_wait3A_453] : memref<10000x128xf32, #tpu.memory_space<hbm>> -> memref<128x128xf32, #tpu.memory_space<hbm>>
      %dma_wait3A_455 = arith.constant 0 : i32
      %dma_wait3A_456 = arith.constant 0 : i32
      %dma_wait3A_457 = tpu.memref_slice %arg2[%dma_wait3A_455, %dma_wait3A_456] : memref<10000x128xf32, #tpu.memory_space<hbm>> -> memref<128x128xf32, #tpu.memory_space<hbm>>
      tpu.wait_dma2 semaphore(%arg15 : memref<!tpu.dma_semaphore, #tpu.memory_space<semaphore_mem>>) src(%dma_wait3A_457 : memref<128x128xf32, #tpu.memory_space<hbm>>) dst(%arg11 : memref<128x128xf32, #tpu.memory_space<vmem>>)
      %dma_start3A_458 = arith.constant 6 : i32
      %dma_start3A_459 = arith.constant 0 : i32
      %dma_start3A_460 = tpu.memref_slice %arg8[%dma_start3A_458, %dma_start3A_459] : memref<8x128xi32, #tpu.memory_space<vmem>> -> memref<1x128xi32, #tpu.memory_space<vmem>>
      %dma_start3A_461 = tpu.memref_squeeze %dma_start3A_460 : memref<1x128xi32, #tpu.memory_space<vmem>> -> memref<128xi32, #tpu.memory_space<vmem>>
      %dma_start3A_462 = arith.constant 0 : i32
      %dma_start3A_463 = arith.constant 0 : i32
      %dma_start3A_464 = tpu.memref_slice %arg2[%dma_start3A_462, %dma_start3A_463] : memref<10000x128xf32, #tpu.memory_space<hbm>> -> memref<10000x128xf32, #tpu.memory_space<hbm>>
      tpu.enqueue_indirect_dma source(%dma_start3A_464 : memref<10000x128xf32, #tpu.memory_space<hbm>>) target(%arg11 : memref<128x128xf32, #tpu.memory_space<vmem>>) offsets(%dma_start3A_461 : memref<128xi32, #tpu.memory_space<vmem>>) semaphore(%arg14 : memref<!tpu.dma_semaphore, #tpu.memory_space<semaphore_mem>>)
      %dma_wait3A_465 = arith.constant 0 : i32
      %dma_wait3A_466 = arith.constant 0 : i32
      %dma_wait3A_467 = tpu.memref_slice %arg2[%dma_wait3A_465, %dma_wait3A_466] : memref<10000x128xf32, #tpu.memory_space<hbm>> -> memref<128x128xf32, #tpu.memory_space<hbm>>
      %dma_wait3A_468 = arith.constant 0 : i32
      %dma_wait3A_469 = arith.constant 0 : i32
      %dma_wait3A_470 = tpu.memref_slice %arg2[%dma_wait3A_468, %dma_wait3A_469] : memref<10000x128xf32, #tpu.memory_space<hbm>> -> memref<128x128xf32, #tpu.memory_space<hbm>>
      tpu.wait_dma2 semaphore(%arg14 : memref<!tpu.dma_semaphore, #tpu.memory_space<semaphore_mem>>) src(%dma_wait3A_470 : memref<128x128xf32, #tpu.memory_space<hbm>>) dst(%arg12 : memref<128x128xf32, #tpu.memory_space<vmem>>)
      %dma_start3A_471 = arith.constant 5 : i32
      %dma_start3A_472 = arith.constant 0 : i32
      %dma_start3A_473 = tpu.memref_slice %arg10[%dma_start3A_471, %dma_start3A_472] : memref<8x128xi32, #tpu.memory_space<vmem>> -> memref<1x128xi32, #tpu.memory_space<vmem>>
      %dma_start3A_474 = tpu.memref_squeeze %dma_start3A_473 : memref<1x128xi32, #tpu.memory_space<vmem>> -> memref<128xi32, #tpu.memory_space<vmem>>
      %dma_start3A_475 = arith.constant 0 : i32
      %dma_start3A_476 = arith.constant 0 : i32
      %dma_start3A_477 = tpu.memref_slice %arg6[%dma_start3A_475, %dma_start3A_476] : memref<10016x128xf32, #tpu.memory_space<vmem_shared>> -> memref<10016x128xf32, #tpu.memory_space<vmem_shared>>
      tpu.enqueue_indirect_dma source(%arg12 : memref<128x128xf32, #tpu.memory_space<vmem>>) target(%dma_start3A_477 : memref<10016x128xf32, #tpu.memory_space<vmem_shared>>) offsets(%dma_start3A_474 : memref<128xi32, #tpu.memory_space<vmem>>) semaphore(%arg15 : memref<!tpu.dma_semaphore, #tpu.memory_space<semaphore_mem>>) {add = true}
      %dma_wait3A_478 = arith.constant 0 : i32
      %dma_wait3A_479 = arith.constant 0 : i32
      %dma_wait3A_480 = tpu.memref_slice %arg2[%dma_wait3A_478, %dma_wait3A_479] : memref<10000x128xf32, #tpu.memory_space<hbm>> -> memref<128x128xf32, #tpu.memory_space<hbm>>
      %dma_wait3A_481 = arith.constant 0 : i32
      %dma_wait3A_482 = arith.constant 0 : i32
      %dma_wait3A_483 = tpu.memref_slice %arg2[%dma_wait3A_481, %dma_wait3A_482] : memref<10000x128xf32, #tpu.memory_space<hbm>> -> memref<128x128xf32, #tpu.memory_space<hbm>>
      tpu.wait_dma2 semaphore(%arg15 : memref<!tpu.dma_semaphore, #tpu.memory_space<semaphore_mem>>) src(%dma_wait3A_483 : memref<128x128xf32, #tpu.memory_space<hbm>>) dst(%arg12 : memref<128x128xf32, #tpu.memory_space<vmem>>)
      %dma_start3A_484 = arith.constant 7 : i32
      %dma_start3A_485 = arith.constant 0 : i32
      %dma_start3A_486 = tpu.memref_slice %arg8[%dma_start3A_484, %dma_start3A_485] : memref<8x128xi32, #tpu.memory_space<vmem>> -> memref<1x128xi32, #tpu.memory_space<vmem>>
      %dma_start3A_487 = tpu.memref_squeeze %dma_start3A_486 : memref<1x128xi32, #tpu.memory_space<vmem>> -> memref<128xi32, #tpu.memory_space<vmem>>
      %dma_start3A_488 = arith.constant 0 : i32
      %dma_start3A_489 = arith.constant 0 : i32
      %dma_start3A_490 = tpu.memref_slice %arg2[%dma_start3A_488, %dma_start3A_489] : memref<10000x128xf32, #tpu.memory_space<hbm>> -> memref<10000x128xf32, #tpu.memory_space<hbm>>
      tpu.enqueue_indirect_dma source(%dma_start3A_490 : memref<10000x128xf32, #tpu.memory_space<hbm>>) target(%arg12 : memref<128x128xf32, #tpu.memory_space<vmem>>) offsets(%dma_start3A_487 : memref<128xi32, #tpu.memory_space<vmem>>) semaphore(%arg14 : memref<!tpu.dma_semaphore, #tpu.memory_space<semaphore_mem>>)
      %dma_wait3A_491 = arith.constant 0 : i32
      %dma_wait3A_492 = arith.constant 0 : i32
      %dma_wait3A_493 = tpu.memref_slice %arg2[%dma_wait3A_491, %dma_wait3A_492] : memref<10000x128xf32, #tpu.memory_space<hbm>> -> memref<128x128xf32, #tpu.memory_space<hbm>>
      %dma_wait3A_494 = arith.constant 0 : i32
      %dma_wait3A_495 = arith.constant 0 : i32
      %dma_wait3A_496 = tpu.memref_slice %arg2[%dma_wait3A_494, %dma_wait3A_495] : memref<10000x128xf32, #tpu.memory_space<hbm>> -> memref<128x128xf32, #tpu.memory_space<hbm>>
      tpu.wait_dma2 semaphore(%arg14 : memref<!tpu.dma_semaphore, #tpu.memory_space<semaphore_mem>>) src(%dma_wait3A_496 : memref<128x128xf32, #tpu.memory_space<hbm>>) dst(%arg11 : memref<128x128xf32, #tpu.memory_space<vmem>>)
      %dma_start3A_497 = arith.constant 6 : i32
      %dma_start3A_498 = arith.constant 0 : i32
      %dma_start3A_499 = tpu.memref_slice %arg10[%dma_start3A_497, %dma_start3A_498] : memref<8x128xi32, #tpu.memory_space<vmem>> -> memref<1x128xi32, #tpu.memory_space<vmem>>
      %dma_start3A_500 = tpu.memref_squeeze %dma_start3A_499 : memref<1x128xi32, #tpu.memory_space<vmem>> -> memref<128xi32, #tpu.memory_space<vmem>>
      %dma_start3A_501 = arith.constant 0 : i32
      %dma_start3A_502 = arith.constant 0 : i32
      %dma_start3A_503 = tpu.memref_slice %arg6[%dma_start3A_501, %dma_start3A_502] : memref<10016x128xf32, #tpu.memory_space<vmem_shared>> -> memref<10016x128xf32, #tpu.memory_space<vmem_shared>>
      tpu.enqueue_indirect_dma source(%arg11 : memref<128x128xf32, #tpu.memory_space<vmem>>) target(%dma_start3A_503 : memref<10016x128xf32, #tpu.memory_space<vmem_shared>>) offsets(%dma_start3A_500 : memref<128xi32, #tpu.memory_space<vmem>>) semaphore(%arg15 : memref<!tpu.dma_semaphore, #tpu.memory_space<semaphore_mem>>) {add = true}
      %dma_wait3A_504 = arith.constant 0 : i32
      %dma_wait3A_505 = arith.constant 0 : i32
      %dma_wait3A_506 = tpu.memref_slice %arg2[%dma_wait3A_504, %dma_wait3A_505] : memref<10000x128xf32, #tpu.memory_space<hbm>> -> memref<128x128xf32, #tpu.memory_space<hbm>>
      %dma_wait3A_507 = arith.constant 0 : i32
      %dma_wait3A_508 = arith.constant 0 : i32
      %dma_wait3A_509 = tpu.memref_slice %arg2[%dma_wait3A_507, %dma_wait3A_508] : memref<10000x128xf32, #tpu.memory_space<hbm>> -> memref<128x128xf32, #tpu.memory_space<hbm>>
      tpu.wait_dma2 semaphore(%arg14 : memref<!tpu.dma_semaphore, #tpu.memory_space<semaphore_mem>>) src(%dma_wait3A_509 : memref<128x128xf32, #tpu.memory_space<hbm>>) dst(%arg12 : memref<128x128xf32, #tpu.memory_space<vmem>>)
      %dma_start3A_510 = arith.constant 7 : i32
      %dma_start3A_511 = arith.constant 0 : i32
      %dma_start3A_512 = tpu.memref_slice %arg10[%dma_start3A_510, %dma_start3A_511] : memref<8x128xi32, #tpu.memory_space<vmem>> -> memref<1x128xi32, #tpu.memory_space<vmem>>
      %dma_start3A_513 = tpu.memref_squeeze %dma_start3A_512 : memref<1x128xi32, #tpu.memory_space<vmem>> -> memref<128xi32, #tpu.memory_space<vmem>>
      %dma_start3A_514 = arith.constant 0 : i32
      %dma_start3A_515 = arith.constant 0 : i32
      %dma_start3A_516 = tpu.memref_slice %arg6[%dma_start3A_514, %dma_start3A_515] : memref<10016x128xf32, #tpu.memory_space<vmem_shared>> -> memref<10016x128xf32, #tpu.memory_space<vmem_shared>>
      tpu.enqueue_indirect_dma source(%arg12 : memref<128x128xf32, #tpu.memory_space<vmem>>) target(%dma_start3A_516 : memref<10016x128xf32, #tpu.memory_space<vmem_shared>>) offsets(%dma_start3A_513 : memref<128xi32, #tpu.memory_space<vmem>>) semaphore(%arg15 : memref<!tpu.dma_semaphore, #tpu.memory_space<semaphore_mem>>) {add = true}
    }
    %scan3A_42 = arith.constant 5 : i32
    %dma_wait3A = arith.constant 0 : i32
    %dma_wait3A_43 = arith.constant 0 : i32
    %dma_wait3A_44 = tpu.memref_slice %arg2[%dma_wait3A, %dma_wait3A_43] : memref<10000x128xf32, #tpu.memory_space<hbm>> -> memref<128x128xf32, #tpu.memory_space<hbm>>
    %dma_wait3A_45 = arith.constant 0 : i32
    %dma_wait3A_46 = arith.constant 0 : i32
    %dma_wait3A_47 = tpu.memref_slice %arg2[%dma_wait3A_45, %dma_wait3A_46] : memref<10000x128xf32, #tpu.memory_space<hbm>> -> memref<128x128xf32, #tpu.memory_space<hbm>>
    tpu.wait_dma2 semaphore(%arg15 : memref<!tpu.dma_semaphore, #tpu.memory_space<semaphore_mem>>) src(%dma_wait3A_47 : memref<128x128xf32, #tpu.memory_space<hbm>>) dst(%arg11 : memref<128x128xf32, #tpu.memory_space<vmem>>)
    %dma_wait3A_48 = arith.constant 0 : i32
    %dma_wait3A_49 = arith.constant 0 : i32
    %dma_wait3A_50 = tpu.memref_slice %arg2[%dma_wait3A_48, %dma_wait3A_49] : memref<10000x128xf32, #tpu.memory_space<hbm>> -> memref<128x128xf32, #tpu.memory_space<hbm>>
    %dma_wait3A_51 = arith.constant 0 : i32
    %dma_wait3A_52 = arith.constant 0 : i32
    %dma_wait3A_53 = tpu.memref_slice %arg2[%dma_wait3A_51, %dma_wait3A_52] : memref<10000x128xf32, #tpu.memory_space<hbm>> -> memref<128x128xf32, #tpu.memory_space<hbm>>
    tpu.wait_dma2 semaphore(%arg15 : memref<!tpu.dma_semaphore, #tpu.memory_space<semaphore_mem>>) src(%dma_wait3A_53 : memref<128x128xf32, #tpu.memory_space<hbm>>) dst(%arg12 : memref<128x128xf32, #tpu.memory_space<vmem>>)
    %barrier3A_54 = arith.constant 0 : index
    tpu.barrier barrier_id(%barrier3A_54)
    %mul3A_55 = arith.constant 624 : i32
    %mul3A_56 = arith.muli %arg1, %mul3A_55 : i32
    %mul3A_57 = arith.constant 624 : i32
    %mul3A_58 = arith.muli %arg1, %mul3A_57 : i32
    "tpu.region"() ({
      %run_scoped3A = tpu.sem_alloc : memref<!tpu.dma_semaphore, #tpu.memory_space<semaphore_mem>>
      %dma_start3A_64 = arith.constant 0 : i32
      %dma_start3A_65 = tpu.memref_slice %arg5[%arg0, %mul3A_58, %dma_start3A_64] : memref<2x10000x128xf32, #tpu.memory_space<hbm>> -> memref<1x624x128xf32, #tpu.memory_space<hbm>>
      %dma_start3A_66 = tpu.memref_squeeze %dma_start3A_65 : memref<1x624x128xf32, #tpu.memory_space<hbm>> -> memref<624x128xf32, #tpu.memory_space<hbm>>
      %dma_start3A_67 = arith.constant 0 : i32
      %dma_start3A_68 = tpu.memref_slice %arg6[%mul3A_56, %dma_start3A_67] : memref<10016x128xf32, #tpu.memory_space<vmem_shared>> -> memref<624x128xf32, #tpu.memory_space<vmem_shared>>
      tpu.enqueue_dma source(%dma_start3A_68 : memref<624x128xf32, #tpu.memory_space<vmem_shared>>) target(%dma_start3A_66 : memref<624x128xf32, #tpu.memory_space<hbm>>) target_semaphore(%run_scoped3A : memref<!tpu.dma_semaphore, #tpu.memory_space<semaphore_mem>>)
      %dma_wait3A_69 = arith.constant 0 : i32
      %dma_wait3A_70 = tpu.memref_slice %arg5[%arg0, %mul3A_58, %dma_wait3A_69] : memref<2x10000x128xf32, #tpu.memory_space<hbm>> -> memref<1x624x128xf32, #tpu.memory_space<hbm>>
      %dma_wait3A_71 = tpu.memref_squeeze %dma_wait3A_70 : memref<1x624x128xf32, #tpu.memory_space<hbm>> -> memref<624x128xf32, #tpu.memory_space<hbm>>
      %dma_wait3A_72 = arith.constant 0 : i32
      %dma_wait3A_73 = tpu.memref_slice %arg6[%mul3A_56, %dma_wait3A_72] : memref<10016x128xf32, #tpu.memory_space<vmem_shared>> -> memref<624x128xf32, #tpu.memory_space<vmem_shared>>
      tpu.wait_dma2 semaphore(%run_scoped3A : memref<!tpu.dma_semaphore, #tpu.memory_space<semaphore_mem>>) src(%dma_wait3A_73 : memref<624x128xf32, #tpu.memory_space<vmem_shared>>) dst(%dma_wait3A_71 : memref<624x128xf32, #tpu.memory_space<hbm>>)
      tpu.yield
    }) : () -> ()
    %eq3A_59 = arith.constant 0 : i32
    %eq3A_60 = arith.cmpi eq, %arg1, %eq3A_59 : i32
    %convert_element_type3A_61 = arith.extui %eq3A_60 : i1 to i32
    %cond3A_62 = arith.constant 0 : i32
    %cond3A_63 = arith.cmpi ne, %convert_element_type3A_61, %cond3A_62 : i32
    scf.if %cond3A_63 {
      "tpu.region"() ({
        %run_scoped3A = tpu.sem_alloc : memref<!tpu.dma_semaphore, #tpu.memory_space<semaphore_mem>>
        %dma_start3A_64 = arith.constant 9984 : i32
        %dma_start3A_65 = arith.constant 0 : i32
        %dma_start3A_66 = tpu.memref_slice %arg5[%arg0, %dma_start3A_64, %dma_start3A_65] : memref<2x10000x128xf32, #tpu.memory_space<hbm>> -> memref<1x16x128xf32, #tpu.memory_space<hbm>>
        %dma_start3A_67 = tpu.memref_squeeze %dma_start3A_66 : memref<1x16x128xf32, #tpu.memory_space<hbm>> -> memref<16x128xf32, #tpu.memory_space<hbm>>
        %dma_start3A_68 = arith.constant 9984 : i32
        %dma_start3A_69 = arith.constant 0 : i32
        %dma_start3A_70 = tpu.memref_slice %arg6[%dma_start3A_68, %dma_start3A_69] : memref<10016x128xf32, #tpu.memory_space<vmem_shared>> -> memref<16x128xf32, #tpu.memory_space<vmem_shared>>
        tpu.enqueue_dma source(%dma_start3A_70 : memref<16x128xf32, #tpu.memory_space<vmem_shared>>) target(%dma_start3A_67 : memref<16x128xf32, #tpu.memory_space<hbm>>) target_semaphore(%run_scoped3A : memref<!tpu.dma_semaphore, #tpu.memory_space<semaphore_mem>>)
        %dma_wait3A_71 = arith.constant 9984 : i32
        %dma_wait3A_72 = arith.constant 0 : i32
        %dma_wait3A_73 = tpu.memref_slice %arg5[%arg0, %dma_wait3A_71, %dma_wait3A_72] : memref<2x10000x128xf32, #tpu.memory_space<hbm>> -> memref<1x16x128xf32, #tpu.memory_space<hbm>>
        %dma_wait3A_74 = tpu.memref_squeeze %dma_wait3A_73 : memref<1x16x128xf32, #tpu.memory_space<hbm>> -> memref<16x128xf32, #tpu.memory_space<hbm>>
        %dma_wait3A_75 = arith.constant 9984 : i32
        %dma_wait3A_76 = arith.constant 0 : i32
        %dma_wait3A_77 = tpu.memref_slice %arg6[%dma_wait3A_75, %dma_wait3A_76] : memref<10016x128xf32, #tpu.memory_space<vmem_shared>> -> memref<16x128xf32, #tpu.memory_space<vmem_shared>>
        tpu.wait_dma2 semaphore(%run_scoped3A : memref<!tpu.dma_semaphore, #tpu.memory_space<semaphore_mem>>) src(%dma_wait3A_77 : memref<16x128xf32, #tpu.memory_space<vmem_shared>>) dst(%dma_wait3A_74 : memref<16x128xf32, #tpu.memory_space<hbm>>)
        tpu.yield
      }) : () -> ()
    } else {
    }
    return
  }
}

#map = affine_map<(d0, d1) -> (0, 0)>
#map1 = affine_map<(d0, d1) -> (0, 0, 0)>
module attributes {stable_mosaic.version = 14 : i64} {
  func.func @_deg_kernel(%arg0: i32, %arg1: i32, %arg2: memref<2560x128xi32, #tpu.memory_space<hbm>>, %arg3: memref<2x10240x16xf32, #tpu.memory_space<hbm>>, %arg4: memref<10240x16xf32, #tpu.memory_space<vmem_shared>>, %arg5: memref<8x128xi32, #tpu.memory_space<vmem>>, %arg6: memref<8x128xi32, #tpu.memory_space<vmem>>, %arg7: memref<128x16xf32, #tpu.memory_space<vmem>>, %arg8: memref<640x16xf32, #tpu.memory_space<vmem>>, %arg9: memref<!tpu.dma_semaphore, #tpu.memory_space<semaphore_mem>>) attributes {dimension_semantics = [#tpu.dimension_semantics<core_parallel>, #tpu.dimension_semantics<subcore_parallel>], iteration_bounds = array<i64: 2, 16>, scalar_prefetch = 0 : i64, scratch_operands = 6 : i64, tpu.core_type = #tpu.core_type<sc_vector_subcore>, window_params = [{transform_indices = #map}, {transform_indices = #map1}]} {
    %mul3A = arith.constant 2 : i32
    %mul3A_0 = arith.muli %arg1, %mul3A : i32
    %add3A = arith.addi %mul3A_0, %arg0 : i32
    %mul3A_1 = arith.constant 80 : i32
    %mul3A_2 = arith.muli %add3A, %mul3A_1 : i32
    %scan3A = arith.constant 0 : i32
    %scan3A_3 = arith.constant 0 : i32
    %scan3A_4 = arith.constant 128 : i32
    %scan3A_5 = arith.addi %scan3A_3, %scan3A_4 : i32
    %scan3A_6 = arith.constant 1 : i32
    scf.for %scan3A_30 = %scan3A_3 to %scan3A_5 step %scan3A_6  : i32 {
      %broadcast_in_dim3A = arith.constant 1.000000e+00 : f32
      %broadcast_in_dim3A_31 = vector.broadcast %broadcast_in_dim3A : f32 to vector<16xf32>
      %swap3A = arith.index_cast %scan3A_30 : i32 to index
      %swap3A_32 = arith.constant 0 : index
      %swap3A_33 = tpu.vector_load %arg7[%swap3A, %swap3A_32] {strides = array<i32>} : memref<128x16xf32, #tpu.memory_space<vmem>>, vector<1x16xf32>,
      %swap3A_34 = vector.shape_cast %swap3A_33 : vector<1x16xf32> to vector<16xf32>
      %swap3A_35 = vector.shape_cast %broadcast_in_dim3A_31 : vector<16xf32> to vector<1x16xf32>
      tpu.vector_store %arg7[%swap3A, %swap3A_32], %swap3A_35 {strides = array<i32>} : memref<128x16xf32, #tpu.memory_space<vmem>>, vector<1x16xf32>,
    }
    %scan3A_7 = arith.constant 128 : i32
    %scan3A_8 = arith.constant 0 : i32
    %scan3A_9 = arith.constant 0 : i32
    %scan3A_10 = arith.constant 640 : i32
    %scan3A_11 = arith.addi %scan3A_9, %scan3A_10 : i32
    %scan3A_12 = arith.constant 1 : i32
    scf.for %scan3A_30 = %scan3A_9 to %scan3A_11 step %scan3A_12  : i32 {
      %broadcast_in_dim3A = arith.constant 0.000000e+00 : f32
      %broadcast_in_dim3A_31 = vector.broadcast %broadcast_in_dim3A : f32 to vector<16xf32>
      %swap3A = arith.index_cast %scan3A_30 : i32 to index
      %swap3A_32 = arith.constant 0 : index
      %swap3A_33 = tpu.vector_load %arg8[%swap3A, %swap3A_32] {strides = array<i32>} : memref<640x16xf32, #tpu.memory_space<vmem>>, vector<1x16xf32>,
      %swap3A_34 = vector.shape_cast %swap3A_33 : vector<1x16xf32> to vector<16xf32>
      %swap3A_35 = vector.shape_cast %broadcast_in_dim3A_31 : vector<16xf32> to vector<1x16xf32>
      tpu.vector_store %arg8[%swap3A, %swap3A_32], %swap3A_35 {strides = array<i32>} : memref<640x16xf32, #tpu.memory_space<vmem>>, vector<1x16xf32>,
    }
    %scan3A_13 = arith.constant 640 : i32
    %mul3A_14 = arith.constant 640 : i32
    %mul3A_15 = arith.muli %arg1, %mul3A_14 : i32
    "tpu.region"() ({
      %run_scoped3A = tpu.sem_alloc : memref<!tpu.dma_semaphore, #tpu.memory_space<semaphore_mem>>
      %dma_start3A_30 = arith.constant 0 : i32
      %dma_start3A_31 = tpu.memref_slice %arg4[%mul3A_15, %dma_start3A_30] : memref<10240x16xf32, #tpu.memory_space<vmem_shared>> -> memref<640x16xf32, #tpu.memory_space<vmem_shared>>
      %dma_start3A_32 = arith.constant 0 : i32
      %dma_start3A_33 = tpu.memref_slice %arg4[%mul3A_15, %dma_start3A_32] : memref<10240x16xf32, #tpu.memory_space<vmem_shared>> -> memref<640x16xf32, #tpu.memory_space<vmem_shared>>
      tpu.enqueue_dma source(%arg8 : memref<640x16xf32, #tpu.memory_space<vmem>>) target(%dma_start3A_33 : memref<640x16xf32, #tpu.memory_space<vmem_shared>>) target_semaphore(%run_scoped3A : memref<!tpu.dma_semaphore, #tpu.memory_space<semaphore_mem>>)
      %dma_wait3A = arith.constant 0 : i32
      %dma_wait3A_34 = tpu.memref_slice %arg4[%mul3A_15, %dma_wait3A] : memref<10240x16xf32, #tpu.memory_space<vmem_shared>> -> memref<640x16xf32, #tpu.memory_space<vmem_shared>>
      %dma_wait3A_35 = arith.constant 0 : i32
      %dma_wait3A_36 = tpu.memref_slice %arg4[%mul3A_15, %dma_wait3A_35] : memref<10240x16xf32, #tpu.memory_space<vmem_shared>> -> memref<640x16xf32, #tpu.memory_space<vmem_shared>>
      tpu.wait_dma2 semaphore(%run_scoped3A : memref<!tpu.dma_semaphore, #tpu.memory_space<semaphore_mem>>) src(%arg8 : memref<640x16xf32, #tpu.memory_space<vmem>>) dst(%dma_wait3A_36 : memref<640x16xf32, #tpu.memory_space<vmem_shared>>)
      tpu.yield
    }) : () -> ()
    %barrier3A = arith.constant 0 : index
    tpu.barrier barrier_id(%barrier3A)
    %dma_start3A = arith.constant 0 : i32
    %dma_start3A_16 = tpu.memref_slice %arg2[%mul3A_2, %dma_start3A] : memref<2560x128xi32, #tpu.memory_space<hbm>> -> memref<8x128xi32, #tpu.memory_space<hbm>>
    %dma_start3A_17 = arith.constant 0 : i32
    %dma_start3A_18 = tpu.memref_slice %arg2[%mul3A_2, %dma_start3A_17] : memref<2560x128xi32, #tpu.memory_space<hbm>> -> memref<8x128xi32, #tpu.memory_space<hbm>>
    tpu.enqueue_dma source(%dma_start3A_18 : memref<8x128xi32, #tpu.memory_space<hbm>>) target(%arg5 : memref<8x128xi32, #tpu.memory_space<vmem>>) target_semaphore(%arg9 : memref<!tpu.dma_semaphore, #tpu.memory_space<semaphore_mem>>)
    %scan3A_19 = arith.constant 0 : i32
    %scan3A_20 = arith.constant 0 : i32
    %scan3A_21 = arith.constant 5 : i32
    %scan3A_22 = arith.addi %scan3A_20, %scan3A_21 : i32
    %scan3A_23 = arith.constant 1 : i32
    scf.for %scan3A_30 = %scan3A_20 to %scan3A_22 step %scan3A_23  : i32 {
      %mul3A_31 = arith.constant 2 : i32
      %mul3A_32 = arith.muli %scan3A_30, %mul3A_31 : i32
      %add3A_33 = arith.constant 0 : i32
      %add3A_34 = arith.addi %mul3A_32, %add3A_33 : i32
      %dma_wait3A = arith.constant 0 : i32
      %dma_wait3A_35 = arith.constant 0 : i32
      %dma_wait3A_36 = tpu.memref_slice %arg2[%dma_wait3A, %dma_wait3A_35] : memref<2560x128xi32, #tpu.memory_space<hbm>> -> memref<8x128xi32, #tpu.memory_space<hbm>>
      %dma_wait3A_37 = arith.constant 0 : i32
      %dma_wait3A_38 = arith.constant 0 : i32
      %dma_wait3A_39 = tpu.memref_slice %arg2[%dma_wait3A_37, %dma_wait3A_38] : memref<2560x128xi32, #tpu.memory_space<hbm>> -> memref<8x128xi32, #tpu.memory_space<hbm>>
      tpu.wait_dma2 semaphore(%arg9 : memref<!tpu.dma_semaphore, #tpu.memory_space<semaphore_mem>>) src(%dma_wait3A_39 : memref<8x128xi32, #tpu.memory_space<hbm>>) dst(%arg5 : memref<8x128xi32, #tpu.memory_space<vmem>>)
      %lt3A = arith.constant 9 : i32
      %lt3A_40 = arith.cmpi slt, %add3A_34, %lt3A : i32
      %convert_element_type3A = arith.extui %lt3A_40 : i1 to i32
      %cond3A = arith.constant 0 : i32
      %cond3A_41 = arith.cmpi ne, %convert_element_type3A, %cond3A : i32
      scf.if %cond3A_41 {
        %add3A_72 = arith.constant 1 : i32
        %add3A_73 = arith.addi %add3A_34, %add3A_72 : i32
        %mul3A_74 = arith.constant 8 : i32
        %mul3A_75 = arith.muli %add3A_73, %mul3A_74 : i32
        %add3A_76 = arith.addi %mul3A_2, %mul3A_75 : i32
        %dma_start3A_77 = arith.constant 0 : i32
        %dma_start3A_78 = tpu.memref_slice %arg2[%add3A_76, %dma_start3A_77] : memref<2560x128xi32, #tpu.memory_space<hbm>> -> memref<8x128xi32, #tpu.memory_space<hbm>>
        %dma_start3A_79 = arith.constant 0 : i32
        %dma_start3A_80 = tpu.memref_slice %arg2[%add3A_76, %dma_start3A_79] : memref<2560x128xi32, #tpu.memory_space<hbm>> -> memref<8x128xi32, #tpu.memory_space<hbm>>
        tpu.enqueue_dma source(%dma_start3A_80 : memref<8x128xi32, #tpu.memory_space<hbm>>) target(%arg6 : memref<8x128xi32, #tpu.memory_space<vmem>>) target_semaphore(%arg9 : memref<!tpu.dma_semaphore, #tpu.memory_space<semaphore_mem>>)
      } else {
      }
      %run_scoped3A = arith.constant 0 : i32
      "tpu.region"() ({
        %run_scoped3A_72 = tpu.sem_alloc : memref<!tpu.dma_semaphore, #tpu.memory_space<semaphore_mem>>
        %dma_start3A_73 = arith.constant 0 : i32
        %dma_start3A_74 = tpu.memref_slice %arg5[%run_scoped3A, %dma_start3A_73] : memref<8x128xi32, #tpu.memory_space<vmem>> -> memref<1x128xi32, #tpu.memory_space<vmem>>
        %dma_start3A_75 = tpu.memref_squeeze %dma_start3A_74 : memref<1x128xi32, #tpu.memory_space<vmem>> -> memref<128xi32, #tpu.memory_space<vmem>>
        %dma_start3A_76 = arith.constant 0 : i32
        %dma_start3A_77 = arith.constant 0 : i32
        %dma_start3A_78 = tpu.memref_slice %arg4[%dma_start3A_76, %dma_start3A_77] : memref<10240x16xf32, #tpu.memory_space<vmem_shared>> -> memref<10240x16xf32, #tpu.memory_space<vmem_shared>>
        tpu.enqueue_indirect_dma source(%arg7 : memref<128x16xf32, #tpu.memory_space<vmem>>) target(%dma_start3A_78 : memref<10240x16xf32, #tpu.memory_space<vmem_shared>>) offsets(%dma_start3A_75 : memref<128xi32, #tpu.memory_space<vmem>>) semaphore(%run_scoped3A_72 : memref<!tpu.dma_semaphore, #tpu.memory_space<semaphore_mem>>) {add = true}
        %dma_wait3A_79 = arith.constant 0 : i32
        %dma_wait3A_80 = tpu.memref_slice %arg5[%run_scoped3A, %dma_wait3A_79] : memref<8x128xi32, #tpu.memory_space<vmem>> -> memref<1x128xi32, #tpu.memory_space<vmem>>
        %dma_wait3A_81 = tpu.memref_squeeze %dma_wait3A_80 : memref<1x128xi32, #tpu.memory_space<vmem>> -> memref<128xi32, #tpu.memory_space<vmem>>
        %dma_wait3A_82 = arith.constant 0 : i32
        %dma_wait3A_83 = arith.constant 0 : i32
        %dma_wait3A_84 = tpu.memref_slice %arg4[%dma_wait3A_82, %dma_wait3A_83] : memref<10240x16xf32, #tpu.memory_space<vmem_shared>> -> memref<10240x16xf32, #tpu.memory_space<vmem_shared>>
        tpu.wait_indirect_dma semaphore(%run_scoped3A_72 : memref<!tpu.dma_semaphore, #tpu.memory_space<semaphore_mem>>) src(%arg7 : memref<128x16xf32, #tpu.memory_space<vmem>>) dst(%dma_wait3A_84 : memref<10240x16xf32, #tpu.memory_space<vmem_shared>>)
        tpu.yield
      }) : () -> ()
      %run_scoped3A_42 = arith.constant 1 : i32
      "tpu.region"() ({
        %run_scoped3A_72 = tpu.sem_alloc : memref<!tpu.dma_semaphore, #tpu.memory_space<semaphore_mem>>
        %dma_start3A_73 = arith.constant 0 : i32
        %dma_start3A_74 = tpu.memref_slice %arg5[%run_scoped3A_42, %dma_start3A_73] : memref<8x128xi32, #tpu.memory_space<vmem>> -> memref<1x128xi32, #tpu.memory_space<vmem>>
        %dma_start3A_75 = tpu.memref_squeeze %dma_start3A_74 : memref<1x128xi32, #tpu.memory_space<vmem>> -> memref<128xi32, #tpu.memory_space<vmem>>
        %dma_start3A_76 = arith.constant 0 : i32
        %dma_start3A_77 = arith.constant 0 : i32
        %dma_start3A_78 = tpu.memref_slice %arg4[%dma_start3A_76, %dma_start3A_77] : memref<10240x16xf32, #tpu.memory_space<vmem_shared>> -> memref<10240x16xf32, #tpu.memory_space<vmem_shared>>
        tpu.enqueue_indirect_dma source(%arg7 : memref<128x16xf32, #tpu.memory_space<vmem>>) target(%dma_start3A_78 : memref<10240x16xf32, #tpu.memory_space<vmem_shared>>) offsets(%dma_start3A_75 : memref<128xi32, #tpu.memory_space<vmem>>) semaphore(%run_scoped3A_72 : memref<!tpu.dma_semaphore, #tpu.memory_space<semaphore_mem>>) {add = true}
        %dma_wait3A_79 = arith.constant 0 : i32
        %dma_wait3A_80 = tpu.memref_slice %arg5[%run_scoped3A_42, %dma_wait3A_79] : memref<8x128xi32, #tpu.memory_space<vmem>> -> memref<1x128xi32, #tpu.memory_space<vmem>>
        %dma_wait3A_81 = tpu.memref_squeeze %dma_wait3A_80 : memref<1x128xi32, #tpu.memory_space<vmem>> -> memref<128xi32, #tpu.memory_space<vmem>>
        %dma_wait3A_82 = arith.constant 0 : i32
        %dma_wait3A_83 = arith.constant 0 : i32
        %dma_wait3A_84 = tpu.memref_slice %arg4[%dma_wait3A_82, %dma_wait3A_83] : memref<10240x16xf32, #tpu.memory_space<vmem_shared>> -> memref<10240x16xf32, #tpu.memory_space<vmem_shared>>
        tpu.wait_indirect_dma semaphore(%run_scoped3A_72 : memref<!tpu.dma_semaphore, #tpu.memory_space<semaphore_mem>>) src(%arg7 : memref<128x16xf32, #tpu.memory_space<vmem>>) dst(%dma_wait3A_84 : memref<10240x16xf32, #tpu.memory_space<vmem_shared>>)
        tpu.yield
      }) : () -> ()
      %run_scoped3A_43 = arith.constant 2 : i32
      "tpu.region"() ({
        %run_scoped3A_72 = tpu.sem_alloc : memref<!tpu.dma_semaphore, #tpu.memory_space<semaphore_mem>>
        %dma_start3A_73 = arith.constant 0 : i32
        %dma_start3A_74 = tpu.memref_slice %arg5[%run_scoped3A_43, %dma_start3A_73] : memref<8x128xi32, #tpu.memory_space<vmem>> -> memref<1x128xi32, #tpu.memory_space<vmem>>
        %dma_start3A_75 = tpu.memref_squeeze %dma_start3A_74 : memref<1x128xi32, #tpu.memory_space<vmem>> -> memref<128xi32, #tpu.memory_space<vmem>>
        %dma_start3A_76 = arith.constant 0 : i32
        %dma_start3A_77 = arith.constant 0 : i32
        %dma_start3A_78 = tpu.memref_slice %arg4[%dma_start3A_76, %dma_start3A_77] : memref<10240x16xf32, #tpu.memory_space<vmem_shared>> -> memref<10240x16xf32, #tpu.memory_space<vmem_shared>>
        tpu.enqueue_indirect_dma source(%arg7 : memref<128x16xf32, #tpu.memory_space<vmem>>) target(%dma_start3A_78 : memref<10240x16xf32, #tpu.memory_space<vmem_shared>>) offsets(%dma_start3A_75 : memref<128xi32, #tpu.memory_space<vmem>>) semaphore(%run_scoped3A_72 : memref<!tpu.dma_semaphore, #tpu.memory_space<semaphore_mem>>) {add = true}
        %dma_wait3A_79 = arith.constant 0 : i32
        %dma_wait3A_80 = tpu.memref_slice %arg5[%run_scoped3A_43, %dma_wait3A_79] : memref<8x128xi32, #tpu.memory_space<vmem>> -> memref<1x128xi32, #tpu.memory_space<vmem>>
        %dma_wait3A_81 = tpu.memref_squeeze %dma_wait3A_80 : memref<1x128xi32, #tpu.memory_space<vmem>> -> memref<128xi32, #tpu.memory_space<vmem>>
        %dma_wait3A_82 = arith.constant 0 : i32
        %dma_wait3A_83 = arith.constant 0 : i32
        %dma_wait3A_84 = tpu.memref_slice %arg4[%dma_wait3A_82, %dma_wait3A_83] : memref<10240x16xf32, #tpu.memory_space<vmem_shared>> -> memref<10240x16xf32, #tpu.memory_space<vmem_shared>>
        tpu.wait_indirect_dma semaphore(%run_scoped3A_72 : memref<!tpu.dma_semaphore, #tpu.memory_space<semaphore_mem>>) src(%arg7 : memref<128x16xf32, #tpu.memory_space<vmem>>) dst(%dma_wait3A_84 : memref<10240x16xf32, #tpu.memory_space<vmem_shared>>)
        tpu.yield
      }) : () -> ()
      %run_scoped3A_44 = arith.constant 3 : i32
      "tpu.region"() ({
        %run_scoped3A_72 = tpu.sem_alloc : memref<!tpu.dma_semaphore, #tpu.memory_space<semaphore_mem>>
        %dma_start3A_73 = arith.constant 0 : i32
        %dma_start3A_74 = tpu.memref_slice %arg5[%run_scoped3A_44, %dma_start3A_73] : memref<8x128xi32, #tpu.memory_space<vmem>> -> memref<1x128xi32, #tpu.memory_space<vmem>>
        %dma_start3A_75 = tpu.memref_squeeze %dma_start3A_74 : memref<1x128xi32, #tpu.memory_space<vmem>> -> memref<128xi32, #tpu.memory_space<vmem>>
        %dma_start3A_76 = arith.constant 0 : i32
        %dma_start3A_77 = arith.constant 0 : i32
        %dma_start3A_78 = tpu.memref_slice %arg4[%dma_start3A_76, %dma_start3A_77] : memref<10240x16xf32, #tpu.memory_space<vmem_shared>> -> memref<10240x16xf32, #tpu.memory_space<vmem_shared>>
        tpu.enqueue_indirect_dma source(%arg7 : memref<128x16xf32, #tpu.memory_space<vmem>>) target(%dma_start3A_78 : memref<10240x16xf32, #tpu.memory_space<vmem_shared>>) offsets(%dma_start3A_75 : memref<128xi32, #tpu.memory_space<vmem>>) semaphore(%run_scoped3A_72 : memref<!tpu.dma_semaphore, #tpu.memory_space<semaphore_mem>>) {add = true}
        %dma_wait3A_79 = arith.constant 0 : i32
        %dma_wait3A_80 = tpu.memref_slice %arg5[%run_scoped3A_44, %dma_wait3A_79] : memref<8x128xi32, #tpu.memory_space<vmem>> -> memref<1x128xi32, #tpu.memory_space<vmem>>
        %dma_wait3A_81 = tpu.memref_squeeze %dma_wait3A_80 : memref<1x128xi32, #tpu.memory_space<vmem>> -> memref<128xi32, #tpu.memory_space<vmem>>
        %dma_wait3A_82 = arith.constant 0 : i32
        %dma_wait3A_83 = arith.constant 0 : i32
        %dma_wait3A_84 = tpu.memref_slice %arg4[%dma_wait3A_82, %dma_wait3A_83] : memref<10240x16xf32, #tpu.memory_space<vmem_shared>> -> memref<10240x16xf32, #tpu.memory_space<vmem_shared>>
        tpu.wait_indirect_dma semaphore(%run_scoped3A_72 : memref<!tpu.dma_semaphore, #tpu.memory_space<semaphore_mem>>) src(%arg7 : memref<128x16xf32, #tpu.memory_space<vmem>>) dst(%dma_wait3A_84 : memref<10240x16xf32, #tpu.memory_space<vmem_shared>>)
        tpu.yield
      }) : () -> ()
      %run_scoped3A_45 = arith.constant 4 : i32
      "tpu.region"() ({
        %run_scoped3A_72 = tpu.sem_alloc : memref<!tpu.dma_semaphore, #tpu.memory_space<semaphore_mem>>
        %dma_start3A_73 = arith.constant 0 : i32
        %dma_start3A_74 = tpu.memref_slice %arg5[%run_scoped3A_45, %dma_start3A_73] : memref<8x128xi32, #tpu.memory_space<vmem>> -> memref<1x128xi32, #tpu.memory_space<vmem>>
        %dma_start3A_75 = tpu.memref_squeeze %dma_start3A_74 : memref<1x128xi32, #tpu.memory_space<vmem>> -> memref<128xi32, #tpu.memory_space<vmem>>
        %dma_start3A_76 = arith.constant 0 : i32
        %dma_start3A_77 = arith.constant 0 : i32
        %dma_start3A_78 = tpu.memref_slice %arg4[%dma_start3A_76, %dma_start3A_77] : memref<10240x16xf32, #tpu.memory_space<vmem_shared>> -> memref<10240x16xf32, #tpu.memory_space<vmem_shared>>
        tpu.enqueue_indirect_dma source(%arg7 : memref<128x16xf32, #tpu.memory_space<vmem>>) target(%dma_start3A_78 : memref<10240x16xf32, #tpu.memory_space<vmem_shared>>) offsets(%dma_start3A_75 : memref<128xi32, #tpu.memory_space<vmem>>) semaphore(%run_scoped3A_72 : memref<!tpu.dma_semaphore, #tpu.memory_space<semaphore_mem>>) {add = true}
        %dma_wait3A_79 = arith.constant 0 : i32
        %dma_wait3A_80 = tpu.memref_slice %arg5[%run_scoped3A_45, %dma_wait3A_79] : memref<8x128xi32, #tpu.memory_space<vmem>> -> memref<1x128xi32, #tpu.memory_space<vmem>>
        %dma_wait3A_81 = tpu.memref_squeeze %dma_wait3A_80 : memref<1x128xi32, #tpu.memory_space<vmem>> -> memref<128xi32, #tpu.memory_space<vmem>>
        %dma_wait3A_82 = arith.constant 0 : i32
        %dma_wait3A_83 = arith.constant 0 : i32
        %dma_wait3A_84 = tpu.memref_slice %arg4[%dma_wait3A_82, %dma_wait3A_83] : memref<10240x16xf32, #tpu.memory_space<vmem_shared>> -> memref<10240x16xf32, #tpu.memory_space<vmem_shared>>
        tpu.wait_indirect_dma semaphore(%run_scoped3A_72 : memref<!tpu.dma_semaphore, #tpu.memory_space<semaphore_mem>>) src(%arg7 : memref<128x16xf32, #tpu.memory_space<vmem>>) dst(%dma_wait3A_84 : memref<10240x16xf32, #tpu.memory_space<vmem_shared>>)
        tpu.yield
      }) : () -> ()
      %run_scoped3A_46 = arith.constant 5 : i32
      "tpu.region"() ({
        %run_scoped3A_72 = tpu.sem_alloc : memref<!tpu.dma_semaphore, #tpu.memory_space<semaphore_mem>>
        %dma_start3A_73 = arith.constant 0 : i32
        %dma_start3A_74 = tpu.memref_slice %arg5[%run_scoped3A_46, %dma_start3A_73] : memref<8x128xi32, #tpu.memory_space<vmem>> -> memref<1x128xi32, #tpu.memory_space<vmem>>
        %dma_start3A_75 = tpu.memref_squeeze %dma_start3A_74 : memref<1x128xi32, #tpu.memory_space<vmem>> -> memref<128xi32, #tpu.memory_space<vmem>>
        %dma_start3A_76 = arith.constant 0 : i32
        %dma_start3A_77 = arith.constant 0 : i32
        %dma_start3A_78 = tpu.memref_slice %arg4[%dma_start3A_76, %dma_start3A_77] : memref<10240x16xf32, #tpu.memory_space<vmem_shared>> -> memref<10240x16xf32, #tpu.memory_space<vmem_shared>>
        tpu.enqueue_indirect_dma source(%arg7 : memref<128x16xf32, #tpu.memory_space<vmem>>) target(%dma_start3A_78 : memref<10240x16xf32, #tpu.memory_space<vmem_shared>>) offsets(%dma_start3A_75 : memref<128xi32, #tpu.memory_space<vmem>>) semaphore(%run_scoped3A_72 : memref<!tpu.dma_semaphore, #tpu.memory_space<semaphore_mem>>) {add = true}
        %dma_wait3A_79 = arith.constant 0 : i32
        %dma_wait3A_80 = tpu.memref_slice %arg5[%run_scoped3A_46, %dma_wait3A_79] : memref<8x128xi32, #tpu.memory_space<vmem>> -> memref<1x128xi32, #tpu.memory_space<vmem>>
        %dma_wait3A_81 = tpu.memref_squeeze %dma_wait3A_80 : memref<1x128xi32, #tpu.memory_space<vmem>> -> memref<128xi32, #tpu.memory_space<vmem>>
        %dma_wait3A_82 = arith.constant 0 : i32
        %dma_wait3A_83 = arith.constant 0 : i32
        %dma_wait3A_84 = tpu.memref_slice %arg4[%dma_wait3A_82, %dma_wait3A_83] : memref<10240x16xf32, #tpu.memory_space<vmem_shared>> -> memref<10240x16xf32, #tpu.memory_space<vmem_shared>>
        tpu.wait_indirect_dma semaphore(%run_scoped3A_72 : memref<!tpu.dma_semaphore, #tpu.memory_space<semaphore_mem>>) src(%arg7 : memref<128x16xf32, #tpu.memory_space<vmem>>) dst(%dma_wait3A_84 : memref<10240x16xf32, #tpu.memory_space<vmem_shared>>)
        tpu.yield
      }) : () -> ()
      %run_scoped3A_47 = arith.constant 6 : i32
      "tpu.region"() ({
        %run_scoped3A_72 = tpu.sem_alloc : memref<!tpu.dma_semaphore, #tpu.memory_space<semaphore_mem>>
        %dma_start3A_73 = arith.constant 0 : i32
        %dma_start3A_74 = tpu.memref_slice %arg5[%run_scoped3A_47, %dma_start3A_73] : memref<8x128xi32, #tpu.memory_space<vmem>> -> memref<1x128xi32, #tpu.memory_space<vmem>>
        %dma_start3A_75 = tpu.memref_squeeze %dma_start3A_74 : memref<1x128xi32, #tpu.memory_space<vmem>> -> memref<128xi32, #tpu.memory_space<vmem>>
        %dma_start3A_76 = arith.constant 0 : i32
        %dma_start3A_77 = arith.constant 0 : i32
        %dma_start3A_78 = tpu.memref_slice %arg4[%dma_start3A_76, %dma_start3A_77] : memref<10240x16xf32, #tpu.memory_space<vmem_shared>> -> memref<10240x16xf32, #tpu.memory_space<vmem_shared>>
        tpu.enqueue_indirect_dma source(%arg7 : memref<128x16xf32, #tpu.memory_space<vmem>>) target(%dma_start3A_78 : memref<10240x16xf32, #tpu.memory_space<vmem_shared>>) offsets(%dma_start3A_75 : memref<128xi32, #tpu.memory_space<vmem>>) semaphore(%run_scoped3A_72 : memref<!tpu.dma_semaphore, #tpu.memory_space<semaphore_mem>>) {add = true}
        %dma_wait3A_79 = arith.constant 0 : i32
        %dma_wait3A_80 = tpu.memref_slice %arg5[%run_scoped3A_47, %dma_wait3A_79] : memref<8x128xi32, #tpu.memory_space<vmem>> -> memref<1x128xi32, #tpu.memory_space<vmem>>
        %dma_wait3A_81 = tpu.memref_squeeze %dma_wait3A_80 : memref<1x128xi32, #tpu.memory_space<vmem>> -> memref<128xi32, #tpu.memory_space<vmem>>
        %dma_wait3A_82 = arith.constant 0 : i32
        %dma_wait3A_83 = arith.constant 0 : i32
        %dma_wait3A_84 = tpu.memref_slice %arg4[%dma_wait3A_82, %dma_wait3A_83] : memref<10240x16xf32, #tpu.memory_space<vmem_shared>> -> memref<10240x16xf32, #tpu.memory_space<vmem_shared>>
        tpu.wait_indirect_dma semaphore(%run_scoped3A_72 : memref<!tpu.dma_semaphore, #tpu.memory_space<semaphore_mem>>) src(%arg7 : memref<128x16xf32, #tpu.memory_space<vmem>>) dst(%dma_wait3A_84 : memref<10240x16xf32, #tpu.memory_space<vmem_shared>>)
        tpu.yield
      }) : () -> ()
      %run_scoped3A_48 = arith.constant 7 : i32
      "tpu.region"() ({
        %run_scoped3A_72 = tpu.sem_alloc : memref<!tpu.dma_semaphore, #tpu.memory_space<semaphore_mem>>
        %dma_start3A_73 = arith.constant 0 : i32
        %dma_start3A_74 = tpu.memref_slice %arg5[%run_scoped3A_48, %dma_start3A_73] : memref<8x128xi32, #tpu.memory_space<vmem>> -> memref<1x128xi32, #tpu.memory_space<vmem>>
        %dma_start3A_75 = tpu.memref_squeeze %dma_start3A_74 : memref<1x128xi32, #tpu.memory_space<vmem>> -> memref<128xi32, #tpu.memory_space<vmem>>
        %dma_start3A_76 = arith.constant 0 : i32
        %dma_start3A_77 = arith.constant 0 : i32
        %dma_start3A_78 = tpu.memref_slice %arg4[%dma_start3A_76, %dma_start3A_77] : memref<10240x16xf32, #tpu.memory_space<vmem_shared>> -> memref<10240x16xf32, #tpu.memory_space<vmem_shared>>
        tpu.enqueue_indirect_dma source(%arg7 : memref<128x16xf32, #tpu.memory_space<vmem>>) target(%dma_start3A_78 : memref<10240x16xf32, #tpu.memory_space<vmem_shared>>) offsets(%dma_start3A_75 : memref<128xi32, #tpu.memory_space<vmem>>) semaphore(%run_scoped3A_72 : memref<!tpu.dma_semaphore, #tpu.memory_space<semaphore_mem>>) {add = true}
        %dma_wait3A_79 = arith.constant 0 : i32
        %dma_wait3A_80 = tpu.memref_slice %arg5[%run_scoped3A_48, %dma_wait3A_79] : memref<8x128xi32, #tpu.memory_space<vmem>> -> memref<1x128xi32, #tpu.memory_space<vmem>>
        %dma_wait3A_81 = tpu.memref_squeeze %dma_wait3A_80 : memref<1x128xi32, #tpu.memory_space<vmem>> -> memref<128xi32, #tpu.memory_space<vmem>>
        %dma_wait3A_82 = arith.constant 0 : i32
        %dma_wait3A_83 = arith.constant 0 : i32
        %dma_wait3A_84 = tpu.memref_slice %arg4[%dma_wait3A_82, %dma_wait3A_83] : memref<10240x16xf32, #tpu.memory_space<vmem_shared>> -> memref<10240x16xf32, #tpu.memory_space<vmem_shared>>
        tpu.wait_indirect_dma semaphore(%run_scoped3A_72 : memref<!tpu.dma_semaphore, #tpu.memory_space<semaphore_mem>>) src(%arg7 : memref<128x16xf32, #tpu.memory_space<vmem>>) dst(%dma_wait3A_84 : memref<10240x16xf32, #tpu.memory_space<vmem_shared>>)
        tpu.yield
      }) : () -> ()
      %mul3A_49 = arith.constant 2 : i32
      %mul3A_50 = arith.muli %scan3A_30, %mul3A_49 : i32
      %add3A_51 = arith.constant 1 : i32
      %add3A_52 = arith.addi %mul3A_50, %add3A_51 : i32
      %dma_wait3A_53 = arith.constant 0 : i32
      %dma_wait3A_54 = arith.constant 0 : i32
      %dma_wait3A_55 = tpu.memref_slice %arg2[%dma_wait3A_53, %dma_wait3A_54] : memref<2560x128xi32, #tpu.memory_space<hbm>> -> memref<8x128xi32, #tpu.memory_space<hbm>>
      %dma_wait3A_56 = arith.constant 0 : i32
      %dma_wait3A_57 = arith.constant 0 : i32
      %dma_wait3A_58 = tpu.memref_slice %arg2[%dma_wait3A_56, %dma_wait3A_57] : memref<2560x128xi32, #tpu.memory_space<hbm>> -> memref<8x128xi32, #tpu.memory_space<hbm>>
      tpu.wait_dma2 semaphore(%arg9 : memref<!tpu.dma_semaphore, #tpu.memory_space<semaphore_mem>>) src(%dma_wait3A_58 : memref<8x128xi32, #tpu.memory_space<hbm>>) dst(%arg6 : memref<8x128xi32, #tpu.memory_space<vmem>>)
      %lt3A_59 = arith.constant 9 : i32
      %lt3A_60 = arith.cmpi slt, %add3A_52, %lt3A_59 : i32
      %convert_element_type3A_61 = arith.extui %lt3A_60 : i1 to i32
      %cond3A_62 = arith.constant 0 : i32
      %cond3A_63 = arith.cmpi ne, %convert_element_type3A_61, %cond3A_62 : i32
      scf.if %cond3A_63 {
        %add3A_72 = arith.constant 1 : i32
        %add3A_73 = arith.addi %add3A_52, %add3A_72 : i32
        %mul3A_74 = arith.constant 8 : i32
        %mul3A_75 = arith.muli %add3A_73, %mul3A_74 : i32
        %add3A_76 = arith.addi %mul3A_2, %mul3A_75 : i32
        %dma_start3A_77 = arith.constant 0 : i32
        %dma_start3A_78 = tpu.memref_slice %arg2[%add3A_76, %dma_start3A_77] : memref<2560x128xi32, #tpu.memory_space<hbm>> -> memref<8x128xi32, #tpu.memory_space<hbm>>
        %dma_start3A_79 = arith.constant 0 : i32
        %dma_start3A_80 = tpu.memref_slice %arg2[%add3A_76, %dma_start3A_79] : memref<2560x128xi32, #tpu.memory_space<hbm>> -> memref<8x128xi32, #tpu.memory_space<hbm>>
        tpu.enqueue_dma source(%dma_start3A_80 : memref<8x128xi32, #tpu.memory_space<hbm>>) target(%arg5 : memref<8x128xi32, #tpu.memory_space<vmem>>) target_semaphore(%arg9 : memref<!tpu.dma_semaphore, #tpu.memory_space<semaphore_mem>>)
      } else {
      }
      %run_scoped3A_64 = arith.constant 0 : i32
      "tpu.region"() ({
        %run_scoped3A_72 = tpu.sem_alloc : memref<!tpu.dma_semaphore, #tpu.memory_space<semaphore_mem>>
        %dma_start3A_73 = arith.constant 0 : i32
        %dma_start3A_74 = tpu.memref_slice %arg6[%run_scoped3A_64, %dma_start3A_73] : memref<8x128xi32, #tpu.memory_space<vmem>> -> memref<1x128xi32, #tpu.memory_space<vmem>>
        %dma_start3A_75 = tpu.memref_squeeze %dma_start3A_74 : memref<1x128xi32, #tpu.memory_space<vmem>> -> memref<128xi32, #tpu.memory_space<vmem>>
        %dma_start3A_76 = arith.constant 0 : i32
        %dma_start3A_77 = arith.constant 0 : i32
        %dma_start3A_78 = tpu.memref_slice %arg4[%dma_start3A_76, %dma_start3A_77] : memref<10240x16xf32, #tpu.memory_space<vmem_shared>> -> memref<10240x16xf32, #tpu.memory_space<vmem_shared>>
        tpu.enqueue_indirect_dma source(%arg7 : memref<128x16xf32, #tpu.memory_space<vmem>>) target(%dma_start3A_78 : memref<10240x16xf32, #tpu.memory_space<vmem_shared>>) offsets(%dma_start3A_75 : memref<128xi32, #tpu.memory_space<vmem>>) semaphore(%run_scoped3A_72 : memref<!tpu.dma_semaphore, #tpu.memory_space<semaphore_mem>>) {add = true}
        %dma_wait3A_79 = arith.constant 0 : i32
        %dma_wait3A_80 = tpu.memref_slice %arg6[%run_scoped3A_64, %dma_wait3A_79] : memref<8x128xi32, #tpu.memory_space<vmem>> -> memref<1x128xi32, #tpu.memory_space<vmem>>
        %dma_wait3A_81 = tpu.memref_squeeze %dma_wait3A_80 : memref<1x128xi32, #tpu.memory_space<vmem>> -> memref<128xi32, #tpu.memory_space<vmem>>
        %dma_wait3A_82 = arith.constant 0 : i32
        %dma_wait3A_83 = arith.constant 0 : i32
        %dma_wait3A_84 = tpu.memref_slice %arg4[%dma_wait3A_82, %dma_wait3A_83] : memref<10240x16xf32, #tpu.memory_space<vmem_shared>> -> memref<10240x16xf32, #tpu.memory_space<vmem_shared>>
        tpu.wait_indirect_dma semaphore(%run_scoped3A_72 : memref<!tpu.dma_semaphore, #tpu.memory_space<semaphore_mem>>) src(%arg7 : memref<128x16xf32, #tpu.memory_space<vmem>>) dst(%dma_wait3A_84 : memref<10240x16xf32, #tpu.memory_space<vmem_shared>>)
        tpu.yield
      }) : () -> ()
      %run_scoped3A_65 = arith.constant 1 : i32
      "tpu.region"() ({
        %run_scoped3A_72 = tpu.sem_alloc : memref<!tpu.dma_semaphore, #tpu.memory_space<semaphore_mem>>
        %dma_start3A_73 = arith.constant 0 : i32
        %dma_start3A_74 = tpu.memref_slice %arg6[%run_scoped3A_65, %dma_start3A_73] : memref<8x128xi32, #tpu.memory_space<vmem>> -> memref<1x128xi32, #tpu.memory_space<vmem>>
        %dma_start3A_75 = tpu.memref_squeeze %dma_start3A_74 : memref<1x128xi32, #tpu.memory_space<vmem>> -> memref<128xi32, #tpu.memory_space<vmem>>
        %dma_start3A_76 = arith.constant 0 : i32
        %dma_start3A_77 = arith.constant 0 : i32
        %dma_start3A_78 = tpu.memref_slice %arg4[%dma_start3A_76, %dma_start3A_77] : memref<10240x16xf32, #tpu.memory_space<vmem_shared>> -> memref<10240x16xf32, #tpu.memory_space<vmem_shared>>
        tpu.enqueue_indirect_dma source(%arg7 : memref<128x16xf32, #tpu.memory_space<vmem>>) target(%dma_start3A_78 : memref<10240x16xf32, #tpu.memory_space<vmem_shared>>) offsets(%dma_start3A_75 : memref<128xi32, #tpu.memory_space<vmem>>) semaphore(%run_scoped3A_72 : memref<!tpu.dma_semaphore, #tpu.memory_space<semaphore_mem>>) {add = true}
        %dma_wait3A_79 = arith.constant 0 : i32
        %dma_wait3A_80 = tpu.memref_slice %arg6[%run_scoped3A_65, %dma_wait3A_79] : memref<8x128xi32, #tpu.memory_space<vmem>> -> memref<1x128xi32, #tpu.memory_space<vmem>>
        %dma_wait3A_81 = tpu.memref_squeeze %dma_wait3A_80 : memref<1x128xi32, #tpu.memory_space<vmem>> -> memref<128xi32, #tpu.memory_space<vmem>>
        %dma_wait3A_82 = arith.constant 0 : i32
        %dma_wait3A_83 = arith.constant 0 : i32
        %dma_wait3A_84 = tpu.memref_slice %arg4[%dma_wait3A_82, %dma_wait3A_83] : memref<10240x16xf32, #tpu.memory_space<vmem_shared>> -> memref<10240x16xf32, #tpu.memory_space<vmem_shared>>
        tpu.wait_indirect_dma semaphore(%run_scoped3A_72 : memref<!tpu.dma_semaphore, #tpu.memory_space<semaphore_mem>>) src(%arg7 : memref<128x16xf32, #tpu.memory_space<vmem>>) dst(%dma_wait3A_84 : memref<10240x16xf32, #tpu.memory_space<vmem_shared>>)
        tpu.yield
      }) : () -> ()
      %run_scoped3A_66 = arith.constant 2 : i32
      "tpu.region"() ({
        %run_scoped3A_72 = tpu.sem_alloc : memref<!tpu.dma_semaphore, #tpu.memory_space<semaphore_mem>>
        %dma_start3A_73 = arith.constant 0 : i32
        %dma_start3A_74 = tpu.memref_slice %arg6[%run_scoped3A_66, %dma_start3A_73] : memref<8x128xi32, #tpu.memory_space<vmem>> -> memref<1x128xi32, #tpu.memory_space<vmem>>
        %dma_start3A_75 = tpu.memref_squeeze %dma_start3A_74 : memref<1x128xi32, #tpu.memory_space<vmem>> -> memref<128xi32, #tpu.memory_space<vmem>>
        %dma_start3A_76 = arith.constant 0 : i32
        %dma_start3A_77 = arith.constant 0 : i32
        %dma_start3A_78 = tpu.memref_slice %arg4[%dma_start3A_76, %dma_start3A_77] : memref<10240x16xf32, #tpu.memory_space<vmem_shared>> -> memref<10240x16xf32, #tpu.memory_space<vmem_shared>>
        tpu.enqueue_indirect_dma source(%arg7 : memref<128x16xf32, #tpu.memory_space<vmem>>) target(%dma_start3A_78 : memref<10240x16xf32, #tpu.memory_space<vmem_shared>>) offsets(%dma_start3A_75 : memref<128xi32, #tpu.memory_space<vmem>>) semaphore(%run_scoped3A_72 : memref<!tpu.dma_semaphore, #tpu.memory_space<semaphore_mem>>) {add = true}
        %dma_wait3A_79 = arith.constant 0 : i32
        %dma_wait3A_80 = tpu.memref_slice %arg6[%run_scoped3A_66, %dma_wait3A_79] : memref<8x128xi32, #tpu.memory_space<vmem>> -> memref<1x128xi32, #tpu.memory_space<vmem>>
        %dma_wait3A_81 = tpu.memref_squeeze %dma_wait3A_80 : memref<1x128xi32, #tpu.memory_space<vmem>> -> memref<128xi32, #tpu.memory_space<vmem>>
        %dma_wait3A_82 = arith.constant 0 : i32
        %dma_wait3A_83 = arith.constant 0 : i32
        %dma_wait3A_84 = tpu.memref_slice %arg4[%dma_wait3A_82, %dma_wait3A_83] : memref<10240x16xf32, #tpu.memory_space<vmem_shared>> -> memref<10240x16xf32, #tpu.memory_space<vmem_shared>>
        tpu.wait_indirect_dma semaphore(%run_scoped3A_72 : memref<!tpu.dma_semaphore, #tpu.memory_space<semaphore_mem>>) src(%arg7 : memref<128x16xf32, #tpu.memory_space<vmem>>) dst(%dma_wait3A_84 : memref<10240x16xf32, #tpu.memory_space<vmem_shared>>)
        tpu.yield
      }) : () -> ()
      %run_scoped3A_67 = arith.constant 3 : i32
      "tpu.region"() ({
        %run_scoped3A_72 = tpu.sem_alloc : memref<!tpu.dma_semaphore, #tpu.memory_space<semaphore_mem>>
        %dma_start3A_73 = arith.constant 0 : i32
        %dma_start3A_74 = tpu.memref_slice %arg6[%run_scoped3A_67, %dma_start3A_73] : memref<8x128xi32, #tpu.memory_space<vmem>> -> memref<1x128xi32, #tpu.memory_space<vmem>>
        %dma_start3A_75 = tpu.memref_squeeze %dma_start3A_74 : memref<1x128xi32, #tpu.memory_space<vmem>> -> memref<128xi32, #tpu.memory_space<vmem>>
        %dma_start3A_76 = arith.constant 0 : i32
        %dma_start3A_77 = arith.constant 0 : i32
        %dma_start3A_78 = tpu.memref_slice %arg4[%dma_start3A_76, %dma_start3A_77] : memref<10240x16xf32, #tpu.memory_space<vmem_shared>> -> memref<10240x16xf32, #tpu.memory_space<vmem_shared>>
        tpu.enqueue_indirect_dma source(%arg7 : memref<128x16xf32, #tpu.memory_space<vmem>>) target(%dma_start3A_78 : memref<10240x16xf32, #tpu.memory_space<vmem_shared>>) offsets(%dma_start3A_75 : memref<128xi32, #tpu.memory_space<vmem>>) semaphore(%run_scoped3A_72 : memref<!tpu.dma_semaphore, #tpu.memory_space<semaphore_mem>>) {add = true}
        %dma_wait3A_79 = arith.constant 0 : i32
        %dma_wait3A_80 = tpu.memref_slice %arg6[%run_scoped3A_67, %dma_wait3A_79] : memref<8x128xi32, #tpu.memory_space<vmem>> -> memref<1x128xi32, #tpu.memory_space<vmem>>
        %dma_wait3A_81 = tpu.memref_squeeze %dma_wait3A_80 : memref<1x128xi32, #tpu.memory_space<vmem>> -> memref<128xi32, #tpu.memory_space<vmem>>
        %dma_wait3A_82 = arith.constant 0 : i32
        %dma_wait3A_83 = arith.constant 0 : i32
        %dma_wait3A_84 = tpu.memref_slice %arg4[%dma_wait3A_82, %dma_wait3A_83] : memref<10240x16xf32, #tpu.memory_space<vmem_shared>> -> memref<10240x16xf32, #tpu.memory_space<vmem_shared>>
        tpu.wait_indirect_dma semaphore(%run_scoped3A_72 : memref<!tpu.dma_semaphore, #tpu.memory_space<semaphore_mem>>) src(%arg7 : memref<128x16xf32, #tpu.memory_space<vmem>>) dst(%dma_wait3A_84 : memref<10240x16xf32, #tpu.memory_space<vmem_shared>>)
        tpu.yield
      }) : () -> ()
      %run_scoped3A_68 = arith.constant 4 : i32
      "tpu.region"() ({
        %run_scoped3A_72 = tpu.sem_alloc : memref<!tpu.dma_semaphore, #tpu.memory_space<semaphore_mem>>
        %dma_start3A_73 = arith.constant 0 : i32
        %dma_start3A_74 = tpu.memref_slice %arg6[%run_scoped3A_68, %dma_start3A_73] : memref<8x128xi32, #tpu.memory_space<vmem>> -> memref<1x128xi32, #tpu.memory_space<vmem>>
        %dma_start3A_75 = tpu.memref_squeeze %dma_start3A_74 : memref<1x128xi32, #tpu.memory_space<vmem>> -> memref<128xi32, #tpu.memory_space<vmem>>
        %dma_start3A_76 = arith.constant 0 : i32
        %dma_start3A_77 = arith.constant 0 : i32
        %dma_start3A_78 = tpu.memref_slice %arg4[%dma_start3A_76, %dma_start3A_77] : memref<10240x16xf32, #tpu.memory_space<vmem_shared>> -> memref<10240x16xf32, #tpu.memory_space<vmem_shared>>
        tpu.enqueue_indirect_dma source(%arg7 : memref<128x16xf32, #tpu.memory_space<vmem>>) target(%dma_start3A_78 : memref<10240x16xf32, #tpu.memory_space<vmem_shared>>) offsets(%dma_start3A_75 : memref<128xi32, #tpu.memory_space<vmem>>) semaphore(%run_scoped3A_72 : memref<!tpu.dma_semaphore, #tpu.memory_space<semaphore_mem>>) {add = true}
        %dma_wait3A_79 = arith.constant 0 : i32
        %dma_wait3A_80 = tpu.memref_slice %arg6[%run_scoped3A_68, %dma_wait3A_79] : memref<8x128xi32, #tpu.memory_space<vmem>> -> memref<1x128xi32, #tpu.memory_space<vmem>>
        %dma_wait3A_81 = tpu.memref_squeeze %dma_wait3A_80 : memref<1x128xi32, #tpu.memory_space<vmem>> -> memref<128xi32, #tpu.memory_space<vmem>>
        %dma_wait3A_82 = arith.constant 0 : i32
        %dma_wait3A_83 = arith.constant 0 : i32
        %dma_wait3A_84 = tpu.memref_slice %arg4[%dma_wait3A_82, %dma_wait3A_83] : memref<10240x16xf32, #tpu.memory_space<vmem_shared>> -> memref<10240x16xf32, #tpu.memory_space<vmem_shared>>
        tpu.wait_indirect_dma semaphore(%run_scoped3A_72 : memref<!tpu.dma_semaphore, #tpu.memory_space<semaphore_mem>>) src(%arg7 : memref<128x16xf32, #tpu.memory_space<vmem>>) dst(%dma_wait3A_84 : memref<10240x16xf32, #tpu.memory_space<vmem_shared>>)
        tpu.yield
      }) : () -> ()
      %run_scoped3A_69 = arith.constant 5 : i32
      "tpu.region"() ({
        %run_scoped3A_72 = tpu.sem_alloc : memref<!tpu.dma_semaphore, #tpu.memory_space<semaphore_mem>>
        %dma_start3A_73 = arith.constant 0 : i32
        %dma_start3A_74 = tpu.memref_slice %arg6[%run_scoped3A_69, %dma_start3A_73] : memref<8x128xi32, #tpu.memory_space<vmem>> -> memref<1x128xi32, #tpu.memory_space<vmem>>
        %dma_start3A_75 = tpu.memref_squeeze %dma_start3A_74 : memref<1x128xi32, #tpu.memory_space<vmem>> -> memref<128xi32, #tpu.memory_space<vmem>>
        %dma_start3A_76 = arith.constant 0 : i32
        %dma_start3A_77 = arith.constant 0 : i32
        %dma_start3A_78 = tpu.memref_slice %arg4[%dma_start3A_76, %dma_start3A_77] : memref<10240x16xf32, #tpu.memory_space<vmem_shared>> -> memref<10240x16xf32, #tpu.memory_space<vmem_shared>>
        tpu.enqueue_indirect_dma source(%arg7 : memref<128x16xf32, #tpu.memory_space<vmem>>) target(%dma_start3A_78 : memref<10240x16xf32, #tpu.memory_space<vmem_shared>>) offsets(%dma_start3A_75 : memref<128xi32, #tpu.memory_space<vmem>>) semaphore(%run_scoped3A_72 : memref<!tpu.dma_semaphore, #tpu.memory_space<semaphore_mem>>) {add = true}
        %dma_wait3A_79 = arith.constant 0 : i32
        %dma_wait3A_80 = tpu.memref_slice %arg6[%run_scoped3A_69, %dma_wait3A_79] : memref<8x128xi32, #tpu.memory_space<vmem>> -> memref<1x128xi32, #tpu.memory_space<vmem>>
        %dma_wait3A_81 = tpu.memref_squeeze %dma_wait3A_80 : memref<1x128xi32, #tpu.memory_space<vmem>> -> memref<128xi32, #tpu.memory_space<vmem>>
        %dma_wait3A_82 = arith.constant 0 : i32
        %dma_wait3A_83 = arith.constant 0 : i32
        %dma_wait3A_84 = tpu.memref_slice %arg4[%dma_wait3A_82, %dma_wait3A_83] : memref<10240x16xf32, #tpu.memory_space<vmem_shared>> -> memref<10240x16xf32, #tpu.memory_space<vmem_shared>>
        tpu.wait_indirect_dma semaphore(%run_scoped3A_72 : memref<!tpu.dma_semaphore, #tpu.memory_space<semaphore_mem>>) src(%arg7 : memref<128x16xf32, #tpu.memory_space<vmem>>) dst(%dma_wait3A_84 : memref<10240x16xf32, #tpu.memory_space<vmem_shared>>)
        tpu.yield
      }) : () -> ()
      %run_scoped3A_70 = arith.constant 6 : i32
      "tpu.region"() ({
        %run_scoped3A_72 = tpu.sem_alloc : memref<!tpu.dma_semaphore, #tpu.memory_space<semaphore_mem>>
        %dma_start3A_73 = arith.constant 0 : i32
        %dma_start3A_74 = tpu.memref_slice %arg6[%run_scoped3A_70, %dma_start3A_73] : memref<8x128xi32, #tpu.memory_space<vmem>> -> memref<1x128xi32, #tpu.memory_space<vmem>>
        %dma_start3A_75 = tpu.memref_squeeze %dma_start3A_74 : memref<1x128xi32, #tpu.memory_space<vmem>> -> memref<128xi32, #tpu.memory_space<vmem>>
        %dma_start3A_76 = arith.constant 0 : i32
        %dma_start3A_77 = arith.constant 0 : i32
        %dma_start3A_78 = tpu.memref_slice %arg4[%dma_start3A_76, %dma_start3A_77] : memref<10240x16xf32, #tpu.memory_space<vmem_shared>> -> memref<10240x16xf32, #tpu.memory_space<vmem_shared>>
        tpu.enqueue_indirect_dma source(%arg7 : memref<128x16xf32, #tpu.memory_space<vmem>>) target(%dma_start3A_78 : memref<10240x16xf32, #tpu.memory_space<vmem_shared>>) offsets(%dma_start3A_75 : memref<128xi32, #tpu.memory_space<vmem>>) semaphore(%run_scoped3A_72 : memref<!tpu.dma_semaphore, #tpu.memory_space<semaphore_mem>>) {add = true}
        %dma_wait3A_79 = arith.constant 0 : i32
        %dma_wait3A_80 = tpu.memref_slice %arg6[%run_scoped3A_70, %dma_wait3A_79] : memref<8x128xi32, #tpu.memory_space<vmem>> -> memref<1x128xi32, #tpu.memory_space<vmem>>
        %dma_wait3A_81 = tpu.memref_squeeze %dma_wait3A_80 : memref<1x128xi32, #tpu.memory_space<vmem>> -> memref<128xi32, #tpu.memory_space<vmem>>
        %dma_wait3A_82 = arith.constant 0 : i32
        %dma_wait3A_83 = arith.constant 0 : i32
        %dma_wait3A_84 = tpu.memref_slice %arg4[%dma_wait3A_82, %dma_wait3A_83] : memref<10240x16xf32, #tpu.memory_space<vmem_shared>> -> memref<10240x16xf32, #tpu.memory_space<vmem_shared>>
        tpu.wait_indirect_dma semaphore(%run_scoped3A_72 : memref<!tpu.dma_semaphore, #tpu.memory_space<semaphore_mem>>) src(%arg7 : memref<128x16xf32, #tpu.memory_space<vmem>>) dst(%dma_wait3A_84 : memref<10240x16xf32, #tpu.memory_space<vmem_shared>>)
        tpu.yield
      }) : () -> ()
      %run_scoped3A_71 = arith.constant 7 : i32
      "tpu.region"() ({
        %run_scoped3A_72 = tpu.sem_alloc : memref<!tpu.dma_semaphore, #tpu.memory_space<semaphore_mem>>
        %dma_start3A_73 = arith.constant 0 : i32
        %dma_start3A_74 = tpu.memref_slice %arg6[%run_scoped3A_71, %dma_start3A_73] : memref<8x128xi32, #tpu.memory_space<vmem>> -> memref<1x128xi32, #tpu.memory_space<vmem>>
        %dma_start3A_75 = tpu.memref_squeeze %dma_start3A_74 : memref<1x128xi32, #tpu.memory_space<vmem>> -> memref<128xi32, #tpu.memory_space<vmem>>
        %dma_start3A_76 = arith.constant 0 : i32
        %dma_start3A_77 = arith.constant 0 : i32
        %dma_start3A_78 = tpu.memref_slice %arg4[%dma_start3A_76, %dma_start3A_77] : memref<10240x16xf32, #tpu.memory_space<vmem_shared>> -> memref<10240x16xf32, #tpu.memory_space<vmem_shared>>
        tpu.enqueue_indirect_dma source(%arg7 : memref<128x16xf32, #tpu.memory_space<vmem>>) target(%dma_start3A_78 : memref<10240x16xf32, #tpu.memory_space<vmem_shared>>) offsets(%dma_start3A_75 : memref<128xi32, #tpu.memory_space<vmem>>) semaphore(%run_scoped3A_72 : memref<!tpu.dma_semaphore, #tpu.memory_space<semaphore_mem>>) {add = true}
        %dma_wait3A_79 = arith.constant 0 : i32
        %dma_wait3A_80 = tpu.memref_slice %arg6[%run_scoped3A_71, %dma_wait3A_79] : memref<8x128xi32, #tpu.memory_space<vmem>> -> memref<1x128xi32, #tpu.memory_space<vmem>>
        %dma_wait3A_81 = tpu.memref_squeeze %dma_wait3A_80 : memref<1x128xi32, #tpu.memory_space<vmem>> -> memref<128xi32, #tpu.memory_space<vmem>>
        %dma_wait3A_82 = arith.constant 0 : i32
        %dma_wait3A_83 = arith.constant 0 : i32
        %dma_wait3A_84 = tpu.memref_slice %arg4[%dma_wait3A_82, %dma_wait3A_83] : memref<10240x16xf32, #tpu.memory_space<vmem_shared>> -> memref<10240x16xf32, #tpu.memory_space<vmem_shared>>
        tpu.wait_indirect_dma semaphore(%run_scoped3A_72 : memref<!tpu.dma_semaphore, #tpu.memory_space<semaphore_mem>>) src(%arg7 : memref<128x16xf32, #tpu.memory_space<vmem>>) dst(%dma_wait3A_84 : memref<10240x16xf32, #tpu.memory_space<vmem_shared>>)
        tpu.yield
      }) : () -> ()
    }
    %scan3A_24 = arith.constant 5 : i32
    %barrier3A_25 = arith.constant 0 : index
    tpu.barrier barrier_id(%barrier3A_25)
    %mul3A_26 = arith.constant 640 : i32
    %mul3A_27 = arith.muli %arg1, %mul3A_26 : i32
    %mul3A_28 = arith.constant 640 : i32
    %mul3A_29 = arith.muli %arg1, %mul3A_28 : i32
    "tpu.region"() ({
      %run_scoped3A = tpu.sem_alloc : memref<!tpu.dma_semaphore, #tpu.memory_space<semaphore_mem>>
      %dma_start3A_30 = arith.constant 0 : i32
      %dma_start3A_31 = tpu.memref_slice %arg3[%arg0, %mul3A_29, %dma_start3A_30] : memref<2x10240x16xf32, #tpu.memory_space<hbm>> -> memref<1x640x16xf32, #tpu.memory_space<hbm>>
      %dma_start3A_32 = tpu.memref_squeeze %dma_start3A_31 : memref<1x640x16xf32, #tpu.memory_space<hbm>> -> memref<640x16xf32, #tpu.memory_space<hbm>>
      %dma_start3A_33 = arith.constant 0 : i32
      %dma_start3A_34 = tpu.memref_slice %arg4[%mul3A_27, %dma_start3A_33] : memref<10240x16xf32, #tpu.memory_space<vmem_shared>> -> memref<640x16xf32, #tpu.memory_space<vmem_shared>>
      tpu.enqueue_dma source(%dma_start3A_34 : memref<640x16xf32, #tpu.memory_space<vmem_shared>>) target(%dma_start3A_32 : memref<640x16xf32, #tpu.memory_space<hbm>>) target_semaphore(%run_scoped3A : memref<!tpu.dma_semaphore, #tpu.memory_space<semaphore_mem>>)
      %dma_wait3A = arith.constant 0 : i32
      %dma_wait3A_35 = tpu.memref_slice %arg3[%arg0, %mul3A_29, %dma_wait3A] : memref<2x10240x16xf32, #tpu.memory_space<hbm>> -> memref<1x640x16xf32, #tpu.memory_space<hbm>>
      %dma_wait3A_36 = tpu.memref_squeeze %dma_wait3A_35 : memref<1x640x16xf32, #tpu.memory_space<hbm>> -> memref<640x16xf32, #tpu.memory_space<hbm>>
      %dma_wait3A_37 = arith.constant 0 : i32
      %dma_wait3A_38 = tpu.memref_slice %arg4[%mul3A_27, %dma_wait3A_37] : memref<10240x16xf32, #tpu.memory_space<vmem_shared>> -> memref<640x16xf32, #tpu.memory_space<vmem_shared>>
      tpu.wait_dma2 semaphore(%run_scoped3A : memref<!tpu.dma_semaphore, #tpu.memory_space<semaphore_mem>>) src(%dma_wait3A_38 : memref<640x16xf32, #tpu.memory_space<vmem_shared>>) dst(%dma_wait3A_36 : memref<640x16xf32, #tpu.memory_space<hbm>>)
      tpu.yield
    }) : () -> ()
    return
  }
}

#map = affine_map<(d0, d1) -> (0, 0)>
#map1 = affine_map<(d0, d1) -> (0, 0, 0)>
module attributes {stable_mosaic.version = 14 : i64} {
  func.func @_hop_kernel(%arg0: i32, %arg1: i32, %arg2: memref<10000x128xf32, #tpu.memory_space<hbm>>, %arg3: memref<2560x128xi32, #tpu.memory_space<hbm>>, %arg4: memref<2560x128xi32, #tpu.memory_space<hbm>>, %arg5: memref<2x10000x128xf32, #tpu.memory_space<hbm>>, %arg6: memref<10016x128xf32, #tpu.memory_space<vmem_shared>>, %arg7: memref<8x128xi32, #tpu.memory_space<vmem>>, %arg8: memref<8x128xi32, #tpu.memory_space<vmem>>, %arg9: memref<8x128xi32, #tpu.memory_space<vmem>>, %arg10: memref<8x128xi32, #tpu.memory_space<vmem>>, %arg11: memref<128x128xf32, #tpu.memory_space<vmem>>, %arg12: memref<128x128xf32, #tpu.memory_space<vmem>>, %arg13: memref<!tpu.dma_semaphore, #tpu.memory_space<semaphore_mem>>, %arg14: memref<!tpu.dma_semaphore, #tpu.memory_space<semaphore_mem>>, %arg15: memref<!tpu.dma_semaphore, #tpu.memory_space<semaphore_mem>>) attributes {dimension_semantics = [#tpu.dimension_semantics<core_parallel>, #tpu.dimension_semantics<subcore_parallel>], iteration_bounds = array<i64: 2, 16>, scalar_prefetch = 0 : i64, scratch_operands = 10 : i64, tpu.core_type = #tpu.core_type<sc_vector_subcore>, window_params = [{transform_indices = #map}, {transform_indices = #map}, {transform_indices = #map}, {transform_indices = #map1}]} {
    %mul3A = arith.constant 2 : i32
    %mul3A_0 = arith.muli %arg1, %mul3A : i32
    %add3A = arith.addi %mul3A_0, %arg0 : i32
    %mul3A_1 = arith.constant 80 : i32
    %mul3A_2 = arith.muli %add3A, %mul3A_1 : i32
    %scan3A = arith.constant 0 : i32
    %scan3A_3 = arith.constant 0 : i32
    %scan3A_4 = arith.constant 128 : i32
    %scan3A_5 = arith.addi %scan3A_3, %scan3A_4 : i32
    %scan3A_6 = arith.constant 1 : i32
    scf.for %scan3A_64 = %scan3A_3 to %scan3A_5 step %scan3A_6  : i32 {
      %broadcast_in_dim3A = arith.constant 0.000000e+00 : f32
      %broadcast_in_dim3A_65 = vector.broadcast %broadcast_in_dim3A : f32 to vector<16xf32>
      %swap3A = arith.index_cast %scan3A_64 : i32 to index
      %swap3A_66 = arith.constant 0 : index
      %swap3A_67 = tpu.vector_load %arg11[%swap3A, %swap3A_66] {strides = array<i32>} : memref<128x128xf32, #tpu.memory_space<vmem>>, vector<1x16xf32>,
      %swap3A_68 = vector.shape_cast %swap3A_67 : vector<1x16xf32> to vector<16xf32>
      %swap3A_69 = vector.shape_cast %broadcast_in_dim3A_65 : vector<16xf32> to vector<1x16xf32>
      tpu.vector_store %arg11[%swap3A, %swap3A_66], %swap3A_69 {strides = array<i32>} : memref<128x128xf32, #tpu.memory_space<vmem>>, vector<1x16xf32>,
      %broadcast_in_dim3A_70 = arith.constant 0.000000e+00 : f32
      %broadcast_in_dim3A_71 = vector.broadcast %broadcast_in_dim3A_70 : f32 to vector<16xf32>
      %swap3A_72 = arith.index_cast %scan3A_64 : i32 to index
      %swap3A_73 = arith.constant 16 : index
      %swap3A_74 = tpu.vector_load %arg11[%swap3A_72, %swap3A_73] {strides = array<i32>} : memref<128x128xf32, #tpu.memory_space<vmem>>, vector<1x16xf32>,
      %swap3A_75 = vector.shape_cast %swap3A_74 : vector<1x16xf32> to vector<16xf32>
      %swap3A_76 = vector.shape_cast %broadcast_in_dim3A_71 : vector<16xf32> to vector<1x16xf32>
      tpu.vector_store %arg11[%swap3A_72, %swap3A_73], %swap3A_76 {strides = array<i32>} : memref<128x128xf32, #tpu.memory_space<vmem>>, vector<1x16xf32>,
      %broadcast_in_dim3A_77 = arith.constant 0.000000e+00 : f32
      %broadcast_in_dim3A_78 = vector.broadcast %broadcast_in_dim3A_77 : f32 to vector<16xf32>
      %swap3A_79 = arith.index_cast %scan3A_64 : i32 to index
      %swap3A_80 = arith.constant 32 : index
      %swap3A_81 = tpu.vector_load %arg11[%swap3A_79, %swap3A_80] {strides = array<i32>} : memref<128x128xf32, #tpu.memory_space<vmem>>, vector<1x16xf32>,
      %swap3A_82 = vector.shape_cast %swap3A_81 : vector<1x16xf32> to vector<16xf32>
      %swap3A_83 = vector.shape_cast %broadcast_in_dim3A_78 : vector<16xf32> to vector<1x16xf32>
      tpu.vector_store %arg11[%swap3A_79, %swap3A_80], %swap3A_83 {strides = array<i32>} : memref<128x128xf32, #tpu.memory_space<vmem>>, vector<1x16xf32>,
      %broadcast_in_dim3A_84 = arith.constant 0.000000e+00 : f32
      %broadcast_in_dim3A_85 = vector.broadcast %broadcast_in_dim3A_84 : f32 to vector<16xf32>
      %swap3A_86 = arith.index_cast %scan3A_64 : i32 to index
      %swap3A_87 = arith.constant 48 : index
      %swap3A_88 = tpu.vector_load %arg11[%swap3A_86, %swap3A_87] {strides = array<i32>} : memref<128x128xf32, #tpu.memory_space<vmem>>, vector<1x16xf32>,
      %swap3A_89 = vector.shape_cast %swap3A_88 : vector<1x16xf32> to vector<16xf32>
      %swap3A_90 = vector.shape_cast %broadcast_in_dim3A_85 : vector<16xf32> to vector<1x16xf32>
      tpu.vector_store %arg11[%swap3A_86, %swap3A_87], %swap3A_90 {strides = array<i32>} : memref<128x128xf32, #tpu.memory_space<vmem>>, vector<1x16xf32>,
      %broadcast_in_dim3A_91 = arith.constant 0.000000e+00 : f32
      %broadcast_in_dim3A_92 = vector.broadcast %broadcast_in_dim3A_91 : f32 to vector<16xf32>
      %swap3A_93 = arith.index_cast %scan3A_64 : i32 to index
      %swap3A_94 = arith.constant 64 : index
      %swap3A_95 = tpu.vector_load %arg11[%swap3A_93, %swap3A_94] {strides = array<i32>} : memref<128x128xf32, #tpu.memory_space<vmem>>, vector<1x16xf32>,
      %swap3A_96 = vector.shape_cast %swap3A_95 : vector<1x16xf32> to vector<16xf32>
      %swap3A_97 = vector.shape_cast %broadcast_in_dim3A_92 : vector<16xf32> to vector<1x16xf32>
      tpu.vector_store %arg11[%swap3A_93, %swap3A_94], %swap3A_97 {strides = array<i32>} : memref<128x128xf32, #tpu.memory_space<vmem>>, vector<1x16xf32>,
      %broadcast_in_dim3A_98 = arith.constant 0.000000e+00 : f32
      %broadcast_in_dim3A_99 = vector.broadcast %broadcast_in_dim3A_98 : f32 to vector<16xf32>
      %swap3A_100 = arith.index_cast %scan3A_64 : i32 to index
      %swap3A_101 = arith.constant 80 : index
      %swap3A_102 = tpu.vector_load %arg11[%swap3A_100, %swap3A_101] {strides = array<i32>} : memref<128x128xf32, #tpu.memory_space<vmem>>, vector<1x16xf32>,
      %swap3A_103 = vector.shape_cast %swap3A_102 : vector<1x16xf32> to vector<16xf32>
      %swap3A_104 = vector.shape_cast %broadcast_in_dim3A_99 : vector<16xf32> to vector<1x16xf32>
      tpu.vector_store %arg11[%swap3A_100, %swap3A_101], %swap3A_104 {strides = array<i32>} : memref<128x128xf32, #tpu.memory_space<vmem>>, vector<1x16xf32>,
      %broadcast_in_dim3A_105 = arith.constant 0.000000e+00 : f32
      %broadcast_in_dim3A_106 = vector.broadcast %broadcast_in_dim3A_105 : f32 to vector<16xf32>
      %swap3A_107 = arith.index_cast %scan3A_64 : i32 to index
      %swap3A_108 = arith.constant 96 : index
      %swap3A_109 = tpu.vector_load %arg11[%swap3A_107, %swap3A_108] {strides = array<i32>} : memref<128x128xf32, #tpu.memory_space<vmem>>, vector<1x16xf32>,
      %swap3A_110 = vector.shape_cast %swap3A_109 : vector<1x16xf32> to vector<16xf32>
      %swap3A_111 = vector.shape_cast %broadcast_in_dim3A_106 : vector<16xf32> to vector<1x16xf32>
      tpu.vector_store %arg11[%swap3A_107, %swap3A_108], %swap3A_111 {strides = array<i32>} : memref<128x128xf32, #tpu.memory_space<vmem>>, vector<1x16xf32>,
      %broadcast_in_dim3A_112 = arith.constant 0.000000e+00 : f32
      %broadcast_in_dim3A_113 = vector.broadcast %broadcast_in_dim3A_112 : f32 to vector<16xf32>
      %swap3A_114 = arith.index_cast %scan3A_64 : i32 to index
      %swap3A_115 = arith.constant 112 : index
      %swap3A_116 = tpu.vector_load %arg11[%swap3A_114, %swap3A_115] {strides = array<i32>} : memref<128x128xf32, #tpu.memory_space<vmem>>, vector<1x16xf32>,
      %swap3A_117 = vector.shape_cast %swap3A_116 : vector<1x16xf32> to vector<16xf32>
      %swap3A_118 = vector.shape_cast %broadcast_in_dim3A_113 : vector<16xf32> to vector<1x16xf32>
      tpu.vector_store %arg11[%swap3A_114, %swap3A_115], %swap3A_118 {strides = array<i32>} : memref<128x128xf32, #tpu.memory_space<vmem>>, vector<1x16xf32>,
    }
    %scan3A_7 = arith.constant 128 : i32
    %mul3A_8 = arith.constant 624 : i32
    %mul3A_9 = arith.muli %arg1, %mul3A_8 : i32
    %add3A_10 = arith.constant 0 : i32
    %add3A_11 = arith.addi %mul3A_9, %add3A_10 : i32
    "tpu.region"() ({
      %run_scoped3A = tpu.sem_alloc : memref<!tpu.dma_semaphore, #tpu.memory_space<semaphore_mem>>
      %dma_start3A_64 = arith.constant 0 : i32
      %dma_start3A_65 = tpu.memref_slice %arg6[%add3A_11, %dma_start3A_64] : memref<10016x128xf32, #tpu.memory_space<vmem_shared>> -> memref<128x128xf32, #tpu.memory_space<vmem_shared>>
      %dma_start3A_66 = arith.constant 0 : i32
      %dma_start3A_67 = tpu.memref_slice %arg6[%add3A_11, %dma_start3A_66] : memref<10016x128xf32, #tpu.memory_space<vmem_shared>> -> memref<128x128xf32, #tpu.memory_space<vmem_shared>>
      tpu.enqueue_dma source(%arg11 : memref<128x128xf32, #tpu.memory_space<vmem>>) target(%dma_start3A_67 : memref<128x128xf32, #tpu.memory_space<vmem_shared>>) target_semaphore(%run_scoped3A : memref<!tpu.dma_semaphore, #tpu.memory_space<semaphore_mem>>)
      %dma_wait3A_68 = arith.constant 0 : i32
      %dma_wait3A_69 = tpu.memref_slice %arg6[%add3A_11, %dma_wait3A_68] : memref<10016x128xf32, #tpu.memory_space<vmem_shared>> -> memref<128x128xf32, #tpu.memory_space<vmem_shared>>
      %dma_wait3A_70 = arith.constant 0 : i32
      %dma_wait3A_71 = tpu.memref_slice %arg6[%add3A_11, %dma_wait3A_70] : memref<10016x128xf32, #tpu.memory_space<vmem_shared>> -> memref<128x128xf32, #tpu.memory_space<vmem_shared>>
      tpu.wait_dma2 semaphore(%run_scoped3A : memref<!tpu.dma_semaphore, #tpu.memory_space<semaphore_mem>>) src(%arg11 : memref<128x128xf32, #tpu.memory_space<vmem>>) dst(%dma_wait3A_71 : memref<128x128xf32, #tpu.memory_space<vmem_shared>>)
      tpu.yield
    }) : () -> ()
    %mul3A_12 = arith.constant 624 : i32
    %mul3A_13 = arith.muli %arg1, %mul3A_12 : i32
    %add3A_14 = arith.constant 128 : i32
    %add3A_15 = arith.addi %mul3A_13, %add3A_14 : i32
    "tpu.region"() ({
      %run_scoped3A = tpu.sem_alloc : memref<!tpu.dma_semaphore, #tpu.memory_space<semaphore_mem>>
      %dma_start3A_64 = arith.constant 0 : i32
      %dma_start3A_65 = tpu.memref_slice %arg6[%add3A_15, %dma_start3A_64] : memref<10016x128xf32, #tpu.memory_space<vmem_shared>> -> memref<128x128xf32, #tpu.memory_space<vmem_shared>>
      %dma_start3A_66 = arith.constant 0 : i32
      %dma_start3A_67 = tpu.memref_slice %arg6[%add3A_15, %dma_start3A_66] : memref<10016x128xf32, #tpu.memory_space<vmem_shared>> -> memref<128x128xf32, #tpu.memory_space<vmem_shared>>
      tpu.enqueue_dma source(%arg11 : memref<128x128xf32, #tpu.memory_space<vmem>>) target(%dma_start3A_67 : memref<128x128xf32, #tpu.memory_space<vmem_shared>>) target_semaphore(%run_scoped3A : memref<!tpu.dma_semaphore, #tpu.memory_space<semaphore_mem>>)
      %dma_wait3A_68 = arith.constant 0 : i32
      %dma_wait3A_69 = tpu.memref_slice %arg6[%add3A_15, %dma_wait3A_68] : memref<10016x128xf32, #tpu.memory_space<vmem_shared>> -> memref<128x128xf32, #tpu.memory_space<vmem_shared>>
      %dma_wait3A_70 = arith.constant 0 : i32
      %dma_wait3A_71 = tpu.memref_slice %arg6[%add3A_15, %dma_wait3A_70] : memref<10016x128xf32, #tpu.memory_space<vmem_shared>> -> memref<128x128xf32, #tpu.memory_space<vmem_shared>>
      tpu.wait_dma2 semaphore(%run_scoped3A : memref<!tpu.dma_semaphore, #tpu.memory_space<semaphore_mem>>) src(%arg11 : memref<128x128xf32, #tpu.memory_space<vmem>>) dst(%dma_wait3A_71 : memref<128x128xf32, #tpu.memory_space<vmem_shared>>)
      tpu.yield
    }) : () -> ()
    %mul3A_16 = arith.constant 624 : i32
    %mul3A_17 = arith.muli %arg1, %mul3A_16 : i32
    %add3A_18 = arith.constant 256 : i32
    %add3A_19 = arith.addi %mul3A_17, %add3A_18 : i32
    "tpu.region"() ({
      %run_scoped3A = tpu.sem_alloc : memref<!tpu.dma_semaphore, #tpu.memory_space<semaphore_mem>>
      %dma_start3A_64 = arith.constant 0 : i32
      %dma_start3A_65 = tpu.memref_slice %arg6[%add3A_19, %dma_start3A_64] : memref<10016x128xf32, #tpu.memory_space<vmem_shared>> -> memref<128x128xf32, #tpu.memory_space<vmem_shared>>
      %dma_start3A_66 = arith.constant 0 : i32
      %dma_start3A_67 = tpu.memref_slice %arg6[%add3A_19, %dma_start3A_66] : memref<10016x128xf32, #tpu.memory_space<vmem_shared>> -> memref<128x128xf32, #tpu.memory_space<vmem_shared>>
      tpu.enqueue_dma source(%arg11 : memref<128x128xf32, #tpu.memory_space<vmem>>) target(%dma_start3A_67 : memref<128x128xf32, #tpu.memory_space<vmem_shared>>) target_semaphore(%run_scoped3A : memref<!tpu.dma_semaphore, #tpu.memory_space<semaphore_mem>>)
      %dma_wait3A_68 = arith.constant 0 : i32
      %dma_wait3A_69 = tpu.memref_slice %arg6[%add3A_19, %dma_wait3A_68] : memref<10016x128xf32, #tpu.memory_space<vmem_shared>> -> memref<128x128xf32, #tpu.memory_space<vmem_shared>>
      %dma_wait3A_70 = arith.constant 0 : i32
      %dma_wait3A_71 = tpu.memref_slice %arg6[%add3A_19, %dma_wait3A_70] : memref<10016x128xf32, #tpu.memory_space<vmem_shared>> -> memref<128x128xf32, #tpu.memory_space<vmem_shared>>
      tpu.wait_dma2 semaphore(%run_scoped3A : memref<!tpu.dma_semaphore, #tpu.memory_space<semaphore_mem>>) src(%arg11 : memref<128x128xf32, #tpu.memory_space<vmem>>) dst(%dma_wait3A_71 : memref<128x128xf32, #tpu.memory_space<vmem_shared>>)
      tpu.yield
    }) : () -> ()
    %mul3A_20 = arith.constant 624 : i32
    %mul3A_21 = arith.muli %arg1, %mul3A_20 : i32
    %add3A_22 = arith.constant 384 : i32
    %add3A_23 = arith.addi %mul3A_21, %add3A_22 : i32
    "tpu.region"() ({
      %run_scoped3A = tpu.sem_alloc : memref<!tpu.dma_semaphore, #tpu.memory_space<semaphore_mem>>
      %dma_start3A_64 = arith.constant 0 : i32
      %dma_start3A_65 = tpu.memref_slice %arg6[%add3A_23, %dma_start3A_64] : memref<10016x128xf32, #tpu.memory_space<vmem_shared>> -> memref<128x128xf32, #tpu.memory_space<vmem_shared>>
      %dma_start3A_66 = arith.constant 0 : i32
      %dma_start3A_67 = tpu.memref_slice %arg6[%add3A_23, %dma_start3A_66] : memref<10016x128xf32, #tpu.memory_space<vmem_shared>> -> memref<128x128xf32, #tpu.memory_space<vmem_shared>>
      tpu.enqueue_dma source(%arg11 : memref<128x128xf32, #tpu.memory_space<vmem>>) target(%dma_start3A_67 : memref<128x128xf32, #tpu.memory_space<vmem_shared>>) target_semaphore(%run_scoped3A : memref<!tpu.dma_semaphore, #tpu.memory_space<semaphore_mem>>)
      %dma_wait3A_68 = arith.constant 0 : i32
      %dma_wait3A_69 = tpu.memref_slice %arg6[%add3A_23, %dma_wait3A_68] : memref<10016x128xf32, #tpu.memory_space<vmem_shared>> -> memref<128x128xf32, #tpu.memory_space<vmem_shared>>
      %dma_wait3A_70 = arith.constant 0 : i32
      %dma_wait3A_71 = tpu.memref_slice %arg6[%add3A_23, %dma_wait3A_70] : memref<10016x128xf32, #tpu.memory_space<vmem_shared>> -> memref<128x128xf32, #tpu.memory_space<vmem_shared>>
      tpu.wait_dma2 semaphore(%run_scoped3A : memref<!tpu.dma_semaphore, #tpu.memory_space<semaphore_mem>>) src(%arg11 : memref<128x128xf32, #tpu.memory_space<vmem>>) dst(%dma_wait3A_71 : memref<128x128xf32, #tpu.memory_space<vmem_shared>>)
      tpu.yield
    }) : () -> ()
    %mul3A_24 = arith.constant 624 : i32
    %mul3A_25 = arith.muli %arg1, %mul3A_24 : i32
    %add3A_26 = arith.constant 512 : i32
    %add3A_27 = arith.addi %mul3A_25, %add3A_26 : i32
    "tpu.region"() ({
      %run_scoped3A = tpu.sem_alloc : memref<!tpu.dma_semaphore, #tpu.memory_space<semaphore_mem>>
      %dma_start3A_64 = arith.constant 0 : i32
      %dma_start3A_65 = arith.constant 0 : i32
      %dma_start3A_66 = tpu.memref_slice %arg11[%dma_start3A_64, %dma_start3A_65] : memref<128x128xf32, #tpu.memory_space<vmem>> -> memref<112x128xf32, #tpu.memory_space<vmem>>
      %dma_start3A_67 = arith.constant 0 : i32
      %dma_start3A_68 = tpu.memref_slice %arg6[%add3A_27, %dma_start3A_67] : memref<10016x128xf32, #tpu.memory_space<vmem_shared>> -> memref<112x128xf32, #tpu.memory_space<vmem_shared>>
      %dma_start3A_69 = arith.constant 0 : i32
      %dma_start3A_70 = tpu.memref_slice %arg6[%add3A_27, %dma_start3A_69] : memref<10016x128xf32, #tpu.memory_space<vmem_shared>> -> memref<112x128xf32, #tpu.memory_space<vmem_shared>>
      %dma_start3A_71 = arith.constant 0 : i32
      %dma_start3A_72 = arith.constant 0 : i32
      %dma_start3A_73 = tpu.memref_slice %arg11[%dma_start3A_71, %dma_start3A_72] : memref<128x128xf32, #tpu.memory_space<vmem>> -> memref<112x128xf32, #tpu.memory_space<vmem>>
      tpu.enqueue_dma source(%dma_start3A_73 : memref<112x128xf32, #tpu.memory_space<vmem>>) target(%dma_start3A_70 : memref<112x128xf32, #tpu.memory_space<vmem_shared>>) target_semaphore(%run_scoped3A : memref<!tpu.dma_semaphore, #tpu.memory_space<semaphore_mem>>)
      %dma_wait3A_74 = arith.constant 0 : i32
      %dma_wait3A_75 = arith.constant 0 : i32
      %dma_wait3A_76 = tpu.memref_slice %arg11[%dma_wait3A_74, %dma_wait3A_75] : memref<128x128xf32, #tpu.memory_space<vmem>> -> memref<112x128xf32, #tpu.memory_space<vmem>>
      %dma_wait3A_77 = arith.constant 0 : i32
      %dma_wait3A_78 = tpu.memref_slice %arg6[%add3A_27, %dma_wait3A_77] : memref<10016x128xf32, #tpu.memory_space<vmem_shared>> -> memref<112x128xf32, #tpu.memory_space<vmem_shared>>
      %dma_wait3A_79 = arith.constant 0 : i32
      %dma_wait3A_80 = tpu.memref_slice %arg6[%add3A_27, %dma_wait3A_79] : memref<10016x128xf32, #tpu.memory_space<vmem_shared>> -> memref<112x128xf32, #tpu.memory_space<vmem_shared>>
      %dma_wait3A_81 = arith.constant 0 : i32
      %dma_wait3A_82 = arith.constant 0 : i32
      %dma_wait3A_83 = tpu.memref_slice %arg11[%dma_wait3A_81, %dma_wait3A_82] : memref<128x128xf32, #tpu.memory_space<vmem>> -> memref<112x128xf32, #tpu.memory_space<vmem>>
      tpu.wait_dma2 semaphore(%run_scoped3A : memref<!tpu.dma_semaphore, #tpu.memory_space<semaphore_mem>>) src(%dma_wait3A_83 : memref<112x128xf32, #tpu.memory_space<vmem>>) dst(%dma_wait3A_80 : memref<112x128xf32, #tpu.memory_space<vmem_shared>>)
      tpu.yield
    }) : () -> ()
    %eq3A = arith.constant 0 : i32
    %eq3A_28 = arith.cmpi eq, %arg1, %eq3A : i32
    %convert_element_type3A = arith.extui %eq3A_28 : i1 to i32
    %cond3A = arith.constant 0 : i32
    %cond3A_29 = arith.cmpi ne, %convert_element_type3A, %cond3A : i32
    scf.if %cond3A_29 {
      "tpu.region"() ({
        %run_scoped3A = tpu.sem_alloc : memref<!tpu.dma_semaphore, #tpu.memory_space<semaphore_mem>>
        %dma_start3A_64 = arith.constant 0 : i32
        %dma_start3A_65 = arith.constant 0 : i32
        %dma_start3A_66 = tpu.memref_slice %arg11[%dma_start3A_64, %dma_start3A_65] : memref<128x128xf32, #tpu.memory_space<vmem>> -> memref<16x128xf32, #tpu.memory_space<vmem>>
        %dma_start3A_67 = arith.constant 9984 : i32
        %dma_start3A_68 = arith.constant 0 : i32
        %dma_start3A_69 = tpu.memref_slice %arg6[%dma_start3A_67, %dma_start3A_68] : memref<10016x128xf32, #tpu.memory_space<vmem_shared>> -> memref<16x128xf32, #tpu.memory_space<vmem_shared>>
        %dma_start3A_70 = arith.constant 9984 : i32
        %dma_start3A_71 = arith.constant 0 : i32
        %dma_start3A_72 = tpu.memref_slice %arg6[%dma_start3A_70, %dma_start3A_71] : memref<10016x128xf32, #tpu.memory_space<vmem_shared>> -> memref<16x128xf32, #tpu.memory_space<vmem_shared>>
        %dma_start3A_73 = arith.constant 0 : i32
        %dma_start3A_74 = arith.constant 0 : i32
        %dma_start3A_75 = tpu.memref_slice %arg11[%dma_start3A_73, %dma_start3A_74] : memref<128x128xf32, #tpu.memory_space<vmem>> -> memref<16x128xf32, #tpu.memory_space<vmem>>
        tpu.enqueue_dma source(%dma_start3A_75 : memref<16x128xf32, #tpu.memory_space<vmem>>) target(%dma_start3A_72 : memref<16x128xf32, #tpu.memory_space<vmem_shared>>) target_semaphore(%run_scoped3A : memref<!tpu.dma_semaphore, #tpu.memory_space<semaphore_mem>>)
        %dma_wait3A_76 = arith.constant 0 : i32
        %dma_wait3A_77 = arith.constant 0 : i32
        %dma_wait3A_78 = tpu.memref_slice %arg11[%dma_wait3A_76, %dma_wait3A_77] : memref<128x128xf32, #tpu.memory_space<vmem>> -> memref<16x128xf32, #tpu.memory_space<vmem>>
        %dma_wait3A_79 = arith.constant 9984 : i32
        %dma_wait3A_80 = arith.constant 0 : i32
        %dma_wait3A_81 = tpu.memref_slice %arg6[%dma_wait3A_79, %dma_wait3A_80] : memref<10016x128xf32, #tpu.memory_space<vmem_shared>> -> memref<16x128xf32, #tpu.memory_space<vmem_shared>>
        %dma_wait3A_82 = arith.constant 9984 : i32
        %dma_wait3A_83 = arith.constant 0 : i32
        %dma_wait3A_84 = tpu.memref_slice %arg6[%dma_wait3A_82, %dma_wait3A_83] : memref<10016x128xf32, #tpu.memory_space<vmem_shared>> -> memref<16x128xf32, #tpu.memory_space<vmem_shared>>
        %dma_wait3A_85 = arith.constant 0 : i32
        %dma_wait3A_86 = arith.constant 0 : i32
        %dma_wait3A_87 = tpu.memref_slice %arg11[%dma_wait3A_85, %dma_wait3A_86] : memref<128x128xf32, #tpu.memory_space<vmem>> -> memref<16x128xf32, #tpu.memory_space<vmem>>
        tpu.wait_dma2 semaphore(%run_scoped3A : memref<!tpu.dma_semaphore, #tpu.memory_space<semaphore_mem>>) src(%dma_wait3A_87 : memref<16x128xf32, #tpu.memory_space<vmem>>) dst(%dma_wait3A_84 : memref<16x128xf32, #tpu.memory_space<vmem_shared>>)
        tpu.yield
      }) : () -> ()
    } else {
    }
    %barrier3A = arith.constant 0 : index
    tpu.barrier barrier_id(%barrier3A)
    %dma_start3A = arith.constant 0 : i32
    %dma_start3A_30 = tpu.memref_slice %arg3[%mul3A_2, %dma_start3A] : memref<2560x128xi32, #tpu.memory_space<hbm>> -> memref<8x128xi32, #tpu.memory_space<hbm>>
    %dma_start3A_31 = arith.constant 0 : i32
    %dma_start3A_32 = tpu.memref_slice %arg3[%mul3A_2, %dma_start3A_31] : memref<2560x128xi32, #tpu.memory_space<hbm>> -> memref<8x128xi32, #tpu.memory_space<hbm>>
    tpu.enqueue_dma source(%dma_start3A_32 : memref<8x128xi32, #tpu.memory_space<hbm>>) target(%arg7 : memref<8x128xi32, #tpu.memory_space<vmem>>) target_semaphore(%arg13 : memref<!tpu.dma_semaphore, #tpu.memory_space<semaphore_mem>>)
    %dma_start3A_33 = arith.constant 0 : i32
    %dma_start3A_34 = tpu.memref_slice %arg4[%mul3A_2, %dma_start3A_33] : memref<2560x128xi32, #tpu.memory_space<hbm>> -> memref<8x128xi32, #tpu.memory_space<hbm>>
    %dma_start3A_35 = arith.constant 0 : i32
    %dma_start3A_36 = tpu.memref_slice %arg4[%mul3A_2, %dma_start3A_35] : memref<2560x128xi32, #tpu.memory_space<hbm>> -> memref<8x128xi32, #tpu.memory_space<hbm>>
    tpu.enqueue_dma source(%dma_start3A_36 : memref<8x128xi32, #tpu.memory_space<hbm>>) target(%arg9 : memref<8x128xi32, #tpu.memory_space<vmem>>) target_semaphore(%arg13 : memref<!tpu.dma_semaphore, #tpu.memory_space<semaphore_mem>>)
    %scan3A_37 = arith.constant 0 : i32
    %scan3A_38 = arith.constant 0 : i32
    %scan3A_39 = arith.constant 5 : i32
    %scan3A_40 = arith.addi %scan3A_38, %scan3A_39 : i32
    %scan3A_41 = arith.constant 1 : i32
    scf.for %scan3A_64 = %scan3A_38 to %scan3A_40 step %scan3A_41  : i32 {
      %mul3A_65 = arith.constant 2 : i32
      %mul3A_66 = arith.muli %scan3A_64, %mul3A_65 : i32
      %add3A_67 = arith.constant 0 : i32
      %add3A_68 = arith.addi %mul3A_66, %add3A_67 : i32
      %dma_wait3A_69 = arith.constant 0 : i32
      %dma_wait3A_70 = arith.constant 0 : i32
      %dma_wait3A_71 = tpu.memref_slice %arg3[%dma_wait3A_69, %dma_wait3A_70] : memref<2560x128xi32, #tpu.memory_space<hbm>> -> memref<8x128xi32, #tpu.memory_space<hbm>>
      %dma_wait3A_72 = arith.constant 0 : i32
      %dma_wait3A_73 = arith.constant 0 : i32
      %dma_wait3A_74 = tpu.memref_slice %arg3[%dma_wait3A_72, %dma_wait3A_73] : memref<2560x128xi32, #tpu.memory_space<hbm>> -> memref<8x128xi32, #tpu.memory_space<hbm>>
      tpu.wait_dma2 semaphore(%arg13 : memref<!tpu.dma_semaphore, #tpu.memory_space<semaphore_mem>>) src(%dma_wait3A_74 : memref<8x128xi32, #tpu.memory_space<hbm>>) dst(%arg7 : memref<8x128xi32, #tpu.memory_space<vmem>>)
      %dma_wait3A_75 = arith.constant 0 : i32
      %dma_wait3A_76 = arith.constant 0 : i32
      %dma_wait3A_77 = tpu.memref_slice %arg4[%dma_wait3A_75, %dma_wait3A_76] : memref<2560x128xi32, #tpu.memory_space<hbm>> -> memref<8x128xi32, #tpu.memory_space<hbm>>
      %dma_wait3A_78 = arith.constant 0 : i32
      %dma_wait3A_79 = arith.constant 0 : i32
      %dma_wait3A_80 = tpu.memref_slice %arg4[%dma_wait3A_78, %dma_wait3A_79] : memref<2560x128xi32, #tpu.memory_space<hbm>> -> memref<8x128xi32, #tpu.memory_space<hbm>>
      tpu.wait_dma2 semaphore(%arg13 : memref<!tpu.dma_semaphore, #tpu.memory_space<semaphore_mem>>) src(%dma_wait3A_80 : memref<8x128xi32, #tpu.memory_space<hbm>>) dst(%arg9 : memref<8x128xi32, #tpu.memory_space<vmem>>)
      %lt3A = arith.constant 9 : i32
      %lt3A_81 = arith.cmpi slt, %add3A_68, %lt3A : i32
      %convert_element_type3A_82 = arith.extui %lt3A_81 : i1 to i32
      %cond3A_83 = arith.constant 0 : i32
      %cond3A_84 = arith.cmpi ne, %convert_element_type3A_82, %cond3A_83 : i32
      scf.if %cond3A_84 {
        %add3A_517 = arith.constant 1 : i32
        %add3A_518 = arith.addi %add3A_68, %add3A_517 : i32
        %mul3A_519 = arith.constant 8 : i32
        %mul3A_520 = arith.muli %add3A_518, %mul3A_519 : i32
        %add3A_521 = arith.addi %mul3A_2, %mul3A_520 : i32
        %dma_start3A_522 = arith.constant 0 : i32
        %dma_start3A_523 = tpu.memref_slice %arg3[%add3A_521, %dma_start3A_522] : memref<2560x128xi32, #tpu.memory_space<hbm>> -> memref<8x128xi32, #tpu.memory_space<hbm>>
        %dma_start3A_524 = arith.constant 0 : i32
        %dma_start3A_525 = tpu.memref_slice %arg3[%add3A_521, %dma_start3A_524] : memref<2560x128xi32, #tpu.memory_space<hbm>> -> memref<8x128xi32, #tpu.memory_space<hbm>>
        tpu.enqueue_dma source(%dma_start3A_525 : memref<8x128xi32, #tpu.memory_space<hbm>>) target(%arg8 : memref<8x128xi32, #tpu.memory_space<vmem>>) target_semaphore(%arg13 : memref<!tpu.dma_semaphore, #tpu.memory_space<semaphore_mem>>)
        %dma_start3A_526 = arith.constant 0 : i32
        %dma_start3A_527 = tpu.memref_slice %arg4[%add3A_521, %dma_start3A_526] : memref<2560x128xi32, #tpu.memory_space<hbm>> -> memref<8x128xi32, #tpu.memory_space<hbm>>
        %dma_start3A_528 = arith.constant 0 : i32
        %dma_start3A_529 = tpu.memref_slice %arg4[%add3A_521, %dma_start3A_528] : memref<2560x128xi32, #tpu.memory_space<hbm>> -> memref<8x128xi32, #tpu.memory_space<hbm>>
        tpu.enqueue_dma source(%dma_start3A_529 : memref<8x128xi32, #tpu.memory_space<hbm>>) target(%arg10 : memref<8x128xi32, #tpu.memory_space<vmem>>) target_semaphore(%arg13 : memref<!tpu.dma_semaphore, #tpu.memory_space<semaphore_mem>>)
      } else {
      }
      %gt3A = arith.constant 0 : i32
      %gt3A_85 = arith.cmpi sgt, %add3A_68, %gt3A : i32
      %convert_element_type3A_86 = arith.extui %gt3A_85 : i1 to i32
      %cond3A_87 = arith.constant 0 : i32
      %cond3A_88 = arith.cmpi ne, %convert_element_type3A_86, %cond3A_87 : i32
      scf.if %cond3A_88 {
        %dma_wait3A_517 = arith.constant 0 : i32
        %dma_wait3A_518 = arith.constant 0 : i32
        %dma_wait3A_519 = tpu.memref_slice %arg2[%dma_wait3A_517, %dma_wait3A_518] : memref<10000x128xf32, #tpu.memory_space<hbm>> -> memref<128x128xf32, #tpu.memory_space<hbm>>
        %dma_wait3A_520 = arith.constant 0 : i32
        %dma_wait3A_521 = arith.constant 0 : i32
        %dma_wait3A_522 = tpu.memref_slice %arg2[%dma_wait3A_520, %dma_wait3A_521] : memref<10000x128xf32, #tpu.memory_space<hbm>> -> memref<128x128xf32, #tpu.memory_space<hbm>>
        tpu.wait_dma2 semaphore(%arg15 : memref<!tpu.dma_semaphore, #tpu.memory_space<semaphore_mem>>) src(%dma_wait3A_522 : memref<128x128xf32, #tpu.memory_space<hbm>>) dst(%arg11 : memref<128x128xf32, #tpu.memory_space<vmem>>)
      } else {
      }
      %dma_start3A_89 = arith.constant 0 : i32
      %dma_start3A_90 = arith.constant 0 : i32
      %dma_start3A_91 = tpu.memref_slice %arg7[%dma_start3A_89, %dma_start3A_90] : memref<8x128xi32, #tpu.memory_space<vmem>> -> memref<1x128xi32, #tpu.memory_space<vmem>>
      %dma_start3A_92 = tpu.memref_squeeze %dma_start3A_91 : memref<1x128xi32, #tpu.memory_space<vmem>> -> memref<128xi32, #tpu.memory_space<vmem>>
      %dma_start3A_93 = arith.constant 0 : i32
      %dma_start3A_94 = arith.constant 0 : i32
      %dma_start3A_95 = tpu.memref_slice %arg2[%dma_start3A_93, %dma_start3A_94] : memref<10000x128xf32, #tpu.memory_space<hbm>> -> memref<10000x128xf32, #tpu.memory_space<hbm>>
      tpu.enqueue_indirect_dma source(%dma_start3A_95 : memref<10000x128xf32, #tpu.memory_space<hbm>>) target(%arg11 : memref<128x128xf32, #tpu.memory_space<vmem>>) offsets(%dma_start3A_92 : memref<128xi32, #tpu.memory_space<vmem>>) semaphore(%arg14 : memref<!tpu.dma_semaphore, #tpu.memory_space<semaphore_mem>>)
      %gt3A_96 = arith.constant 0 : i32
      %gt3A_97 = arith.cmpi sgt, %add3A_68, %gt3A_96 : i32
      %convert_element_type3A_98 = arith.extui %gt3A_97 : i1 to i32
      %cond3A_99 = arith.constant 0 : i32
      %cond3A_100 = arith.cmpi ne, %convert_element_type3A_98, %cond3A_99 : i32
      scf.if %cond3A_100 {
        %dma_wait3A_517 = arith.constant 0 : i32
        %dma_wait3A_518 = arith.constant 0 : i32
        %dma_wait3A_519 = tpu.memref_slice %arg2[%dma_wait3A_517, %dma_wait3A_518] : memref<10000x128xf32, #tpu.memory_space<hbm>> -> memref<128x128xf32, #tpu.memory_space<hbm>>
        %dma_wait3A_520 = arith.constant 0 : i32
        %dma_wait3A_521 = arith.constant 0 : i32
        %dma_wait3A_522 = tpu.memref_slice %arg2[%dma_wait3A_520, %dma_wait3A_521] : memref<10000x128xf32, #tpu.memory_space<hbm>> -> memref<128x128xf32, #tpu.memory_space<hbm>>
        tpu.wait_dma2 semaphore(%arg15 : memref<!tpu.dma_semaphore, #tpu.memory_space<semaphore_mem>>) src(%dma_wait3A_522 : memref<128x128xf32, #tpu.memory_space<hbm>>) dst(%arg12 : memref<128x128xf32, #tpu.memory_space<vmem>>)
      } else {
      }
      %dma_start3A_101 = arith.constant 1 : i32
      %dma_start3A_102 = arith.constant 0 : i32
      %dma_start3A_103 = tpu.memref_slice %arg7[%dma_start3A_101, %dma_start3A_102] : memref<8x128xi32, #tpu.memory_space<vmem>> -> memref<1x128xi32, #tpu.memory_space<vmem>>
      %dma_start3A_104 = tpu.memref_squeeze %dma_start3A_103 : memref<1x128xi32, #tpu.memory_space<vmem>> -> memref<128xi32, #tpu.memory_space<vmem>>
      %dma_start3A_105 = arith.constant 0 : i32
      %dma_start3A_106 = arith.constant 0 : i32
      %dma_start3A_107 = tpu.memref_slice %arg2[%dma_start3A_105, %dma_start3A_106] : memref<10000x128xf32, #tpu.memory_space<hbm>> -> memref<10000x128xf32, #tpu.memory_space<hbm>>
      tpu.enqueue_indirect_dma source(%dma_start3A_107 : memref<10000x128xf32, #tpu.memory_space<hbm>>) target(%arg12 : memref<128x128xf32, #tpu.memory_space<vmem>>) offsets(%dma_start3A_104 : memref<128xi32, #tpu.memory_space<vmem>>) semaphore(%arg14 : memref<!tpu.dma_semaphore, #tpu.memory_space<semaphore_mem>>)
      %dma_wait3A_108 = arith.constant 0 : i32
      %dma_wait3A_109 = arith.constant 0 : i32
      %dma_wait3A_110 = tpu.memref_slice %arg2[%dma_wait3A_108, %dma_wait3A_109] : memref<10000x128xf32, #tpu.memory_space<hbm>> -> memref<128x128xf32, #tpu.memory_space<hbm>>
      %dma_wait3A_111 = arith.constant 0 : i32
      %dma_wait3A_112 = arith.constant 0 : i32
      %dma_wait3A_113 = tpu.memref_slice %arg2[%dma_wait3A_111, %dma_wait3A_112] : memref<10000x128xf32, #tpu.memory_space<hbm>> -> memref<128x128xf32, #tpu.memory_space<hbm>>
      tpu.wait_dma2 semaphore(%arg14 : memref<!tpu.dma_semaphore, #tpu.memory_space<semaphore_mem>>) src(%dma_wait3A_113 : memref<128x128xf32, #tpu.memory_space<hbm>>) dst(%arg11 : memref<128x128xf32, #tpu.memory_space<vmem>>)
      %dma_start3A_114 = arith.constant 0 : i32
      %dma_start3A_115 = arith.constant 0 : i32
      %dma_start3A_116 = tpu.memref_slice %arg9[%dma_start3A_114, %dma_start3A_115] : memref<8x128xi32, #tpu.memory_space<vmem>> -> memref<1x128xi32, #tpu.memory_space<vmem>>
      %dma_start3A_117 = tpu.memref_squeeze %dma_start3A_116 : memref<1x128xi32, #tpu.memory_space<vmem>> -> memref<128xi32, #tpu.memory_space<vmem>>
      %dma_start3A_118 = arith.constant 0 : i32
      %dma_start3A_119 = arith.constant 0 : i32
      %dma_start3A_120 = tpu.memref_slice %arg6[%dma_start3A_118, %dma_start3A_119] : memref<10016x128xf32, #tpu.memory_space<vmem_shared>> -> memref<10016x128xf32, #tpu.memory_space<vmem_shared>>
      tpu.enqueue_indirect_dma source(%arg11 : memref<128x128xf32, #tpu.memory_space<vmem>>) target(%dma_start3A_120 : memref<10016x128xf32, #tpu.memory_space<vmem_shared>>) offsets(%dma_start3A_117 : memref<128xi32, #tpu.memory_space<vmem>>) semaphore(%arg15 : memref<!tpu.dma_semaphore, #tpu.memory_space<semaphore_mem>>) {add = true}
      %dma_wait3A_121 = arith.constant 0 : i32
      %dma_wait3A_122 = arith.constant 0 : i32
      %dma_wait3A_123 = tpu.memref_slice %arg2[%dma_wait3A_121, %dma_wait3A_122] : memref<10000x128xf32, #tpu.memory_space<hbm>> -> memref<128x128xf32, #tpu.memory_space<hbm>>
      %dma_wait3A_124 = arith.constant 0 : i32
      %dma_wait3A_125 = arith.constant 0 : i32
      %dma_wait3A_126 = tpu.memref_slice %arg2[%dma_wait3A_124, %dma_wait3A_125] : memref<10000x128xf32, #tpu.memory_space<hbm>> -> memref<128x128xf32, #tpu.memory_space<hbm>>
      tpu.wait_dma2 semaphore(%arg15 : memref<!tpu.dma_semaphore, #tpu.memory_space<semaphore_mem>>) src(%dma_wait3A_126 : memref<128x128xf32, #tpu.memory_space<hbm>>) dst(%arg11 : memref<128x128xf32, #tpu.memory_space<vmem>>)
      %dma_start3A_127 = arith.constant 2 : i32
      %dma_start3A_128 = arith.constant 0 : i32
      %dma_start3A_129 = tpu.memref_slice %arg7[%dma_start3A_127, %dma_start3A_128] : memref<8x128xi32, #tpu.memory_space<vmem>> -> memref<1x128xi32, #tpu.memory_space<vmem>>
      %dma_start3A_130 = tpu.memref_squeeze %dma_start3A_129 : memref<1x128xi32, #tpu.memory_space<vmem>> -> memref<128xi32, #tpu.memory_space<vmem>>
      %dma_start3A_131 = arith.constant 0 : i32
      %dma_start3A_132 = arith.constant 0 : i32
      %dma_start3A_133 = tpu.memref_slice %arg2[%dma_start3A_131, %dma_start3A_132] : memref<10000x128xf32, #tpu.memory_space<hbm>> -> memref<10000x128xf32, #tpu.memory_space<hbm>>
      tpu.enqueue_indirect_dma source(%dma_start3A_133 : memref<10000x128xf32, #tpu.memory_space<hbm>>) target(%arg11 : memref<128x128xf32, #tpu.memory_space<vmem>>) offsets(%dma_start3A_130 : memref<128xi32, #tpu.memory_space<vmem>>) semaphore(%arg14 : memref<!tpu.dma_semaphore, #tpu.memory_space<semaphore_mem>>)
      %dma_wait3A_134 = arith.constant 0 : i32
      %dma_wait3A_135 = arith.constant 0 : i32
      %dma_wait3A_136 = tpu.memref_slice %arg2[%dma_wait3A_134, %dma_wait3A_135] : memref<10000x128xf32, #tpu.memory_space<hbm>> -> memref<128x128xf32, #tpu.memory_space<hbm>>
      %dma_wait3A_137 = arith.constant 0 : i32
      %dma_wait3A_138 = arith.constant 0 : i32
      %dma_wait3A_139 = tpu.memref_slice %arg2[%dma_wait3A_137, %dma_wait3A_138] : memref<10000x128xf32, #tpu.memory_space<hbm>> -> memref<128x128xf32, #tpu.memory_space<hbm>>
      tpu.wait_dma2 semaphore(%arg14 : memref<!tpu.dma_semaphore, #tpu.memory_space<semaphore_mem>>) src(%dma_wait3A_139 : memref<128x128xf32, #tpu.memory_space<hbm>>) dst(%arg12 : memref<128x128xf32, #tpu.memory_space<vmem>>)
      %dma_start3A_140 = arith.constant 1 : i32
      %dma_start3A_141 = arith.constant 0 : i32
      %dma_start3A_142 = tpu.memref_slice %arg9[%dma_start3A_140, %dma_start3A_141] : memref<8x128xi32, #tpu.memory_space<vmem>> -> memref<1x128xi32, #tpu.memory_space<vmem>>
      %dma_start3A_143 = tpu.memref_squeeze %dma_start3A_142 : memref<1x128xi32, #tpu.memory_space<vmem>> -> memref<128xi32, #tpu.memory_space<vmem>>
      %dma_start3A_144 = arith.constant 0 : i32
      %dma_start3A_145 = arith.constant 0 : i32
      %dma_start3A_146 = tpu.memref_slice %arg6[%dma_start3A_144, %dma_start3A_145] : memref<10016x128xf32, #tpu.memory_space<vmem_shared>> -> memref<10016x128xf32, #tpu.memory_space<vmem_shared>>
      tpu.enqueue_indirect_dma source(%arg12 : memref<128x128xf32, #tpu.memory_space<vmem>>) target(%dma_start3A_146 : memref<10016x128xf32, #tpu.memory_space<vmem_shared>>) offsets(%dma_start3A_143 : memref<128xi32, #tpu.memory_space<vmem>>) semaphore(%arg15 : memref<!tpu.dma_semaphore, #tpu.memory_space<semaphore_mem>>) {add = true}
      %dma_wait3A_147 = arith.constant 0 : i32
      %dma_wait3A_148 = arith.constant 0 : i32
      %dma_wait3A_149 = tpu.memref_slice %arg2[%dma_wait3A_147, %dma_wait3A_148] : memref<10000x128xf32, #tpu.memory_space<hbm>> -> memref<128x128xf32, #tpu.memory_space<hbm>>
      %dma_wait3A_150 = arith.constant 0 : i32
      %dma_wait3A_151 = arith.constant 0 : i32
      %dma_wait3A_152 = tpu.memref_slice %arg2[%dma_wait3A_150, %dma_wait3A_151] : memref<10000x128xf32, #tpu.memory_space<hbm>> -> memref<128x128xf32, #tpu.memory_space<hbm>>
      tpu.wait_dma2 semaphore(%arg15 : memref<!tpu.dma_semaphore, #tpu.memory_space<semaphore_mem>>) src(%dma_wait3A_152 : memref<128x128xf32, #tpu.memory_space<hbm>>) dst(%arg12 : memref<128x128xf32, #tpu.memory_space<vmem>>)
      %dma_start3A_153 = arith.constant 3 : i32
      %dma_start3A_154 = arith.constant 0 : i32
      %dma_start3A_155 = tpu.memref_slice %arg7[%dma_start3A_153, %dma_start3A_154] : memref<8x128xi32, #tpu.memory_space<vmem>> -> memref<1x128xi32, #tpu.memory_space<vmem>>
      %dma_start3A_156 = tpu.memref_squeeze %dma_start3A_155 : memref<1x128xi32, #tpu.memory_space<vmem>> -> memref<128xi32, #tpu.memory_space<vmem>>
      %dma_start3A_157 = arith.constant 0 : i32
      %dma_start3A_158 = arith.constant 0 : i32
      %dma_start3A_159 = tpu.memref_slice %arg2[%dma_start3A_157, %dma_start3A_158] : memref<10000x128xf32, #tpu.memory_space<hbm>> -> memref<10000x128xf32, #tpu.memory_space<hbm>>
      tpu.enqueue_indirect_dma source(%dma_start3A_159 : memref<10000x128xf32, #tpu.memory_space<hbm>>) target(%arg12 : memref<128x128xf32, #tpu.memory_space<vmem>>) offsets(%dma_start3A_156 : memref<128xi32, #tpu.memory_space<vmem>>) semaphore(%arg14 : memref<!tpu.dma_semaphore, #tpu.memory_space<semaphore_mem>>)
      %dma_wait3A_160 = arith.constant 0 : i32
      %dma_wait3A_161 = arith.constant 0 : i32
      %dma_wait3A_162 = tpu.memref_slice %arg2[%dma_wait3A_160, %dma_wait3A_161] : memref<10000x128xf32, #tpu.memory_space<hbm>> -> memref<128x128xf32, #tpu.memory_space<hbm>>
      %dma_wait3A_163 = arith.constant 0 : i32
      %dma_wait3A_164 = arith.constant 0 : i32
      %dma_wait3A_165 = tpu.memref_slice %arg2[%dma_wait3A_163, %dma_wait3A_164] : memref<10000x128xf32, #tpu.memory_space<hbm>> -> memref<128x128xf32, #tpu.memory_space<hbm>>
      tpu.wait_dma2 semaphore(%arg14 : memref<!tpu.dma_semaphore, #tpu.memory_space<semaphore_mem>>) src(%dma_wait3A_165 : memref<128x128xf32, #tpu.memory_space<hbm>>) dst(%arg11 : memref<128x128xf32, #tpu.memory_space<vmem>>)
      %dma_start3A_166 = arith.constant 2 : i32
      %dma_start3A_167 = arith.constant 0 : i32
      %dma_start3A_168 = tpu.memref_slice %arg9[%dma_start3A_166, %dma_start3A_167] : memref<8x128xi32, #tpu.memory_space<vmem>> -> memref<1x128xi32, #tpu.memory_space<vmem>>
      %dma_start3A_169 = tpu.memref_squeeze %dma_start3A_168 : memref<1x128xi32, #tpu.memory_space<vmem>> -> memref<128xi32, #tpu.memory_space<vmem>>
      %dma_start3A_170 = arith.constant 0 : i32
      %dma_start3A_171 = arith.constant 0 : i32
      %dma_start3A_172 = tpu.memref_slice %arg6[%dma_start3A_170, %dma_start3A_171] : memref<10016x128xf32, #tpu.memory_space<vmem_shared>> -> memref<10016x128xf32, #tpu.memory_space<vmem_shared>>
      tpu.enqueue_indirect_dma source(%arg11 : memref<128x128xf32, #tpu.memory_space<vmem>>) target(%dma_start3A_172 : memref<10016x128xf32, #tpu.memory_space<vmem_shared>>) offsets(%dma_start3A_169 : memref<128xi32, #tpu.memory_space<vmem>>) semaphore(%arg15 : memref<!tpu.dma_semaphore, #tpu.memory_space<semaphore_mem>>) {add = true}
      %dma_wait3A_173 = arith.constant 0 : i32
      %dma_wait3A_174 = arith.constant 0 : i32
      %dma_wait3A_175 = tpu.memref_slice %arg2[%dma_wait3A_173, %dma_wait3A_174] : memref<10000x128xf32, #tpu.memory_space<hbm>> -> memref<128x128xf32, #tpu.memory_space<hbm>>
      %dma_wait3A_176 = arith.constant 0 : i32
      %dma_wait3A_177 = arith.constant 0 : i32
      %dma_wait3A_178 = tpu.memref_slice %arg2[%dma_wait3A_176, %dma_wait3A_177] : memref<10000x128xf32, #tpu.memory_space<hbm>> -> memref<128x128xf32, #tpu.memory_space<hbm>>
      tpu.wait_dma2 semaphore(%arg15 : memref<!tpu.dma_semaphore, #tpu.memory_space<semaphore_mem>>) src(%dma_wait3A_178 : memref<128x128xf32, #tpu.memory_space<hbm>>) dst(%arg11 : memref<128x128xf32, #tpu.memory_space<vmem>>)
      %dma_start3A_179 = arith.constant 4 : i32
      %dma_start3A_180 = arith.constant 0 : i32
      %dma_start3A_181 = tpu.memref_slice %arg7[%dma_start3A_179, %dma_start3A_180] : memref<8x128xi32, #tpu.memory_space<vmem>> -> memref<1x128xi32, #tpu.memory_space<vmem>>
      %dma_start3A_182 = tpu.memref_squeeze %dma_start3A_181 : memref<1x128xi32, #tpu.memory_space<vmem>> -> memref<128xi32, #tpu.memory_space<vmem>>
      %dma_start3A_183 = arith.constant 0 : i32
      %dma_start3A_184 = arith.constant 0 : i32
      %dma_start3A_185 = tpu.memref_slice %arg2[%dma_start3A_183, %dma_start3A_184] : memref<10000x128xf32, #tpu.memory_space<hbm>> -> memref<10000x128xf32, #tpu.memory_space<hbm>>
      tpu.enqueue_indirect_dma source(%dma_start3A_185 : memref<10000x128xf32, #tpu.memory_space<hbm>>) target(%arg11 : memref<128x128xf32, #tpu.memory_space<vmem>>) offsets(%dma_start3A_182 : memref<128xi32, #tpu.memory_space<vmem>>) semaphore(%arg14 : memref<!tpu.dma_semaphore, #tpu.memory_space<semaphore_mem>>)
      %dma_wait3A_186 = arith.constant 0 : i32
      %dma_wait3A_187 = arith.constant 0 : i32
      %dma_wait3A_188 = tpu.memref_slice %arg2[%dma_wait3A_186, %dma_wait3A_187] : memref<10000x128xf32, #tpu.memory_space<hbm>> -> memref<128x128xf32, #tpu.memory_space<hbm>>
      %dma_wait3A_189 = arith.constant 0 : i32
      %dma_wait3A_190 = arith.constant 0 : i32
      %dma_wait3A_191 = tpu.memref_slice %arg2[%dma_wait3A_189, %dma_wait3A_190] : memref<10000x128xf32, #tpu.memory_space<hbm>> -> memref<128x128xf32, #tpu.memory_space<hbm>>
      tpu.wait_dma2 semaphore(%arg14 : memref<!tpu.dma_semaphore, #tpu.memory_space<semaphore_mem>>) src(%dma_wait3A_191 : memref<128x128xf32, #tpu.memory_space<hbm>>) dst(%arg12 : memref<128x128xf32, #tpu.memory_space<vmem>>)
      %dma_start3A_192 = arith.constant 3 : i32
      %dma_start3A_193 = arith.constant 0 : i32
      %dma_start3A_194 = tpu.memref_slice %arg9[%dma_start3A_192, %dma_start3A_193] : memref<8x128xi32, #tpu.memory_space<vmem>> -> memref<1x128xi32, #tpu.memory_space<vmem>>
      %dma_start3A_195 = tpu.memref_squeeze %dma_start3A_194 : memref<1x128xi32, #tpu.memory_space<vmem>> -> memref<128xi32, #tpu.memory_space<vmem>>
      %dma_start3A_196 = arith.constant 0 : i32
      %dma_start3A_197 = arith.constant 0 : i32
      %dma_start3A_198 = tpu.memref_slice %arg6[%dma_start3A_196, %dma_start3A_197] : memref<10016x128xf32, #tpu.memory_space<vmem_shared>> -> memref<10016x128xf32, #tpu.memory_space<vmem_shared>>
      tpu.enqueue_indirect_dma source(%arg12 : memref<128x128xf32, #tpu.memory_space<vmem>>) target(%dma_start3A_198 : memref<10016x128xf32, #tpu.memory_space<vmem_shared>>) offsets(%dma_start3A_195 : memref<128xi32, #tpu.memory_space<vmem>>) semaphore(%arg15 : memref<!tpu.dma_semaphore, #tpu.memory_space<semaphore_mem>>) {add = true}
      %dma_wait3A_199 = arith.constant 0 : i32
      %dma_wait3A_200 = arith.constant 0 : i32
      %dma_wait3A_201 = tpu.memref_slice %arg2[%dma_wait3A_199, %dma_wait3A_200] : memref<10000x128xf32, #tpu.memory_space<hbm>> -> memref<128x128xf32, #tpu.memory_space<hbm>>
      %dma_wait3A_202 = arith.constant 0 : i32
      %dma_wait3A_203 = arith.constant 0 : i32
      %dma_wait3A_204 = tpu.memref_slice %arg2[%dma_wait3A_202, %dma_wait3A_203] : memref<10000x128xf32, #tpu.memory_space<hbm>> -> memref<128x128xf32, #tpu.memory_space<hbm>>
      tpu.wait_dma2 semaphore(%arg15 : memref<!tpu.dma_semaphore, #tpu.memory_space<semaphore_mem>>) src(%dma_wait3A_204 : memref<128x128xf32, #tpu.memory_space<hbm>>) dst(%arg12 : memref<128x128xf32, #tpu.memory_space<vmem>>)
      %dma_start3A_205 = arith.constant 5 : i32
      %dma_start3A_206 = arith.constant 0 : i32
      %dma_start3A_207 = tpu.memref_slice %arg7[%dma_start3A_205, %dma_start3A_206] : memref<8x128xi32, #tpu.memory_space<vmem>> -> memref<1x128xi32, #tpu.memory_space<vmem>>
      %dma_start3A_208 = tpu.memref_squeeze %dma_start3A_207 : memref<1x128xi32, #tpu.memory_space<vmem>> -> memref<128xi32, #tpu.memory_space<vmem>>
      %dma_start3A_209 = arith.constant 0 : i32
      %dma_start3A_210 = arith.constant 0 : i32
      %dma_start3A_211 = tpu.memref_slice %arg2[%dma_start3A_209, %dma_start3A_210] : memref<10000x128xf32, #tpu.memory_space<hbm>> -> memref<10000x128xf32, #tpu.memory_space<hbm>>
      tpu.enqueue_indirect_dma source(%dma_start3A_211 : memref<10000x128xf32, #tpu.memory_space<hbm>>) target(%arg12 : memref<128x128xf32, #tpu.memory_space<vmem>>) offsets(%dma_start3A_208 : memref<128xi32, #tpu.memory_space<vmem>>) semaphore(%arg14 : memref<!tpu.dma_semaphore, #tpu.memory_space<semaphore_mem>>)
      %dma_wait3A_212 = arith.constant 0 : i32
      %dma_wait3A_213 = arith.constant 0 : i32
      %dma_wait3A_214 = tpu.memref_slice %arg2[%dma_wait3A_212, %dma_wait3A_213] : memref<10000x128xf32, #tpu.memory_space<hbm>> -> memref<128x128xf32, #tpu.memory_space<hbm>>
      %dma_wait3A_215 = arith.constant 0 : i32
      %dma_wait3A_216 = arith.constant 0 : i32
      %dma_wait3A_217 = tpu.memref_slice %arg2[%dma_wait3A_215, %dma_wait3A_216] : memref<10000x128xf32, #tpu.memory_space<hbm>> -> memref<128x128xf32, #tpu.memory_space<hbm>>
      tpu.wait_dma2 semaphore(%arg14 : memref<!tpu.dma_semaphore, #tpu.memory_space<semaphore_mem>>) src(%dma_wait3A_217 : memref<128x128xf32, #tpu.memory_space<hbm>>) dst(%arg11 : memref<128x128xf32, #tpu.memory_space<vmem>>)
      %dma_start3A_218 = arith.constant 4 : i32
      %dma_start3A_219 = arith.constant 0 : i32
      %dma_start3A_220 = tpu.memref_slice %arg9[%dma_start3A_218, %dma_start3A_219] : memref<8x128xi32, #tpu.memory_space<vmem>> -> memref<1x128xi32, #tpu.memory_space<vmem>>
      %dma_start3A_221 = tpu.memref_squeeze %dma_start3A_220 : memref<1x128xi32, #tpu.memory_space<vmem>> -> memref<128xi32, #tpu.memory_space<vmem>>
      %dma_start3A_222 = arith.constant 0 : i32
      %dma_start3A_223 = arith.constant 0 : i32
      %dma_start3A_224 = tpu.memref_slice %arg6[%dma_start3A_222, %dma_start3A_223] : memref<10016x128xf32, #tpu.memory_space<vmem_shared>> -> memref<10016x128xf32, #tpu.memory_space<vmem_shared>>
      tpu.enqueue_indirect_dma source(%arg11 : memref<128x128xf32, #tpu.memory_space<vmem>>) target(%dma_start3A_224 : memref<10016x128xf32, #tpu.memory_space<vmem_shared>>) offsets(%dma_start3A_221 : memref<128xi32, #tpu.memory_space<vmem>>) semaphore(%arg15 : memref<!tpu.dma_semaphore, #tpu.memory_space<semaphore_mem>>) {add = true}
      %dma_wait3A_225 = arith.constant 0 : i32
      %dma_wait3A_226 = arith.constant 0 : i32
      %dma_wait3A_227 = tpu.memref_slice %arg2[%dma_wait3A_225, %dma_wait3A_226] : memref<10000x128xf32, #tpu.memory_space<hbm>> -> memref<128x128xf32, #tpu.memory_space<hbm>>
      %dma_wait3A_228 = arith.constant 0 : i32
      %dma_wait3A_229 = arith.constant 0 : i32
      %dma_wait3A_230 = tpu.memref_slice %arg2[%dma_wait3A_228, %dma_wait3A_229] : memref<10000x128xf32, #tpu.memory_space<hbm>> -> memref<128x128xf32, #tpu.memory_space<hbm>>
      tpu.wait_dma2 semaphore(%arg15 : memref<!tpu.dma_semaphore, #tpu.memory_space<semaphore_mem>>) src(%dma_wait3A_230 : memref<128x128xf32, #tpu.memory_space<hbm>>) dst(%arg11 : memref<128x128xf32, #tpu.memory_space<vmem>>)
      %dma_start3A_231 = arith.constant 6 : i32
      %dma_start3A_232 = arith.constant 0 : i32
      %dma_start3A_233 = tpu.memref_slice %arg7[%dma_start3A_231, %dma_start3A_232] : memref<8x128xi32, #tpu.memory_space<vmem>> -> memref<1x128xi32, #tpu.memory_space<vmem>>
      %dma_start3A_234 = tpu.memref_squeeze %dma_start3A_233 : memref<1x128xi32, #tpu.memory_space<vmem>> -> memref<128xi32, #tpu.memory_space<vmem>>
      %dma_start3A_235 = arith.constant 0 : i32
      %dma_start3A_236 = arith.constant 0 : i32
      %dma_start3A_237 = tpu.memref_slice %arg2[%dma_start3A_235, %dma_start3A_236] : memref<10000x128xf32, #tpu.memory_space<hbm>> -> memref<10000x128xf32, #tpu.memory_space<hbm>>
      tpu.enqueue_indirect_dma source(%dma_start3A_237 : memref<10000x128xf32, #tpu.memory_space<hbm>>) target(%arg11 : memref<128x128xf32, #tpu.memory_space<vmem>>) offsets(%dma_start3A_234 : memref<128xi32, #tpu.memory_space<vmem>>) semaphore(%arg14 : memref<!tpu.dma_semaphore, #tpu.memory_space<semaphore_mem>>)
      %dma_wait3A_238 = arith.constant 0 : i32
      %dma_wait3A_239 = arith.constant 0 : i32
      %dma_wait3A_240 = tpu.memref_slice %arg2[%dma_wait3A_238, %dma_wait3A_239] : memref<10000x128xf32, #tpu.memory_space<hbm>> -> memref<128x128xf32, #tpu.memory_space<hbm>>
      %dma_wait3A_241 = arith.constant 0 : i32
      %dma_wait3A_242 = arith.constant 0 : i32
      %dma_wait3A_243 = tpu.memref_slice %arg2[%dma_wait3A_241, %dma_wait3A_242] : memref<10000x128xf32, #tpu.memory_space<hbm>> -> memref<128x128xf32, #tpu.memory_space<hbm>>
      tpu.wait_dma2 semaphore(%arg14 : memref<!tpu.dma_semaphore, #tpu.memory_space<semaphore_mem>>) src(%dma_wait3A_243 : memref<128x128xf32, #tpu.memory_space<hbm>>) dst(%arg12 : memref<128x128xf32, #tpu.memory_space<vmem>>)
      %dma_start3A_244 = arith.constant 5 : i32
      %dma_start3A_245 = arith.constant 0 : i32
      %dma_start3A_246 = tpu.memref_slice %arg9[%dma_start3A_244, %dma_start3A_245] : memref<8x128xi32, #tpu.memory_space<vmem>> -> memref<1x128xi32, #tpu.memory_space<vmem>>
      %dma_start3A_247 = tpu.memref_squeeze %dma_start3A_246 : memref<1x128xi32, #tpu.memory_space<vmem>> -> memref<128xi32, #tpu.memory_space<vmem>>
      %dma_start3A_248 = arith.constant 0 : i32
      %dma_start3A_249 = arith.constant 0 : i32
      %dma_start3A_250 = tpu.memref_slice %arg6[%dma_start3A_248, %dma_start3A_249] : memref<10016x128xf32, #tpu.memory_space<vmem_shared>> -> memref<10016x128xf32, #tpu.memory_space<vmem_shared>>
      tpu.enqueue_indirect_dma source(%arg12 : memref<128x128xf32, #tpu.memory_space<vmem>>) target(%dma_start3A_250 : memref<10016x128xf32, #tpu.memory_space<vmem_shared>>) offsets(%dma_start3A_247 : memref<128xi32, #tpu.memory_space<vmem>>) semaphore(%arg15 : memref<!tpu.dma_semaphore, #tpu.memory_space<semaphore_mem>>) {add = true}
      %dma_wait3A_251 = arith.constant 0 : i32
      %dma_wait3A_252 = arith.constant 0 : i32
      %dma_wait3A_253 = tpu.memref_slice %arg2[%dma_wait3A_251, %dma_wait3A_252] : memref<10000x128xf32, #tpu.memory_space<hbm>> -> memref<128x128xf32, #tpu.memory_space<hbm>>
      %dma_wait3A_254 = arith.constant 0 : i32
      %dma_wait3A_255 = arith.constant 0 : i32
      %dma_wait3A_256 = tpu.memref_slice %arg2[%dma_wait3A_254, %dma_wait3A_255] : memref<10000x128xf32, #tpu.memory_space<hbm>> -> memref<128x128xf32, #tpu.memory_space<hbm>>
      tpu.wait_dma2 semaphore(%arg15 : memref<!tpu.dma_semaphore, #tpu.memory_space<semaphore_mem>>) src(%dma_wait3A_256 : memref<128x128xf32, #tpu.memory_space<hbm>>) dst(%arg12 : memref<128x128xf32, #tpu.memory_space<vmem>>)
      %dma_start3A_257 = arith.constant 7 : i32
      %dma_start3A_258 = arith.constant 0 : i32
      %dma_start3A_259 = tpu.memref_slice %arg7[%dma_start3A_257, %dma_start3A_258] : memref<8x128xi32, #tpu.memory_space<vmem>> -> memref<1x128xi32, #tpu.memory_space<vmem>>
      %dma_start3A_260 = tpu.memref_squeeze %dma_start3A_259 : memref<1x128xi32, #tpu.memory_space<vmem>> -> memref<128xi32, #tpu.memory_space<vmem>>
      %dma_start3A_261 = arith.constant 0 : i32
      %dma_start3A_262 = arith.constant 0 : i32
      %dma_start3A_263 = tpu.memref_slice %arg2[%dma_start3A_261, %dma_start3A_262] : memref<10000x128xf32, #tpu.memory_space<hbm>> -> memref<10000x128xf32, #tpu.memory_space<hbm>>
      tpu.enqueue_indirect_dma source(%dma_start3A_263 : memref<10000x128xf32, #tpu.memory_space<hbm>>) target(%arg12 : memref<128x128xf32, #tpu.memory_space<vmem>>) offsets(%dma_start3A_260 : memref<128xi32, #tpu.memory_space<vmem>>) semaphore(%arg14 : memref<!tpu.dma_semaphore, #tpu.memory_space<semaphore_mem>>)
      %dma_wait3A_264 = arith.constant 0 : i32
      %dma_wait3A_265 = arith.constant 0 : i32
      %dma_wait3A_266 = tpu.memref_slice %arg2[%dma_wait3A_264, %dma_wait3A_265] : memref<10000x128xf32, #tpu.memory_space<hbm>> -> memref<128x128xf32, #tpu.memory_space<hbm>>
      %dma_wait3A_267 = arith.constant 0 : i32
      %dma_wait3A_268 = arith.constant 0 : i32
      %dma_wait3A_269 = tpu.memref_slice %arg2[%dma_wait3A_267, %dma_wait3A_268] : memref<10000x128xf32, #tpu.memory_space<hbm>> -> memref<128x128xf32, #tpu.memory_space<hbm>>
      tpu.wait_dma2 semaphore(%arg14 : memref<!tpu.dma_semaphore, #tpu.memory_space<semaphore_mem>>) src(%dma_wait3A_269 : memref<128x128xf32, #tpu.memory_space<hbm>>) dst(%arg11 : memref<128x128xf32, #tpu.memory_space<vmem>>)
      %dma_start3A_270 = arith.constant 6 : i32
      %dma_start3A_271 = arith.constant 0 : i32
      %dma_start3A_272 = tpu.memref_slice %arg9[%dma_start3A_270, %dma_start3A_271] : memref<8x128xi32, #tpu.memory_space<vmem>> -> memref<1x128xi32, #tpu.memory_space<vmem>>
      %dma_start3A_273 = tpu.memref_squeeze %dma_start3A_272 : memref<1x128xi32, #tpu.memory_space<vmem>> -> memref<128xi32, #tpu.memory_space<vmem>>
      %dma_start3A_274 = arith.constant 0 : i32
      %dma_start3A_275 = arith.constant 0 : i32
      %dma_start3A_276 = tpu.memref_slice %arg6[%dma_start3A_274, %dma_start3A_275] : memref<10016x128xf32, #tpu.memory_space<vmem_shared>> -> memref<10016x128xf32, #tpu.memory_space<vmem_shared>>
      tpu.enqueue_indirect_dma source(%arg11 : memref<128x128xf32, #tpu.memory_space<vmem>>) target(%dma_start3A_276 : memref<10016x128xf32, #tpu.memory_space<vmem_shared>>) offsets(%dma_start3A_273 : memref<128xi32, #tpu.memory_space<vmem>>) semaphore(%arg15 : memref<!tpu.dma_semaphore, #tpu.memory_space<semaphore_mem>>) {add = true}
      %dma_wait3A_277 = arith.constant 0 : i32
      %dma_wait3A_278 = arith.constant 0 : i32
      %dma_wait3A_279 = tpu.memref_slice %arg2[%dma_wait3A_277, %dma_wait3A_278] : memref<10000x128xf32, #tpu.memory_space<hbm>> -> memref<128x128xf32, #tpu.memory_space<hbm>>
      %dma_wait3A_280 = arith.constant 0 : i32
      %dma_wait3A_281 = arith.constant 0 : i32
      %dma_wait3A_282 = tpu.memref_slice %arg2[%dma_wait3A_280, %dma_wait3A_281] : memref<10000x128xf32, #tpu.memory_space<hbm>> -> memref<128x128xf32, #tpu.memory_space<hbm>>
      tpu.wait_dma2 semaphore(%arg14 : memref<!tpu.dma_semaphore, #tpu.memory_space<semaphore_mem>>) src(%dma_wait3A_282 : memref<128x128xf32, #tpu.memory_space<hbm>>) dst(%arg12 : memref<128x128xf32, #tpu.memory_space<vmem>>)
      %dma_start3A_283 = arith.constant 7 : i32
      %dma_start3A_284 = arith.constant 0 : i32
      %dma_start3A_285 = tpu.memref_slice %arg9[%dma_start3A_283, %dma_start3A_284] : memref<8x128xi32, #tpu.memory_space<vmem>> -> memref<1x128xi32, #tpu.memory_space<vmem>>
      %dma_start3A_286 = tpu.memref_squeeze %dma_start3A_285 : memref<1x128xi32, #tpu.memory_space<vmem>> -> memref<128xi32, #tpu.memory_space<vmem>>
      %dma_start3A_287 = arith.constant 0 : i32
      %dma_start3A_288 = arith.constant 0 : i32
      %dma_start3A_289 = tpu.memref_slice %arg6[%dma_start3A_287, %dma_start3A_288] : memref<10016x128xf32, #tpu.memory_space<vmem_shared>> -> memref<10016x128xf32, #tpu.memory_space<vmem_shared>>
      tpu.enqueue_indirect_dma source(%arg12 : memref<128x128xf32, #tpu.memory_space<vmem>>) target(%dma_start3A_289 : memref<10016x128xf32, #tpu.memory_space<vmem_shared>>) offsets(%dma_start3A_286 : memref<128xi32, #tpu.memory_space<vmem>>) semaphore(%arg15 : memref<!tpu.dma_semaphore, #tpu.memory_space<semaphore_mem>>) {add = true}
      %mul3A_290 = arith.constant 2 : i32
      %mul3A_291 = arith.muli %scan3A_64, %mul3A_290 : i32
      %add3A_292 = arith.constant 1 : i32
      %add3A_293 = arith.addi %mul3A_291, %add3A_292 : i32
      %dma_wait3A_294 = arith.constant 0 : i32
      %dma_wait3A_295 = arith.constant 0 : i32
      %dma_wait3A_296 = tpu.memref_slice %arg3[%dma_wait3A_294, %dma_wait3A_295] : memref<2560x128xi32, #tpu.memory_space<hbm>> -> memref<8x128xi32, #tpu.memory_space<hbm>>
      %dma_wait3A_297 = arith.constant 0 : i32
      %dma_wait3A_298 = arith.constant 0 : i32
      %dma_wait3A_299 = tpu.memref_slice %arg3[%dma_wait3A_297, %dma_wait3A_298] : memref<2560x128xi32, #tpu.memory_space<hbm>> -> memref<8x128xi32, #tpu.memory_space<hbm>>
      tpu.wait_dma2 semaphore(%arg13 : memref<!tpu.dma_semaphore, #tpu.memory_space<semaphore_mem>>) src(%dma_wait3A_299 : memref<8x128xi32, #tpu.memory_space<hbm>>) dst(%arg8 : memref<8x128xi32, #tpu.memory_space<vmem>>)
      %dma_wait3A_300 = arith.constant 0 : i32
      %dma_wait3A_301 = arith.constant 0 : i32
      %dma_wait3A_302 = tpu.memref_slice %arg4[%dma_wait3A_300, %dma_wait3A_301] : memref<2560x128xi32, #tpu.memory_space<hbm>> -> memref<8x128xi32, #tpu.memory_space<hbm>>
      %dma_wait3A_303 = arith.constant 0 : i32
      %dma_wait3A_304 = arith.constant 0 : i32
      %dma_wait3A_305 = tpu.memref_slice %arg4[%dma_wait3A_303, %dma_wait3A_304] : memref<2560x128xi32, #tpu.memory_space<hbm>> -> memref<8x128xi32, #tpu.memory_space<hbm>>
      tpu.wait_dma2 semaphore(%arg13 : memref<!tpu.dma_semaphore, #tpu.memory_space<semaphore_mem>>) src(%dma_wait3A_305 : memref<8x128xi32, #tpu.memory_space<hbm>>) dst(%arg10 : memref<8x128xi32, #tpu.memory_space<vmem>>)
      %lt3A_306 = arith.constant 9 : i32
      %lt3A_307 = arith.cmpi slt, %add3A_293, %lt3A_306 : i32
      %convert_element_type3A_308 = arith.extui %lt3A_307 : i1 to i32
      %cond3A_309 = arith.constant 0 : i32
      %cond3A_310 = arith.cmpi ne, %convert_element_type3A_308, %cond3A_309 : i32
      scf.if %cond3A_310 {
        %add3A_517 = arith.constant 1 : i32
        %add3A_518 = arith.addi %add3A_293, %add3A_517 : i32
        %mul3A_519 = arith.constant 8 : i32
        %mul3A_520 = arith.muli %add3A_518, %mul3A_519 : i32
        %add3A_521 = arith.addi %mul3A_2, %mul3A_520 : i32
        %dma_start3A_522 = arith.constant 0 : i32
        %dma_start3A_523 = tpu.memref_slice %arg3[%add3A_521, %dma_start3A_522] : memref<2560x128xi32, #tpu.memory_space<hbm>> -> memref<8x128xi32, #tpu.memory_space<hbm>>
        %dma_start3A_524 = arith.constant 0 : i32
        %dma_start3A_525 = tpu.memref_slice %arg3[%add3A_521, %dma_start3A_524] : memref<2560x128xi32, #tpu.memory_space<hbm>> -> memref<8x128xi32, #tpu.memory_space<hbm>>
        tpu.enqueue_dma source(%dma_start3A_525 : memref<8x128xi32, #tpu.memory_space<hbm>>) target(%arg7 : memref<8x128xi32, #tpu.memory_space<vmem>>) target_semaphore(%arg13 : memref<!tpu.dma_semaphore, #tpu.memory_space<semaphore_mem>>)
        %dma_start3A_526 = arith.constant 0 : i32
        %dma_start3A_527 = tpu.memref_slice %arg4[%add3A_521, %dma_start3A_526] : memref<2560x128xi32, #tpu.memory_space<hbm>> -> memref<8x128xi32, #tpu.memory_space<hbm>>
        %dma_start3A_528 = arith.constant 0 : i32
        %dma_start3A_529 = tpu.memref_slice %arg4[%add3A_521, %dma_start3A_528] : memref<2560x128xi32, #tpu.memory_space<hbm>> -> memref<8x128xi32, #tpu.memory_space<hbm>>
        tpu.enqueue_dma source(%dma_start3A_529 : memref<8x128xi32, #tpu.memory_space<hbm>>) target(%arg9 : memref<8x128xi32, #tpu.memory_space<vmem>>) target_semaphore(%arg13 : memref<!tpu.dma_semaphore, #tpu.memory_space<semaphore_mem>>)
      } else {
      }
      %gt3A_311 = arith.constant 0 : i32
      %gt3A_312 = arith.cmpi sgt, %add3A_293, %gt3A_311 : i32
      %convert_element_type3A_313 = arith.extui %gt3A_312 : i1 to i32
      %cond3A_314 = arith.constant 0 : i32
      %cond3A_315 = arith.cmpi ne, %convert_element_type3A_313, %cond3A_314 : i32
      scf.if %cond3A_315 {
        %dma_wait3A_517 = arith.constant 0 : i32
        %dma_wait3A_518 = arith.constant 0 : i32
        %dma_wait3A_519 = tpu.memref_slice %arg2[%dma_wait3A_517, %dma_wait3A_518] : memref<10000x128xf32, #tpu.memory_space<hbm>> -> memref<128x128xf32, #tpu.memory_space<hbm>>
        %dma_wait3A_520 = arith.constant 0 : i32
        %dma_wait3A_521 = arith.constant 0 : i32
        %dma_wait3A_522 = tpu.memref_slice %arg2[%dma_wait3A_520, %dma_wait3A_521] : memref<10000x128xf32, #tpu.memory_space<hbm>> -> memref<128x128xf32, #tpu.memory_space<hbm>>
        tpu.wait_dma2 semaphore(%arg15 : memref<!tpu.dma_semaphore, #tpu.memory_space<semaphore_mem>>) src(%dma_wait3A_522 : memref<128x128xf32, #tpu.memory_space<hbm>>) dst(%arg11 : memref<128x128xf32, #tpu.memory_space<vmem>>)
      } else {
      }
      %dma_start3A_316 = arith.constant 0 : i32
      %dma_start3A_317 = arith.constant 0 : i32
      %dma_start3A_318 = tpu.memref_slice %arg8[%dma_start3A_316, %dma_start3A_317] : memref<8x128xi32, #tpu.memory_space<vmem>> -> memref<1x128xi32, #tpu.memory_space<vmem>>
      %dma_start3A_319 = tpu.memref_squeeze %dma_start3A_318 : memref<1x128xi32, #tpu.memory_space<vmem>> -> memref<128xi32, #tpu.memory_space<vmem>>
      %dma_start3A_320 = arith.constant 0 : i32
      %dma_start3A_321 = arith.constant 0 : i32
      %dma_start3A_322 = tpu.memref_slice %arg2[%dma_start3A_320, %dma_start3A_321] : memref<10000x128xf32, #tpu.memory_space<hbm>> -> memref<10000x128xf32, #tpu.memory_space<hbm>>
      tpu.enqueue_indirect_dma source(%dma_start3A_322 : memref<10000x128xf32, #tpu.memory_space<hbm>>) target(%arg11 : memref<128x128xf32, #tpu.memory_space<vmem>>) offsets(%dma_start3A_319 : memref<128xi32, #tpu.memory_space<vmem>>) semaphore(%arg14 : memref<!tpu.dma_semaphore, #tpu.memory_space<semaphore_mem>>)
      %gt3A_323 = arith.constant 0 : i32
      %gt3A_324 = arith.cmpi sgt, %add3A_293, %gt3A_323 : i32
      %convert_element_type3A_325 = arith.extui %gt3A_324 : i1 to i32
      %cond3A_326 = arith.constant 0 : i32
      %cond3A_327 = arith.cmpi ne, %convert_element_type3A_325, %cond3A_326 : i32
      scf.if %cond3A_327 {
        %dma_wait3A_517 = arith.constant 0 : i32
        %dma_wait3A_518 = arith.constant 0 : i32
        %dma_wait3A_519 = tpu.memref_slice %arg2[%dma_wait3A_517, %dma_wait3A_518] : memref<10000x128xf32, #tpu.memory_space<hbm>> -> memref<128x128xf32, #tpu.memory_space<hbm>>
        %dma_wait3A_520 = arith.constant 0 : i32
        %dma_wait3A_521 = arith.constant 0 : i32
        %dma_wait3A_522 = tpu.memref_slice %arg2[%dma_wait3A_520, %dma_wait3A_521] : memref<10000x128xf32, #tpu.memory_space<hbm>> -> memref<128x128xf32, #tpu.memory_space<hbm>>
        tpu.wait_dma2 semaphore(%arg15 : memref<!tpu.dma_semaphore, #tpu.memory_space<semaphore_mem>>) src(%dma_wait3A_522 : memref<128x128xf32, #tpu.memory_space<hbm>>) dst(%arg12 : memref<128x128xf32, #tpu.memory_space<vmem>>)
      } else {
      }
      %dma_start3A_328 = arith.constant 1 : i32
      %dma_start3A_329 = arith.constant 0 : i32
      %dma_start3A_330 = tpu.memref_slice %arg8[%dma_start3A_328, %dma_start3A_329] : memref<8x128xi32, #tpu.memory_space<vmem>> -> memref<1x128xi32, #tpu.memory_space<vmem>>
      %dma_start3A_331 = tpu.memref_squeeze %dma_start3A_330 : memref<1x128xi32, #tpu.memory_space<vmem>> -> memref<128xi32, #tpu.memory_space<vmem>>
      %dma_start3A_332 = arith.constant 0 : i32
      %dma_start3A_333 = arith.constant 0 : i32
      %dma_start3A_334 = tpu.memref_slice %arg2[%dma_start3A_332, %dma_start3A_333] : memref<10000x128xf32, #tpu.memory_space<hbm>> -> memref<10000x128xf32, #tpu.memory_space<hbm>>
      tpu.enqueue_indirect_dma source(%dma_start3A_334 : memref<10000x128xf32, #tpu.memory_space<hbm>>) target(%arg12 : memref<128x128xf32, #tpu.memory_space<vmem>>) offsets(%dma_start3A_331 : memref<128xi32, #tpu.memory_space<vmem>>) semaphore(%arg14 : memref<!tpu.dma_semaphore, #tpu.memory_space<semaphore_mem>>)
      %dma_wait3A_335 = arith.constant 0 : i32
      %dma_wait3A_336 = arith.constant 0 : i32
      %dma_wait3A_337 = tpu.memref_slice %arg2[%dma_wait3A_335, %dma_wait3A_336] : memref<10000x128xf32, #tpu.memory_space<hbm>> -> memref<128x128xf32, #tpu.memory_space<hbm>>
      %dma_wait3A_338 = arith.constant 0 : i32
      %dma_wait3A_339 = arith.constant 0 : i32
      %dma_wait3A_340 = tpu.memref_slice %arg2[%dma_wait3A_338, %dma_wait3A_339] : memref<10000x128xf32, #tpu.memory_space<hbm>> -> memref<128x128xf32, #tpu.memory_space<hbm>>
      tpu.wait_dma2 semaphore(%arg14 : memref<!tpu.dma_semaphore, #tpu.memory_space<semaphore_mem>>) src(%dma_wait3A_340 : memref<128x128xf32, #tpu.memory_space<hbm>>) dst(%arg11 : memref<128x128xf32, #tpu.memory_space<vmem>>)
      %dma_start3A_341 = arith.constant 0 : i32
      %dma_start3A_342 = arith.constant 0 : i32
      %dma_start3A_343 = tpu.memref_slice %arg10[%dma_start3A_341, %dma_start3A_342] : memref<8x128xi32, #tpu.memory_space<vmem>> -> memref<1x128xi32, #tpu.memory_space<vmem>>
      %dma_start3A_344 = tpu.memref_squeeze %dma_start3A_343 : memref<1x128xi32, #tpu.memory_space<vmem>> -> memref<128xi32, #tpu.memory_space<vmem>>
      %dma_start3A_345 = arith.constant 0 : i32
      %dma_start3A_346 = arith.constant 0 : i32
      %dma_start3A_347 = tpu.memref_slice %arg6[%dma_start3A_345, %dma_start3A_346] : memref<10016x128xf32, #tpu.memory_space<vmem_shared>> -> memref<10016x128xf32, #tpu.memory_space<vmem_shared>>
      tpu.enqueue_indirect_dma source(%arg11 : memref<128x128xf32, #tpu.memory_space<vmem>>) target(%dma_start3A_347 : memref<10016x128xf32, #tpu.memory_space<vmem_shared>>) offsets(%dma_start3A_344 : memref<128xi32, #tpu.memory_space<vmem>>) semaphore(%arg15 : memref<!tpu.dma_semaphore, #tpu.memory_space<semaphore_mem>>) {add = true}
      %dma_wait3A_348 = arith.constant 0 : i32
      %dma_wait3A_349 = arith.constant 0 : i32
      %dma_wait3A_350 = tpu.memref_slice %arg2[%dma_wait3A_348, %dma_wait3A_349] : memref<10000x128xf32, #tpu.memory_space<hbm>> -> memref<128x128xf32, #tpu.memory_space<hbm>>
      %dma_wait3A_351 = arith.constant 0 : i32
      %dma_wait3A_352 = arith.constant 0 : i32
      %dma_wait3A_353 = tpu.memref_slice %arg2[%dma_wait3A_351, %dma_wait3A_352] : memref<10000x128xf32, #tpu.memory_space<hbm>> -> memref<128x128xf32, #tpu.memory_space<hbm>>
      tpu.wait_dma2 semaphore(%arg15 : memref<!tpu.dma_semaphore, #tpu.memory_space<semaphore_mem>>) src(%dma_wait3A_353 : memref<128x128xf32, #tpu.memory_space<hbm>>) dst(%arg11 : memref<128x128xf32, #tpu.memory_space<vmem>>)
      %dma_start3A_354 = arith.constant 2 : i32
      %dma_start3A_355 = arith.constant 0 : i32
      %dma_start3A_356 = tpu.memref_slice %arg8[%dma_start3A_354, %dma_start3A_355] : memref<8x128xi32, #tpu.memory_space<vmem>> -> memref<1x128xi32, #tpu.memory_space<vmem>>
      %dma_start3A_357 = tpu.memref_squeeze %dma_start3A_356 : memref<1x128xi32, #tpu.memory_space<vmem>> -> memref<128xi32, #tpu.memory_space<vmem>>
      %dma_start3A_358 = arith.constant 0 : i32
      %dma_start3A_359 = arith.constant 0 : i32
      %dma_start3A_360 = tpu.memref_slice %arg2[%dma_start3A_358, %dma_start3A_359] : memref<10000x128xf32, #tpu.memory_space<hbm>> -> memref<10000x128xf32, #tpu.memory_space<hbm>>
      tpu.enqueue_indirect_dma source(%dma_start3A_360 : memref<10000x128xf32, #tpu.memory_space<hbm>>) target(%arg11 : memref<128x128xf32, #tpu.memory_space<vmem>>) offsets(%dma_start3A_357 : memref<128xi32, #tpu.memory_space<vmem>>) semaphore(%arg14 : memref<!tpu.dma_semaphore, #tpu.memory_space<semaphore_mem>>)
      %dma_wait3A_361 = arith.constant 0 : i32
      %dma_wait3A_362 = arith.constant 0 : i32
      %dma_wait3A_363 = tpu.memref_slice %arg2[%dma_wait3A_361, %dma_wait3A_362] : memref<10000x128xf32, #tpu.memory_space<hbm>> -> memref<128x128xf32, #tpu.memory_space<hbm>>
      %dma_wait3A_364 = arith.constant 0 : i32
      %dma_wait3A_365 = arith.constant 0 : i32
      %dma_wait3A_366 = tpu.memref_slice %arg2[%dma_wait3A_364, %dma_wait3A_365] : memref<10000x128xf32, #tpu.memory_space<hbm>> -> memref<128x128xf32, #tpu.memory_space<hbm>>
      tpu.wait_dma2 semaphore(%arg14 : memref<!tpu.dma_semaphore, #tpu.memory_space<semaphore_mem>>) src(%dma_wait3A_366 : memref<128x128xf32, #tpu.memory_space<hbm>>) dst(%arg12 : memref<128x128xf32, #tpu.memory_space<vmem>>)
      %dma_start3A_367 = arith.constant 1 : i32
      %dma_start3A_368 = arith.constant 0 : i32
      %dma_start3A_369 = tpu.memref_slice %arg10[%dma_start3A_367, %dma_start3A_368] : memref<8x128xi32, #tpu.memory_space<vmem>> -> memref<1x128xi32, #tpu.memory_space<vmem>>
      %dma_start3A_370 = tpu.memref_squeeze %dma_start3A_369 : memref<1x128xi32, #tpu.memory_space<vmem>> -> memref<128xi32, #tpu.memory_space<vmem>>
      %dma_start3A_371 = arith.constant 0 : i32
      %dma_start3A_372 = arith.constant 0 : i32
      %dma_start3A_373 = tpu.memref_slice %arg6[%dma_start3A_371, %dma_start3A_372] : memref<10016x128xf32, #tpu.memory_space<vmem_shared>> -> memref<10016x128xf32, #tpu.memory_space<vmem_shared>>
      tpu.enqueue_indirect_dma source(%arg12 : memref<128x128xf32, #tpu.memory_space<vmem>>) target(%dma_start3A_373 : memref<10016x128xf32, #tpu.memory_space<vmem_shared>>) offsets(%dma_start3A_370 : memref<128xi32, #tpu.memory_space<vmem>>) semaphore(%arg15 : memref<!tpu.dma_semaphore, #tpu.memory_space<semaphore_mem>>) {add = true}
      %dma_wait3A_374 = arith.constant 0 : i32
      %dma_wait3A_375 = arith.constant 0 : i32
      %dma_wait3A_376 = tpu.memref_slice %arg2[%dma_wait3A_374, %dma_wait3A_375] : memref<10000x128xf32, #tpu.memory_space<hbm>> -> memref<128x128xf32, #tpu.memory_space<hbm>>
      %dma_wait3A_377 = arith.constant 0 : i32
      %dma_wait3A_378 = arith.constant 0 : i32
      %dma_wait3A_379 = tpu.memref_slice %arg2[%dma_wait3A_377, %dma_wait3A_378] : memref<10000x128xf32, #tpu.memory_space<hbm>> -> memref<128x128xf32, #tpu.memory_space<hbm>>
      tpu.wait_dma2 semaphore(%arg15 : memref<!tpu.dma_semaphore, #tpu.memory_space<semaphore_mem>>) src(%dma_wait3A_379 : memref<128x128xf32, #tpu.memory_space<hbm>>) dst(%arg12 : memref<128x128xf32, #tpu.memory_space<vmem>>)
      %dma_start3A_380 = arith.constant 3 : i32
      %dma_start3A_381 = arith.constant 0 : i32
      %dma_start3A_382 = tpu.memref_slice %arg8[%dma_start3A_380, %dma_start3A_381] : memref<8x128xi32, #tpu.memory_space<vmem>> -> memref<1x128xi32, #tpu.memory_space<vmem>>
      %dma_start3A_383 = tpu.memref_squeeze %dma_start3A_382 : memref<1x128xi32, #tpu.memory_space<vmem>> -> memref<128xi32, #tpu.memory_space<vmem>>
      %dma_start3A_384 = arith.constant 0 : i32
      %dma_start3A_385 = arith.constant 0 : i32
      %dma_start3A_386 = tpu.memref_slice %arg2[%dma_start3A_384, %dma_start3A_385] : memref<10000x128xf32, #tpu.memory_space<hbm>> -> memref<10000x128xf32, #tpu.memory_space<hbm>>
      tpu.enqueue_indirect_dma source(%dma_start3A_386 : memref<10000x128xf32, #tpu.memory_space<hbm>>) target(%arg12 : memref<128x128xf32, #tpu.memory_space<vmem>>) offsets(%dma_start3A_383 : memref<128xi32, #tpu.memory_space<vmem>>) semaphore(%arg14 : memref<!tpu.dma_semaphore, #tpu.memory_space<semaphore_mem>>)
      %dma_wait3A_387 = arith.constant 0 : i32
      %dma_wait3A_388 = arith.constant 0 : i32
      %dma_wait3A_389 = tpu.memref_slice %arg2[%dma_wait3A_387, %dma_wait3A_388] : memref<10000x128xf32, #tpu.memory_space<hbm>> -> memref<128x128xf32, #tpu.memory_space<hbm>>
      %dma_wait3A_390 = arith.constant 0 : i32
      %dma_wait3A_391 = arith.constant 0 : i32
      %dma_wait3A_392 = tpu.memref_slice %arg2[%dma_wait3A_390, %dma_wait3A_391] : memref<10000x128xf32, #tpu.memory_space<hbm>> -> memref<128x128xf32, #tpu.memory_space<hbm>>
      tpu.wait_dma2 semaphore(%arg14 : memref<!tpu.dma_semaphore, #tpu.memory_space<semaphore_mem>>) src(%dma_wait3A_392 : memref<128x128xf32, #tpu.memory_space<hbm>>) dst(%arg11 : memref<128x128xf32, #tpu.memory_space<vmem>>)
      %dma_start3A_393 = arith.constant 2 : i32
      %dma_start3A_394 = arith.constant 0 : i32
      %dma_start3A_395 = tpu.memref_slice %arg10[%dma_start3A_393, %dma_start3A_394] : memref<8x128xi32, #tpu.memory_space<vmem>> -> memref<1x128xi32, #tpu.memory_space<vmem>>
      %dma_start3A_396 = tpu.memref_squeeze %dma_start3A_395 : memref<1x128xi32, #tpu.memory_space<vmem>> -> memref<128xi32, #tpu.memory_space<vmem>>
      %dma_start3A_397 = arith.constant 0 : i32
      %dma_start3A_398 = arith.constant 0 : i32
      %dma_start3A_399 = tpu.memref_slice %arg6[%dma_start3A_397, %dma_start3A_398] : memref<10016x128xf32, #tpu.memory_space<vmem_shared>> -> memref<10016x128xf32, #tpu.memory_space<vmem_shared>>
      tpu.enqueue_indirect_dma source(%arg11 : memref<128x128xf32, #tpu.memory_space<vmem>>) target(%dma_start3A_399 : memref<10016x128xf32, #tpu.memory_space<vmem_shared>>) offsets(%dma_start3A_396 : memref<128xi32, #tpu.memory_space<vmem>>) semaphore(%arg15 : memref<!tpu.dma_semaphore, #tpu.memory_space<semaphore_mem>>) {add = true}
      %dma_wait3A_400 = arith.constant 0 : i32
      %dma_wait3A_401 = arith.constant 0 : i32
      %dma_wait3A_402 = tpu.memref_slice %arg2[%dma_wait3A_400, %dma_wait3A_401] : memref<10000x128xf32, #tpu.memory_space<hbm>> -> memref<128x128xf32, #tpu.memory_space<hbm>>
      %dma_wait3A_403 = arith.constant 0 : i32
      %dma_wait3A_404 = arith.constant 0 : i32
      %dma_wait3A_405 = tpu.memref_slice %arg2[%dma_wait3A_403, %dma_wait3A_404] : memref<10000x128xf32, #tpu.memory_space<hbm>> -> memref<128x128xf32, #tpu.memory_space<hbm>>
      tpu.wait_dma2 semaphore(%arg15 : memref<!tpu.dma_semaphore, #tpu.memory_space<semaphore_mem>>) src(%dma_wait3A_405 : memref<128x128xf32, #tpu.memory_space<hbm>>) dst(%arg11 : memref<128x128xf32, #tpu.memory_space<vmem>>)
      %dma_start3A_406 = arith.constant 4 : i32
      %dma_start3A_407 = arith.constant 0 : i32
      %dma_start3A_408 = tpu.memref_slice %arg8[%dma_start3A_406, %dma_start3A_407] : memref<8x128xi32, #tpu.memory_space<vmem>> -> memref<1x128xi32, #tpu.memory_space<vmem>>
      %dma_start3A_409 = tpu.memref_squeeze %dma_start3A_408 : memref<1x128xi32, #tpu.memory_space<vmem>> -> memref<128xi32, #tpu.memory_space<vmem>>
      %dma_start3A_410 = arith.constant 0 : i32
      %dma_start3A_411 = arith.constant 0 : i32
      %dma_start3A_412 = tpu.memref_slice %arg2[%dma_start3A_410, %dma_start3A_411] : memref<10000x128xf32, #tpu.memory_space<hbm>> -> memref<10000x128xf32, #tpu.memory_space<hbm>>
      tpu.enqueue_indirect_dma source(%dma_start3A_412 : memref<10000x128xf32, #tpu.memory_space<hbm>>) target(%arg11 : memref<128x128xf32, #tpu.memory_space<vmem>>) offsets(%dma_start3A_409 : memref<128xi32, #tpu.memory_space<vmem>>) semaphore(%arg14 : memref<!tpu.dma_semaphore, #tpu.memory_space<semaphore_mem>>)
      %dma_wait3A_413 = arith.constant 0 : i32
      %dma_wait3A_414 = arith.constant 0 : i32
      %dma_wait3A_415 = tpu.memref_slice %arg2[%dma_wait3A_413, %dma_wait3A_414] : memref<10000x128xf32, #tpu.memory_space<hbm>> -> memref<128x128xf32, #tpu.memory_space<hbm>>
      %dma_wait3A_416 = arith.constant 0 : i32
      %dma_wait3A_417 = arith.constant 0 : i32
      %dma_wait3A_418 = tpu.memref_slice %arg2[%dma_wait3A_416, %dma_wait3A_417] : memref<10000x128xf32, #tpu.memory_space<hbm>> -> memref<128x128xf32, #tpu.memory_space<hbm>>
      tpu.wait_dma2 semaphore(%arg14 : memref<!tpu.dma_semaphore, #tpu.memory_space<semaphore_mem>>) src(%dma_wait3A_418 : memref<128x128xf32, #tpu.memory_space<hbm>>) dst(%arg12 : memref<128x128xf32, #tpu.memory_space<vmem>>)
      %dma_start3A_419 = arith.constant 3 : i32
      %dma_start3A_420 = arith.constant 0 : i32
      %dma_start3A_421 = tpu.memref_slice %arg10[%dma_start3A_419, %dma_start3A_420] : memref<8x128xi32, #tpu.memory_space<vmem>> -> memref<1x128xi32, #tpu.memory_space<vmem>>
      %dma_start3A_422 = tpu.memref_squeeze %dma_start3A_421 : memref<1x128xi32, #tpu.memory_space<vmem>> -> memref<128xi32, #tpu.memory_space<vmem>>
      %dma_start3A_423 = arith.constant 0 : i32
      %dma_start3A_424 = arith.constant 0 : i32
      %dma_start3A_425 = tpu.memref_slice %arg6[%dma_start3A_423, %dma_start3A_424] : memref<10016x128xf32, #tpu.memory_space<vmem_shared>> -> memref<10016x128xf32, #tpu.memory_space<vmem_shared>>
      tpu.enqueue_indirect_dma source(%arg12 : memref<128x128xf32, #tpu.memory_space<vmem>>) target(%dma_start3A_425 : memref<10016x128xf32, #tpu.memory_space<vmem_shared>>) offsets(%dma_start3A_422 : memref<128xi32, #tpu.memory_space<vmem>>) semaphore(%arg15 : memref<!tpu.dma_semaphore, #tpu.memory_space<semaphore_mem>>) {add = true}
      %dma_wait3A_426 = arith.constant 0 : i32
      %dma_wait3A_427 = arith.constant 0 : i32
      %dma_wait3A_428 = tpu.memref_slice %arg2[%dma_wait3A_426, %dma_wait3A_427] : memref<10000x128xf32, #tpu.memory_space<hbm>> -> memref<128x128xf32, #tpu.memory_space<hbm>>
      %dma_wait3A_429 = arith.constant 0 : i32
      %dma_wait3A_430 = arith.constant 0 : i32
      %dma_wait3A_431 = tpu.memref_slice %arg2[%dma_wait3A_429, %dma_wait3A_430] : memref<10000x128xf32, #tpu.memory_space<hbm>> -> memref<128x128xf32, #tpu.memory_space<hbm>>
      tpu.wait_dma2 semaphore(%arg15 : memref<!tpu.dma_semaphore, #tpu.memory_space<semaphore_mem>>) src(%dma_wait3A_431 : memref<128x128xf32, #tpu.memory_space<hbm>>) dst(%arg12 : memref<128x128xf32, #tpu.memory_space<vmem>>)
      %dma_start3A_432 = arith.constant 5 : i32
      %dma_start3A_433 = arith.constant 0 : i32
      %dma_start3A_434 = tpu.memref_slice %arg8[%dma_start3A_432, %dma_start3A_433] : memref<8x128xi32, #tpu.memory_space<vmem>> -> memref<1x128xi32, #tpu.memory_space<vmem>>
      %dma_start3A_435 = tpu.memref_squeeze %dma_start3A_434 : memref<1x128xi32, #tpu.memory_space<vmem>> -> memref<128xi32, #tpu.memory_space<vmem>>
      %dma_start3A_436 = arith.constant 0 : i32
      %dma_start3A_437 = arith.constant 0 : i32
      %dma_start3A_438 = tpu.memref_slice %arg2[%dma_start3A_436, %dma_start3A_437] : memref<10000x128xf32, #tpu.memory_space<hbm>> -> memref<10000x128xf32, #tpu.memory_space<hbm>>
      tpu.enqueue_indirect_dma source(%dma_start3A_438 : memref<10000x128xf32, #tpu.memory_space<hbm>>) target(%arg12 : memref<128x128xf32, #tpu.memory_space<vmem>>) offsets(%dma_start3A_435 : memref<128xi32, #tpu.memory_space<vmem>>) semaphore(%arg14 : memref<!tpu.dma_semaphore, #tpu.memory_space<semaphore_mem>>)
      %dma_wait3A_439 = arith.constant 0 : i32
      %dma_wait3A_440 = arith.constant 0 : i32
      %dma_wait3A_441 = tpu.memref_slice %arg2[%dma_wait3A_439, %dma_wait3A_440] : memref<10000x128xf32, #tpu.memory_space<hbm>> -> memref<128x128xf32, #tpu.memory_space<hbm>>
      %dma_wait3A_442 = arith.constant 0 : i32
      %dma_wait3A_443 = arith.constant 0 : i32
      %dma_wait3A_444 = tpu.memref_slice %arg2[%dma_wait3A_442, %dma_wait3A_443] : memref<10000x128xf32, #tpu.memory_space<hbm>> -> memref<128x128xf32, #tpu.memory_space<hbm>>
      tpu.wait_dma2 semaphore(%arg14 : memref<!tpu.dma_semaphore, #tpu.memory_space<semaphore_mem>>) src(%dma_wait3A_444 : memref<128x128xf32, #tpu.memory_space<hbm>>) dst(%arg11 : memref<128x128xf32, #tpu.memory_space<vmem>>)
      %dma_start3A_445 = arith.constant 4 : i32
      %dma_start3A_446 = arith.constant 0 : i32
      %dma_start3A_447 = tpu.memref_slice %arg10[%dma_start3A_445, %dma_start3A_446] : memref<8x128xi32, #tpu.memory_space<vmem>> -> memref<1x128xi32, #tpu.memory_space<vmem>>
      %dma_start3A_448 = tpu.memref_squeeze %dma_start3A_447 : memref<1x128xi32, #tpu.memory_space<vmem>> -> memref<128xi32, #tpu.memory_space<vmem>>
      %dma_start3A_449 = arith.constant 0 : i32
      %dma_start3A_450 = arith.constant 0 : i32
      %dma_start3A_451 = tpu.memref_slice %arg6[%dma_start3A_449, %dma_start3A_450] : memref<10016x128xf32, #tpu.memory_space<vmem_shared>> -> memref<10016x128xf32, #tpu.memory_space<vmem_shared>>
      tpu.enqueue_indirect_dma source(%arg11 : memref<128x128xf32, #tpu.memory_space<vmem>>) target(%dma_start3A_451 : memref<10016x128xf32, #tpu.memory_space<vmem_shared>>) offsets(%dma_start3A_448 : memref<128xi32, #tpu.memory_space<vmem>>) semaphore(%arg15 : memref<!tpu.dma_semaphore, #tpu.memory_space<semaphore_mem>>) {add = true}
      %dma_wait3A_452 = arith.constant 0 : i32
      %dma_wait3A_453 = arith.constant 0 : i32
      %dma_wait3A_454 = tpu.memref_slice %arg2[%dma_wait3A_452, %dma_wait3A_453] : memref<10000x128xf32, #tpu.memory_space<hbm>> -> memref<128x128xf32, #tpu.memory_space<hbm>>
      %dma_wait3A_455 = arith.constant 0 : i32
      %dma_wait3A_456 = arith.constant 0 : i32
      %dma_wait3A_457 = tpu.memref_slice %arg2[%dma_wait3A_455, %dma_wait3A_456] : memref<10000x128xf32, #tpu.memory_space<hbm>> -> memref<128x128xf32, #tpu.memory_space<hbm>>
      tpu.wait_dma2 semaphore(%arg15 : memref<!tpu.dma_semaphore, #tpu.memory_space<semaphore_mem>>) src(%dma_wait3A_457 : memref<128x128xf32, #tpu.memory_space<hbm>>) dst(%arg11 : memref<128x128xf32, #tpu.memory_space<vmem>>)
      %dma_start3A_458 = arith.constant 6 : i32
      %dma_start3A_459 = arith.constant 0 : i32
      %dma_start3A_460 = tpu.memref_slice %arg8[%dma_start3A_458, %dma_start3A_459] : memref<8x128xi32, #tpu.memory_space<vmem>> -> memref<1x128xi32, #tpu.memory_space<vmem>>
      %dma_start3A_461 = tpu.memref_squeeze %dma_start3A_460 : memref<1x128xi32, #tpu.memory_space<vmem>> -> memref<128xi32, #tpu.memory_space<vmem>>
      %dma_start3A_462 = arith.constant 0 : i32
      %dma_start3A_463 = arith.constant 0 : i32
      %dma_start3A_464 = tpu.memref_slice %arg2[%dma_start3A_462, %dma_start3A_463] : memref<10000x128xf32, #tpu.memory_space<hbm>> -> memref<10000x128xf32, #tpu.memory_space<hbm>>
      tpu.enqueue_indirect_dma source(%dma_start3A_464 : memref<10000x128xf32, #tpu.memory_space<hbm>>) target(%arg11 : memref<128x128xf32, #tpu.memory_space<vmem>>) offsets(%dma_start3A_461 : memref<128xi32, #tpu.memory_space<vmem>>) semaphore(%arg14 : memref<!tpu.dma_semaphore, #tpu.memory_space<semaphore_mem>>)
      %dma_wait3A_465 = arith.constant 0 : i32
      %dma_wait3A_466 = arith.constant 0 : i32
      %dma_wait3A_467 = tpu.memref_slice %arg2[%dma_wait3A_465, %dma_wait3A_466] : memref<10000x128xf32, #tpu.memory_space<hbm>> -> memref<128x128xf32, #tpu.memory_space<hbm>>
      %dma_wait3A_468 = arith.constant 0 : i32
      %dma_wait3A_469 = arith.constant 0 : i32
      %dma_wait3A_470 = tpu.memref_slice %arg2[%dma_wait3A_468, %dma_wait3A_469] : memref<10000x128xf32, #tpu.memory_space<hbm>> -> memref<128x128xf32, #tpu.memory_space<hbm>>
      tpu.wait_dma2 semaphore(%arg14 : memref<!tpu.dma_semaphore, #tpu.memory_space<semaphore_mem>>) src(%dma_wait3A_470 : memref<128x128xf32, #tpu.memory_space<hbm>>) dst(%arg12 : memref<128x128xf32, #tpu.memory_space<vmem>>)
      %dma_start3A_471 = arith.constant 5 : i32
      %dma_start3A_472 = arith.constant 0 : i32
      %dma_start3A_473 = tpu.memref_slice %arg10[%dma_start3A_471, %dma_start3A_472] : memref<8x128xi32, #tpu.memory_space<vmem>> -> memref<1x128xi32, #tpu.memory_space<vmem>>
      %dma_start3A_474 = tpu.memref_squeeze %dma_start3A_473 : memref<1x128xi32, #tpu.memory_space<vmem>> -> memref<128xi32, #tpu.memory_space<vmem>>
      %dma_start3A_475 = arith.constant 0 : i32
      %dma_start3A_476 = arith.constant 0 : i32
      %dma_start3A_477 = tpu.memref_slice %arg6[%dma_start3A_475, %dma_start3A_476] : memref<10016x128xf32, #tpu.memory_space<vmem_shared>> -> memref<10016x128xf32, #tpu.memory_space<vmem_shared>>
      tpu.enqueue_indirect_dma source(%arg12 : memref<128x128xf32, #tpu.memory_space<vmem>>) target(%dma_start3A_477 : memref<10016x128xf32, #tpu.memory_space<vmem_shared>>) offsets(%dma_start3A_474 : memref<128xi32, #tpu.memory_space<vmem>>) semaphore(%arg15 : memref<!tpu.dma_semaphore, #tpu.memory_space<semaphore_mem>>) {add = true}
      %dma_wait3A_478 = arith.constant 0 : i32
      %dma_wait3A_479 = arith.constant 0 : i32
      %dma_wait3A_480 = tpu.memref_slice %arg2[%dma_wait3A_478, %dma_wait3A_479] : memref<10000x128xf32, #tpu.memory_space<hbm>> -> memref<128x128xf32, #tpu.memory_space<hbm>>
      %dma_wait3A_481 = arith.constant 0 : i32
      %dma_wait3A_482 = arith.constant 0 : i32
      %dma_wait3A_483 = tpu.memref_slice %arg2[%dma_wait3A_481, %dma_wait3A_482] : memref<10000x128xf32, #tpu.memory_space<hbm>> -> memref<128x128xf32, #tpu.memory_space<hbm>>
      tpu.wait_dma2 semaphore(%arg15 : memref<!tpu.dma_semaphore, #tpu.memory_space<semaphore_mem>>) src(%dma_wait3A_483 : memref<128x128xf32, #tpu.memory_space<hbm>>) dst(%arg12 : memref<128x128xf32, #tpu.memory_space<vmem>>)
      %dma_start3A_484 = arith.constant 7 : i32
      %dma_start3A_485 = arith.constant 0 : i32
      %dma_start3A_486 = tpu.memref_slice %arg8[%dma_start3A_484, %dma_start3A_485] : memref<8x128xi32, #tpu.memory_space<vmem>> -> memref<1x128xi32, #tpu.memory_space<vmem>>
      %dma_start3A_487 = tpu.memref_squeeze %dma_start3A_486 : memref<1x128xi32, #tpu.memory_space<vmem>> -> memref<128xi32, #tpu.memory_space<vmem>>
      %dma_start3A_488 = arith.constant 0 : i32
      %dma_start3A_489 = arith.constant 0 : i32
      %dma_start3A_490 = tpu.memref_slice %arg2[%dma_start3A_488, %dma_start3A_489] : memref<10000x128xf32, #tpu.memory_space<hbm>> -> memref<10000x128xf32, #tpu.memory_space<hbm>>
      tpu.enqueue_indirect_dma source(%dma_start3A_490 : memref<10000x128xf32, #tpu.memory_space<hbm>>) target(%arg12 : memref<128x128xf32, #tpu.memory_space<vmem>>) offsets(%dma_start3A_487 : memref<128xi32, #tpu.memory_space<vmem>>) semaphore(%arg14 : memref<!tpu.dma_semaphore, #tpu.memory_space<semaphore_mem>>)
      %dma_wait3A_491 = arith.constant 0 : i32
      %dma_wait3A_492 = arith.constant 0 : i32
      %dma_wait3A_493 = tpu.memref_slice %arg2[%dma_wait3A_491, %dma_wait3A_492] : memref<10000x128xf32, #tpu.memory_space<hbm>> -> memref<128x128xf32, #tpu.memory_space<hbm>>
      %dma_wait3A_494 = arith.constant 0 : i32
      %dma_wait3A_495 = arith.constant 0 : i32
      %dma_wait3A_496 = tpu.memref_slice %arg2[%dma_wait3A_494, %dma_wait3A_495] : memref<10000x128xf32, #tpu.memory_space<hbm>> -> memref<128x128xf32, #tpu.memory_space<hbm>>
      tpu.wait_dma2 semaphore(%arg14 : memref<!tpu.dma_semaphore, #tpu.memory_space<semaphore_mem>>) src(%dma_wait3A_496 : memref<128x128xf32, #tpu.memory_space<hbm>>) dst(%arg11 : memref<128x128xf32, #tpu.memory_space<vmem>>)
      %dma_start3A_497 = arith.constant 6 : i32
      %dma_start3A_498 = arith.constant 0 : i32
      %dma_start3A_499 = tpu.memref_slice %arg10[%dma_start3A_497, %dma_start3A_498] : memref<8x128xi32, #tpu.memory_space<vmem>> -> memref<1x128xi32, #tpu.memory_space<vmem>>
      %dma_start3A_500 = tpu.memref_squeeze %dma_start3A_499 : memref<1x128xi32, #tpu.memory_space<vmem>> -> memref<128xi32, #tpu.memory_space<vmem>>
      %dma_start3A_501 = arith.constant 0 : i32
      %dma_start3A_502 = arith.constant 0 : i32
      %dma_start3A_503 = tpu.memref_slice %arg6[%dma_start3A_501, %dma_start3A_502] : memref<10016x128xf32, #tpu.memory_space<vmem_shared>> -> memref<10016x128xf32, #tpu.memory_space<vmem_shared>>
      tpu.enqueue_indirect_dma source(%arg11 : memref<128x128xf32, #tpu.memory_space<vmem>>) target(%dma_start3A_503 : memref<10016x128xf32, #tpu.memory_space<vmem_shared>>) offsets(%dma_start3A_500 : memref<128xi32, #tpu.memory_space<vmem>>) semaphore(%arg15 : memref<!tpu.dma_semaphore, #tpu.memory_space<semaphore_mem>>) {add = true}
      %dma_wait3A_504 = arith.constant 0 : i32
      %dma_wait3A_505 = arith.constant 0 : i32
      %dma_wait3A_506 = tpu.memref_slice %arg2[%dma_wait3A_504, %dma_wait3A_505] : memref<10000x128xf32, #tpu.memory_space<hbm>> -> memref<128x128xf32, #tpu.memory_space<hbm>>
      %dma_wait3A_507 = arith.constant 0 : i32
      %dma_wait3A_508 = arith.constant 0 : i32
      %dma_wait3A_509 = tpu.memref_slice %arg2[%dma_wait3A_507, %dma_wait3A_508] : memref<10000x128xf32, #tpu.memory_space<hbm>> -> memref<128x128xf32, #tpu.memory_space<hbm>>
      tpu.wait_dma2 semaphore(%arg14 : memref<!tpu.dma_semaphore, #tpu.memory_space<semaphore_mem>>) src(%dma_wait3A_509 : memref<128x128xf32, #tpu.memory_space<hbm>>) dst(%arg12 : memref<128x128xf32, #tpu.memory_space<vmem>>)
      %dma_start3A_510 = arith.constant 7 : i32
      %dma_start3A_511 = arith.constant 0 : i32
      %dma_start3A_512 = tpu.memref_slice %arg10[%dma_start3A_510, %dma_start3A_511] : memref<8x128xi32, #tpu.memory_space<vmem>> -> memref<1x128xi32, #tpu.memory_space<vmem>>
      %dma_start3A_513 = tpu.memref_squeeze %dma_start3A_512 : memref<1x128xi32, #tpu.memory_space<vmem>> -> memref<128xi32, #tpu.memory_space<vmem>>
      %dma_start3A_514 = arith.constant 0 : i32
      %dma_start3A_515 = arith.constant 0 : i32
      %dma_start3A_516 = tpu.memref_slice %arg6[%dma_start3A_514, %dma_start3A_515] : memref<10016x128xf32, #tpu.memory_space<vmem_shared>> -> memref<10016x128xf32, #tpu.memory_space<vmem_shared>>
      tpu.enqueue_indirect_dma source(%arg12 : memref<128x128xf32, #tpu.memory_space<vmem>>) target(%dma_start3A_516 : memref<10016x128xf32, #tpu.memory_space<vmem_shared>>) offsets(%dma_start3A_513 : memref<128xi32, #tpu.memory_space<vmem>>) semaphore(%arg15 : memref<!tpu.dma_semaphore, #tpu.memory_space<semaphore_mem>>) {add = true}
    }
    %scan3A_42 = arith.constant 5 : i32
    %dma_wait3A = arith.constant 0 : i32
    %dma_wait3A_43 = arith.constant 0 : i32
    %dma_wait3A_44 = tpu.memref_slice %arg2[%dma_wait3A, %dma_wait3A_43] : memref<10000x128xf32, #tpu.memory_space<hbm>> -> memref<128x128xf32, #tpu.memory_space<hbm>>
    %dma_wait3A_45 = arith.constant 0 : i32
    %dma_wait3A_46 = arith.constant 0 : i32
    %dma_wait3A_47 = tpu.memref_slice %arg2[%dma_wait3A_45, %dma_wait3A_46] : memref<10000x128xf32, #tpu.memory_space<hbm>> -> memref<128x128xf32, #tpu.memory_space<hbm>>
    tpu.wait_dma2 semaphore(%arg15 : memref<!tpu.dma_semaphore, #tpu.memory_space<semaphore_mem>>) src(%dma_wait3A_47 : memref<128x128xf32, #tpu.memory_space<hbm>>) dst(%arg11 : memref<128x128xf32, #tpu.memory_space<vmem>>)
    %dma_wait3A_48 = arith.constant 0 : i32
    %dma_wait3A_49 = arith.constant 0 : i32
    %dma_wait3A_50 = tpu.memref_slice %arg2[%dma_wait3A_48, %dma_wait3A_49] : memref<10000x128xf32, #tpu.memory_space<hbm>> -> memref<128x128xf32, #tpu.memory_space<hbm>>
    %dma_wait3A_51 = arith.constant 0 : i32
    %dma_wait3A_52 = arith.constant 0 : i32
    %dma_wait3A_53 = tpu.memref_slice %arg2[%dma_wait3A_51, %dma_wait3A_52] : memref<10000x128xf32, #tpu.memory_space<hbm>> -> memref<128x128xf32, #tpu.memory_space<hbm>>
    tpu.wait_dma2 semaphore(%arg15 : memref<!tpu.dma_semaphore, #tpu.memory_space<semaphore_mem>>) src(%dma_wait3A_53 : memref<128x128xf32, #tpu.memory_space<hbm>>) dst(%arg12 : memref<128x128xf32, #tpu.memory_space<vmem>>)
    %barrier3A_54 = arith.constant 0 : index
    tpu.barrier barrier_id(%barrier3A_54)
    %mul3A_55 = arith.constant 624 : i32
    %mul3A_56 = arith.muli %arg1, %mul3A_55 : i32
    %mul3A_57 = arith.constant 624 : i32
    %mul3A_58 = arith.muli %arg1, %mul3A_57 : i32
    "tpu.region"() ({
      %run_scoped3A = tpu.sem_alloc : memref<!tpu.dma_semaphore, #tpu.memory_space<semaphore_mem>>
      %dma_start3A_64 = arith.constant 0 : i32
      %dma_start3A_65 = tpu.memref_slice %arg5[%arg0, %mul3A_58, %dma_start3A_64] : memref<2x10000x128xf32, #tpu.memory_space<hbm>> -> memref<1x624x128xf32, #tpu.memory_space<hbm>>
      %dma_start3A_66 = tpu.memref_squeeze %dma_start3A_65 : memref<1x624x128xf32, #tpu.memory_space<hbm>> -> memref<624x128xf32, #tpu.memory_space<hbm>>
      %dma_start3A_67 = arith.constant 0 : i32
      %dma_start3A_68 = tpu.memref_slice %arg6[%mul3A_56, %dma_start3A_67] : memref<10016x128xf32, #tpu.memory_space<vmem_shared>> -> memref<624x128xf32, #tpu.memory_space<vmem_shared>>
      tpu.enqueue_dma source(%dma_start3A_68 : memref<624x128xf32, #tpu.memory_space<vmem_shared>>) target(%dma_start3A_66 : memref<624x128xf32, #tpu.memory_space<hbm>>) target_semaphore(%run_scoped3A : memref<!tpu.dma_semaphore, #tpu.memory_space<semaphore_mem>>)
      %dma_wait3A_69 = arith.constant 0 : i32
      %dma_wait3A_70 = tpu.memref_slice %arg5[%arg0, %mul3A_58, %dma_wait3A_69] : memref<2x10000x128xf32, #tpu.memory_space<hbm>> -> memref<1x624x128xf32, #tpu.memory_space<hbm>>
      %dma_wait3A_71 = tpu.memref_squeeze %dma_wait3A_70 : memref<1x624x128xf32, #tpu.memory_space<hbm>> -> memref<624x128xf32, #tpu.memory_space<hbm>>
      %dma_wait3A_72 = arith.constant 0 : i32
      %dma_wait3A_73 = tpu.memref_slice %arg6[%mul3A_56, %dma_wait3A_72] : memref<10016x128xf32, #tpu.memory_space<vmem_shared>> -> memref<624x128xf32, #tpu.memory_space<vmem_shared>>
      tpu.wait_dma2 semaphore(%run_scoped3A : memref<!tpu.dma_semaphore, #tpu.memory_space<semaphore_mem>>) src(%dma_wait3A_73 : memref<624x128xf32, #tpu.memory_space<vmem_shared>>) dst(%dma_wait3A_71 : memref<624x128xf32, #tpu.memory_space<hbm>>)
      tpu.yield
    }) : () -> ()
    %eq3A_59 = arith.constant 0 : i32
    %eq3A_60 = arith.cmpi eq, %arg1, %eq3A_59 : i32
    %convert_element_type3A_61 = arith.extui %eq3A_60 : i1 to i32
    %cond3A_62 = arith.constant 0 : i32
    %cond3A_63 = arith.cmpi ne, %convert_element_type3A_61, %cond3A_62 : i32
    scf.if %cond3A_63 {
      "tpu.region"() ({
        %run_scoped3A = tpu.sem_alloc : memref<!tpu.dma_semaphore, #tpu.memory_space<semaphore_mem>>
        %dma_start3A_64 = arith.constant 9984 : i32
        %dma_start3A_65 = arith.constant 0 : i32
        %dma_start3A_66 = tpu.memref_slice %arg5[%arg0, %dma_start3A_64, %dma_start3A_65] : memref<2x10000x128xf32, #tpu.memory_space<hbm>> -> memref<1x16x128xf32, #tpu.memory_space<hbm>>
        %dma_start3A_67 = tpu.memref_squeeze %dma_start3A_66 : memref<1x16x128xf32, #tpu.memory_space<hbm>> -> memref<16x128xf32, #tpu.memory_space<hbm>>
        %dma_start3A_68 = arith.constant 9984 : i32
        %dma_start3A_69 = arith.constant 0 : i32
        %dma_start3A_70 = tpu.memref_slice %arg6[%dma_start3A_68, %dma_start3A_69] : memref<10016x128xf32, #tpu.memory_space<vmem_shared>> -> memref<16x128xf32, #tpu.memory_space<vmem_shared>>
        tpu.enqueue_dma source(%dma_start3A_70 : memref<16x128xf32, #tpu.memory_space<vmem_shared>>) target(%dma_start3A_67 : memref<16x128xf32, #tpu.memory_space<hbm>>) target_semaphore(%run_scoped3A : memref<!tpu.dma_semaphore, #tpu.memory_space<semaphore_mem>>)
        %dma_wait3A_71 = arith.constant 9984 : i32
        %dma_wait3A_72 = arith.constant 0 : i32
        %dma_wait3A_73 = tpu.memref_slice %arg5[%arg0, %dma_wait3A_71, %dma_wait3A_72] : memref<2x10000x128xf32, #tpu.memory_space<hbm>> -> memref<1x16x128xf32, #tpu.memory_space<hbm>>
        %dma_wait3A_74 = tpu.memref_squeeze %dma_wait3A_73 : memref<1x16x128xf32, #tpu.memory_space<hbm>> -> memref<16x128xf32, #tpu.memory_space<hbm>>
        %dma_wait3A_75 = arith.constant 9984 : i32
        %dma_wait3A_76 = arith.constant 0 : i32
        %dma_wait3A_77 = tpu.memref_slice %arg6[%dma_wait3A_75, %dma_wait3A_76] : memref<10016x128xf32, #tpu.memory_space<vmem_shared>> -> memref<16x128xf32, #tpu.memory_space<vmem_shared>>
        tpu.wait_dma2 semaphore(%run_scoped3A : memref<!tpu.dma_semaphore, #tpu.memory_space<semaphore_mem>>) src(%dma_wait3A_77 : memref<16x128xf32, #tpu.memory_space<vmem_shared>>) dst(%dma_wait3A_74 : memref<16x128xf32, #tpu.memory_space<hbm>>)
        tpu.yield
      }) : () -> ()
    } else {
    }
    return
  }
}

module attributes {stable_mosaic.version = 14 : i64} {
  func.func @_mm_body(%arg0: i32, %arg1: memref<2000x128xf32, #tpu.memory_space<vmem>>, %arg2: memref<2000x1xf32, #tpu.memory_space<vmem>>, %arg3: memref<128x128xf32, #tpu.memory_space<vmem>>, %arg4: memref<2000x128xf32, #tpu.memory_space<vmem>>) attributes {dimension_semantics = [#tpu.dimension_semantics<arbitrary>], iteration_bounds = array<i64: 5>, scalar_prefetch = 0 : i64, scratch_operands = 0 : i64, tpu.core_type = #tpu.core_type<tc>, window_params = [{transform_indices = @transform_0, window_bounds = array<i64: 2000, 128>}, {transform_indices = @transform_1, window_bounds = array<i64: 2000, 1>}, {pipeline_mode = #tpu.pipeline_mode<synchronous>, transform_indices = @transform_2, window_bounds = array<i64: 128, 128>}, {transform_indices = @transform_3, window_bounds = array<i64: 2000, 128>}]} {
    %get3A = arith.constant 0 : index
    %get3A_0 = arith.constant 0 : index
    %get3A_1 = vector.load %arg1[%get3A, %get3A_0] : memref<2000x128xf32, #tpu.memory_space<vmem>>, vector<2000x128xf32>
    %get3A_2 = arith.constant 0 : index
    %get3A_3 = arith.constant 0 : index
    %get3A_4 = vector.load %arg2[%get3A_2, %get3A_3] : memref<2000x1xf32, #tpu.memory_space<vmem>>, vector<2000x1xf32>
    %mul3A = vector.broadcast %get3A_4 : vector<2000x1xf32> to vector<2000x128xf32>
    %mul3A_5 = arith.mulf %get3A_1, %mul3A : vector<2000x128xf32>
    %get3A_6 = arith.constant 0 : index
    %get3A_7 = arith.constant 0 : index
    %get3A_8 = vector.load %arg3[%get3A_6, %get3A_7] : memref<128x128xf32, #tpu.memory_space<vmem>>, vector<128x128xf32>
    %dot_general3A = arith.constant dense<0.000000e+00> : vector<2000x128xf32>
    %dot_general3A_9 = tpu.matmul %mul3A_5, %get3A_8, %dot_general3A {dimension_numbers = #tpu.dot_dimension_numbers<[1], [0], [0], [1], [0, 0, 1, 1], [], []>, transpose_lhs_hint = false} : vector<2000x128xf32>, vector<128x128xf32>, vector<2000x128xf32> -> vector<2000x128xf32>
    %swap3A = arith.constant 0 : index
    %swap3A_10 = arith.constant 0 : index
    %swap3A_11 = vector.load %arg4[%swap3A, %swap3A_10] : memref<2000x128xf32, #tpu.memory_space<vmem>>, vector<2000x128xf32>
    tpu.vector_store %arg4[%swap3A, %swap3A_10], %dot_general3A_9 {strides = array<i32>} : memref<2000x128xf32, #tpu.memory_space<vmem>>, vector<2000x128xf32>,
    return
  }
  func.func @transform_0(%arg0: i32) -> (i32, i32) {
    %c0_i32 = arith.constant 0 : i32
    %c0_i32_0 = arith.constant 0 : i32
    return %arg0, %c0_i32 : i32, i32
  }
  func.func @transform_1(%arg0: i32) -> (i32, i32) {
    %c0_i32 = arith.constant 0 : i32
    %c0_i32_0 = arith.constant 0 : i32
    return %arg0, %c0_i32 : i32, i32
  }
  func.func @transform_2(%arg0: i32) -> (i32, i32) {
    %c0_i32 = arith.constant 0 : i32
    %c0_i32_0 = arith.constant 0 : i32
    %c0_i32_1 = arith.constant 0 : i32
    return %c0_i32, %c0_i32_0 : i32, i32
  }
  func.func @transform_3(%arg0: i32) -> (i32, i32) {
    %c0_i32 = arith.constant 0 : i32
    %c0_i32_0 = arith.constant 0 : i32
    return %arg0, %c0_i32 : i32, i32
  }
}

module attributes {stable_mosaic.version = 14 : i64} {
  func.func @_comb_body(%arg0: i32, %arg1: memref<2x2000x128xf32, #tpu.memory_space<vmem>>, %arg2: memref<2000x128xf32, #tpu.memory_space<vmem>>, %arg3: memref<2000x1xf32, #tpu.memory_space<vmem>>, %arg4: memref<2000x128xf32, #tpu.memory_space<vmem>>) attributes {dimension_semantics = [#tpu.dimension_semantics<arbitrary>], iteration_bounds = array<i64: 5>, scalar_prefetch = 0 : i64, scratch_operands = 0 : i64, tpu.core_type = #tpu.core_type<tc>, window_params = [{transform_indices = @transform_0, window_bounds = array<i64: 2, 2000, 128>}, {transform_indices = @transform_1, window_bounds = array<i64: 2000, 128>}, {transform_indices = @transform_2, window_bounds = array<i64: 2000, 1>}, {transform_indices = @transform_3, window_bounds = array<i64: 2000, 128>}]} {
    %get3A = arith.constant 0 : index
    %get3A_0 = arith.constant 0 : index
    %get3A_1 = vector.load %arg3[%get3A, %get3A_0] : memref<2000x1xf32, #tpu.memory_space<vmem>>, vector<2000x1xf32>
    %get3A_2 = arith.constant 0 : index
    %get3A_3 = arith.constant 0 : index
    %get3A_4 = arith.constant 0 : index
    %get3A_5 = vector.load %arg1[%get3A_2, %get3A_3, %get3A_4] : memref<2x2000x128xf32, #tpu.memory_space<vmem>>, vector<1x2000x128xf32>
    %get3A_6 = vector.shape_cast %get3A_5 : vector<1x2000x128xf32> to vector<2000x128xf32>
    %get3A_7 = arith.constant 1 : index
    %get3A_8 = arith.constant 0 : index
    %get3A_9 = arith.constant 0 : index
    %get3A_10 = vector.load %arg1[%get3A_7, %get3A_8, %get3A_9] : memref<2x2000x128xf32, #tpu.memory_space<vmem>>, vector<1x2000x128xf32>
    %get3A_11 = vector.shape_cast %get3A_10 : vector<1x2000x128xf32> to vector<2000x128xf32>
    %add3A = arith.addf %get3A_6, %get3A_11 : vector<2000x128xf32>
    %get3A_12 = arith.constant 0 : index
    %get3A_13 = arith.constant 0 : index
    %get3A_14 = vector.load %arg2[%get3A_12, %get3A_13] : memref<2000x128xf32, #tpu.memory_space<vmem>>, vector<2000x128xf32>
    %add3A_15 = arith.addf %add3A, %get3A_14 : vector<2000x128xf32>
    %mul3A = vector.broadcast %get3A_1 : vector<2000x1xf32> to vector<2000x128xf32>
    %mul3A_16 = arith.mulf %mul3A, %add3A_15 : vector<2000x128xf32>
    %swap3A = arith.constant 0 : index
    %swap3A_17 = arith.constant 0 : index
    %swap3A_18 = vector.load %arg4[%swap3A, %swap3A_17] : memref<2000x128xf32, #tpu.memory_space<vmem>>, vector<2000x128xf32>
    tpu.vector_store %arg4[%swap3A, %swap3A_17], %mul3A_16 {strides = array<i32>} : memref<2000x128xf32, #tpu.memory_space<vmem>>, vector<2000x128xf32>,
    return
  }
  func.func @transform_0(%arg0: i32) -> (i32, i32, i32) {
    %c0_i32 = arith.constant 0 : i32
    %c0_i32_0 = arith.constant 0 : i32
    %c0_i32_1 = arith.constant 0 : i32
    return %c0_i32, %arg0, %c0_i32_0 : i32, i32, i32
  }
  func.func @transform_1(%arg0: i32) -> (i32, i32) {
    %c0_i32 = arith.constant 0 : i32
    %c0_i32_0 = arith.constant 0 : i32
    return %arg0, %c0_i32 : i32, i32
  }
  func.func @transform_2(%arg0: i32) -> (i32, i32) {
    %c0_i32 = arith.constant 0 : i32
    %c0_i32_0 = arith.constant 0 : i32
    return %arg0, %c0_i32 : i32, i32
  }
  func.func @transform_3(%arg0: i32) -> (i32, i32) {
    %c0_i32 = arith.constant 0 : i32
    %c0_i32_0 = arith.constant 0 : i32
    return %arg0, %c0_i32 : i32, i32
  }
}

module attributes {stable_mosaic.version = 14 : i64} {
  func.func @_final_body(%arg0: i32, %arg1: memref<2x2000x128xf32, #tpu.memory_space<vmem>>, %arg2: memref<2000x128xf32, #tpu.memory_space<vmem>>, %arg3: memref<2000x1xf32, #tpu.memory_space<vmem>>, %arg4: memref<1x128xf32, #tpu.memory_space<vmem>>, %arg5: memref<2000x128xf32, #tpu.memory_space<vmem>>) attributes {dimension_semantics = [#tpu.dimension_semantics<arbitrary>], iteration_bounds = array<i64: 5>, scalar_prefetch = 0 : i64, scratch_operands = 0 : i64, tpu.core_type = #tpu.core_type<tc>, window_params = [{transform_indices = @transform_0, window_bounds = array<i64: 2, 2000, 128>}, {transform_indices = @transform_1, window_bounds = array<i64: 2000, 128>}, {transform_indices = @transform_2, window_bounds = array<i64: 2000, 1>}, {pipeline_mode = #tpu.pipeline_mode<synchronous>, transform_indices = @transform_3, window_bounds = array<i64: 1, 128>}, {transform_indices = @transform_4, window_bounds = array<i64: 2000, 128>}]} {
    %get3A = arith.constant 0 : index
    %get3A_0 = arith.constant 0 : index
    %get3A_1 = vector.load %arg3[%get3A, %get3A_0] : memref<2000x1xf32, #tpu.memory_space<vmem>>, vector<2000x1xf32>
    %get3A_2 = arith.constant 0 : index
    %get3A_3 = arith.constant 0 : index
    %get3A_4 = arith.constant 0 : index
    %get3A_5 = vector.load %arg1[%get3A_2, %get3A_3, %get3A_4] : memref<2x2000x128xf32, #tpu.memory_space<vmem>>, vector<1x2000x128xf32>
    %get3A_6 = vector.shape_cast %get3A_5 : vector<1x2000x128xf32> to vector<2000x128xf32>
    %get3A_7 = arith.constant 1 : index
    %get3A_8 = arith.constant 0 : index
    %get3A_9 = arith.constant 0 : index
    %get3A_10 = vector.load %arg1[%get3A_7, %get3A_8, %get3A_9] : memref<2x2000x128xf32, #tpu.memory_space<vmem>>, vector<1x2000x128xf32>
    %get3A_11 = vector.shape_cast %get3A_10 : vector<1x2000x128xf32> to vector<2000x128xf32>
    %add3A = arith.addf %get3A_6, %get3A_11 : vector<2000x128xf32>
    %get3A_12 = arith.constant 0 : index
    %get3A_13 = arith.constant 0 : index
    %get3A_14 = vector.load %arg2[%get3A_12, %get3A_13] : memref<2000x128xf32, #tpu.memory_space<vmem>>, vector<2000x128xf32>
    %add3A_15 = arith.addf %add3A, %get3A_14 : vector<2000x128xf32>
    %mul3A = vector.broadcast %get3A_1 : vector<2000x1xf32> to vector<2000x128xf32>
    %mul3A_16 = arith.mulf %mul3A, %add3A_15 : vector<2000x128xf32>
    %get3A_17 = arith.constant 0 : index
    %get3A_18 = arith.constant 0 : index
    %get3A_19 = vector.load %arg4[%get3A_17, %get3A_18] : memref<1x128xf32, #tpu.memory_space<vmem>>, vector<1x128xf32>
    %add3A_20 = vector.broadcast %get3A_19 : vector<1x128xf32> to vector<2000x128xf32>
    %add3A_21 = arith.addf %mul3A_16, %add3A_20 : vector<2000x128xf32>
    %logistic3A = arith.negf %add3A_21 : vector<2000x128xf32>
    %logistic3A_22 = math.exp %logistic3A : vector<2000x128xf32>
    %logistic3A_23 = arith.constant 1.000000e+00 : f32
    %logistic3A_24 = vector.broadcast %logistic3A_23 : f32 to vector<2000x128xf32>
    %logistic3A_25 = arith.addf %logistic3A_24, %logistic3A_22 : vector<2000x128xf32>
    %logistic3A_26 = arith.divf %logistic3A_24, %logistic3A_25 : vector<2000x128xf32>
    %swap3A = arith.constant 0 : index
    %swap3A_27 = arith.constant 0 : index
    %swap3A_28 = vector.load %arg5[%swap3A, %swap3A_27] : memref<2000x128xf32, #tpu.memory_space<vmem>>, vector<2000x128xf32>
    tpu.vector_store %arg5[%swap3A, %swap3A_27], %logistic3A_26 {strides = array<i32>} : memref<2000x128xf32, #tpu.memory_space<vmem>>, vector<2000x128xf32>,
    return
  }
  func.func @transform_0(%arg0: i32) -> (i32, i32, i32) {
    %c0_i32 = arith.constant 0 : i32
    %c0_i32_0 = arith.constant 0 : i32
    %c0_i32_1 = arith.constant 0 : i32
    return %c0_i32, %arg0, %c0_i32_0 : i32, i32, i32
  }
  func.func @transform_1(%arg0: i32) -> (i32, i32) {
    %c0_i32 = arith.constant 0 : i32
    %c0_i32_0 = arith.constant 0 : i32
    return %arg0, %c0_i32 : i32, i32
  }
  func.func @transform_2(%arg0: i32) -> (i32, i32) {
    %c0_i32 = arith.constant 0 : i32
    %c0_i32_0 = arith.constant 0 : i32
    return %arg0, %c0_i32 : i32, i32
  }
  func.func @transform_3(%arg0: i32) -> (i32, i32) {
    %c0_i32 = arith.constant 0 : i32
    %c0_i32_0 = arith.constant 0 : i32
    %c0_i32_1 = arith.constant 0 : i32
    return %c0_i32, %c0_i32_0 : i32, i32
  }
  func.func @transform_4(%arg0: i32) -> (i32, i32) {
    %c0_i32 = arith.constant 0 : i32
    %c0_i32_0 = arith.constant 0 : i32
    return %arg0, %c0_i32 : i32, i32
  }
}

</mosaic_0001>

<sc_bundles>
// kernel: kernel.11.cloned.1.call-start
scs
__scs_entry_jumppad:
0x0: {  	(pc) =	sbr.rel $0x88, $3  }
0x1: {  	(tag) =	ssettag $0x0;
	lr =	simm.s32 $0x1  }
0x2: {  	[smem:$0x3F9D] =	sst lr;
	_ =	strace $0xD0000000  }
0x3: {  	_ = 	snop  }
0x4: {  	_ = 	snop  }
0x5: {  	_ = 	snop  }
0x6: {  	_ = 	snop  }
0x7: {  	_ = 	snop  }
__scs_overlays_trampoline_lowered:
0x8: {  	[smem:$0x3FAC] =	sst s0  }
0x9: {  	[smem:$0x3FAD] =	sst s1  }
0xa: {  	[smem:$0x3FAE] =	sst s2  }
0xb: {  	[smem:$0x3FAF] =	sst s3  }
0xc: {  	[smem:$0x3FB0] =	sst s4  }
0xd: {  	[smem:$0x3FB1] =	sst s5  }
0xe: {  	[smem:$0x3FB2] =	sst s6  }
0xf: {  	[smem:$0x3FB3] =	sst s7  }
0x10: {  	[smem:$0x3FB4] =	sst s8  }
0x11: {  	[smem:$0x3FB5] =	sst s9;
	s0 =	simm.s32 @!p0 $0x0  }
0x12: {  	s1 =	sld [smem:$0x3F9B];
	s0 =	simm.s32 @p0 $0x1  }
0x13: {  	[smem:$0x3FB6] =	sst s0;
	s0 =	simm.s32 @!p1 $0x0  }
0x14: {  	s2 =	sld [smem:$0x3F9A];
	s0 =	simm.s32 @p1 $0x1  }
0x15: {  	[smem:$0x3FB7] =	sst s0;
	s0 =	simm.s32 @!p2 $0x0  }
0x16: {  	s3 =	sld [smem:$0x3FDB];
	s0 =	simm.s32 @p2 $0x1  }
0x17: {  	s4 =	simm.s32 $0x1BF5;
	[smem:$0x3FB9] =	sst s0  }
0x18: {  	s0 =	sld [smem:$0x3F9C];
	_ =	swait.ge [sflag:s4], $0x0  }
0x19: {  	s7 =	sld [smem:$0x3F9D]  }
0x1a: {  	s8 =	sadd.s32 $0xFFFFE003, lr  }
0x1b: {  	s9 =	sadd.s32 $0xFFFFFEF7, lr;
	s5 =	simm.s32 $0xFFFFFFFF;
	p2 =	slt.u32 s8, $0xFFFFF086  }
0x1c: {  	p1 =	slt.u32 s9, $0xF7A;
	s5 =	simm.s32 @!p2 $0x0  }
0x1d: {  	s5 =	simm.s32 @p1 $0x1;
	p0 =	seq.s32 s7, s2  }
0x1e: {  	s7 =	smul.u32 @!p0 $0xF7A, s2;
	p2 =	seq.s32 @!p0 s5, $0x0  }
0x1f: {  	s9 =	smul.u32 $0xF7A, s1;
	s8 =	simm.s32 @!p0 $0x1BF5;
	p2 =	por !p2, p0  }
0x20: {  	[sflag:s8] =	ssyncset.s32 @!p0 $0xFFFFF086;
	s6 =	sadd.s32 @!p0 s3, s7;
	s7 =	simm.s32 @!p0 $0x108  }
0x21: {  	s3 =	sadd.s32 s3, s9;
	s6 =	sadd.s32 @!p0 $0x88, s6;
	s7 =	simm.s32 @p2 $0x1082  }
0x22: {  	[simem:s7], [sflag:s8] =	dma.local @!p0 [hbm:s6], $0xF7A  }
0x23: {  	s9 =	sor.u32 $0xD0000000, s2;
	s6 =	simm.s32 $0x108;
	_ =	swait.ge @!p0 [sflag:s8], $0x0  }
0x24: {  	s3 =	sadd.s32 $0x88, s3;
	s6 =	simm.s32 @!p1 $0x1082;
	[sflag:s4] =	ssyncset.s32 $0xFFFFF086  }
0x25: {  	[simem:s6], [sflag:s4] =	dma.local [hbm:s3], $0xF7A  }
0x26: {  	[smem:$0x3F9D] =	sst s1;
	(tag) =	ssettag s2;
	_ =	strace s9  }
0x27: {  	s1 =	sld [smem:$0x3FAD]  }
0x28: {  	s2 =	sld [smem:$0x3FAE]  }
0x29: {  	s4 =	sld [smem:$0x3FB0]  }
0x2a: {  	p0 =	seq.s32 s5, $0x0;
	s5 =	sld [smem:$0x3FB1]  }
0x2b: {  	s6 =	sld [smem:$0x3FB2]  }
0x2c: {  	s7 =	sld [smem:$0x3FB3]  }
0x2d: {  	s3 =	simm.s32 $0x108;
	s8 =	sld [smem:$0x3FB4]  }
0x2e: {  	s3 =	simm.s32 @!p0 $0x1082;
	s9 =	sld [smem:$0x3FB5]  }
0x2f: {  	lr =	sadd.s32 s0, s3;
	s0 =	sld [smem:$0x3FAC]  }
0x30: {  	s3 =	sld [smem:$0x3FAF]  }
0x31: {  	[smem:$0x3FB8] =	sst s10  }
0x32: {  	s10 =	sld [smem:$0x3FB6];
	_ =	sdelay $0x3  }
0x33: {  	p0 =	seq.s32 s10, $0x1;
	s10 =	sld [smem:$0x3FB8];
	_ =	sdelay $0x3  }
0x34: {  	[smem:$0x3FB8] =	sst s10  }
0x35: {  	s10 =	sld [smem:$0x3FB7];
	_ =	sdelay $0x3  }
0x36: {  	p1 =	seq.s32 s10, $0x1;
	s10 =	sld [smem:$0x3FB8];
	_ =	sdelay $0x3  }
0x37: {  	[smem:$0x3FB8] =	sst s10  }
0x38: {  	s10 =	sld [smem:$0x3FB9]  }
0x39: {  	_ = 	snop;
	(pc) =	sbr.ind lr, $3  }
0x3a: {  	_ = 	snop  }
0x3b: {  	_ = 	snop  }
0x3c: {  	p2 =	seq.s32 s10, $0x1;
	s10 =	sld [smem:$0x3FB8]  }
0x3d: {  	_ =	shalt  }
0x3e: {  	_ =	shalt  }
0x3f: {  	_ =	shalt  }
0x40: {  	_ =	shalt  }
0x41: {  	_ =	shalt  }
0x42: {  	_ =	shalt  }
0x43: {  	_ =	shalt  }
0x44: {  	_ =	shalt  }
0x45: {  	_ =	shalt  }
0x46: {  	_ =	shalt  }
0x47: {  	_ =	shalt  }
0x48: {  	_ =	shalt  }
0x49: {  	_ =	shalt  }
0x4a: {  	_ =	shalt  }
0x4b: {  	_ =	shalt  }
0x4c: {  	_ =	shalt  }
0x4d: {  	_ =	shalt  }
0x4e: {  	_ =	shalt  }
0x4f: {  	_ =	shalt  }
0x50: {  	_ =	shalt  }
0x51: {  	_ =	shalt  }
0x52: {  	_ =	shalt  }
0x53: {  	_ =	shalt  }
0x54: {  	_ =	shalt  }
0x55: {  	_ =	shalt  }
0x56: {  	_ =	shalt  }
0x57: {  	_ =	shalt  }
0x58: {  	_ =	shalt  }
0x59: {  	_ =	shalt  }
0x5a: {  	_ =	shalt  }
0x5b: {  	_ =	shalt  }
0x5c: {  	_ =	shalt  }
0x5d: {  	_ =	shalt  }
0x5e: {  	_ =	shalt  }
0x5f: {  	_ =	shalt  }
0x60: {  	_ =	shalt  }
0x61: {  	_ =	shalt  }
0x62: {  	_ =	shalt  }
0x63: {  	_ =	shalt  }
0x64: {  	_ =	shalt  }
0x65: {  	_ =	shalt  }
0x66: {  	_ =	shalt  }
0x67: {  	_ =	shalt  }
0x68: {  	_ =	shalt  }
0x69: {  	_ =	shalt  }
0x6a: {  	_ =	shalt  }
0x6b: {  	_ =	shalt  }
0x6c: {  	_ =	shalt  }
0x6d: {  	_ =	shalt  }
0x6e: {  	_ =	shalt  }
0x6f: {  	_ =	shalt  }
0x70: {  	_ =	shalt  }
0x71: {  	_ =	shalt  }
0x72: {  	_ =	shalt  }
0x73: {  	_ =	shalt  }
0x74: {  	_ =	shalt  }
0x75: {  	_ =	shalt  }
0x76: {  	_ =	shalt  }
0x77: {  	_ =	shalt  }
0x78: {  	_ =	shalt  }
0x79: {  	_ =	shalt  }
0x7a: {  	_ =	shalt  }
0x7b: {  	_ =	shalt  }
0x7c: {  	_ =	shalt  }
0x7d: {  	_ =	shalt  }
0x7e: {  	_ =	shalt  }
0x7f: {  	_ =	shalt  }
0x80: {  	_ =	shalt  }
0x81: {  	_ =	shalt  }
0x82: {  	_ =	shalt  }
0x83: {  	_ =	shalt  }
0x84: {  	_ =	shalt  }
0x85: {  	_ =	shalt  }
0x86: {  	_ =	shalt  }
0x87: {  	_ =	shalt  }
.Lfunc_end0:
.L_simem_size_0:
called_computation.1_lowered:
.L_overlay_start_0:
0x88: {  	s2 =	sld [smem:$0x3FD9]  }
0x89: {  	s3 =	sld [smem:$0x3FFE];
	_ =	sdelay $0x1  }
0x8a: {  	s1 =	srdreg.scid  }
0x8b: {  	s0 =	sand.u32 $0x1, s1  }
0x8c: {  	s17 =	sshll.u32 s0, $0xA;
	s2 =	sadd.s32 s3, s2  }
0x8d: {  	s2 =	sadd.s32 s2, s17  }
0x8e: {  	[smem:$0x3FC4] =	sst s2  }
0x8f: {  	_ = 	snop  }
0x90: {  	s2 =	sld [smem:$0x3FD0];
	(tm) =	ssettm $0x1  }
0x91: {  	s18 =	sld [smem:$0x3FFB];
	_ =	sdelay $0x3  }
0x92: {  	_ =	strace s18  }
0x93: {  	s3 =	sld [smem:$0x3FFC];
	_ =	sdelay $0x3  }
0x94: {  	_ =	strace s3  }
0x95: {  	s3 =	sld [smem:$0x3FFD];
	_ =	sdelay $0x3  }
0x96: {  	_ =	strace s3  }
0x97: {  	_ =	strace $0x8FFFFFFF  }
0x98: {  	s19 =	sld [smem:$0x3FDB];
	_ =	sdelay $0x1  }
0x99: {  	s4 =	simm.s32 $_scs_section_size  }
0x9a: {  	s5 =	simm.s32 $_size__tile_overlayer_lowered;
	s6 =	simm.s32 $_tile_overlayer_lowered  }
0x9b: {  	s22 =	simm.s32 $0x1BFF;
	s21 =	sshll.u32 s6, $0x1;
	s3 =	sadd.s32 s4, s19  }
0x9c: {  	s7 =	simm.s32 $0x0;
	s20 =	sshll.u32 s5, $0x1;
	s5 =	sadd.s32 s21, s3  }
0x9d: {  	[timem:s7], [sflag:s22] =	dma.local [hbm:s5], s20  }
0x9e: {  	_ =	swait.ge [sflag:s22], s20  }
0x9f: {  	s4 =	ssub.s32 $0x0, s20;
	[sflag:s22] =	ssyncset.done $0x0  }
0xa0: {  	[sflag:s22] =	ssyncadd.s32 s4;
	_ =	sdelay $0x1  }
0xa1: {  	s23 =	simm.s32 $0x1B8B  }
0xa2: {  	_ =	swait.ge [sflag:s23], $0x1  }
0xa3: {  	[sflag:s23] =	ssyncset.done $0x0  }
0xa4: {  	s25 =	simm.s32 $0x1B8E;
	s24 =	sld [smem:$0x3FFE];
	[sflag:s23] =	ssyncadd.s32 $0xFFFFFFFF  }
0xa5: {  	s26 =	simm.s32 $execute0_lowered;
	[smem:$0x3FD2] =	sst s25  }
0xa6: {  	s5 =	sshll.u32 s26, $0x1;
	_ =	strace $0x80000049;
	[dreg:$0x1] =	wrdreg $0xFFFFFFFF  }
0xa7: {  	s28 =	simm.s32 $_size_execute0_lowered;
	s3 =	sadd.s32 s3, s5;
	[dreg:$0x0] =	wrdreg $0x0  }
0xa8: {  	s5 =	sshll.u32 s28, $0x1;
	[dreg:$0x2] =	wrdreg s3  }
0xa9: {  	[dreg:$0x3] =	wrdreg s5  }
0xaa: {  	[dreg:$0x4] =	wrdreg $0xC0  }
0xab: {  	_ =	task [dreg:s7], $0x5FFFF  }
0xac: {  	[dreg:$0x1] =	wrdreg $0xFFFFFFFF  }
0xad: {  	[dreg:$0x0] =	wrdreg $0x60  }
0xae: {  	[dreg:$0x2] =	wrdreg s2  }
0xaf: {  	[dreg:$0x3] =	wrdreg s24  }
0xb0: {  	[dreg:$0x4] =	wrdreg $0x0  }
0xb1: {  	[dreg:$0x5] =	wrdreg $0x9  }
0xb2: {  	_ =	task.clear_ibuf [dreg:s7], $0x6FFFF;
	_ =	strace $0x90000049  }
0xb3: {  	s29 =	simm.s32 $0x9;
	_ =	strace $0x8000004B  }
0xb4: {  	_ =	swait.ge [sflag:s29], $0x1  }
0xb5: {  	[sflag:s29] =	ssyncadd.s32 $0xFFFFFFFF  }
0xb6: {  	_ =	strace $0x9000004B  }
0xb7: {  	_ =	sfence  }
0xb8: {  	s30 =	sld [smem:$0x0];
	_ =	sdelay $0x2  }
0xb9: {  	s31 =	sshll.u32 s1, $0xD;
	s1 =	sshrl.u32 s1, $0x2  }
0xba: {  	s3 =	sand.u32 $0x4000, s31;
	s1 =	sadd.s32 s1, s30  }
0xbb: {  	s0 =	sor.u32 s3, s0;
	s1 =	sshll.u32 s1, $0x11  }
0xbc: {  	s0 =	sor.u32 s1, s0  }
0xbd: {  	s0 =	sadd.s32 $0x8F2B, s0  }
0xbe: {  	[sflag:s0] =	ssyncadd.remote.s32 $0x1  }
0xbf: {  	_ =	sfence.sel $0xFFFF  }
0xc0: {  	[dreg:$0x0] =	wrdreg $0xFFFFFFFF;
	(pc) =	sbr.abs _section_cstart, $3  }
0xc1: {  	[dreg:$0x1] =	wrdreg $0xFFFFFFFF  }
0xc2: {  	_ =	task.clear_ibuf [dreg:s7], $0x2FFFF;
	_ =	strace $0x9FFFFFFF  }
0xc3: {  	(tm) =	ssettm $0x7FFFFFFF  }
tec
execute0_lowered:
.L_overlay_start_1:
0x0: {  	(tag) =	ssettag $0x1  }
0x1: {  	s1 =	rddreg [dreg:$0x0]  }
0x2: {  	s4 =	rddreg [dreg:$0x1]  }
0x3: {  	s2 =	rddreg [dreg:$0x2]  }
0x4: {  	s3 =	simm.s32 $0x0;
	s0 =	srdreg.scid;
	s8 =	stileid.u32  }
0x5: {  	s11 =	simm.s32 $0x13980;
	s24 =	simm.s32 $0x13A00;
	s13 =	simm.s32 $0x14180  }
0x6: {  	s25 =	simm.s32 $0x13A80;
	s26 =	simm.s32 $0x14200;
	s31 =	simm.s32 $0x13B00  }
0x7: {  	s19 =	simm.s32 $0x14300;
	s28 =	simm.s32 $0x2;
	[smem:$0x7FF] =	sst s3  }
0x8: {  	s29 =	simm.s32 $0x3;
	_ =	strace $0x8000004A;
	[dreg:$0x4] =	wrdreg s11  }
0x9: {  	s30 =	simm.s32 $0x0;
	s16 =	sand.u32 $0x1, s0;
	[dreg:$0x5] =	wrdreg s24  }
0xa: {  	s5 =	smul.u32 $0x4E000, s8;
	s17 =	sadd.s32 $0xC400, s4;
	[dreg:$0x6] =	wrdreg s13  }
0xb: {  	s0 =	sadd.s32 $0x2400, s4;
	s4 =	sadd.s32 $0x16400, s4;
	[dreg:$0x7] =	wrdreg s25  }
0xc: {  	s20 =	sshll.u32 s8, $0x1;
	s18 =	smul.u32 $0x13800, s8;
	[dreg:$0x8] =	wrdreg s26  }
0xd: {  	p0 =	sne.s32 s8, $0x0;
	s6 =	ssub.s32 $0x2, s16;
	[dreg:$0x9] =	wrdreg s31  }
0xe: {  	s10 =	sor.u32 s16, s20;
	s14 =	smul.u32 $0x138800, s16;
	[dreg:$0xc] =	wrdreg s19  }
0xf: {  	s19 =	simm.s32 $0x13C00;
	s20 =	simm.s32 $0x14380;
	s24 =	smul.u32 $0xA00, s8  }
0x10: {  	s25 =	simm.s32 $0x13D80;
	s26 =	smul.u32 $0x500, s16;
	[dreg:$0xd] =	wrdreg s19  }
0x11: {  	s31 =	simm.s32 $0x13E00;
	s7 =	sshrl.u32 s6, $0x1;
	[dreg:$0xe] =	wrdreg s20  }
0x12: {  	s5 =	sshrl.u32 s5, $0x2;
	s12 =	smul.u32 $0x500, s10;
	[dreg:$0x12] =	wrdreg s25  }
0x13: {  	s10 =	sadd.s32 $0x138000, s2;
	[dreg:$0x13] =	wrdreg s31;
	s19 =	simm.s32 $0x13F00  }
0x14: {  	s20 =	simm.s32 $0x14680;
	s25 =	simm.s32 $0x14080;
	s31 =	simm.s32 $0x14880  }
0x15: {  	s15 =	ssub.s32 s6, s7;
	s5 =	sadd.s32 s5, s2;
	[dreg:$0x17] =	wrdreg s19  }
0x16: {  	s6 =	simm.s32 $0x14280;
	s18 =	sadd.s32 s18, s14;
	[dreg:$0x18] =	wrdreg s20  }
0x17: {  	s7 =	simm.s32 $0x13B80;
	s14 =	sshrl.u32 s14, $0x3;
	[dreg:$0x1d] =	wrdreg s25  }
0x18: {  	s19 =	simm.s32 $0x4;
	[dreg:$0x1f] =	wrdreg s31;
	s25 =	simm.s32 $0x80  }
0x19: {  	s21 =	sadd.s32 $0x4000, s5;
	s22 =	sadd.s32 $0x8000, s5;
	[dreg:$0xa] =	wrdreg s6  }
0x1a: {  	s23 =	sadd.s32 $0xC000, s5;
	s9 =	sadd.s32 $0x10000, s5;
	[dreg:$0xb] =	wrdreg s7  }
0x1b: {  	s11 =	sadd.s32 s17, s12;
	s12 =	sadd.s32 s0, s12;
	[smem:$0x7FB] =	sst s21  }
0x1c: {  	s18 =	sshrl.u32 s18, $0x3;
	s15 =	smax.u32 s15, $0x1;
	[smem:$0x7FC] =	sst s22  }
0x1d: {  	s6 =	sadd.s32 s24, s17;
	s7 =	simm.s32 $0x14580;
	[smem:$0x7FD] =	sst s23  }
0x1e: {  	s17 =	simm.s32 $0x13E80;
	s0 =	sadd.s32 s24, s0;
	[dreg:$0x14] =	wrdreg s7  }
0x1f: {  	s24 =	simm.s32 $0x14780;
	s13 =	sadd.s32 s4, s18;
	[dreg:$0x15] =	wrdreg s17  }
0x20: {  	s4 =	sadd.s32 s4, s14;
	s21 =	simm.s32 $0x13C80;
	[dreg:$0x1c] =	wrdreg s24  }
0x21: {  	s22 =	simm.s32 $0x14400;
	s23 =	simm.s32 $0x14480;
	[dreg:$0xf] =	wrdreg s21  }
0x22: {  	s16 =	sadd.s32 s26, s6;
	s18 =	simm.s32 $0x14600;
	[dreg:$0x10] =	wrdreg s22  }
0x23: {  	s17 =	sadd.s32 s26, s0;
	s26 =	simm.s32 $0x14800;
	[dreg:$0x11] =	wrdreg s23  }
0x24: {  	s24 =	simm.s32 $0x14500;
	s14 =	sadd.s32 $0x27000, s4;
	[dreg:$0x16] =	wrdreg s18  }
0x25: {  	s18 =	simm.s32 $0x14900;
	s21 =	simm.s32 $0x13F80;
	[dreg:$0x1e] =	wrdreg s26  }
0x26: {  	s22 =	simm.s32 $0x14700;
	s23 =	simm.s32 $0x14000;
	[dreg:$0x19] =	wrdreg s21  }
0x27: {  	s26 =	simm.s32 $0x18900;
	[dreg:$0x1a] =	wrdreg s22;
	s21 =	simm.s32 $0x14100  }
0x28: {  	v0 =	vimm.f32 $0.0e+00;
	[dreg:$0x1b] =	wrdreg s23;
	s22 =	simm.s32 $0x1;
	s23 =	simm.s32 $0x13D00  }
.LBB2_1:
0x29: {  	s0 =	simm.s32 $0x0;
	s20 =	simm.s32 $0x200  }
.LBB2_2:
0x2a: {  	p1 =	sne.s32 s20, $0xFE00;
	[tilespmem:s0+$0x14970] =	vst v0  }
0x2b: {  	[tilespmem:s0+$0x14900] =	vst v0  }
0x2c: {  	[tilespmem:s0+$0x14910] =	vst v0  }
.Ltmp0:
0x2d: {  	[tilespmem:s0+$0x14920] =	vst v0;
	(pc) =	sbr.rel @p1 .LBB2_2-.Ltmp0, $4  }
0x2e: {  	[tilespmem:s0+$0x14930] =	vst v0  }
0x2f: {  	[tilespmem:s0+$0x14940] =	vst v0  }
0x30: {  	[tilespmem:s0+$0x14950] =	vst v0  }
0x31: {  	[tilespmem:s0+$0x14960] =	vst v0;
	s0 =	sshra.s32 s20, $0x2;
	s20 =	sadd.s32 $0x200, s20  }
0x32: {  	[tilespmem:s0+$0x14970] =	vst v0  }
0x33: {  	[tilespmem:s0+$0x14900] =	vst v0  }
0x34: {  	[tilespmem:s0+$0x14910] =	vst v0  }
0x35: {  	[tilespmem:s0+$0x14920] =	vst v0  }
0x36: {  	[tilespmem:s0+$0x14930] =	vst v0  }
0x37: {  	[tilespmem:s0+$0x14940] =	vst v0  }
0x38: {  	[tilespmem:s0+$0x14950] =	vst v0  }
0x39: {  	[tilespmem:s0+$0x14960] =	vst v0  }
0x3a: {  	[spmem:s5] =	stream.linear.scatter [tilespmem:s18], [sflag:$0x4], $0x4000, $0x38;
	[tilespmem:$0x1C900] =	vst v63  }
0x3b: {  	_ =	swait.ge [sflag:s19], $0x4000  }
0x3c: {  	s7 =	sld [smem:$0x7FB]  }
0x3d: {  	[sflag:s19] =	ssyncset.done $0x0  }
0x3e: {  	[sflag:s19] =	ssyncadd.s32 $0xFFFFC000  }
0x3f: {  	[spmem:s7] =	stream.linear.scatter [tilespmem:s18], [sflag:$0x4], $0x4000, $0x38;
	[tilespmem:$0x1C900] =	vst v63  }
0x40: {  	_ =	swait.ge [sflag:s19], $0x4000  }
0x41: {  	s8 =	sld [smem:$0x7FC]  }
0x42: {  	[sflag:s19] =	ssyncset.done $0x0  }
0x43: {  	[sflag:s19] =	ssyncadd.s32 $0xFFFFC000  }
0x44: {  	[spmem:s8] =	stream.linear.scatter [tilespmem:s18], [sflag:$0x4], $0x4000, $0x38;
	[tilespmem:$0x1C900] =	vst v63  }
0x45: {  	_ =	swait.ge [sflag:s19], $0x4000  }
0x46: {  	s20 =	sld [smem:$0x7FD]  }
0x47: {  	[sflag:s19] =	ssyncset.done $0x0  }
0x48: {  	[sflag:s19] =	ssyncadd.s32 $0xFFFFC000  }
0x49: {  	[spmem:s20] =	stream.linear.scatter [tilespmem:s18], [sflag:$0x4], $0x4000, $0x38;
	[tilespmem:$0x1C900] =	vst v63  }
0x4a: {  	_ =	swait.ge [sflag:s19], $0x4000  }
0x4b: {  	[sflag:s19] =	ssyncset.done $0x0  }
0x4c: {  	[sflag:s19] =	ssyncadd.s32 $0xFFFFC000  }
0x4d: {  	[spmem:s9] =	stream.linear.scatter [tilespmem:s18], [sflag:$0x4], $0x3800, $0x38;
	[tilespmem:$0x1C900] =	vst v63  }
0x4e: {  	_ =	swait.ge [sflag:s19], $0x3800  }
0x4f: {  	[sflag:s19] =	ssyncset.done $0x0  }
0x50: {  	s0 =	simm.s32 @!p0 $0x14900;
	[sflag:s19] =	ssyncadd.s32 $0xFFFFC800  }
0x51: {  	[spmem:s10] =	stream.linear.scatter @!p0 [tilespmem:s0], [sflag:$0x4], $0x800, $0x38;
	[tilespmem:$0x1C900] =	vst v63  }
0x52: {  	s0 =	simm.s32 @!p0 $0x4  }
0x53: {  	_ =	swait.ge @!p0 [sflag:s0], $0x800  }
0x54: {  	[sflag:s0] =	ssyncset.done @!p0 $0x0  }
0x55: {  	[sflag:s0] =	ssyncadd.s32 @!p0 $0xFFFFF800  }
0x56: {  	s31 =	simm.s32 $0x0;
	s4 =	simm.s32 $0x13900;
	[bflag:$0x0] =	sbarrier.arrive $0xFFFF  }
0x57: {  	[tilespmem:s4], [sflag:$0x1] =	stream.linear.gather [hbm4b:s11+s31], $0x400, $0x38;
	[tilespmem:$0x1C900] =	vst v63  }
0x58: {  	_ = 	snop  }
0x59: {  	[tilespmem:s21], [sflag:$0x1] =	stream.linear.gather [hbm4b:s12+s31], $0x400, $0x38;
	[tilespmem:$0x1C900] =	vst v63  }
0x5a: {  	_ =	swait.ge [sflag:s22], $0x400  }
0x5b: {  	[sflag:s22] =	ssyncset.done $0x0  }
0x5c: {  	[sflag:s22] =	ssyncadd.s32 $0xFFFFFC00  }
0x5d: {  	_ =	swait.ge [sflag:s22], $0x400  }
0x5e: {  	s6 =	sadd.s32 $0x0, s16;
	p1 =	por $0x1, $0x1;
	[sflag:s22] =	ssyncset.done $0x0  }
0x5f: {  	s7 =	sadd.s32 $0x0, s17;
	s0 =	sadd.s32 $0x80, s6;
	[sflag:s22] =	ssyncadd.s32 $0xFFFFFC00  }
0x60: {  	[tilespmem:s23], [sflag:$0x1] =	stream.linear.gather [hbm4b:s0+s3], $0x400, $0x38;
	[tilespmem:$0x1C900] =	vst v63  }
0x61: {  	s20 =	simm.s32 @p1 $0x14900;
	s0 =	sadd.s32 $0x80, s7  }
0x62: {  	[tilespmem:s24], [sflag:$0x1] =	stream.linear.gather [hbm4b:s0+s3], $0x400, $0x38;
	[tilespmem:$0x1C900] =	vst v63  }
0x63: {  	s6 =	simm.s32 @!p1 $0x3;
	s4 =	simm.s32 @p1 $0x80;
	s0 =	simm.s32 @p1 $0x13900  }
0x64: {  	[tilespmem:s20], [sflag:$0x2] =	stream.indirect.gather @p1 [hbm4b:s1+s4], $0x80, s0, s4, $0xb8;
	[tilespmem:$0x1C900] =	vst v63  }
0x65: {  	_ =	swait.ge @!p1 [sflag:s6], $0x4000  }
0x66: {  	s0 =	simm.s32 @!p1 $0x14900;
	[sflag:s6] =	ssyncset.done @!p1 $0x0  }
0x67: {  	s4 =	simm.s32 @!p1 $0x80;
	s20 =	simm.s32 @!p1 $0x13900;
	[sflag:s6] =	ssyncadd.s32 @!p1 $0xFFFFC000  }
0x68: {  	[tilespmem:s0], [sflag:$0x2] =	stream.indirect.gather @!p1 [hbm4b:s1+s4], $0x80, s20, s4, $0xb8;
	[tilespmem:$0x1C900] =	vst v63  }
0x69: {  	_ =	swait.ge @!p1 [sflag:s6], $0x4000  }
0x6a: {  	[sflag:s6] =	ssyncset.done @!p1 $0x0  }
0x6b: {  	s8 =	rddreg [dreg:$0x4];
	[sflag:s6] =	ssyncadd.s32 @!p1 $0xFFFFC000  }
0x6c: {  	[tilespmem:s26], [sflag:$0x2] =	stream.indirect.gather [hbm4b:s1+s25], $0x80, s8, s25, $0xb8;
	[tilespmem:$0x1C900] =	vst v63  }
0x6d: {  	_ =	swait.ge [sflag:s28], $0x4000  }
0x6e: {  	[sflag:s28] =	ssyncset.done $0x0  }
0x6f: {  	[sflag:s28] =	ssyncadd.s32 $0xFFFFC000  }
0x70: {  	[spmem:s2] =	stream.indirect.scatter.add.f32 [tilespmem:s18], [sflag:$0x3], $0x80, s21, s25, $0xb8;
	[tilespmem:$0x1C900] =	vst v63  }
0x71: {  	_ =	swait.ge [sflag:s29], $0x4000  }
0x72: {  	[sflag:s29] =	ssyncset.done $0x0  }
0x73: {  	s20 =	rddreg [dreg:$0x5];
	[sflag:s29] =	ssyncadd.s32 $0xFFFFC000  }
0x74: {  	[tilespmem:s18], [sflag:$0x2] =	stream.indirect.gather [hbm4b:s1+s25], $0x80, s20, s25, $0xb8;
	[tilespmem:$0x1C900] =	vst v63  }
0x75: {  	_ =	swait.ge [sflag:s28], $0x4000  }
0x76: {  	[sflag:s28] =	ssyncset.done $0x0  }
0x77: {  	s4 =	rddreg [dreg:$0x6];
	[sflag:s28] =	ssyncadd.s32 $0xFFFFC000  }
0x78: {  	[spmem:s2] =	stream.indirect.scatter.add.f32 [tilespmem:s26], [sflag:$0x3], $0x80, s4, s25, $0xb8;
	[tilespmem:$0x1C900] =	vst v63  }
0x79: {  	_ =	swait.ge [sflag:s29], $0x4000  }
0x7a: {  	[sflag:s29] =	ssyncset.done $0x0  }
0x7b: {  	s6 =	rddreg [dreg:$0x7];
	[sflag:s29] =	ssyncadd.s32 $0xFFFFC000  }
0x7c: {  	[tilespmem:s26], [sflag:$0x2] =	stream.indirect.gather [hbm4b:s1+s25], $0x80, s6, s25, $0xb8;
	[tilespmem:$0x1C900] =	vst v63  }
0x7d: {  	_ =	swait.ge [sflag:s28], $0x4000  }
0x7e: {  	[sflag:s28] =	ssyncset.done $0x0  }
0x7f: {  	s7 =	rddreg [dreg:$0x8];
	[sflag:s28] =	ssyncadd.s32 $0xFFFFC000  }
0x80: {  	[spmem:s2] =	stream.indirect.scatter.add.f32 [tilespmem:s18], [sflag:$0x3], $0x80, s7, s25, $0xb8;
	[tilespmem:$0x1C900] =	vst v63  }
0x81: {  	_ =	swait.ge [sflag:s29], $0x4000  }
0x82: {  	[sflag:s29] =	ssyncset.done $0x0  }
0x83: {  	s8 =	rddreg [dreg:$0x9];
	[sflag:s29] =	ssyncadd.s32 $0xFFFFC000  }
0x84: {  	[tilespmem:s18], [sflag:$0x2] =	stream.indirect.gather [hbm4b:s1+s25], $0x80, s8, s25, $0xb8;
	[tilespmem:$0x1C900] =	vst v63  }
0x85: {  	_ =	swait.ge [sflag:s28], $0x4000  }
0x86: {  	[sflag:s28] =	ssyncset.done $0x0  }
0x87: {  	s20 =	rddreg [dreg:$0xa];
	[sflag:s28] =	ssyncadd.s32 $0xFFFFC000  }
0x88: {  	[spmem:s2] =	stream.indirect.scatter.add.f32 [tilespmem:s26], [sflag:$0x3], $0x80, s20, s25, $0xb8;
	[tilespmem:$0x1C900] =	vst v63  }
0x89: {  	_ =	swait.ge [sflag:s29], $0x4000  }
0x8a: {  	[sflag:s29] =	ssyncset.done $0x0  }
0x8b: {  	s4 =	rddreg [dreg:$0xb];
	[sflag:s29] =	ssyncadd.s32 $0xFFFFC000  }
0x8c: {  	[tilespmem:s26], [sflag:$0x2] =	stream.indirect.gather [hbm4b:s1+s25], $0x80, s4, s25, $0xb8;
	[tilespmem:$0x1C900] =	vst v63  }
0x8d: {  	_ =	swait.ge [sflag:s28], $0x4000  }
0x8e: {  	[sflag:s28] =	ssyncset.done $0x0  }
0x8f: {  	s6 =	rddreg [dreg:$0xc];
	[sflag:s28] =	ssyncadd.s32 $0xFFFFC000  }
0x90: {  	[spmem:s2] =	stream.indirect.scatter.add.f32 [tilespmem:s18], [sflag:$0x3], $0x80, s6, s25, $0xb8;
	[tilespmem:$0x1C900] =	vst v63  }
0x91: {  	_ =	swait.ge [sflag:s29], $0x4000  }
0x92: {  	[sflag:s29] =	ssyncset.done $0x0  }
0x93: {  	s7 =	rddreg [dreg:$0xd];
	[sflag:s29] =	ssyncadd.s32 $0xFFFFC000  }
0x94: {  	[tilespmem:s18], [sflag:$0x2] =	stream.indirect.gather [hbm4b:s1+s25], $0x80, s7, s25, $0xb8;
	[tilespmem:$0x1C900] =	vst v63  }
0x95: {  	_ =	swait.ge [sflag:s28], $0x4000  }
0x96: {  	[sflag:s28] =	ssyncset.done $0x0  }
0x97: {  	s8 =	rddreg [dreg:$0xe];
	[sflag:s28] =	ssyncadd.s32 $0xFFFFC000  }
0x98: {  	[spmem:s2] =	stream.indirect.scatter.add.f32 [tilespmem:s26], [sflag:$0x3], $0x80, s8, s25, $0xb8;
	[tilespmem:$0x1C900] =	vst v63  }
0x99: {  	_ =	swait.ge [sflag:s29], $0x4000  }
0x9a: {  	[sflag:s29] =	ssyncset.done $0x0  }
0x9b: {  	s20 =	rddreg [dreg:$0xf];
	[sflag:s29] =	ssyncadd.s32 $0xFFFFC000  }
0x9c: {  	[tilespmem:s26], [sflag:$0x2] =	stream.indirect.gather [hbm4b:s1+s25], $0x80, s20, s25, $0xb8;
	[tilespmem:$0x1C900] =	vst v63  }
0x9d: {  	_ =	swait.ge [sflag:s28], $0x4000  }
0x9e: {  	[sflag:s28] =	ssyncset.done $0x0  }
0x9f: {  	s4 =	rddreg [dreg:$0x10];
	[sflag:s28] =	ssyncadd.s32 $0xFFFFC000  }
0xa0: {  	[spmem:s2] =	stream.indirect.scatter.add.f32 [tilespmem:s18], [sflag:$0x3], $0x80, s4, s25, $0xb8;
	[tilespmem:$0x1C900] =	vst v63  }
0xa1: {  	_ =	swait.ge [sflag:s28], $0x4000  }
0xa2: {  	[sflag:s28] =	ssyncset.done $0x0  }
0xa3: {  	s6 =	rddreg [dreg:$0x11];
	[sflag:s28] =	ssyncadd.s32 $0xFFFFC000  }
0xa4: {  	[spmem:s2] =	stream.indirect.scatter.add.f32 [tilespmem:s26], [sflag:$0x3], $0x80, s6, s25, $0xb8;
	[tilespmem:$0x1C900] =	vst v63  }
0xa5: {  	_ =	swait.ge [sflag:s22], $0x400  }
0xa6: {  	[sflag:s22] =	ssyncset.done $0x0  }
0xa7: {  	p1 =	por $0x0, $0x0;
	[sflag:s22] =	ssyncadd.s32 $0xFFFFFC00  }
0xa8: {  	s0 =	sadd.s32 @!p1 $0x0, s16;
	_ =	swait.ge [sflag:s22], $0x400  }
0xa9: {  	s0 =	sadd.s32 @!p1 $0x100, s0;
	[sflag:s22] =	ssyncset.done $0x0  }
0xaa: {  	s4 =	simm.s32 @!p1 $0x13900;
	s6 =	simm.s32 @!p1 $0x0;
	[sflag:s22] =	ssyncadd.s32 $0xFFFFFC00  }
0xab: {  	[tilespmem:s4], [sflag:$0x1] =	stream.linear.gather @!p1 [hbm4b:s0+s6], $0x400, $0x38;
	[tilespmem:$0x1C900] =	vst v63  }
0xac: {  	s0 =	sadd.s32 @!p1 $0x0, s17  }
0xad: {  	s4 =	simm.s32 @!p1 $0x14100;
	s0 =	sadd.s32 @!p1 $0x100, s0  }
0xae: {  	[tilespmem:s4], [sflag:$0x1] =	stream.linear.gather @!p1 [hbm4b:s0+s6], $0x400, $0x38;
	[tilespmem:$0x1C900] =	vst v63  }
0xaf: {  	_ =	swait.ge [sflag:s29], $0x4000  }
0xb0: {  	[sflag:s29] =	ssyncset.done $0x0  }
0xb1: {  	[sflag:s29] =	ssyncadd.s32 $0xFFFFC000  }
0xb2: {  	[tilespmem:s18], [sflag:$0x2] =	stream.indirect.gather [hbm4b:s1+s25], $0x80, s23, s25, $0xb8;
	[tilespmem:$0x1C900] =	vst v63  }
0xb3: {  	_ =	swait.ge [sflag:s29], $0x4000  }
0xb4: {  	[sflag:s29] =	ssyncset.done $0x0  }
0xb5: {  	s7 =	rddreg [dreg:$0x12];
	[sflag:s29] =	ssyncadd.s32 $0xFFFFC000  }
0xb6: {  	[tilespmem:s26], [sflag:$0x2] =	stream.indirect.gather [hbm4b:s1+s25], $0x80, s7, s25, $0xb8;
	[tilespmem:$0x1C900] =	vst v63  }
0xb7: {  	_ =	swait.ge [sflag:s28], $0x4000  }
0xb8: {  	[sflag:s28] =	ssyncset.done $0x0  }
0xb9: {  	[sflag:s28] =	ssyncadd.s32 $0xFFFFC000  }
0xba: {  	[spmem:s2] =	stream.indirect.scatter.add.f32 [tilespmem:s18], [sflag:$0x3], $0x80, s24, s25, $0xb8;
	[tilespmem:$0x1C900] =	vst v63  }
0xbb: {  	_ =	swait.ge [sflag:s29], $0x4000  }
0xbc: {  	[sflag:s29] =	ssyncset.done $0x0  }
0xbd: {  	s8 =	rddreg [dreg:$0x13];
	[sflag:s29] =	ssyncadd.s32 $0xFFFFC000  }
0xbe: {  	[tilespmem:s18], [sflag:$0x2] =	stream.indirect.gather [hbm4b:s1+s25], $0x80, s8, s25, $0xb8;
	[tilespmem:$0x1C900] =	vst v63  }
0xbf: {  	_ =	swait.ge [sflag:s28], $0x4000  }
0xc0: {  	[sflag:s28] =	ssyncset.done $0x0  }
0xc1: {  	s20 =	rddreg [dreg:$0x14];
	[sflag:s28] =	ssyncadd.s32 $0xFFFFC000  }
0xc2: {  	[spmem:s2] =	stream.indirect.scatter.add.f32 [tilespmem:s26], [sflag:$0x3], $0x80, s20, s25, $0xb8;
	[tilespmem:$0x1C900] =	vst v63  }
0xc3: {  	_ =	swait.ge [sflag:s29], $0x4000  }
0xc4: {  	[sflag:s29] =	ssyncset.done $0x0  }
0xc5: {  	s4 =	rddreg [dreg:$0x15];
	[sflag:s29] =	ssyncadd.s32 $0xFFFFC000  }
0xc6: {  	[tilespmem:s26], [sflag:$0x2] =	stream.indirect.gather [hbm4b:s1+s25], $0x80, s4, s25, $0xb8;
	[tilespmem:$0x1C900] =	vst v63  }
0xc7: {  	_ =	swait.ge [sflag:s28], $0x4000  }
0xc8: {  	[sflag:s28] =	ssyncset.done $0x0  }
0xc9: {  	s6 =	rddreg [dreg:$0x16];
	[sflag:s28] =	ssyncadd.s32 $0xFFFFC000  }
0xca: {  	[spmem:s2] =	stream.indirect.scatter.add.f32 [tilespmem:s18], [sflag:$0x3], $0x80, s6, s25, $0xb8;
	[tilespmem:$0x1C900] =	vst v63  }
0xcb: {  	_ =	swait.ge [sflag:s29], $0x4000  }
0xcc: {  	[sflag:s29] =	ssyncset.done $0x0  }
0xcd: {  	s7 =	rddreg [dreg:$0x17];
	[sflag:s29] =	ssyncadd.s32 $0xFFFFC000  }
0xce: {  	[tilespmem:s18], [sflag:$0x2] =	stream.indirect.gather [hbm4b:s1+s25], $0x80, s7, s25, $0xb8;
	[tilespmem:$0x1C900] =	vst v63  }
0xcf: {  	_ =	swait.ge [sflag:s28], $0x4000  }
0xd0: {  	[sflag:s28] =	ssyncset.done $0x0  }
0xd1: {  	s8 =	rddreg [dreg:$0x18];
	[sflag:s28] =	ssyncadd.s32 $0xFFFFC000  }
0xd2: {  	[spmem:s2] =	stream.indirect.scatter.add.f32 [tilespmem:s26], [sflag:$0x3], $0x80, s8, s25, $0xb8;
	[tilespmem:$0x1C900] =	vst v63  }
0xd3: {  	_ =	swait.ge [sflag:s29], $0x4000  }
0xd4: {  	[sflag:s29] =	ssyncset.done $0x0  }
0xd5: {  	s20 =	rddreg [dreg:$0x19];
	[sflag:s29] =	ssyncadd.s32 $0xFFFFC000  }
0xd6: {  	[tilespmem:s26], [sflag:$0x2] =	stream.indirect.gather [hbm4b:s1+s25], $0x80, s20, s25, $0xb8;
	[tilespmem:$0x1C900] =	vst v63  }
0xd7: {  	_ =	swait.ge [sflag:s28], $0x4000  }
0xd8: {  	[sflag:s28] =	ssyncset.done $0x0  }
0xd9: {  	s4 =	rddreg [dreg:$0x1a];
	[sflag:s28] =	ssyncadd.s32 $0xFFFFC000  }
0xda: {  	[spmem:s2] =	stream.indirect.scatter.add.f32 [tilespmem:s18], [sflag:$0x3], $0x80, s4, s25, $0xb8;
	[tilespmem:$0x1C900] =	vst v63  }
0xdb: {  	_ =	swait.ge [sflag:s29], $0x4000  }
0xdc: {  	[sflag:s29] =	ssyncset.done $0x0  }
0xdd: {  	s6 =	rddreg [dreg:$0x1b];
	[sflag:s29] =	ssyncadd.s32 $0xFFFFC000  }
0xde: {  	[tilespmem:s18], [sflag:$0x2] =	stream.indirect.gather [hbm4b:s1+s25], $0x80, s6, s25, $0xb8;
	[tilespmem:$0x1C900] =	vst v63  }
0xdf: {  	_ =	swait.ge [sflag:s28], $0x4000  }
0xe0: {  	[sflag:s28] =	ssyncset.done $0x0  }
0xe1: {  	s7 =	rddreg [dreg:$0x1c];
	[sflag:s28] =	ssyncadd.s32 $0xFFFFC000  }
0xe2: {  	[spmem:s2] =	stream.indirect.scatter.add.f32 [tilespmem:s26], [sflag:$0x3], $0x80, s7, s25, $0xb8;
	[tilespmem:$0x1C900] =	vst v63  }
0xe3: {  	_ =	swait.ge [sflag:s29], $0x4000  }
0xe4: {  	[sflag:s29] =	ssyncset.done $0x0  }
0xe5: {  	s8 =	rddreg [dreg:$0x1d];
	[sflag:s29] =	ssyncadd.s32 $0xFFFFC000  }
0xe6: {  	[tilespmem:s26], [sflag:$0x2] =	stream.indirect.gather [hbm4b:s1+s25], $0x80, s8, s25, $0xb8;
	[tilespmem:$0x1C900] =	vst v63  }
0xe7: {  	_ =	swait.ge [sflag:s28], $0x4000  }
0xe8: {  	[sflag:s28] =	ssyncset.done $0x0  }
0xe9: {  	s20 =	rddreg [dreg:$0x1e];
	[sflag:s28] =	ssyncadd.s32 $0xFFFFC000  }
0xea: {  	[spmem:s2] =	stream.indirect.scatter.add.f32 [tilespmem:s18], [sflag:$0x3], $0x80, s20, s25, $0xb8;
	[tilespmem:$0x1C900] =	vst v63  }
0xeb: {  	_ =	swait.ge [sflag:s28], $0x4000  }
0xec: {  	[sflag:s28] =	ssyncset.done $0x0  }
0xed: {  	s0 =	simm.s32 $0x100;
	s4 =	rddreg [dreg:$0x1f];
	[sflag:s28] =	ssyncadd.s32 $0xFFFFC000  }
.LBB2_4:
0xee: {  	[spmem:s2] =	stream.indirect.scatter.add.f32 [tilespmem:s26], [sflag:$0x3], $0x80, s4, s25, $0xb8;
	[tilespmem:$0x1C900] =	vst v63  }
0xef: {  	_ =	swait.ge [sflag:s22], $0x400  }
0xf0: {  	[sflag:s22] =	ssyncset.done $0x0  }
0xf1: {  	[sflag:s22] =	ssyncadd.s32 $0xFFFFFC00  }
0xf2: {  	s20 =	smov.u32 s0;
	_ =	swait.ge [sflag:s22], $0x400  }
0xf3: {  	s6 =	sadd.s32 s20, s16;
	p2 =	seq.s32 s20, $0x0;
	[sflag:s22] =	ssyncset.done $0x0  }
0xf4: {  	s4 =	sadd.s32 $0x80, s6;
	s6 =	sadd.s32 s20, s17;
	[sflag:s22] =	ssyncadd.s32 $0xFFFFFC00  }
0xf5: {  	[tilespmem:s23], [sflag:$0x1] =	stream.linear.gather [hbm4b:s4+s3], $0x400, $0x38;
	[tilespmem:$0x1C900] =	vst v63  }
0xf6: {  	s7 =	simm.s32 @p2 $0x13900;
	s4 =	sadd.s32 $0x80, s6  }
0xf7: {  	[tilespmem:s24], [sflag:$0x1] =	stream.linear.gather [hbm4b:s4+s3], $0x400, $0x38;
	[tilespmem:$0x1C900] =	vst v63  }
0xf8: {  	s8 =	simm.s32 @p2 $0x14900;
	s6 =	simm.s32 @p2 $0x80;
	s4 =	simm.s32 @!p2 $0x3  }
0xf9: {  	[tilespmem:s8], [sflag:$0x2] =	stream.indirect.gather @p2 [hbm4b:s1+s6], $0x80, s7, s6, $0xb8;
	[tilespmem:$0x1C900] =	vst v63  }
0xfa: {  	_ =	swait.ge @!p2 [sflag:s4], $0x4000  }
0xfb: {  	s6 =	simm.s32 @!p2 $0x14900;
	[sflag:s4] =	ssyncset.done @!p2 $0x0  }
0xfc: {  	s7 =	simm.s32 @!p2 $0x80;
	s8 =	simm.s32 @!p2 $0x13900;
	[sflag:s4] =	ssyncadd.s32 @!p2 $0xFFFFC000  }
0xfd: {  	[tilespmem:s6], [sflag:$0x2] =	stream.indirect.gather @!p2 [hbm4b:s1+s7], $0x80, s8, s7, $0xb8;
	[tilespmem:$0x1C900] =	vst v63  }
0xfe: {  	_ =	swait.ge @!p2 [sflag:s4], $0x4000  }
0xff: {  	[sflag:s4] =	ssyncset.done @!p2 $0x0  }
0x100: {  	s7 =	rddreg [dreg:$0x4];
	[sflag:s4] =	ssyncadd.s32 @!p2 $0xFFFFC000  }
0x101: {  	[tilespmem:s26], [sflag:$0x2] =	stream.indirect.gather [hbm4b:s1+s25], $0x80, s7, s25, $0xb8;
	[tilespmem:$0x1C900] =	vst v63  }
0x102: {  	_ =	swait.ge [sflag:s28], $0x4000  }
0x103: {  	[sflag:s28] =	ssyncset.done $0x0  }
0x104: {  	[sflag:s28] =	ssyncadd.s32 $0xFFFFC000  }
0x105: {  	[spmem:s2] =	stream.indirect.scatter.add.f32 [tilespmem:s18], [sflag:$0x3], $0x80, s21, s25, $0xb8;
	[tilespmem:$0x1C900] =	vst v63  }
0x106: {  	_ =	swait.ge [sflag:s29], $0x4000  }
0x107: {  	[sflag:s29] =	ssyncset.done $0x0  }
0x108: {  	s8 =	rddreg [dreg:$0x5];
	[sflag:s29] =	ssyncadd.s32 $0xFFFFC000  }
0x109: {  	[tilespmem:s18], [sflag:$0x2] =	stream.indirect.gather [hbm4b:s1+s25], $0x80, s8, s25, $0xb8;
	[tilespmem:$0x1C900] =	vst v63  }
0x10a: {  	_ =	swait.ge [sflag:s28], $0x4000  }
0x10b: {  	[sflag:s28] =	ssyncset.done $0x0  }
0x10c: {  	s6 =	rddreg [dreg:$0x6];
	[sflag:s28] =	ssyncadd.s32 $0xFFFFC000  }
0x10d: {  	[spmem:s2] =	stream.indirect.scatter.add.f32 [tilespmem:s26], [sflag:$0x3], $0x80, s6, s25, $0xb8;
	[tilespmem:$0x1C900] =	vst v63  }
0x10e: {  	_ =	swait.ge [sflag:s29], $0x4000  }
0x10f: {  	[sflag:s29] =	ssyncset.done $0x0  }
0x110: {  	s7 =	rddreg [dreg:$0x7];
	[sflag:s29] =	ssyncadd.s32 $0xFFFFC000  }
0x111: {  	[tilespmem:s26], [sflag:$0x2] =	stream.indirect.gather [hbm4b:s1+s25], $0x80, s7, s25, $0xb8;
	[tilespmem:$0x1C900] =	vst v63  }
0x112: {  	_ =	swait.ge [sflag:s28], $0x4000  }
0x113: {  	[sflag:s28] =	ssyncset.done $0x0  }
0x114: {  	s8 =	rddreg [dreg:$0x8];
	[sflag:s28] =	ssyncadd.s32 $0xFFFFC000  }
0x115: {  	[spmem:s2] =	stream.indirect.scatter.add.f32 [tilespmem:s18], [sflag:$0x3], $0x80, s8, s25, $0xb8;
	[tilespmem:$0x1C900] =	vst v63  }
0x116: {  	_ =	swait.ge [sflag:s29], $0x4000  }
0x117: {  	[sflag:s29] =	ssyncset.done $0x0  }
0x118: {  	s6 =	rddreg [dreg:$0x9];
	[sflag:s29] =	ssyncadd.s32 $0xFFFFC000  }
0x119: {  	[tilespmem:s18], [sflag:$0x2] =	stream.indirect.gather [hbm4b:s1+s25], $0x80, s6, s25, $0xb8;
	[tilespmem:$0x1C900] =	vst v63  }
0x11a: {  	_ =	swait.ge [sflag:s28], $0x4000  }
0x11b: {  	[sflag:s28] =	ssyncset.done $0x0  }
0x11c: {  	s7 =	rddreg [dreg:$0xa];
	[sflag:s28] =	ssyncadd.s32 $0xFFFFC000  }
0x11d: {  	[spmem:s2] =	stream.indirect.scatter.add.f32 [tilespmem:s26], [sflag:$0x3], $0x80, s7, s25, $0xb8;
	[tilespmem:$0x1C900] =	vst v63  }
0x11e: {  	_ =	swait.ge [sflag:s29], $0x4000  }
0x11f: {  	[sflag:s29] =	ssyncset.done $0x0  }
0x120: {  	s8 =	rddreg [dreg:$0xb];
	[sflag:s29] =	ssyncadd.s32 $0xFFFFC000  }
0x121: {  	[tilespmem:s26], [sflag:$0x2] =	stream.indirect.gather [hbm4b:s1+s25], $0x80, s8, s25, $0xb8;
	[tilespmem:$0x1C900] =	vst v63  }
0x122: {  	_ =	swait.ge [sflag:s28], $0x4000  }
0x123: {  	[sflag:s28] =	ssyncset.done $0x0  }
0x124: {  	s6 =	rddreg [dreg:$0xc];
	[sflag:s28] =	ssyncadd.s32 $0xFFFFC000  }
0x125: {  	[spmem:s2] =	stream.indirect.scatter.add.f32 [tilespmem:s18], [sflag:$0x3], $0x80, s6, s25, $0xb8;
	[tilespmem:$0x1C900] =	vst v63  }
0x126: {  	_ =	swait.ge [sflag:s29], $0x4000  }
0x127: {  	[sflag:s29] =	ssyncset.done $0x0  }
0x128: {  	s7 =	rddreg [dreg:$0xd];
	[sflag:s29] =	ssyncadd.s32 $0xFFFFC000  }
0x129: {  	[tilespmem:s18], [sflag:$0x2] =	stream.indirect.gather [hbm4b:s1+s25], $0x80, s7, s25, $0xb8;
	[tilespmem:$0x1C900] =	vst v63  }
0x12a: {  	_ =	swait.ge [sflag:s28], $0x4000  }
0x12b: {  	[sflag:s28] =	ssyncset.done $0x0  }
0x12c: {  	s8 =	rddreg [dreg:$0xe];
	[sflag:s28] =	ssyncadd.s32 $0xFFFFC000  }
0x12d: {  	[spmem:s2] =	stream.indirect.scatter.add.f32 [tilespmem:s26], [sflag:$0x3], $0x80, s8, s25, $0xb8;
	[tilespmem:$0x1C900] =	vst v63  }
0x12e: {  	_ =	swait.ge [sflag:s29], $0x4000  }
0x12f: {  	[sflag:s29] =	ssyncset.done $0x0  }
0x130: {  	s6 =	rddreg [dreg:$0xf];
	[sflag:s29] =	ssyncadd.s32 $0xFFFFC000  }
0x131: {  	[tilespmem:s26], [sflag:$0x2] =	stream.indirect.gather [hbm4b:s1+s25], $0x80, s6, s25, $0xb8;
	[tilespmem:$0x1C900] =	vst v63  }
0x132: {  	_ =	swait.ge [sflag:s28], $0x4000  }
0x133: {  	[sflag:s28] =	ssyncset.done $0x0  }
0x134: {  	s7 =	rddreg [dreg:$0x10];
	[sflag:s28] =	ssyncadd.s32 $0xFFFFC000  }
0x135: {  	[spmem:s2] =	stream.indirect.scatter.add.f32 [tilespmem:s18], [sflag:$0x3], $0x80, s7, s25, $0xb8;
	[tilespmem:$0x1C900] =	vst v63  }
0x136: {  	_ =	swait.ge [sflag:s28], $0x4000  }
0x137: {  	[sflag:s28] =	ssyncset.done $0x0  }
0x138: {  	s8 =	rddreg [dreg:$0x11];
	[sflag:s28] =	ssyncadd.s32 $0xFFFFC000  }
0x139: {  	[spmem:s2] =	stream.indirect.scatter.add.f32 [tilespmem:s26], [sflag:$0x3], $0x80, s8, s25, $0xb8;
	[tilespmem:$0x1C900] =	vst v63  }
0x13a: {  	_ =	swait.ge [sflag:s22], $0x400  }
0x13b: {  	s31 =	sadd.s32 $0x1, s31;
	[sflag:s22] =	ssyncset.done $0x0  }
0x13c: {  	p2 =	sgt.u32 s31, $0x3;
	[sflag:s22] =	ssyncadd.s32 $0xFFFFFC00  }
0x13d: {  	s4 =	sadd.s32 @!p2 s20, s16;
	_ =	swait.ge [sflag:s22], $0x400  }
0x13e: {  	s4 =	sadd.s32 @!p2 $0x100, s4;
	s6 =	simm.s32 @!p2 $0x13900;
	[sflag:s22] =	ssyncset.done $0x0  }
0x13f: {  	s7 =	simm.s32 @!p2 $0x0;
	s8 =	sadd.s32 @!p2 s20, s17;
	[sflag:s22] =	ssyncadd.s32 $0xFFFFFC00  }
0x140: {  	[tilespmem:s6], [sflag:$0x1] =	stream.linear.gather @!p2 [hbm4b:s4+s7], $0x400, $0x38;
	[tilespmem:$0x1C900] =	vst v63  }
0x141: {  	s20 =	simm.s32 @!p2 $0x14100;
	s4 =	sadd.s32 @!p2 $0x100, s8  }
0x142: {  	[tilespmem:s20], [sflag:$0x1] =	stream.linear.gather @!p2 [hbm4b:s4+s7], $0x400, $0x38;
	[tilespmem:$0x1C900] =	vst v63  }
0x143: {  	_ =	swait.ge [sflag:s29], $0x4000  }
0x144: {  	[sflag:s29] =	ssyncset.done $0x0  }
0x145: {  	[sflag:s29] =	ssyncadd.s32 $0xFFFFC000  }
0x146: {  	[tilespmem:s18], [sflag:$0x2] =	stream.indirect.gather [hbm4b:s1+s25], $0x80, s23, s25, $0xb8;
	[tilespmem:$0x1C900] =	vst v63  }
0x147: {  	_ =	swait.ge [sflag:s29], $0x4000  }
0x148: {  	[sflag:s29] =	ssyncset.done $0x0  }
0x149: {  	s20 =	rddreg [dreg:$0x12];
	[sflag:s29] =	ssyncadd.s32 $0xFFFFC000  }
0x14a: {  	[tilespmem:s26], [sflag:$0x2] =	stream.indirect.gather [hbm4b:s1+s25], $0x80, s20, s25, $0xb8;
	[tilespmem:$0x1C900] =	vst v63  }
0x14b: {  	_ =	swait.ge [sflag:s28], $0x4000  }
0x14c: {  	[sflag:s28] =	ssyncset.done $0x0  }
0x14d: {  	[sflag:s28] =	ssyncadd.s32 $0xFFFFC000  }
0x14e: {  	[spmem:s2] =	stream.indirect.scatter.add.f32 [tilespmem:s18], [sflag:$0x3], $0x80, s24, s25, $0xb8;
	[tilespmem:$0x1C900] =	vst v63  }
0x14f: {  	_ =	swait.ge [sflag:s29], $0x4000  }
0x150: {  	[sflag:s29] =	ssyncset.done $0x0  }
0x151: {  	s6 =	rddreg [dreg:$0x13];
	[sflag:s29] =	ssyncadd.s32 $0xFFFFC000  }
0x152: {  	[tilespmem:s18], [sflag:$0x2] =	stream.indirect.gather [hbm4b:s1+s25], $0x80, s6, s25, $0xb8;
	[tilespmem:$0x1C900] =	vst v63  }
0x153: {  	_ =	swait.ge [sflag:s28], $0x4000  }
0x154: {  	[sflag:s28] =	ssyncset.done $0x0  }
0x155: {  	s7 =	rddreg [dreg:$0x14];
	[sflag:s28] =	ssyncadd.s32 $0xFFFFC000  }
0x156: {  	[spmem:s2] =	stream.indirect.scatter.add.f32 [tilespmem:s26], [sflag:$0x3], $0x80, s7, s25, $0xb8;
	[tilespmem:$0x1C900] =	vst v63  }
0x157: {  	_ =	swait.ge [sflag:s29], $0x4000  }
0x158: {  	[sflag:s29] =	ssyncset.done $0x0  }
0x159: {  	s8 =	rddreg [dreg:$0x15];
	[sflag:s29] =	ssyncadd.s32 $0xFFFFC000  }
0x15a: {  	[tilespmem:s26], [sflag:$0x2] =	stream.indirect.gather [hbm4b:s1+s25], $0x80, s8, s25, $0xb8;
	[tilespmem:$0x1C900] =	vst v63  }
0x15b: {  	_ =	swait.ge [sflag:s28], $0x4000  }
0x15c: {  	[sflag:s28] =	ssyncset.done $0x0  }
0x15d: {  	s20 =	rddreg [dreg:$0x16];
	[sflag:s28] =	ssyncadd.s32 $0xFFFFC000  }
0x15e: {  	[spmem:s2] =	stream.indirect.scatter.add.f32 [tilespmem:s18], [sflag:$0x3], $0x80, s20, s25, $0xb8;
	[tilespmem:$0x1C900] =	vst v63  }
0x15f: {  	_ =	swait.ge [sflag:s29], $0x4000  }
0x160: {  	[sflag:s29] =	ssyncset.done $0x0  }
0x161: {  	s6 =	rddreg [dreg:$0x17];
	[sflag:s29] =	ssyncadd.s32 $0xFFFFC000  }
0x162: {  	[tilespmem:s18], [sflag:$0x2] =	stream.indirect.gather [hbm4b:s1+s25], $0x80, s6, s25, $0xb8;
	[tilespmem:$0x1C900] =	vst v63  }
0x163: {  	_ =	swait.ge [sflag:s28], $0x4000  }
0x164: {  	[sflag:s28] =	ssyncset.done $0x0  }
0x165: {  	s7 =	rddreg [dreg:$0x18];
	[sflag:s28] =	ssyncadd.s32 $0xFFFFC000  }
0x166: {  	[spmem:s2] =	stream.indirect.scatter.add.f32 [tilespmem:s26], [sflag:$0x3], $0x80, s7, s25, $0xb8;
	[tilespmem:$0x1C900] =	vst v63  }
0x167: {  	_ =	swait.ge [sflag:s29], $0x4000  }
0x168: {  	[sflag:s29] =	ssyncset.done $0x0  }
0x169: {  	s8 =	rddreg [dreg:$0x19];
	[sflag:s29] =	ssyncadd.s32 $0xFFFFC000  }
0x16a: {  	[tilespmem:s26], [sflag:$0x2] =	stream.indirect.gather [hbm4b:s1+s25], $0x80, s8, s25, $0xb8;
	[tilespmem:$0x1C900] =	vst v63  }
0x16b: {  	_ =	swait.ge [sflag:s28], $0x4000  }
0x16c: {  	[sflag:s28] =	ssyncset.done $0x0  }
0x16d: {  	s20 =	rddreg [dreg:$0x1a];
	[sflag:s28] =	ssyncadd.s32 $0xFFFFC000  }
0x16e: {  	[spmem:s2] =	stream.indirect.scatter.add.f32 [tilespmem:s18], [sflag:$0x3], $0x80, s20, s25, $0xb8;
	[tilespmem:$0x1C900] =	vst v63  }
0x16f: {  	_ =	swait.ge [sflag:s29], $0x4000  }
0x170: {  	[sflag:s29] =	ssyncset.done $0x0  }
0x171: {  	s6 =	rddreg [dreg:$0x1b];
	[sflag:s29] =	ssyncadd.s32 $0xFFFFC000  }
0x172: {  	[tilespmem:s18], [sflag:$0x2] =	stream.indirect.gather [hbm4b:s1+s25], $0x80, s6, s25, $0xb8;
	[tilespmem:$0x1C900] =	vst v63  }
0x173: {  	_ =	swait.ge [sflag:s28], $0x4000  }
0x174: {  	[sflag:s28] =	ssyncset.done $0x0  }
0x175: {  	s7 =	rddreg [dreg:$0x1c];
	[sflag:s28] =	ssyncadd.s32 $0xFFFFC000  }
0x176: {  	[spmem:s2] =	stream.indirect.scatter.add.f32 [tilespmem:s26], [sflag:$0x3], $0x80, s7, s25, $0xb8;
	[tilespmem:$0x1C900] =	vst v63  }
0x177: {  	_ =	swait.ge [sflag:s29], $0x4000  }
0x178: {  	[sflag:s29] =	ssyncset.done $0x0  }
0x179: {  	s8 =	rddreg [dreg:$0x1d];
	[sflag:s29] =	ssyncadd.s32 $0xFFFFC000  }
0x17a: {  	[tilespmem:s26], [sflag:$0x2] =	stream.indirect.gather [hbm4b:s1+s25], $0x80, s8, s25, $0xb8;
	[tilespmem:$0x1C900] =	vst v63  }
0x17b: {  	s0 =	sadd.s32 $0x100, s0;
	_ =	swait.ge [sflag:s28], $0x4000  }
0x17c: {  	p1 =	sne.s32 s0, $0x500;
	[sflag:s28] =	ssyncset.done $0x0  }
.Ltmp1:
0x17d: {  	s20 =	rddreg [dreg:$0x1e];
	[sflag:s28] =	ssyncadd.s32 $0xFFFFC000;
	(pc) =	sbr.rel @p1 .LBB2_4-.Ltmp1, $4  }
0x17e: {  	[spmem:s2] =	stream.indirect.scatter.add.f32 [tilespmem:s18], [sflag:$0x3], $0x80, s20, s25, $0xb8;
	[tilespmem:$0x1C900] =	vst v63  }
0x17f: {  	_ =	swait.ge [sflag:s28], $0x4000  }
0x180: {  	[sflag:s28] =	ssyncset.done $0x0  }
0x181: {  	s4 =	rddreg [dreg:$0x1f];
	[sflag:s28] =	ssyncadd.s32 $0xFFFFC000  }
0x182: {  	[spmem:s2] =	stream.indirect.scatter.add.f32 [tilespmem:s26], [sflag:$0x3], $0x80, s4, s25, $0xb8;
	[tilespmem:$0x1C900] =	vst v63  }
0x183: {  	_ =	swait.ge [sflag:s29], $0x4000  }
0x184: {  	[sflag:s29] =	ssyncset.done $0x0  }
0x185: {  	[sflag:s29] =	ssyncadd.s32 $0xFFFFC000  }
0x186: {  	_ =	swait.ge [sflag:s29], $0x4000  }
0x187: {  	s0 =	stileid.u32;
	[sflag:s29] =	ssyncset.done $0x0  }
0x188: {  	s0 =	sshll.u32 s0, $0x6;
	[sflag:s29] =	ssyncadd.s32 $0xFFFFC000  }
0x189: {  	s31 =	sshrl.u32 s5, $0x3;
	s0 =	sor.u32 $0x1C04, s0;
	[bflag:$0x0] =	sbarrier.arrive $0xFFFF  }
0x18a: {  	[hbm:s13], [sflag:s0] =	dma.local [spmem:s31], $0x2700  }
0x18b: {  	_ =	swait.ge [sflag:s19], $0x2700  }
0x18c: {  	s30 =	sadd.s32 $0x1, s30;
	[sflag:s19] =	ssyncset.done $0x0  }
0x18d: {  	s4 =	sshrl.u32 @!p0 s10, $0x3;
	p1 =	sne.s32 s30, s15;
	[sflag:s19] =	ssyncadd.s32 $0xFFFFD900  }
0x18e: {  	[hbm:s14], [sflag:s0] =	dma.local @!p0 [spmem:s4], $0x100  }
.Ltmp2:
0x18f: {  	_ = 	snop;
	(pc) =	sbr.rel @p1 .LBB2_1-.Ltmp2, $4  }
0x190: {  	s0 =	simm.s32 @!p0 $0x4  }
0x191: {  	_ =	swait.ge @!p0 [sflag:s0], $0x100  }
0x192: {  	[sflag:s0] =	ssyncset.done @!p0 $0x0  }
0x193: {  	[sflag:s0] =	ssyncadd.s32 @!p0 $0xFFFFFF00  }
0x194: {  	_ =	sfence.sel $0x180000  }
0x195: {  	[bflag:$0x0] =	sbarrier.arrive $0xFFFF  }
0x196: {  	_ =	strace $0x9000004A  }
0x197: {  	[bflag:$0x2] =	sbarrier.arrive $0xFFFF  }
0x198: {  	s0 =	rddreg [dreg:$0x3]  }
0x199: {  	s0 =	sadd.s32 @!p0 $0x100000, s0  }
0x19a: {  	[sflag:s0] =	ssyncadd.tile.s32 @!p0 $0x1;
	_ =	shalt  }
.Lfunc_end2:
_tile_overlayer_lowered:
.L_overlay_start_2:
0x19b: {  	(tag) =	ssettag $0x2  }
0x19c: {  	s0 =	rddreg [dreg:$0x0];
	s2 =	stileid.u32  }
0x19d: {  	s1 =	rddreg [dreg:$0x1];
	p0 =	sne.s32 s2, $0x0  }
0x19e: {  	s3 =	rddreg [dreg:$0x2];
	[bflag:$0x3] =	sbarrier.arrive $0xFFFF;
	s2 =	simm.s32 @!p0 $0x1C04  }
0x19f: {  	[timem:s3], [sflag:s2] =	dma.local @!p0 [hbm:s0], s1  }
0x1a0: {  	s0 =	simm.s32 @!p0 $0x4  }
0x1a1: {  	_ =	swait.ge @!p0 [sflag:s0], s1  }
0x1a2: {  	s1 =	ssub.s32 @!p0 $0x0, s1;
	[sflag:s0] =	ssyncset.done @!p0 $0x0  }
0x1a3: {  	[sflag:s0] =	ssyncadd.s32 @!p0 s1  }
0x1a4: {  	[bflag:$0x3] =	sbarrier.arrive $0xFFFF  }
0x1a5: {  	_ =	shalt  }

// kernel: kernel.14.cloned.1.call-start
scs
__scs_entry_jumppad:
0x0: {  	(pc) =	sbr.rel $0x88, $3  }
0x1: {  	(tag) =	ssettag $0x0;
	lr =	simm.s32 $0x1  }
0x2: {  	[smem:$0x3F9D] =	sst lr;
	_ =	strace $0xD0000000  }
0x3: {  	_ = 	snop  }
0x4: {  	_ = 	snop  }
0x5: {  	_ = 	snop  }
0x6: {  	_ = 	snop  }
0x7: {  	_ = 	snop  }
__scs_overlays_trampoline_lowered:
0x8: {  	[smem:$0x3FAC] =	sst s0  }
0x9: {  	[smem:$0x3FAD] =	sst s1  }
0xa: {  	[smem:$0x3FAE] =	sst s2  }
0xb: {  	[smem:$0x3FAF] =	sst s3  }
0xc: {  	[smem:$0x3FB0] =	sst s4  }
0xd: {  	[smem:$0x3FB1] =	sst s5  }
0xe: {  	[smem:$0x3FB2] =	sst s6  }
0xf: {  	[smem:$0x3FB3] =	sst s7  }
0x10: {  	[smem:$0x3FB4] =	sst s8  }
0x11: {  	[smem:$0x3FB5] =	sst s9;
	s0 =	simm.s32 @!p0 $0x0  }
0x12: {  	s1 =	sld [smem:$0x3F9B];
	s0 =	simm.s32 @p0 $0x1  }
0x13: {  	[smem:$0x3FB6] =	sst s0;
	s0 =	simm.s32 @!p1 $0x0  }
0x14: {  	s2 =	sld [smem:$0x3F9A];
	s0 =	simm.s32 @p1 $0x1  }
0x15: {  	[smem:$0x3FB7] =	sst s0;
	s0 =	simm.s32 @!p2 $0x0  }
0x16: {  	s3 =	sld [smem:$0x3FDB];
	s0 =	simm.s32 @p2 $0x1  }
0x17: {  	s4 =	simm.s32 $0x1BF5;
	[smem:$0x3FB9] =	sst s0  }
0x18: {  	s0 =	sld [smem:$0x3F9C];
	_ =	swait.ge [sflag:s4], $0x0  }
0x19: {  	s7 =	sld [smem:$0x3F9D]  }
0x1a: {  	s8 =	sadd.s32 $0xFFFFE003, lr  }
0x1b: {  	s9 =	sadd.s32 $0xFFFFFEF7, lr;
	s5 =	simm.s32 $0xFFFFFFFF;
	p2 =	slt.u32 s8, $0xFFFFF086  }
0x1c: {  	p1 =	slt.u32 s9, $0xF7A;
	s5 =	simm.s32 @!p2 $0x0  }
0x1d: {  	s5 =	simm.s32 @p1 $0x1;
	p0 =	seq.s32 s7, s2  }
0x1e: {  	s7 =	smul.u32 @!p0 $0xF7A, s2;
	p2 =	seq.s32 @!p0 s5, $0x0  }
0x1f: {  	s9 =	smul.u32 $0xF7A, s1;
	s8 =	simm.s32 @!p0 $0x1BF5;
	p2 =	por !p2, p0  }
0x20: {  	[sflag:s8] =	ssyncset.s32 @!p0 $0xFFFFF086;
	s6 =	sadd.s32 @!p0 s3, s7;
	s7 =	simm.s32 @!p0 $0x108  }
0x21: {  	s3 =	sadd.s32 s3, s9;
	s6 =	sadd.s32 @!p0 $0x88, s6;
	s7 =	simm.s32 @p2 $0x1082  }
0x22: {  	[simem:s7], [sflag:s8] =	dma.local @!p0 [hbm:s6], $0xF7A  }
0x23: {  	s9 =	sor.u32 $0xD0000000, s2;
	s6 =	simm.s32 $0x108;
	_ =	swait.ge @!p0 [sflag:s8], $0x0  }
0x24: {  	s3 =	sadd.s32 $0x88, s3;
	s6 =	simm.s32 @!p1 $0x1082;
	[sflag:s4] =	ssyncset.s32 $0xFFFFF086  }
0x25: {  	[simem:s6], [sflag:s4] =	dma.local [hbm:s3], $0xF7A  }
0x26: {  	[smem:$0x3F9D] =	sst s1;
	(tag) =	ssettag s2;
	_ =	strace s9  }
0x27: {  	s1 =	sld [smem:$0x3FAD]  }
0x28: {  	s2 =	sld [smem:$0x3FAE]  }
0x29: {  	s4 =	sld [smem:$0x3FB0]  }
0x2a: {  	p0 =	seq.s32 s5, $0x0;
	s5 =	sld [smem:$0x3FB1]  }
0x2b: {  	s6 =	sld [smem:$0x3FB2]  }
0x2c: {  	s7 =	sld [smem:$0x3FB3]  }
0x2d: {  	s3 =	simm.s32 $0x108;
	s8 =	sld [smem:$0x3FB4]  }
0x2e: {  	s3 =	simm.s32 @!p0 $0x1082;
	s9 =	sld [smem:$0x3FB5]  }
0x2f: {  	lr =	sadd.s32 s0, s3;
	s0 =	sld [smem:$0x3FAC]  }
0x30: {  	s3 =	sld [smem:$0x3FAF]  }
0x31: {  	[smem:$0x3FB8] =	sst s10  }
0x32: {  	s10 =	sld [smem:$0x3FB6];
	_ =	sdelay $0x3  }
0x33: {  	p0 =	seq.s32 s10, $0x1;
	s10 =	sld [smem:$0x3FB8];
	_ =	sdelay $0x3  }
0x34: {  	[smem:$0x3FB8] =	sst s10  }
0x35: {  	s10 =	sld [smem:$0x3FB7];
	_ =	sdelay $0x3  }
0x36: {  	p1 =	seq.s32 s10, $0x1;
	s10 =	sld [smem:$0x3FB8];
	_ =	sdelay $0x3  }
0x37: {  	[smem:$0x3FB8] =	sst s10  }
0x38: {  	s10 =	sld [smem:$0x3FB9]  }
0x39: {  	_ = 	snop;
	(pc) =	sbr.ind lr, $3  }
0x3a: {  	_ = 	snop  }
0x3b: {  	_ = 	snop  }
0x3c: {  	p2 =	seq.s32 s10, $0x1;
	s10 =	sld [smem:$0x3FB8]  }
0x3d: {  	_ =	shalt  }
0x3e: {  	_ =	shalt  }
0x3f: {  	_ =	shalt  }
0x40: {  	_ =	shalt  }
0x41: {  	_ =	shalt  }
0x42: {  	_ =	shalt  }
0x43: {  	_ =	shalt  }
0x44: {  	_ =	shalt  }
0x45: {  	_ =	shalt  }
0x46: {  	_ =	shalt  }
0x47: {  	_ =	shalt  }
0x48: {  	_ =	shalt  }
0x49: {  	_ =	shalt  }
0x4a: {  	_ =	shalt  }
0x4b: {  	_ =	shalt  }
0x4c: {  	_ =	shalt  }
0x4d: {  	_ =	shalt  }
0x4e: {  	_ =	shalt  }
0x4f: {  	_ =	shalt  }
0x50: {  	_ =	shalt  }
0x51: {  	_ =	shalt  }
0x52: {  	_ =	shalt  }
0x53: {  	_ =	shalt  }
0x54: {  	_ =	shalt  }
0x55: {  	_ =	shalt  }
0x56: {  	_ =	shalt  }
0x57: {  	_ =	shalt  }
0x58: {  	_ =	shalt  }
0x59: {  	_ =	shalt  }
0x5a: {  	_ =	shalt  }
0x5b: {  	_ =	shalt  }
0x5c: {  	_ =	shalt  }
0x5d: {  	_ =	shalt  }
0x5e: {  	_ =	shalt  }
0x5f: {  	_ =	shalt  }
0x60: {  	_ =	shalt  }
0x61: {  	_ =	shalt  }
0x62: {  	_ =	shalt  }
0x63: {  	_ =	shalt  }
0x64: {  	_ =	shalt  }
0x65: {  	_ =	shalt  }
0x66: {  	_ =	shalt  }
0x67: {  	_ =	shalt  }
0x68: {  	_ =	shalt  }
0x69: {  	_ =	shalt  }
0x6a: {  	_ =	shalt  }
0x6b: {  	_ =	shalt  }
0x6c: {  	_ =	shalt  }
0x6d: {  	_ =	shalt  }
0x6e: {  	_ =	shalt  }
0x6f: {  	_ =	shalt  }
0x70: {  	_ =	shalt  }
0x71: {  	_ =	shalt  }
0x72: {  	_ =	shalt  }
0x73: {  	_ =	shalt  }
0x74: {  	_ =	shalt  }
0x75: {  	_ =	shalt  }
0x76: {  	_ =	shalt  }
0x77: {  	_ =	shalt  }
0x78: {  	_ =	shalt  }
0x79: {  	_ =	shalt  }
0x7a: {  	_ =	shalt  }
0x7b: {  	_ =	shalt  }
0x7c: {  	_ =	shalt  }
0x7d: {  	_ =	shalt  }
0x7e: {  	_ =	shalt  }
0x7f: {  	_ =	shalt  }
0x80: {  	_ =	shalt  }
0x81: {  	_ =	shalt  }
0x82: {  	_ =	shalt  }
0x83: {  	_ =	shalt  }
0x84: {  	_ =	shalt  }
0x85: {  	_ =	shalt  }
0x86: {  	_ =	shalt  }
0x87: {  	_ =	shalt  }
.Lfunc_end0:
.L_simem_size_0:
called_computation.2_lowered:
.L_overlay_start_0:
0x88: {  	s2 =	sld [smem:$0x3FD9]  }
0x89: {  	s3 =	sld [smem:$0x3FFE];
	_ =	sdelay $0x1  }
0x8a: {  	s1 =	srdreg.scid  }
0x8b: {  	s0 =	sand.u32 $0x1, s1  }
0x8c: {  	s17 =	sshll.u32 s0, $0xA;
	s2 =	sadd.s32 s3, s2  }
0x8d: {  	s2 =	sadd.s32 s2, s17  }
0x8e: {  	[smem:$0x3FC4] =	sst s2  }
0x8f: {  	_ = 	snop  }
0x90: {  	s2 =	sld [smem:$0x3FD0];
	(tm) =	ssettm $0x1  }
0x91: {  	s18 =	sld [smem:$0x3FFB];
	_ =	sdelay $0x3  }
0x92: {  	_ =	strace s18  }
0x93: {  	s3 =	sld [smem:$0x3FFC];
	_ =	sdelay $0x3  }
0x94: {  	_ =	strace s3  }
0x95: {  	s3 =	sld [smem:$0x3FFD];
	_ =	sdelay $0x3  }
0x96: {  	_ =	strace s3  }
0x97: {  	_ =	strace $0x8FFFFFFF  }
0x98: {  	s19 =	sld [smem:$0x3FDB];
	_ =	sdelay $0x1  }
0x99: {  	s4 =	simm.s32 $_scs_section_size  }
0x9a: {  	s5 =	simm.s32 $_size__tile_overlayer_lowered;
	s6 =	simm.s32 $_tile_overlayer_lowered  }
0x9b: {  	s22 =	simm.s32 $0x1BFF;
	s21 =	sshll.u32 s6, $0x1;
	s3 =	sadd.s32 s4, s19  }
0x9c: {  	s7 =	simm.s32 $0x0;
	s20 =	sshll.u32 s5, $0x1;
	s5 =	sadd.s32 s21, s3  }
0x9d: {  	[timem:s7], [sflag:s22] =	dma.local [hbm:s5], s20  }
0x9e: {  	_ =	swait.ge [sflag:s22], s20  }
0x9f: {  	s4 =	ssub.s32 $0x0, s20;
	[sflag:s22] =	ssyncset.done $0x0  }
0xa0: {  	[sflag:s22] =	ssyncadd.s32 s4;
	_ =	sdelay $0x1  }
0xa1: {  	s23 =	simm.s32 $0x1B8B  }
0xa2: {  	_ =	swait.ge [sflag:s23], $0x1  }
0xa3: {  	[sflag:s23] =	ssyncset.done $0x0  }
0xa4: {  	s25 =	simm.s32 $0x1B8E;
	s24 =	sld [smem:$0x3FFE];
	[sflag:s23] =	ssyncadd.s32 $0xFFFFFFFF  }
0xa5: {  	s26 =	simm.s32 $execute0_lowered;
	[smem:$0x3FD2] =	sst s25  }
0xa6: {  	s5 =	sshll.u32 s26, $0x1;
	_ =	strace $0x8000004C;
	[dreg:$0x1] =	wrdreg $0xFFFFFFFF  }
0xa7: {  	s28 =	simm.s32 $_size_execute0_lowered;
	s3 =	sadd.s32 s3, s5;
	[dreg:$0x0] =	wrdreg $0x0  }
0xa8: {  	s5 =	sshll.u32 s28, $0x1;
	[dreg:$0x2] =	wrdreg s3  }
0xa9: {  	[dreg:$0x3] =	wrdreg s5  }
0xaa: {  	[dreg:$0x4] =	wrdreg $0xC0  }
0xab: {  	_ =	task [dreg:s7], $0x5FFFF  }
0xac: {  	[dreg:$0x1] =	wrdreg $0xFFFFFFFF  }
0xad: {  	[dreg:$0x0] =	wrdreg $0x60  }
0xae: {  	[dreg:$0x2] =	wrdreg s2  }
0xaf: {  	[dreg:$0x3] =	wrdreg s24  }
0xb0: {  	[dreg:$0x4] =	wrdreg $0x0  }
0xb1: {  	[dreg:$0x5] =	wrdreg $0x9  }
0xb2: {  	_ =	task.clear_ibuf [dreg:s7], $0x6FFFF;
	_ =	strace $0x9000004C  }
0xb3: {  	s29 =	simm.s32 $0x9;
	_ =	strace $0x8000004E  }
0xb4: {  	_ =	swait.ge [sflag:s29], $0x1  }
0xb5: {  	[sflag:s29] =	ssyncadd.s32 $0xFFFFFFFF  }
0xb6: {  	_ =	strace $0x9000004E  }
0xb7: {  	_ =	sfence  }
0xb8: {  	s30 =	sld [smem:$0x0];
	_ =	sdelay $0x2  }
0xb9: {  	s31 =	sshll.u32 s1, $0xD;
	s1 =	sshrl.u32 s1, $0x2  }
0xba: {  	s3 =	sand.u32 $0x4000, s31;
	s1 =	sadd.s32 s1, s30  }
0xbb: {  	s0 =	sor.u32 s3, s0;
	s1 =	sshll.u32 s1, $0x11  }
0xbc: {  	s0 =	sor.u32 s1, s0  }
0xbd: {  	s0 =	sadd.s32 $0x8F2B, s0  }
0xbe: {  	[sflag:s0] =	ssyncadd.remote.s32 $0x1  }
0xbf: {  	_ =	sfence.sel $0xFFFF  }
0xc0: {  	[dreg:$0x0] =	wrdreg $0xFFFFFFFF;
	(pc) =	sbr.abs _section_cstart, $3  }
0xc1: {  	[dreg:$0x1] =	wrdreg $0xFFFFFFFF  }
0xc2: {  	_ =	task.clear_ibuf [dreg:s7], $0x2FFFF;
	_ =	strace $0x9FFFFFFF  }
0xc3: {  	(tm) =	ssettm $0x7FFFFFFF  }
tec
execute0_lowered:
.L_overlay_start_1:
0x0: {  	(tag) =	ssettag $0x1  }
0x1: {  	s1 =	rddreg [dreg:$0x0]  }
0x2: {  	s4 =	rddreg [dreg:$0x1]  }
0x3: {  	s2 =	rddreg [dreg:$0x2]  }
0x4: {  	s3 =	simm.s32 $0x0;
	s0 =	srdreg.scid;
	s8 =	stileid.u32  }
0x5: {  	s11 =	simm.s32 $0x13980;
	s24 =	simm.s32 $0x13A00;
	s13 =	simm.s32 $0x14180  }
0x6: {  	s25 =	simm.s32 $0x13A80;
	s26 =	simm.s32 $0x14200;
	s31 =	simm.s32 $0x13B00  }
0x7: {  	s19 =	simm.s32 $0x14300;
	s28 =	simm.s32 $0x2;
	[smem:$0x7FF] =	sst s3  }
0x8: {  	s29 =	simm.s32 $0x3;
	_ =	strace $0x8000004D;
	[dreg:$0x4] =	wrdreg s11  }
0x9: {  	s30 =	simm.s32 $0x0;
	s16 =	sand.u32 $0x1, s0;
	[dreg:$0x5] =	wrdreg s24  }
0xa: {  	s5 =	smul.u32 $0x4E000, s8;
	s17 =	sadd.s32 $0xC400, s4;
	[dreg:$0x6] =	wrdreg s13  }
0xb: {  	s0 =	sadd.s32 $0x2400, s4;
	s4 =	sadd.s32 $0x16400, s4;
	[dreg:$0x7] =	wrdreg s25  }
0xc: {  	s20 =	sshll.u32 s8, $0x1;
	s18 =	smul.u32 $0x13800, s8;
	[dreg:$0x8] =	wrdreg s26  }
0xd: {  	p0 =	sne.s32 s8, $0x0;
	s6 =	ssub.s32 $0x2, s16;
	[dreg:$0x9] =	wrdreg s31  }
0xe: {  	s10 =	sor.u32 s16, s20;
	s14 =	smul.u32 $0x138800, s16;
	[dreg:$0xc] =	wrdreg s19  }
0xf: {  	s19 =	simm.s32 $0x13C00;
	s20 =	simm.s32 $0x14380;
	s24 =	smul.u32 $0xA00, s8  }
0x10: {  	s25 =	simm.s32 $0x13D80;
	s26 =	smul.u32 $0x500, s16;
	[dreg:$0xd] =	wrdreg s19  }
0x11: {  	s31 =	simm.s32 $0x13E00;
	s7 =	sshrl.u32 s6, $0x1;
	[dreg:$0xe] =	wrdreg s20  }
0x12: {  	s5 =	sshrl.u32 s5, $0x2;
	s12 =	smul.u32 $0x500, s10;
	[dreg:$0x12] =	wrdreg s25  }
0x13: {  	s10 =	sadd.s32 $0x138000, s2;
	[dreg:$0x13] =	wrdreg s31;
	s19 =	simm.s32 $0x13F00  }
0x14: {  	s20 =	simm.s32 $0x14680;
	s25 =	simm.s32 $0x14080;
	s31 =	simm.s32 $0x14880  }
0x15: {  	s15 =	ssub.s32 s6, s7;
	s5 =	sadd.s32 s5, s2;
	[dreg:$0x17] =	wrdreg s19  }
0x16: {  	s6 =	simm.s32 $0x14280;
	s18 =	sadd.s32 s18, s14;
	[dreg:$0x18] =	wrdreg s20  }
0x17: {  	s7 =	simm.s32 $0x13B80;
	s14 =	sshrl.u32 s14, $0x3;
	[dreg:$0x1d] =	wrdreg s25  }
0x18: {  	s19 =	simm.s32 $0x4;
	[dreg:$0x1f] =	wrdreg s31;
	s25 =	simm.s32 $0x80  }
0x19: {  	s21 =	sadd.s32 $0x4000, s5;
	s22 =	sadd.s32 $0x8000, s5;
	[dreg:$0xa] =	wrdreg s6  }
0x1a: {  	s23 =	sadd.s32 $0xC000, s5;
	s9 =	sadd.s32 $0x10000, s5;
	[dreg:$0xb] =	wrdreg s7  }
0x1b: {  	s11 =	sadd.s32 s17, s12;
	s12 =	sadd.s32 s0, s12;
	[smem:$0x7FB] =	sst s21  }
0x1c: {  	s18 =	sshrl.u32 s18, $0x3;
	s15 =	smax.u32 s15, $0x1;
	[smem:$0x7FC] =	sst s22  }
0x1d: {  	s6 =	sadd.s32 s24, s17;
	s7 =	simm.s32 $0x14580;
	[smem:$0x7FD] =	sst s23  }
0x1e: {  	s17 =	simm.s32 $0x13E80;
	s0 =	sadd.s32 s24, s0;
	[dreg:$0x14] =	wrdreg s7  }
0x1f: {  	s24 =	simm.s32 $0x14780;
	s13 =	sadd.s32 s4, s18;
	[dreg:$0x15] =	wrdreg s17  }
0x20: {  	s4 =	sadd.s32 s4, s14;
	s21 =	simm.s32 $0x13C80;
	[dreg:$0x1c] =	wrdreg s24  }
0x21: {  	s22 =	simm.s32 $0x14400;
	s23 =	simm.s32 $0x14480;
	[dreg:$0xf] =	wrdreg s21  }
0x22: {  	s16 =	sadd.s32 s26, s6;
	s18 =	simm.s32 $0x14600;
	[dreg:$0x10] =	wrdreg s22  }
0x23: {  	s17 =	sadd.s32 s26, s0;
	s26 =	simm.s32 $0x14800;
	[dreg:$0x11] =	wrdreg s23  }
0x24: {  	s24 =	simm.s32 $0x14500;
	s14 =	sadd.s32 $0x27000, s4;
	[dreg:$0x16] =	wrdreg s18  }
0x25: {  	s18 =	simm.s32 $0x14900;
	s21 =	simm.s32 $0x13F80;
	[dreg:$0x1e] =	wrdreg s26  }
0x26: {  	s22 =	simm.s32 $0x14700;
	s23 =	simm.s32 $0x14000;
	[dreg:$0x19] =	wrdreg s21  }
0x27: {  	s26 =	simm.s32 $0x18900;
	[dreg:$0x1a] =	wrdreg s22;
	s21 =	simm.s32 $0x14100  }
0x28: {  	v0 =	vimm.f32 $0.0e+00;
	[dreg:$0x1b] =	wrdreg s23;
	s22 =	simm.s32 $0x1;
	s23 =	simm.s32 $0x13D00  }
.LBB2_1:
0x29: {  	s0 =	simm.s32 $0x0;
	s20 =	simm.s32 $0x200  }
.LBB2_2:
0x2a: {  	p1 =	sne.s32 s20, $0xFE00;
	[tilespmem:s0+$0x14970] =	vst v0  }
0x2b: {  	[tilespmem:s0+$0x14900] =	vst v0  }
0x2c: {  	[tilespmem:s0+$0x14910] =	vst v0  }
.Ltmp0:
0x2d: {  	[tilespmem:s0+$0x14920] =	vst v0;
	(pc) =	sbr.rel @p1 .LBB2_2-.Ltmp0, $4  }
0x2e: {  	[tilespmem:s0+$0x14930] =	vst v0  }
0x2f: {  	[tilespmem:s0+$0x14940] =	vst v0  }
0x30: {  	[tilespmem:s0+$0x14950] =	vst v0  }
0x31: {  	[tilespmem:s0+$0x14960] =	vst v0;
	s0 =	sshra.s32 s20, $0x2;
	s20 =	sadd.s32 $0x200, s20  }
0x32: {  	[tilespmem:s0+$0x14970] =	vst v0  }
0x33: {  	[tilespmem:s0+$0x14900] =	vst v0  }
0x34: {  	[tilespmem:s0+$0x14910] =	vst v0  }
0x35: {  	[tilespmem:s0+$0x14920] =	vst v0  }
0x36: {  	[tilespmem:s0+$0x14930] =	vst v0  }
0x37: {  	[tilespmem:s0+$0x14940] =	vst v0  }
0x38: {  	[tilespmem:s0+$0x14950] =	vst v0  }
0x39: {  	[tilespmem:s0+$0x14960] =	vst v0  }
0x3a: {  	[spmem:s5] =	stream.linear.scatter [tilespmem:s18], [sflag:$0x4], $0x4000, $0x38;
	[tilespmem:$0x1C900] =	vst v63  }
0x3b: {  	_ =	swait.ge [sflag:s19], $0x4000  }
0x3c: {  	s7 =	sld [smem:$0x7FB]  }
0x3d: {  	[sflag:s19] =	ssyncset.done $0x0  }
0x3e: {  	[sflag:s19] =	ssyncadd.s32 $0xFFFFC000  }
0x3f: {  	[spmem:s7] =	stream.linear.scatter [tilespmem:s18], [sflag:$0x4], $0x4000, $0x38;
	[tilespmem:$0x1C900] =	vst v63  }
0x40: {  	_ =	swait.ge [sflag:s19], $0x4000  }
0x41: {  	s8 =	sld [smem:$0x7FC]  }
0x42: {  	[sflag:s19] =	ssyncset.done $0x0  }
0x43: {  	[sflag:s19] =	ssyncadd.s32 $0xFFFFC000  }
0x44: {  	[spmem:s8] =	stream.linear.scatter [tilespmem:s18], [sflag:$0x4], $0x4000, $0x38;
	[tilespmem:$0x1C900] =	vst v63  }
0x45: {  	_ =	swait.ge [sflag:s19], $0x4000  }
0x46: {  	s20 =	sld [smem:$0x7FD]  }
0x47: {  	[sflag:s19] =	ssyncset.done $0x0  }
0x48: {  	[sflag:s19] =	ssyncadd.s32 $0xFFFFC000  }
0x49: {  	[spmem:s20] =	stream.linear.scatter [tilespmem:s18], [sflag:$0x4], $0x4000, $0x38;
	[tilespmem:$0x1C900] =	vst v63  }
0x4a: {  	_ =	swait.ge [sflag:s19], $0x4000  }
0x4b: {  	[sflag:s19] =	ssyncset.done $0x0  }
0x4c: {  	[sflag:s19] =	ssyncadd.s32 $0xFFFFC000  }
0x4d: {  	[spmem:s9] =	stream.linear.scatter [tilespmem:s18], [sflag:$0x4], $0x3800, $0x38;
	[tilespmem:$0x1C900] =	vst v63  }
0x4e: {  	_ =	swait.ge [sflag:s19], $0x3800  }
0x4f: {  	[sflag:s19] =	ssyncset.done $0x0  }
0x50: {  	s0 =	simm.s32 @!p0 $0x14900;
	[sflag:s19] =	ssyncadd.s32 $0xFFFFC800  }
0x51: {  	[spmem:s10] =	stream.linear.scatter @!p0 [tilespmem:s0], [sflag:$0x4], $0x800, $0x38;
	[tilespmem:$0x1C900] =	vst v63  }
0x52: {  	s0 =	simm.s32 @!p0 $0x4  }
0x53: {  	_ =	swait.ge @!p0 [sflag:s0], $0x800  }
0x54: {  	[sflag:s0] =	ssyncset.done @!p0 $0x0  }
0x55: {  	[sflag:s0] =	ssyncadd.s32 @!p0 $0xFFFFF800  }
0x56: {  	s31 =	simm.s32 $0x0;
	s4 =	simm.s32 $0x13900;
	[bflag:$0x0] =	sbarrier.arrive $0xFFFF  }
0x57: {  	[tilespmem:s4], [sflag:$0x1] =	stream.linear.gather [hbm4b:s11+s31], $0x400, $0x38;
	[tilespmem:$0x1C900] =	vst v63  }
0x58: {  	_ = 	snop  }
0x59: {  	[tilespmem:s21], [sflag:$0x1] =	stream.linear.gather [hbm4b:s12+s31], $0x400, $0x38;
	[tilespmem:$0x1C900] =	vst v63  }
0x5a: {  	_ =	swait.ge [sflag:s22], $0x400  }
0x5b: {  	[sflag:s22] =	ssyncset.done $0x0  }
0x5c: {  	[sflag:s22] =	ssyncadd.s32 $0xFFFFFC00  }
0x5d: {  	_ =	swait.ge [sflag:s22], $0x400  }
0x5e: {  	s6 =	sadd.s32 $0x0, s16;
	p1 =	por $0x1, $0x1;
	[sflag:s22] =	ssyncset.done $0x0  }
0x5f: {  	s7 =	sadd.s32 $0x0, s17;
	s0 =	sadd.s32 $0x80, s6;
	[sflag:s22] =	ssyncadd.s32 $0xFFFFFC00  }
0x60: {  	[tilespmem:s23], [sflag:$0x1] =	stream.linear.gather [hbm4b:s0+s3], $0x400, $0x38;
	[tilespmem:$0x1C900] =	vst v63  }
0x61: {  	s20 =	simm.s32 @p1 $0x14900;
	s0 =	sadd.s32 $0x80, s7  }
0x62: {  	[tilespmem:s24], [sflag:$0x1] =	stream.linear.gather [hbm4b:s0+s3], $0x400, $0x38;
	[tilespmem:$0x1C900] =	vst v63  }
0x63: {  	s6 =	simm.s32 @!p1 $0x3;
	s4 =	simm.s32 @p1 $0x80;
	s0 =	simm.s32 @p1 $0x13900  }
0x64: {  	[tilespmem:s20], [sflag:$0x2] =	stream.indirect.gather @p1 [hbm4b:s1+s4], $0x80, s0, s4, $0xb8;
	[tilespmem:$0x1C900] =	vst v63  }
0x65: {  	_ =	swait.ge @!p1 [sflag:s6], $0x4000  }
0x66: {  	s0 =	simm.s32 @!p1 $0x14900;
	[sflag:s6] =	ssyncset.done @!p1 $0x0  }
0x67: {  	s4 =	simm.s32 @!p1 $0x80;
	s20 =	simm.s32 @!p1 $0x13900;
	[sflag:s6] =	ssyncadd.s32 @!p1 $0xFFFFC000  }
0x68: {  	[tilespmem:s0], [sflag:$0x2] =	stream.indirect.gather @!p1 [hbm4b:s1+s4], $0x80, s20, s4, $0xb8;
	[tilespmem:$0x1C900] =	vst v63  }
0x69: {  	_ =	swait.ge @!p1 [sflag:s6], $0x4000  }
0x6a: {  	[sflag:s6] =	ssyncset.done @!p1 $0x0  }
0x6b: {  	s8 =	rddreg [dreg:$0x4];
	[sflag:s6] =	ssyncadd.s32 @!p1 $0xFFFFC000  }
0x6c: {  	[tilespmem:s26], [sflag:$0x2] =	stream.indirect.gather [hbm4b:s1+s25], $0x80, s8, s25, $0xb8;
	[tilespmem:$0x1C900] =	vst v63  }
0x6d: {  	_ =	swait.ge [sflag:s28], $0x4000  }
0x6e: {  	[sflag:s28] =	ssyncset.done $0x0  }
0x6f: {  	[sflag:s28] =	ssyncadd.s32 $0xFFFFC000  }
0x70: {  	[spmem:s2] =	stream.indirect.scatter.add.f32 [tilespmem:s18], [sflag:$0x3], $0x80, s21, s25, $0xb8;
	[tilespmem:$0x1C900] =	vst v63  }
0x71: {  	_ =	swait.ge [sflag:s29], $0x4000  }
0x72: {  	[sflag:s29] =	ssyncset.done $0x0  }
0x73: {  	s20 =	rddreg [dreg:$0x5];
	[sflag:s29] =	ssyncadd.s32 $0xFFFFC000  }
0x74: {  	[tilespmem:s18], [sflag:$0x2] =	stream.indirect.gather [hbm4b:s1+s25], $0x80, s20, s25, $0xb8;
	[tilespmem:$0x1C900] =	vst v63  }
0x75: {  	_ =	swait.ge [sflag:s28], $0x4000  }
0x76: {  	[sflag:s28] =	ssyncset.done $0x0  }
0x77: {  	s4 =	rddreg [dreg:$0x6];
	[sflag:s28] =	ssyncadd.s32 $0xFFFFC000  }
0x78: {  	[spmem:s2] =	stream.indirect.scatter.add.f32 [tilespmem:s26], [sflag:$0x3], $0x80, s4, s25, $0xb8;
	[tilespmem:$0x1C900] =	vst v63  }
0x79: {  	_ =	swait.ge [sflag:s29], $0x4000  }
0x7a: {  	[sflag:s29] =	ssyncset.done $0x0  }
0x7b: {  	s6 =	rddreg [dreg:$0x7];
	[sflag:s29] =	ssyncadd.s32 $0xFFFFC000  }
0x7c: {  	[tilespmem:s26], [sflag:$0x2] =	stream.indirect.gather [hbm4b:s1+s25], $0x80, s6, s25, $0xb8;
	[tilespmem:$0x1C900] =	vst v63  }
0x7d: {  	_ =	swait.ge [sflag:s28], $0x4000  }
0x7e: {  	[sflag:s28] =	ssyncset.done $0x0  }
0x7f: {  	s7 =	rddreg [dreg:$0x8];
	[sflag:s28] =	ssyncadd.s32 $0xFFFFC000  }
0x80: {  	[spmem:s2] =	stream.indirect.scatter.add.f32 [tilespmem:s18], [sflag:$0x3], $0x80, s7, s25, $0xb8;
	[tilespmem:$0x1C900] =	vst v63  }
0x81: {  	_ =	swait.ge [sflag:s29], $0x4000  }
0x82: {  	[sflag:s29] =	ssyncset.done $0x0  }
0x83: {  	s8 =	rddreg [dreg:$0x9];
	[sflag:s29] =	ssyncadd.s32 $0xFFFFC000  }
0x84: {  	[tilespmem:s18], [sflag:$0x2] =	stream.indirect.gather [hbm4b:s1+s25], $0x80, s8, s25, $0xb8;
	[tilespmem:$0x1C900] =	vst v63  }
0x85: {  	_ =	swait.ge [sflag:s28], $0x4000  }
0x86: {  	[sflag:s28] =	ssyncset.done $0x0  }
0x87: {  	s20 =	rddreg [dreg:$0xa];
	[sflag:s28] =	ssyncadd.s32 $0xFFFFC000  }
0x88: {  	[spmem:s2] =	stream.indirect.scatter.add.f32 [tilespmem:s26], [sflag:$0x3], $0x80, s20, s25, $0xb8;
	[tilespmem:$0x1C900] =	vst v63  }
0x89: {  	_ =	swait.ge [sflag:s29], $0x4000  }
0x8a: {  	[sflag:s29] =	ssyncset.done $0x0  }
0x8b: {  	s4 =	rddreg [dreg:$0xb];
	[sflag:s29] =	ssyncadd.s32 $0xFFFFC000  }
0x8c: {  	[tilespmem:s26], [sflag:$0x2] =	stream.indirect.gather [hbm4b:s1+s25], $0x80, s4, s25, $0xb8;
	[tilespmem:$0x1C900] =	vst v63  }
0x8d: {  	_ =	swait.ge [sflag:s28], $0x4000  }
0x8e: {  	[sflag:s28] =	ssyncset.done $0x0  }
0x8f: {  	s6 =	rddreg [dreg:$0xc];
	[sflag:s28] =	ssyncadd.s32 $0xFFFFC000  }
0x90: {  	[spmem:s2] =	stream.indirect.scatter.add.f32 [tilespmem:s18], [sflag:$0x3], $0x80, s6, s25, $0xb8;
	[tilespmem:$0x1C900] =	vst v63  }
0x91: {  	_ =	swait.ge [sflag:s29], $0x4000  }
0x92: {  	[sflag:s29] =	ssyncset.done $0x0  }
0x93: {  	s7 =	rddreg [dreg:$0xd];
	[sflag:s29] =	ssyncadd.s32 $0xFFFFC000  }
0x94: {  	[tilespmem:s18], [sflag:$0x2] =	stream.indirect.gather [hbm4b:s1+s25], $0x80, s7, s25, $0xb8;
	[tilespmem:$0x1C900] =	vst v63  }
0x95: {  	_ =	swait.ge [sflag:s28], $0x4000  }
0x96: {  	[sflag:s28] =	ssyncset.done $0x0  }
0x97: {  	s8 =	rddreg [dreg:$0xe];
	[sflag:s28] =	ssyncadd.s32 $0xFFFFC000  }
0x98: {  	[spmem:s2] =	stream.indirect.scatter.add.f32 [tilespmem:s26], [sflag:$0x3], $0x80, s8, s25, $0xb8;
	[tilespmem:$0x1C900] =	vst v63  }
0x99: {  	_ =	swait.ge [sflag:s29], $0x4000  }
0x9a: {  	[sflag:s29] =	ssyncset.done $0x0  }
0x9b: {  	s20 =	rddreg [dreg:$0xf];
	[sflag:s29] =	ssyncadd.s32 $0xFFFFC000  }
0x9c: {  	[tilespmem:s26], [sflag:$0x2] =	stream.indirect.gather [hbm4b:s1+s25], $0x80, s20, s25, $0xb8;
	[tilespmem:$0x1C900] =	vst v63  }
0x9d: {  	_ =	swait.ge [sflag:s28], $0x4000  }
0x9e: {  	[sflag:s28] =	ssyncset.done $0x0  }
0x9f: {  	s4 =	rddreg [dreg:$0x10];
	[sflag:s28] =	ssyncadd.s32 $0xFFFFC000  }
0xa0: {  	[spmem:s2] =	stream.indirect.scatter.add.f32 [tilespmem:s18], [sflag:$0x3], $0x80, s4, s25, $0xb8;
	[tilespmem:$0x1C900] =	vst v63  }
0xa1: {  	_ =	swait.ge [sflag:s28], $0x4000  }
0xa2: {  	[sflag:s28] =	ssyncset.done $0x0  }
0xa3: {  	s6 =	rddreg [dreg:$0x11];
	[sflag:s28] =	ssyncadd.s32 $0xFFFFC000  }
0xa4: {  	[spmem:s2] =	stream.indirect.scatter.add.f32 [tilespmem:s26], [sflag:$0x3], $0x80, s6, s25, $0xb8;
	[tilespmem:$0x1C900] =	vst v63  }
0xa5: {  	_ =	swait.ge [sflag:s22], $0x400  }
0xa6: {  	[sflag:s22] =	ssyncset.done $0x0  }
0xa7: {  	p1 =	por $0x0, $0x0;
	[sflag:s22] =	ssyncadd.s32 $0xFFFFFC00  }
0xa8: {  	s0 =	sadd.s32 @!p1 $0x0, s16;
	_ =	swait.ge [sflag:s22], $0x400  }
0xa9: {  	s0 =	sadd.s32 @!p1 $0x100, s0;
	[sflag:s22] =	ssyncset.done $0x0  }
0xaa: {  	s4 =	simm.s32 @!p1 $0x13900;
	s6 =	simm.s32 @!p1 $0x0;
	[sflag:s22] =	ssyncadd.s32 $0xFFFFFC00  }
0xab: {  	[tilespmem:s4], [sflag:$0x1] =	stream.linear.gather @!p1 [hbm4b:s0+s6], $0x400, $0x38;
	[tilespmem:$0x1C900] =	vst v63  }
0xac: {  	s0 =	sadd.s32 @!p1 $0x0, s17  }
0xad: {  	s4 =	simm.s32 @!p1 $0x14100;
	s0 =	sadd.s32 @!p1 $0x100, s0  }
0xae: {  	[tilespmem:s4], [sflag:$0x1] =	stream.linear.gather @!p1 [hbm4b:s0+s6], $0x400, $0x38;
	[tilespmem:$0x1C900] =	vst v63  }
0xaf: {  	_ =	swait.ge [sflag:s29], $0x4000  }
0xb0: {  	[sflag:s29] =	ssyncset.done $0x0  }
0xb1: {  	[sflag:s29] =	ssyncadd.s32 $0xFFFFC000  }
0xb2: {  	[tilespmem:s18], [sflag:$0x2] =	stream.indirect.gather [hbm4b:s1+s25], $0x80, s23, s25, $0xb8;
	[tilespmem:$0x1C900] =	vst v63  }
0xb3: {  	_ =	swait.ge [sflag:s29], $0x4000  }
0xb4: {  	[sflag:s29] =	ssyncset.done $0x0  }
0xb5: {  	s7 =	rddreg [dreg:$0x12];
	[sflag:s29] =	ssyncadd.s32 $0xFFFFC000  }
0xb6: {  	[tilespmem:s26], [sflag:$0x2] =	stream.indirect.gather [hbm4b:s1+s25], $0x80, s7, s25, $0xb8;
	[tilespmem:$0x1C900] =	vst v63  }
0xb7: {  	_ =	swait.ge [sflag:s28], $0x4000  }
0xb8: {  	[sflag:s28] =	ssyncset.done $0x0  }
0xb9: {  	[sflag:s28] =	ssyncadd.s32 $0xFFFFC000  }
0xba: {  	[spmem:s2] =	stream.indirect.scatter.add.f32 [tilespmem:s18], [sflag:$0x3], $0x80, s24, s25, $0xb8;
	[tilespmem:$0x1C900] =	vst v63  }
0xbb: {  	_ =	swait.ge [sflag:s29], $0x4000  }
0xbc: {  	[sflag:s29] =	ssyncset.done $0x0  }
0xbd: {  	s8 =	rddreg [dreg:$0x13];
	[sflag:s29] =	ssyncadd.s32 $0xFFFFC000  }
0xbe: {  	[tilespmem:s18], [sflag:$0x2] =	stream.indirect.gather [hbm4b:s1+s25], $0x80, s8, s25, $0xb8;
	[tilespmem:$0x1C900] =	vst v63  }
0xbf: {  	_ =	swait.ge [sflag:s28], $0x4000  }
0xc0: {  	[sflag:s28] =	ssyncset.done $0x0  }
0xc1: {  	s20 =	rddreg [dreg:$0x14];
	[sflag:s28] =	ssyncadd.s32 $0xFFFFC000  }
0xc2: {  	[spmem:s2] =	stream.indirect.scatter.add.f32 [tilespmem:s26], [sflag:$0x3], $0x80, s20, s25, $0xb8;
	[tilespmem:$0x1C900] =	vst v63  }
0xc3: {  	_ =	swait.ge [sflag:s29], $0x4000  }
0xc4: {  	[sflag:s29] =	ssyncset.done $0x0  }
0xc5: {  	s4 =	rddreg [dreg:$0x15];
	[sflag:s29] =	ssyncadd.s32 $0xFFFFC000  }
0xc6: {  	[tilespmem:s26], [sflag:$0x2] =	stream.indirect.gather [hbm4b:s1+s25], $0x80, s4, s25, $0xb8;
	[tilespmem:$0x1C900] =	vst v63  }
0xc7: {  	_ =	swait.ge [sflag:s28], $0x4000  }
0xc8: {  	[sflag:s28] =	ssyncset.done $0x0  }
0xc9: {  	s6 =	rddreg [dreg:$0x16];
	[sflag:s28] =	ssyncadd.s32 $0xFFFFC000  }
0xca: {  	[spmem:s2] =	stream.indirect.scatter.add.f32 [tilespmem:s18], [sflag:$0x3], $0x80, s6, s25, $0xb8;
	[tilespmem:$0x1C900] =	vst v63  }
0xcb: {  	_ =	swait.ge [sflag:s29], $0x4000  }
0xcc: {  	[sflag:s29] =	ssyncset.done $0x0  }
0xcd: {  	s7 =	rddreg [dreg:$0x17];
	[sflag:s29] =	ssyncadd.s32 $0xFFFFC000  }
0xce: {  	[tilespmem:s18], [sflag:$0x2] =	stream.indirect.gather [hbm4b:s1+s25], $0x80, s7, s25, $0xb8;
	[tilespmem:$0x1C900] =	vst v63  }
0xcf: {  	_ =	swait.ge [sflag:s28], $0x4000  }
0xd0: {  	[sflag:s28] =	ssyncset.done $0x0  }
0xd1: {  	s8 =	rddreg [dreg:$0x18];
	[sflag:s28] =	ssyncadd.s32 $0xFFFFC000  }
0xd2: {  	[spmem:s2] =	stream.indirect.scatter.add.f32 [tilespmem:s26], [sflag:$0x3], $0x80, s8, s25, $0xb8;
	[tilespmem:$0x1C900] =	vst v63  }
0xd3: {  	_ =	swait.ge [sflag:s29], $0x4000  }
0xd4: {  	[sflag:s29] =	ssyncset.done $0x0  }
0xd5: {  	s20 =	rddreg [dreg:$0x19];
	[sflag:s29] =	ssyncadd.s32 $0xFFFFC000  }
0xd6: {  	[tilespmem:s26], [sflag:$0x2] =	stream.indirect.gather [hbm4b:s1+s25], $0x80, s20, s25, $0xb8;
	[tilespmem:$0x1C900] =	vst v63  }
0xd7: {  	_ =	swait.ge [sflag:s28], $0x4000  }
0xd8: {  	[sflag:s28] =	ssyncset.done $0x0  }
0xd9: {  	s4 =	rddreg [dreg:$0x1a];
	[sflag:s28] =	ssyncadd.s32 $0xFFFFC000  }
0xda: {  	[spmem:s2] =	stream.indirect.scatter.add.f32 [tilespmem:s18], [sflag:$0x3], $0x80, s4, s25, $0xb8;
	[tilespmem:$0x1C900] =	vst v63  }
0xdb: {  	_ =	swait.ge [sflag:s29], $0x4000  }
0xdc: {  	[sflag:s29] =	ssyncset.done $0x0  }
0xdd: {  	s6 =	rddreg [dreg:$0x1b];
	[sflag:s29] =	ssyncadd.s32 $0xFFFFC000  }
0xde: {  	[tilespmem:s18], [sflag:$0x2] =	stream.indirect.gather [hbm4b:s1+s25], $0x80, s6, s25, $0xb8;
	[tilespmem:$0x1C900] =	vst v63  }
0xdf: {  	_ =	swait.ge [sflag:s28], $0x4000  }
0xe0: {  	[sflag:s28] =	ssyncset.done $0x0  }
0xe1: {  	s7 =	rddreg [dreg:$0x1c];
	[sflag:s28] =	ssyncadd.s32 $0xFFFFC000  }
0xe2: {  	[spmem:s2] =	stream.indirect.scatter.add.f32 [tilespmem:s26], [sflag:$0x3], $0x80, s7, s25, $0xb8;
	[tilespmem:$0x1C900] =	vst v63  }
0xe3: {  	_ =	swait.ge [sflag:s29], $0x4000  }
0xe4: {  	[sflag:s29] =	ssyncset.done $0x0  }
0xe5: {  	s8 =	rddreg [dreg:$0x1d];
	[sflag:s29] =	ssyncadd.s32 $0xFFFFC000  }
0xe6: {  	[tilespmem:s26], [sflag:$0x2] =	stream.indirect.gather [hbm4b:s1+s25], $0x80, s8, s25, $0xb8;
	[tilespmem:$0x1C900] =	vst v63  }
0xe7: {  	_ =	swait.ge [sflag:s28], $0x4000  }
0xe8: {  	[sflag:s28] =	ssyncset.done $0x0  }
0xe9: {  	s20 =	rddreg [dreg:$0x1e];
	[sflag:s28] =	ssyncadd.s32 $0xFFFFC000  }
0xea: {  	[spmem:s2] =	stream.indirect.scatter.add.f32 [tilespmem:s18], [sflag:$0x3], $0x80, s20, s25, $0xb8;
	[tilespmem:$0x1C900] =	vst v63  }
0xeb: {  	_ =	swait.ge [sflag:s28], $0x4000  }
0xec: {  	[sflag:s28] =	ssyncset.done $0x0  }
0xed: {  	s0 =	simm.s32 $0x100;
	s4 =	rddreg [dreg:$0x1f];
	[sflag:s28] =	ssyncadd.s32 $0xFFFFC000  }
.LBB2_4:
0xee: {  	[spmem:s2] =	stream.indirect.scatter.add.f32 [tilespmem:s26], [sflag:$0x3], $0x80, s4, s25, $0xb8;
	[tilespmem:$0x1C900] =	vst v63  }
0xef: {  	_ =	swait.ge [sflag:s22], $0x400  }
0xf0: {  	[sflag:s22] =	ssyncset.done $0x0  }
0xf1: {  	[sflag:s22] =	ssyncadd.s32 $0xFFFFFC00  }
0xf2: {  	s20 =	smov.u32 s0;
	_ =	swait.ge [sflag:s22], $0x400  }
0xf3: {  	s6 =	sadd.s32 s20, s16;
	p2 =	seq.s32 s20, $0x0;
	[sflag:s22] =	ssyncset.done $0x0  }
0xf4: {  	s4 =	sadd.s32 $0x80, s6;
	s6 =	sadd.s32 s20, s17;
	[sflag:s22] =	ssyncadd.s32 $0xFFFFFC00  }
0xf5: {  	[tilespmem:s23], [sflag:$0x1] =	stream.linear.gather [hbm4b:s4+s3], $0x400, $0x38;
	[tilespmem:$0x1C900] =	vst v63  }
0xf6: {  	s7 =	simm.s32 @p2 $0x13900;
	s4 =	sadd.s32 $0x80, s6  }
0xf7: {  	[tilespmem:s24], [sflag:$0x1] =	stream.linear.gather [hbm4b:s4+s3], $0x400, $0x38;
	[tilespmem:$0x1C900] =	vst v63  }
0xf8: {  	s8 =	simm.s32 @p2 $0x14900;
	s6 =	simm.s32 @p2 $0x80;
	s4 =	simm.s32 @!p2 $0x3  }
0xf9: {  	[tilespmem:s8], [sflag:$0x2] =	stream.indirect.gather @p2 [hbm4b:s1+s6], $0x80, s7, s6, $0xb8;
	[tilespmem:$0x1C900] =	vst v63  }
0xfa: {  	_ =	swait.ge @!p2 [sflag:s4], $0x4000  }
0xfb: {  	s6 =	simm.s32 @!p2 $0x14900;
	[sflag:s4] =	ssyncset.done @!p2 $0x0  }
0xfc: {  	s7 =	simm.s32 @!p2 $0x80;
	s8 =	simm.s32 @!p2 $0x13900;
	[sflag:s4] =	ssyncadd.s32 @!p2 $0xFFFFC000  }
0xfd: {  	[tilespmem:s6], [sflag:$0x2] =	stream.indirect.gather @!p2 [hbm4b:s1+s7], $0x80, s8, s7, $0xb8;
	[tilespmem:$0x1C900] =	vst v63  }
0xfe: {  	_ =	swait.ge @!p2 [sflag:s4], $0x4000  }
0xff: {  	[sflag:s4] =	ssyncset.done @!p2 $0x0  }
0x100: {  	s7 =	rddreg [dreg:$0x4];
	[sflag:s4] =	ssyncadd.s32 @!p2 $0xFFFFC000  }
0x101: {  	[tilespmem:s26], [sflag:$0x2] =	stream.indirect.gather [hbm4b:s1+s25], $0x80, s7, s25, $0xb8;
	[tilespmem:$0x1C900] =	vst v63  }
0x102: {  	_ =	swait.ge [sflag:s28], $0x4000  }
0x103: {  	[sflag:s28] =	ssyncset.done $0x0  }
0x104: {  	[sflag:s28] =	ssyncadd.s32 $0xFFFFC000  }
0x105: {  	[spmem:s2] =	stream.indirect.scatter.add.f32 [tilespmem:s18], [sflag:$0x3], $0x80, s21, s25, $0xb8;
	[tilespmem:$0x1C900] =	vst v63  }
0x106: {  	_ =	swait.ge [sflag:s29], $0x4000  }
0x107: {  	[sflag:s29] =	ssyncset.done $0x0  }
0x108: {  	s8 =	rddreg [dreg:$0x5];
	[sflag:s29] =	ssyncadd.s32 $0xFFFFC000  }
0x109: {  	[tilespmem:s18], [sflag:$0x2] =	stream.indirect.gather [hbm4b:s1+s25], $0x80, s8, s25, $0xb8;
	[tilespmem:$0x1C900] =	vst v63  }
0x10a: {  	_ =	swait.ge [sflag:s28], $0x4000  }
0x10b: {  	[sflag:s28] =	ssyncset.done $0x0  }
0x10c: {  	s6 =	rddreg [dreg:$0x6];
	[sflag:s28] =	ssyncadd.s32 $0xFFFFC000  }
0x10d: {  	[spmem:s2] =	stream.indirect.scatter.add.f32 [tilespmem:s26], [sflag:$0x3], $0x80, s6, s25, $0xb8;
	[tilespmem:$0x1C900] =	vst v63  }
0x10e: {  	_ =	swait.ge [sflag:s29], $0x4000  }
0x10f: {  	[sflag:s29] =	ssyncset.done $0x0  }
0x110: {  	s7 =	rddreg [dreg:$0x7];
	[sflag:s29] =	ssyncadd.s32 $0xFFFFC000  }
0x111: {  	[tilespmem:s26], [sflag:$0x2] =	stream.indirect.gather [hbm4b:s1+s25], $0x80, s7, s25, $0xb8;
	[tilespmem:$0x1C900] =	vst v63  }
0x112: {  	_ =	swait.ge [sflag:s28], $0x4000  }
0x113: {  	[sflag:s28] =	ssyncset.done $0x0  }
0x114: {  	s8 =	rddreg [dreg:$0x8];
	[sflag:s28] =	ssyncadd.s32 $0xFFFFC000  }
0x115: {  	[spmem:s2] =	stream.indirect.scatter.add.f32 [tilespmem:s18], [sflag:$0x3], $0x80, s8, s25, $0xb8;
	[tilespmem:$0x1C900] =	vst v63  }
0x116: {  	_ =	swait.ge [sflag:s29], $0x4000  }
0x117: {  	[sflag:s29] =	ssyncset.done $0x0  }
0x118: {  	s6 =	rddreg [dreg:$0x9];
	[sflag:s29] =	ssyncadd.s32 $0xFFFFC000  }
0x119: {  	[tilespmem:s18], [sflag:$0x2] =	stream.indirect.gather [hbm4b:s1+s25], $0x80, s6, s25, $0xb8;
	[tilespmem:$0x1C900] =	vst v63  }
0x11a: {  	_ =	swait.ge [sflag:s28], $0x4000  }
0x11b: {  	[sflag:s28] =	ssyncset.done $0x0  }
0x11c: {  	s7 =	rddreg [dreg:$0xa];
	[sflag:s28] =	ssyncadd.s32 $0xFFFFC000  }
0x11d: {  	[spmem:s2] =	stream.indirect.scatter.add.f32 [tilespmem:s26], [sflag:$0x3], $0x80, s7, s25, $0xb8;
	[tilespmem:$0x1C900] =	vst v63  }
0x11e: {  	_ =	swait.ge [sflag:s29], $0x4000  }
0x11f: {  	[sflag:s29] =	ssyncset.done $0x0  }
0x120: {  	s8 =	rddreg [dreg:$0xb];
	[sflag:s29] =	ssyncadd.s32 $0xFFFFC000  }
0x121: {  	[tilespmem:s26], [sflag:$0x2] =	stream.indirect.gather [hbm4b:s1+s25], $0x80, s8, s25, $0xb8;
	[tilespmem:$0x1C900] =	vst v63  }
0x122: {  	_ =	swait.ge [sflag:s28], $0x4000  }
0x123: {  	[sflag:s28] =	ssyncset.done $0x0  }
0x124: {  	s6 =	rddreg [dreg:$0xc];
	[sflag:s28] =	ssyncadd.s32 $0xFFFFC000  }
0x125: {  	[spmem:s2] =	stream.indirect.scatter.add.f32 [tilespmem:s18], [sflag:$0x3], $0x80, s6, s25, $0xb8;
	[tilespmem:$0x1C900] =	vst v63  }
0x126: {  	_ =	swait.ge [sflag:s29], $0x4000  }
0x127: {  	[sflag:s29] =	ssyncset.done $0x0  }
0x128: {  	s7 =	rddreg [dreg:$0xd];
	[sflag:s29] =	ssyncadd.s32 $0xFFFFC000  }
0x129: {  	[tilespmem:s18], [sflag:$0x2] =	stream.indirect.gather [hbm4b:s1+s25], $0x80, s7, s25, $0xb8;
	[tilespmem:$0x1C900] =	vst v63  }
0x12a: {  	_ =	swait.ge [sflag:s28], $0x4000  }
0x12b: {  	[sflag:s28] =	ssyncset.done $0x0  }
0x12c: {  	s8 =	rddreg [dreg:$0xe];
	[sflag:s28] =	ssyncadd.s32 $0xFFFFC000  }
0x12d: {  	[spmem:s2] =	stream.indirect.scatter.add.f32 [tilespmem:s26], [sflag:$0x3], $0x80, s8, s25, $0xb8;
	[tilespmem:$0x1C900] =	vst v63  }
0x12e: {  	_ =	swait.ge [sflag:s29], $0x4000  }
0x12f: {  	[sflag:s29] =	ssyncset.done $0x0  }
0x130: {  	s6 =	rddreg [dreg:$0xf];
	[sflag:s29] =	ssyncadd.s32 $0xFFFFC000  }
0x131: {  	[tilespmem:s26], [sflag:$0x2] =	stream.indirect.gather [hbm4b:s1+s25], $0x80, s6, s25, $0xb8;
	[tilespmem:$0x1C900] =	vst v63  }
0x132: {  	_ =	swait.ge [sflag:s28], $0x4000  }
0x133: {  	[sflag:s28] =	ssyncset.done $0x0  }
0x134: {  	s7 =	rddreg [dreg:$0x10];
	[sflag:s28] =	ssyncadd.s32 $0xFFFFC000  }
0x135: {  	[spmem:s2] =	stream.indirect.scatter.add.f32 [tilespmem:s18], [sflag:$0x3], $0x80, s7, s25, $0xb8;
	[tilespmem:$0x1C900] =	vst v63  }
0x136: {  	_ =	swait.ge [sflag:s28], $0x4000  }
0x137: {  	[sflag:s28] =	ssyncset.done $0x0  }
0x138: {  	s8 =	rddreg [dreg:$0x11];
	[sflag:s28] =	ssyncadd.s32 $0xFFFFC000  }
0x139: {  	[spmem:s2] =	stream.indirect.scatter.add.f32 [tilespmem:s26], [sflag:$0x3], $0x80, s8, s25, $0xb8;
	[tilespmem:$0x1C900] =	vst v63  }
0x13a: {  	_ =	swait.ge [sflag:s22], $0x400  }
0x13b: {  	s31 =	sadd.s32 $0x1, s31;
	[sflag:s22] =	ssyncset.done $0x0  }
0x13c: {  	p2 =	sgt.u32 s31, $0x3;
	[sflag:s22] =	ssyncadd.s32 $0xFFFFFC00  }
0x13d: {  	s4 =	sadd.s32 @!p2 s20, s16;
	_ =	swait.ge [sflag:s22], $0x400  }
0x13e: {  	s4 =	sadd.s32 @!p2 $0x100, s4;
	s6 =	simm.s32 @!p2 $0x13900;
	[sflag:s22] =	ssyncset.done $0x0  }
0x13f: {  	s7 =	simm.s32 @!p2 $0x0;
	s8 =	sadd.s32 @!p2 s20, s17;
	[sflag:s22] =	ssyncadd.s32 $0xFFFFFC00  }
0x140: {  	[tilespmem:s6], [sflag:$0x1] =	stream.linear.gather @!p2 [hbm4b:s4+s7], $0x400, $0x38;
	[tilespmem:$0x1C900] =	vst v63  }
0x141: {  	s20 =	simm.s32 @!p2 $0x14100;
	s4 =	sadd.s32 @!p2 $0x100, s8  }
0x142: {  	[tilespmem:s20], [sflag:$0x1] =	stream.linear.gather @!p2 [hbm4b:s4+s7], $0x400, $0x38;
	[tilespmem:$0x1C900] =	vst v63  }
0x143: {  	_ =	swait.ge [sflag:s29], $0x4000  }
0x144: {  	[sflag:s29] =	ssyncset.done $0x0  }
0x145: {  	[sflag:s29] =	ssyncadd.s32 $0xFFFFC000  }
0x146: {  	[tilespmem:s18], [sflag:$0x2] =	stream.indirect.gather [hbm4b:s1+s25], $0x80, s23, s25, $0xb8;
	[tilespmem:$0x1C900] =	vst v63  }
0x147: {  	_ =	swait.ge [sflag:s29], $0x4000  }
0x148: {  	[sflag:s29] =	ssyncset.done $0x0  }
0x149: {  	s20 =	rddreg [dreg:$0x12];
	[sflag:s29] =	ssyncadd.s32 $0xFFFFC000  }
0x14a: {  	[tilespmem:s26], [sflag:$0x2] =	stream.indirect.gather [hbm4b:s1+s25], $0x80, s20, s25, $0xb8;
	[tilespmem:$0x1C900] =	vst v63  }
0x14b: {  	_ =	swait.ge [sflag:s28], $0x4000  }
0x14c: {  	[sflag:s28] =	ssyncset.done $0x0  }
0x14d: {  	[sflag:s28] =	ssyncadd.s32 $0xFFFFC000  }
0x14e: {  	[spmem:s2] =	stream.indirect.scatter.add.f32 [tilespmem:s18], [sflag:$0x3], $0x80, s24, s25, $0xb8;
	[tilespmem:$0x1C900] =	vst v63  }
0x14f: {  	_ =	swait.ge [sflag:s29], $0x4000  }
0x150: {  	[sflag:s29] =	ssyncset.done $0x0  }
0x151: {  	s6 =	rddreg [dreg:$0x13];
	[sflag:s29] =	ssyncadd.s32 $0xFFFFC000  }
0x152: {  	[tilespmem:s18], [sflag:$0x2] =	stream.indirect.gather [hbm4b:s1+s25], $0x80, s6, s25, $0xb8;
	[tilespmem:$0x1C900] =	vst v63  }
0x153: {  	_ =	swait.ge [sflag:s28], $0x4000  }
0x154: {  	[sflag:s28] =	ssyncset.done $0x0  }
0x155: {  	s7 =	rddreg [dreg:$0x14];
	[sflag:s28] =	ssyncadd.s32 $0xFFFFC000  }
0x156: {  	[spmem:s2] =	stream.indirect.scatter.add.f32 [tilespmem:s26], [sflag:$0x3], $0x80, s7, s25, $0xb8;
	[tilespmem:$0x1C900] =	vst v63  }
0x157: {  	_ =	swait.ge [sflag:s29], $0x4000  }
0x158: {  	[sflag:s29] =	ssyncset.done $0x0  }
0x159: {  	s8 =	rddreg [dreg:$0x15];
	[sflag:s29] =	ssyncadd.s32 $0xFFFFC000  }
0x15a: {  	[tilespmem:s26], [sflag:$0x2] =	stream.indirect.gather [hbm4b:s1+s25], $0x80, s8, s25, $0xb8;
	[tilespmem:$0x1C900] =	vst v63  }
0x15b: {  	_ =	swait.ge [sflag:s28], $0x4000  }
0x15c: {  	[sflag:s28] =	ssyncset.done $0x0  }
0x15d: {  	s20 =	rddreg [dreg:$0x16];
	[sflag:s28] =	ssyncadd.s32 $0xFFFFC000  }
0x15e: {  	[spmem:s2] =	stream.indirect.scatter.add.f32 [tilespmem:s18], [sflag:$0x3], $0x80, s20, s25, $0xb8;
	[tilespmem:$0x1C900] =	vst v63  }
0x15f: {  	_ =	swait.ge [sflag:s29], $0x4000  }
0x160: {  	[sflag:s29] =	ssyncset.done $0x0  }
0x161: {  	s6 =	rddreg [dreg:$0x17];
	[sflag:s29] =	ssyncadd.s32 $0xFFFFC000  }
0x162: {  	[tilespmem:s18], [sflag:$0x2] =	stream.indirect.gather [hbm4b:s1+s25], $0x80, s6, s25, $0xb8;
	[tilespmem:$0x1C900] =	vst v63  }
0x163: {  	_ =	swait.ge [sflag:s28], $0x4000  }
0x164: {  	[sflag:s28] =	ssyncset.done $0x0  }
0x165: {  	s7 =	rddreg [dreg:$0x18];
	[sflag:s28] =	ssyncadd.s32 $0xFFFFC000  }
0x166: {  	[spmem:s2] =	stream.indirect.scatter.add.f32 [tilespmem:s26], [sflag:$0x3], $0x80, s7, s25, $0xb8;
	[tilespmem:$0x1C900] =	vst v63  }
0x167: {  	_ =	swait.ge [sflag:s29], $0x4000  }
0x168: {  	[sflag:s29] =	ssyncset.done $0x0  }
0x169: {  	s8 =	rddreg [dreg:$0x19];
	[sflag:s29] =	ssyncadd.s32 $0xFFFFC000  }
0x16a: {  	[tilespmem:s26], [sflag:$0x2] =	stream.indirect.gather [hbm4b:s1+s25], $0x80, s8, s25, $0xb8;
	[tilespmem:$0x1C900] =	vst v63  }
0x16b: {  	_ =	swait.ge [sflag:s28], $0x4000  }
0x16c: {  	[sflag:s28] =	ssyncset.done $0x0  }
0x16d: {  	s20 =	rddreg [dreg:$0x1a];
	[sflag:s28] =	ssyncadd.s32 $0xFFFFC000  }
0x16e: {  	[spmem:s2] =	stream.indirect.scatter.add.f32 [tilespmem:s18], [sflag:$0x3], $0x80, s20, s25, $0xb8;
	[tilespmem:$0x1C900] =	vst v63  }
0x16f: {  	_ =	swait.ge [sflag:s29], $0x4000  }
0x170: {  	[sflag:s29] =	ssyncset.done $0x0  }
0x171: {  	s6 =	rddreg [dreg:$0x1b];
	[sflag:s29] =	ssyncadd.s32 $0xFFFFC000  }
0x172: {  	[tilespmem:s18], [sflag:$0x2] =	stream.indirect.gather [hbm4b:s1+s25], $0x80, s6, s25, $0xb8;
	[tilespmem:$0x1C900] =	vst v63  }
0x173: {  	_ =	swait.ge [sflag:s28], $0x4000  }
0x174: {  	[sflag:s28] =	ssyncset.done $0x0  }
0x175: {  	s7 =	rddreg [dreg:$0x1c];
	[sflag:s28] =	ssyncadd.s32 $0xFFFFC000  }
0x176: {  	[spmem:s2] =	stream.indirect.scatter.add.f32 [tilespmem:s26], [sflag:$0x3], $0x80, s7, s25, $0xb8;
	[tilespmem:$0x1C900] =	vst v63  }
0x177: {  	_ =	swait.ge [sflag:s29], $0x4000  }
0x178: {  	[sflag:s29] =	ssyncset.done $0x0  }
0x179: {  	s8 =	rddreg [dreg:$0x1d];
	[sflag:s29] =	ssyncadd.s32 $0xFFFFC000  }
0x17a: {  	[tilespmem:s26], [sflag:$0x2] =	stream.indirect.gather [hbm4b:s1+s25], $0x80, s8, s25, $0xb8;
	[tilespmem:$0x1C900] =	vst v63  }
0x17b: {  	s0 =	sadd.s32 $0x100, s0;
	_ =	swait.ge [sflag:s28], $0x4000  }
0x17c: {  	p1 =	sne.s32 s0, $0x500;
	[sflag:s28] =	ssyncset.done $0x0  }
.Ltmp1:
0x17d: {  	s20 =	rddreg [dreg:$0x1e];
	[sflag:s28] =	ssyncadd.s32 $0xFFFFC000;
	(pc) =	sbr.rel @p1 .LBB2_4-.Ltmp1, $4  }
0x17e: {  	[spmem:s2] =	stream.indirect.scatter.add.f32 [tilespmem:s18], [sflag:$0x3], $0x80, s20, s25, $0xb8;
	[tilespmem:$0x1C900] =	vst v63  }
0x17f: {  	_ =	swait.ge [sflag:s28], $0x4000  }
0x180: {  	[sflag:s28] =	ssyncset.done $0x0  }
0x181: {  	s4 =	rddreg [dreg:$0x1f];
	[sflag:s28] =	ssyncadd.s32 $0xFFFFC000  }
0x182: {  	[spmem:s2] =	stream.indirect.scatter.add.f32 [tilespmem:s26], [sflag:$0x3], $0x80, s4, s25, $0xb8;
	[tilespmem:$0x1C900] =	vst v63  }
0x183: {  	_ =	swait.ge [sflag:s29], $0x4000  }
0x184: {  	[sflag:s29] =	ssyncset.done $0x0  }
0x185: {  	[sflag:s29] =	ssyncadd.s32 $0xFFFFC000  }
0x186: {  	_ =	swait.ge [sflag:s29], $0x4000  }
0x187: {  	s0 =	stileid.u32;
	[sflag:s29] =	ssyncset.done $0x0  }
0x188: {  	s0 =	sshll.u32 s0, $0x6;
	[sflag:s29] =	ssyncadd.s32 $0xFFFFC000  }
0x189: {  	s31 =	sshrl.u32 s5, $0x3;
	s0 =	sor.u32 $0x1C04, s0;
	[bflag:$0x0] =	sbarrier.arrive $0xFFFF  }
0x18a: {  	[hbm:s13], [sflag:s0] =	dma.local [spmem:s31], $0x2700  }
0x18b: {  	_ =	swait.ge [sflag:s19], $0x2700  }
0x18c: {  	s30 =	sadd.s32 $0x1, s30;
	[sflag:s19] =	ssyncset.done $0x0  }
0x18d: {  	s4 =	sshrl.u32 @!p0 s10, $0x3;
	p1 =	sne.s32 s30, s15;
	[sflag:s19] =	ssyncadd.s32 $0xFFFFD900  }
0x18e: {  	[hbm:s14], [sflag:s0] =	dma.local @!p0 [spmem:s4], $0x100  }
.Ltmp2:
0x18f: {  	_ = 	snop;
	(pc) =	sbr.rel @p1 .LBB2_1-.Ltmp2, $4  }
0x190: {  	s0 =	simm.s32 @!p0 $0x4  }
0x191: {  	_ =	swait.ge @!p0 [sflag:s0], $0x100  }
0x192: {  	[sflag:s0] =	ssyncset.done @!p0 $0x0  }
0x193: {  	[sflag:s0] =	ssyncadd.s32 @!p0 $0xFFFFFF00  }
0x194: {  	_ =	sfence.sel $0x180000  }
0x195: {  	[bflag:$0x0] =	sbarrier.arrive $0xFFFF  }
0x196: {  	_ =	strace $0x9000004D  }
0x197: {  	[bflag:$0x2] =	sbarrier.arrive $0xFFFF  }
0x198: {  	s0 =	rddreg [dreg:$0x3]  }
0x199: {  	s0 =	sadd.s32 @!p0 $0x100000, s0  }
0x19a: {  	[sflag:s0] =	ssyncadd.tile.s32 @!p0 $0x1;
	_ =	shalt  }
.Lfunc_end2:
_tile_overlayer_lowered:
.L_overlay_start_2:
0x19b: {  	(tag) =	ssettag $0x2  }
0x19c: {  	s0 =	rddreg [dreg:$0x0];
	s2 =	stileid.u32  }
0x19d: {  	s1 =	rddreg [dreg:$0x1];
	p0 =	sne.s32 s2, $0x0  }
0x19e: {  	s3 =	rddreg [dreg:$0x2];
	[bflag:$0x3] =	sbarrier.arrive $0xFFFF;
	s2 =	simm.s32 @!p0 $0x1C04  }
0x19f: {  	[timem:s3], [sflag:s2] =	dma.local @!p0 [hbm:s0], s1  }
0x1a0: {  	s0 =	simm.s32 @!p0 $0x4  }
0x1a1: {  	_ =	swait.ge @!p0 [sflag:s0], s1  }
0x1a2: {  	s1 =	ssub.s32 @!p0 $0x0, s1;
	[sflag:s0] =	ssyncset.done @!p0 $0x0  }
0x1a3: {  	[sflag:s0] =	ssyncadd.s32 @!p0 s1  }
0x1a4: {  	[bflag:$0x3] =	sbarrier.arrive $0xFFFF  }
0x1a5: {  	_ =	shalt  }

// kernel: kernel.8.cloned.1.call-start
scs
__scs_entry_jumppad:
0x0: {  	(pc) =	sbr.rel $0x88, $3  }
0x1: {  	(tag) =	ssettag $0x0;
	lr =	simm.s32 $0x1  }
0x2: {  	[smem:$0x3F9D] =	sst lr;
	_ =	strace $0xD0000000  }
0x3: {  	_ = 	snop  }
0x4: {  	_ = 	snop  }
0x5: {  	_ = 	snop  }
0x6: {  	_ = 	snop  }
0x7: {  	_ = 	snop  }
__scs_overlays_trampoline_lowered:
0x8: {  	[smem:$0x3FAC] =	sst s0  }
0x9: {  	[smem:$0x3FAD] =	sst s1  }
0xa: {  	[smem:$0x3FAE] =	sst s2  }
0xb: {  	[smem:$0x3FAF] =	sst s3  }
0xc: {  	[smem:$0x3FB0] =	sst s4  }
0xd: {  	[smem:$0x3FB1] =	sst s5  }
0xe: {  	[smem:$0x3FB2] =	sst s6  }
0xf: {  	[smem:$0x3FB3] =	sst s7  }
0x10: {  	[smem:$0x3FB4] =	sst s8  }
0x11: {  	[smem:$0x3FB5] =	sst s9;
	s0 =	simm.s32 @!p0 $0x0  }
0x12: {  	s1 =	sld [smem:$0x3F9B];
	s0 =	simm.s32 @p0 $0x1  }
0x13: {  	[smem:$0x3FB6] =	sst s0;
	s0 =	simm.s32 @!p1 $0x0  }
0x14: {  	s2 =	sld [smem:$0x3F9A];
	s0 =	simm.s32 @p1 $0x1  }
0x15: {  	[smem:$0x3FB7] =	sst s0;
	s0 =	simm.s32 @!p2 $0x0  }
0x16: {  	s3 =	sld [smem:$0x3FDB];
	s0 =	simm.s32 @p2 $0x1  }
0x17: {  	s4 =	simm.s32 $0x1BF5;
	[smem:$0x3FB9] =	sst s0  }
0x18: {  	s0 =	sld [smem:$0x3F9C];
	_ =	swait.ge [sflag:s4], $0x0  }
0x19: {  	s7 =	sld [smem:$0x3F9D]  }
0x1a: {  	s8 =	sadd.s32 $0xFFFFE003, lr  }
0x1b: {  	s9 =	sadd.s32 $0xFFFFFEF7, lr;
	s5 =	simm.s32 $0xFFFFFFFF;
	p2 =	slt.u32 s8, $0xFFFFF086  }
0x1c: {  	p1 =	slt.u32 s9, $0xF7A;
	s5 =	simm.s32 @!p2 $0x0  }
0x1d: {  	s5 =	simm.s32 @p1 $0x1;
	p0 =	seq.s32 s7, s2  }
0x1e: {  	s7 =	smul.u32 @!p0 $0xF7A, s2;
	p2 =	seq.s32 @!p0 s5, $0x0  }
0x1f: {  	s9 =	smul.u32 $0xF7A, s1;
	s8 =	simm.s32 @!p0 $0x1BF5;
	p2 =	por !p2, p0  }
0x20: {  	[sflag:s8] =	ssyncset.s32 @!p0 $0xFFFFF086;
	s6 =	sadd.s32 @!p0 s3, s7;
	s7 =	simm.s32 @!p0 $0x108  }
0x21: {  	s3 =	sadd.s32 s3, s9;
	s6 =	sadd.s32 @!p0 $0x88, s6;
	s7 =	simm.s32 @p2 $0x1082  }
0x22: {  	[simem:s7], [sflag:s8] =	dma.local @!p0 [hbm:s6], $0xF7A  }
0x23: {  	s9 =	sor.u32 $0xD0000000, s2;
	s6 =	simm.s32 $0x108;
	_ =	swait.ge @!p0 [sflag:s8], $0x0  }
0x24: {  	s3 =	sadd.s32 $0x88, s3;
	s6 =	simm.s32 @!p1 $0x1082;
	[sflag:s4] =	ssyncset.s32 $0xFFFFF086  }
0x25: {  	[simem:s6], [sflag:s4] =	dma.local [hbm:s3], $0xF7A  }
0x26: {  	[smem:$0x3F9D] =	sst s1;
	(tag) =	ssettag s2;
	_ =	strace s9  }
0x27: {  	s1 =	sld [smem:$0x3FAD]  }
0x28: {  	s2 =	sld [smem:$0x3FAE]  }
0x29: {  	s4 =	sld [smem:$0x3FB0]  }
0x2a: {  	p0 =	seq.s32 s5, $0x0;
	s5 =	sld [smem:$0x3FB1]  }
0x2b: {  	s6 =	sld [smem:$0x3FB2]  }
0x2c: {  	s7 =	sld [smem:$0x3FB3]  }
0x2d: {  	s3 =	simm.s32 $0x108;
	s8 =	sld [smem:$0x3FB4]  }
0x2e: {  	s3 =	simm.s32 @!p0 $0x1082;
	s9 =	sld [smem:$0x3FB5]  }
0x2f: {  	lr =	sadd.s32 s0, s3;
	s0 =	sld [smem:$0x3FAC]  }
0x30: {  	s3 =	sld [smem:$0x3FAF]  }
0x31: {  	[smem:$0x3FB8] =	sst s10  }
0x32: {  	s10 =	sld [smem:$0x3FB6];
	_ =	sdelay $0x3  }
0x33: {  	p0 =	seq.s32 s10, $0x1;
	s10 =	sld [smem:$0x3FB8];
	_ =	sdelay $0x3  }
0x34: {  	[smem:$0x3FB8] =	sst s10  }
0x35: {  	s10 =	sld [smem:$0x3FB7];
	_ =	sdelay $0x3  }
0x36: {  	p1 =	seq.s32 s10, $0x1;
	s10 =	sld [smem:$0x3FB8];
	_ =	sdelay $0x3  }
0x37: {  	[smem:$0x3FB8] =	sst s10  }
0x38: {  	s10 =	sld [smem:$0x3FB9]  }
0x39: {  	_ = 	snop;
	(pc) =	sbr.ind lr, $3  }
0x3a: {  	_ = 	snop  }
0x3b: {  	_ = 	snop  }
0x3c: {  	p2 =	seq.s32 s10, $0x1;
	s10 =	sld [smem:$0x3FB8]  }
0x3d: {  	_ =	shalt  }
0x3e: {  	_ =	shalt  }
0x3f: {  	_ =	shalt  }
0x40: {  	_ =	shalt  }
0x41: {  	_ =	shalt  }
0x42: {  	_ =	shalt  }
0x43: {  	_ =	shalt  }
0x44: {  	_ =	shalt  }
0x45: {  	_ =	shalt  }
0x46: {  	_ =	shalt  }
0x47: {  	_ =	shalt  }
0x48: {  	_ =	shalt  }
0x49: {  	_ =	shalt  }
0x4a: {  	_ =	shalt  }
0x4b: {  	_ =	shalt  }
0x4c: {  	_ =	shalt  }
0x4d: {  	_ =	shalt  }
0x4e: {  	_ =	shalt  }
0x4f: {  	_ =	shalt  }
0x50: {  	_ =	shalt  }
0x51: {  	_ =	shalt  }
0x52: {  	_ =	shalt  }
0x53: {  	_ =	shalt  }
0x54: {  	_ =	shalt  }
0x55: {  	_ =	shalt  }
0x56: {  	_ =	shalt  }
0x57: {  	_ =	shalt  }
0x58: {  	_ =	shalt  }
0x59: {  	_ =	shalt  }
0x5a: {  	_ =	shalt  }
0x5b: {  	_ =	shalt  }
0x5c: {  	_ =	shalt  }
0x5d: {  	_ =	shalt  }
0x5e: {  	_ =	shalt  }
0x5f: {  	_ =	shalt  }
0x60: {  	_ =	shalt  }
0x61: {  	_ =	shalt  }
0x62: {  	_ =	shalt  }
0x63: {  	_ =	shalt  }
0x64: {  	_ =	shalt  }
0x65: {  	_ =	shalt  }
0x66: {  	_ =	shalt  }
0x67: {  	_ =	shalt  }
0x68: {  	_ =	shalt  }
0x69: {  	_ =	shalt  }
0x6a: {  	_ =	shalt  }
0x6b: {  	_ =	shalt  }
0x6c: {  	_ =	shalt  }
0x6d: {  	_ =	shalt  }
0x6e: {  	_ =	shalt  }
0x6f: {  	_ =	shalt  }
0x70: {  	_ =	shalt  }
0x71: {  	_ =	shalt  }
0x72: {  	_ =	shalt  }
0x73: {  	_ =	shalt  }
0x74: {  	_ =	shalt  }
0x75: {  	_ =	shalt  }
0x76: {  	_ =	shalt  }
0x77: {  	_ =	shalt  }
0x78: {  	_ =	shalt  }
0x79: {  	_ =	shalt  }
0x7a: {  	_ =	shalt  }
0x7b: {  	_ =	shalt  }
0x7c: {  	_ =	shalt  }
0x7d: {  	_ =	shalt  }
0x7e: {  	_ =	shalt  }
0x7f: {  	_ =	shalt  }
0x80: {  	_ =	shalt  }
0x81: {  	_ =	shalt  }
0x82: {  	_ =	shalt  }
0x83: {  	_ =	shalt  }
0x84: {  	_ =	shalt  }
0x85: {  	_ =	shalt  }
0x86: {  	_ =	shalt  }
0x87: {  	_ =	shalt  }
.Lfunc_end0:
.L_simem_size_0:
called_computation_lowered:
.L_overlay_start_0:
0x88: {  	s2 =	sld [smem:$0x3FD9]  }
0x89: {  	s3 =	sld [smem:$0x3FFE];
	_ =	sdelay $0x1  }
0x8a: {  	s1 =	srdreg.scid  }
0x8b: {  	s0 =	sand.u32 $0x1, s1  }
0x8c: {  	s16 =	sshll.u32 s0, $0xA;
	s2 =	sadd.s32 s3, s2  }
0x8d: {  	s2 =	sadd.s32 s2, s16  }
0x8e: {  	[smem:$0x3FC4] =	sst s2  }
0x8f: {  	_ = 	snop  }
0x90: {  	(tm) =	ssettm $0x1  }
0x91: {  	s17 =	sld [smem:$0x3FFB];
	_ =	sdelay $0x3  }
0x92: {  	_ =	strace s17  }
0x93: {  	s2 =	sld [smem:$0x3FFC];
	_ =	sdelay $0x3  }
0x94: {  	_ =	strace s2  }
0x95: {  	s2 =	sld [smem:$0x3FFD];
	_ =	sdelay $0x3  }
0x96: {  	_ =	strace s2  }
0x97: {  	_ =	strace $0x8FFFFFFF  }
0x98: {  	s18 =	sld [smem:$0x3FDB];
	_ =	sdelay $0x1  }
0x99: {  	s19 =	simm.s32 $_scs_section_size  }
0x9a: {  	s4 =	simm.s32 $_size__tile_overlayer_lowered;
	s5 =	simm.s32 $_tile_overlayer_lowered  }
0x9b: {  	s22 =	simm.s32 $0x1BFF;
	s21 =	sshll.u32 s5, $0x1;
	s2 =	sadd.s32 s19, s18  }
0x9c: {  	s6 =	simm.s32 $0x0;
	s20 =	sshll.u32 s4, $0x1;
	s4 =	sadd.s32 s21, s2  }
0x9d: {  	[timem:s6], [sflag:s22] =	dma.local [hbm:s4], s20  }
0x9e: {  	_ =	swait.ge [sflag:s22], s20  }
0x9f: {  	s3 =	ssub.s32 $0x0, s20;
	[sflag:s22] =	ssyncset.done $0x0  }
0xa0: {  	[sflag:s22] =	ssyncadd.s32 s3;
	_ =	sdelay $0x1  }
0xa1: {  	s23 =	simm.s32 $0x1B8B  }
0xa2: {  	_ =	swait.ge [sflag:s23], $0x1  }
0xa3: {  	[sflag:s23] =	ssyncset.done $0x0  }
0xa4: {  	s25 =	simm.s32 $0x1B8E;
	s24 =	sld [smem:$0x3FFE];
	[sflag:s23] =	ssyncadd.s32 $0xFFFFFFFF  }
0xa5: {  	s26 =	simm.s32 $execute0_lowered;
	[smem:$0x3FD2] =	sst s25  }
0xa6: {  	s4 =	sshll.u32 s26, $0x1;
	_ =	strace $0x80000046;
	[dreg:$0x1] =	wrdreg $0xFFFFFFFF  }
0xa7: {  	s28 =	simm.s32 $_size_execute0_lowered;
	s2 =	sadd.s32 s2, s4;
	[dreg:$0x0] =	wrdreg $0x0  }
0xa8: {  	s4 =	sshll.u32 s28, $0x1;
	[dreg:$0x2] =	wrdreg s2  }
0xa9: {  	[dreg:$0x3] =	wrdreg s4  }
0xaa: {  	[dreg:$0x4] =	wrdreg $0xC0  }
0xab: {  	_ =	task [dreg:s6], $0x5FFFF  }
0xac: {  	[dreg:$0x1] =	wrdreg $0xFFFFFFFF  }
0xad: {  	[dreg:$0x0] =	wrdreg $0x60  }
0xae: {  	[dreg:$0x2] =	wrdreg s24  }
0xaf: {  	[dreg:$0x3] =	wrdreg $0x0  }
0xb0: {  	[dreg:$0x4] =	wrdreg $0x9  }
0xb1: {  	_ =	task.clear_ibuf [dreg:s6], $0x5FFFF;
	_ =	strace $0x90000046  }
0xb2: {  	s29 =	simm.s32 $0x9;
	_ =	strace $0x80000048  }
0xb3: {  	_ =	swait.ge [sflag:s29], $0x1  }
0xb4: {  	[sflag:s29] =	ssyncadd.s32 $0xFFFFFFFF  }
0xb5: {  	_ =	strace $0x90000048  }
0xb6: {  	_ =	sfence  }
0xb7: {  	s30 =	sld [smem:$0x0];
	_ =	sdelay $0x2  }
0xb8: {  	s31 =	sshll.u32 s1, $0xD;
	s1 =	sshrl.u32 s1, $0x2  }
0xb9: {  	s3 =	sand.u32 $0x4000, s31;
	s1 =	sadd.s32 s1, s30  }
0xba: {  	s0 =	sor.u32 s3, s0;
	s1 =	sshll.u32 s1, $0x11  }
0xbb: {  	s0 =	sor.u32 s1, s0  }
0xbc: {  	s0 =	sadd.s32 $0x8F2B, s0  }
0xbd: {  	[sflag:s0] =	ssyncadd.remote.s32 $0x1  }
0xbe: {  	_ =	sfence.sel $0xFFFF  }
0xbf: {  	[dreg:$0x0] =	wrdreg $0xFFFFFFFF;
	(pc) =	sbr.abs _section_cstart, $3  }
0xc0: {  	[dreg:$0x1] =	wrdreg $0xFFFFFFFF  }
0xc1: {  	_ =	task.clear_ibuf [dreg:s6], $0x2FFFF;
	_ =	strace $0x9FFFFFFF  }
0xc2: {  	(tm) =	ssettm $0x7FFFFFFF  }
0xc3: {  	_ =	shalt  }
tec
execute0_lowered:
.L_overlay_start_1:
0x0: {  	(tag) =	ssettag $0x1  }
0x1: {  	s0 =	rddreg [dreg:$0x0]  }
0x2: {  	s1 =	rddreg [dreg:$0x1]  }
0x3: {  	s2 =	srdreg.scid;
	s3 =	simm.s32 $0x0;
	s8 =	stileid.u32  }
0x4: {  	s10 =	simm.s32 $0x2;
	s11 =	simm.s32 $0x2800;
	s12 =	simm.s32 $0x1  }
0x5: {  	s13 =	simm.s32 $0x2C00;
	s14 =	simm.s32 $0x80;
	s15 =	simm.s32 $0x3000  }
0x6: {  	s16 =	simm.s32 $0x2880;
	s17 =	simm.s32 $0x2900;
	s18 =	simm.s32 $0x2980  }
0x7: {  	s19 =	simm.s32 $0x2A00;
	s20 =	simm.s32 $0x2A80;
	s21 =	simm.s32 $0x2B00  }
0x8: {  	s22 =	simm.s32 $0x2B80;
	s28 =	simm.s32 $0x2E80;
	s29 =	simm.s32 $0x2F00  }
0x9: {  	s30 =	simm.s32 $0x2F80;
	s31 =	simm.s32 $0x0;
	s5 =	smul.u32 $0x14000, s8  }
0xa: {  	s2 =	sand.u32 $0x1, s2;
	[smem:$0x7FF] =	sst s3;
	s24 =	smul.u32 $0x50000, s8  }
0xb: {  	s6 =	sshll.u32 s8, $0x1;
	s7 =	sadd.s32 $0x2400, s0;
	s8 =	smul.u32 $0xA00, s8  }
0xc: {  	s4 =	smul.u32 $0x140000, s2;
	_ =	strace $0x80000047;
	s25 =	ssub.s32 $0x2, s2  }
0xd: {  	s23 =	sor.u32 s2, s6;
	s2 =	smul.u32 $0x500, s2;
	s9 =	sshrl.u32 s25, $0x1  }
0xe: {  	s6 =	sshrl.u32 s24, $0x2;
	s8 =	sadd.s32 s8, s7;
	s24 =	simm.s32 $0x2D00  }
0xf: {  	s4 =	sadd.s32 s5, s4;
	s5 =	smul.u32 $0x500, s23;
	s9 =	ssub.s32 s25, s9  }
0x10: {  	s26 =	sadd.s32 s2, s8;
	s23 =	simm.s32 $0x2C80;
	s4 =	sshrl.u32 s4, $0x3  }
0x11: {  	s25 =	simm.s32 $0x2D80;
	s0 =	sadd.s32 s4, s0;
	s4 =	sadd.s32 s6, s1  }
0x12: {  	s5 =	sadd.s32 s7, s5;
	s7 =	smax.u32 s9, $0x1;
	s9 =	sadd.s32 $0x100, s26  }
0x13: {  	v0 =	vimm.f32 $1.000000000e+00;
	v1 =	vimm.f32 $0.0e+00;
	s26 =	simm.s32 $0x2E00;
	[dreg:$0x3] =	wrdreg s5;
	s6 =	sadd.s32 $0x16400, s0  }
.LBB2_1:
0x14: {  	s0 =	simm.s32 $0x0  }
.LBB2_2:
0x15: {  	p0 =	sne.s32 s0, $0xFE00  }
.Ltmp0:
0x16: {  	_ = 	snop;
	(pc) =	sbr.rel @p0 .LBB2_2-.Ltmp0, $3  }
0x17: {  	_ =	sdelay $0x1  }
0x18: {  	s2 =	sshra.s32 s0, $0x2  }
0x19: {  	s0 =	sadd.s32 $0x200, s0;
	[tilespmem:s2+$0x3000] =	vst v0  }
0x1a: {  	s0 =	simm.s32 $0x200;
	s2 =	simm.s32 $0x0  }
.LBB2_4:
0x1b: {  	p0 =	sne.s32 s0, $0x4FE00;
	[tilespmem:s2+$0x7000] =	vst v1;
	s2 =	smov.u32 s0;
	s0 =	sadd.s32 $0x200, s0  }
.Ltmp1:
0x1c: {  	(pc) =	sbr.rel @p0 .LBB2_4-.Ltmp1, $2  }
0x1d: {  	_ =	sdelay $0x2  }
0x1e: {  	s2 =	sshra.s32 s2, $0x2  }
0x1f: {  	[tilespmem:s2+$0x7000] =	vst v1;
	s0 =	simm.s32 $0x7000  }
0x20: {  	[spmem:s4] =	stream.linear.scatter [tilespmem:s0], [sflag:$0x2], $0x14000, $0x38;
	[tilespmem:$0x1B000] =	vst v63  }
0x21: {  	_ =	swait.ge [sflag:s10], $0x14000  }
0x22: {  	[sflag:s10] =	ssyncset.done $0x0  }
0x23: {  	[sflag:s10] =	ssyncadd.s32 $0xFFFEC000  }
0x24: {  	[bflag:$0x0] =	sbarrier.arrive $0xFFFF  }
0x25: {  	s2 =	simm.s32 $0x0;
	s5 =	rddreg [dreg:$0x3]  }
0x26: {  	[tilespmem:s11], [sflag:$0x1] =	stream.linear.gather [hbm4b:s5+s2], $0x400, $0x38;
	[tilespmem:$0x1B000] =	vst v63  }
0x27: {  	_ =	swait.ge [sflag:s12], $0x400  }
0x28: {  	[sflag:s12] =	ssyncset.done $0x0  }
0x29: {  	s8 =	sadd.s32 $0xFFFFFF80, s9;
	[sflag:s12] =	ssyncadd.s32 $0xFFFFFC00  }
0x2a: {  	[tilespmem:s13], [sflag:$0x1] =	stream.linear.gather [hbm4b:s8+s3], $0x400, $0x38;
	[tilespmem:$0x1B000] =	vst v63  }
0x2b: {  	_ = 	snop  }
0x2c: {  	[spmem:s1] =	stream.indirect.scatter.add.f32 [tilespmem:s15], [sflag:$0x2], $0x10, s11, s14, $0xb8;
	[tilespmem:$0x1B000] =	vst v63  }
0x2d: {  	_ =	swait.ge [sflag:s10], $0x800  }
0x2e: {  	[sflag:s10] =	ssyncset.done $0x0  }
0x2f: {  	[sflag:s10] =	ssyncadd.s32 $0xFFFFF800  }
0x30: {  	[spmem:s1] =	stream.indirect.scatter.add.f32 [tilespmem:s15], [sflag:$0x2], $0x10, s16, s14, $0xb8;
	[tilespmem:$0x1B000] =	vst v63  }
0x31: {  	_ =	swait.ge [sflag:s10], $0x800  }
0x32: {  	[sflag:s10] =	ssyncset.done $0x0  }
0x33: {  	[sflag:s10] =	ssyncadd.s32 $0xFFFFF800  }
0x34: {  	[spmem:s1] =	stream.indirect.scatter.add.f32 [tilespmem:s15], [sflag:$0x2], $0x10, s17, s14, $0xb8;
	[tilespmem:$0x1B000] =	vst v63  }
0x35: {  	_ =	swait.ge [sflag:s10], $0x800  }
0x36: {  	[sflag:s10] =	ssyncset.done $0x0  }
0x37: {  	[sflag:s10] =	ssyncadd.s32 $0xFFFFF800  }
0x38: {  	[spmem:s1] =	stream.indirect.scatter.add.f32 [tilespmem:s15], [sflag:$0x2], $0x10, s18, s14, $0xb8;
	[tilespmem:$0x1B000] =	vst v63  }
0x39: {  	_ =	swait.ge [sflag:s10], $0x800  }
0x3a: {  	[sflag:s10] =	ssyncset.done $0x0  }
0x3b: {  	[sflag:s10] =	ssyncadd.s32 $0xFFFFF800  }
0x3c: {  	[spmem:s1] =	stream.indirect.scatter.add.f32 [tilespmem:s15], [sflag:$0x2], $0x10, s19, s14, $0xb8;
	[tilespmem:$0x1B000] =	vst v63  }
0x3d: {  	_ =	swait.ge [sflag:s10], $0x800  }
0x3e: {  	[sflag:s10] =	ssyncset.done $0x0  }
0x3f: {  	[sflag:s10] =	ssyncadd.s32 $0xFFFFF800  }
0x40: {  	[spmem:s1] =	stream.indirect.scatter.add.f32 [tilespmem:s15], [sflag:$0x2], $0x10, s20, s14, $0xb8;
	[tilespmem:$0x1B000] =	vst v63  }
0x41: {  	_ =	swait.ge [sflag:s10], $0x800  }
0x42: {  	[sflag:s10] =	ssyncset.done $0x0  }
0x43: {  	[sflag:s10] =	ssyncadd.s32 $0xFFFFF800  }
0x44: {  	[spmem:s1] =	stream.indirect.scatter.add.f32 [tilespmem:s15], [sflag:$0x2], $0x10, s21, s14, $0xb8;
	[tilespmem:$0x1B000] =	vst v63  }
0x45: {  	_ =	swait.ge [sflag:s10], $0x800  }
0x46: {  	[sflag:s10] =	ssyncset.done $0x0  }
0x47: {  	[sflag:s10] =	ssyncadd.s32 $0xFFFFF800  }
0x48: {  	[spmem:s1] =	stream.indirect.scatter.add.f32 [tilespmem:s15], [sflag:$0x2], $0x10, s22, s14, $0xb8;
	[tilespmem:$0x1B000] =	vst v63  }
0x49: {  	_ =	swait.ge [sflag:s10], $0x800  }
0x4a: {  	[sflag:s10] =	ssyncset.done $0x0  }
0x4b: {  	[sflag:s10] =	ssyncadd.s32 $0xFFFFF800  }
0x4c: {  	_ =	swait.ge [sflag:s12], $0x400  }
0x4d: {  	p0 =	por $0x0, $0x0;
	[sflag:s12] =	ssyncset.done $0x0  }
0x4e: {  	s0 =	simm.s32 @!p0 $0x0;
	s2 =	simm.s32 @!p0 $0x2800;
	[sflag:s12] =	ssyncadd.s32 $0xFFFFFC00  }
0x4f: {  	[tilespmem:s2], [sflag:$0x1] =	stream.linear.gather @!p0 [hbm4b:s9+s0], $0x400, $0x38;
	[tilespmem:$0x1B000] =	vst v63  }
0x50: {  	_ = 	snop  }
0x51: {  	[spmem:s1] =	stream.indirect.scatter.add.f32 [tilespmem:s15], [sflag:$0x2], $0x10, s13, s14, $0xb8;
	[tilespmem:$0x1B000] =	vst v63  }
0x52: {  	_ =	swait.ge [sflag:s10], $0x800  }
0x53: {  	[sflag:s10] =	ssyncset.done $0x0  }
0x54: {  	[sflag:s10] =	ssyncadd.s32 $0xFFFFF800  }
0x55: {  	[spmem:s1] =	stream.indirect.scatter.add.f32 [tilespmem:s15], [sflag:$0x2], $0x10, s23, s14, $0xb8;
	[tilespmem:$0x1B000] =	vst v63  }
0x56: {  	_ =	swait.ge [sflag:s10], $0x800  }
0x57: {  	[sflag:s10] =	ssyncset.done $0x0  }
0x58: {  	[sflag:s10] =	ssyncadd.s32 $0xFFFFF800  }
0x59: {  	[spmem:s1] =	stream.indirect.scatter.add.f32 [tilespmem:s15], [sflag:$0x2], $0x10, s24, s14, $0xb8;
	[tilespmem:$0x1B000] =	vst v63  }
0x5a: {  	_ =	swait.ge [sflag:s10], $0x800  }
0x5b: {  	[sflag:s10] =	ssyncset.done $0x0  }
0x5c: {  	[sflag:s10] =	ssyncadd.s32 $0xFFFFF800  }
0x5d: {  	[spmem:s1] =	stream.indirect.scatter.add.f32 [tilespmem:s15], [sflag:$0x2], $0x10, s25, s14, $0xb8;
	[tilespmem:$0x1B000] =	vst v63  }
0x5e: {  	_ =	swait.ge [sflag:s10], $0x800  }
0x5f: {  	[sflag:s10] =	ssyncset.done $0x0  }
0x60: {  	[sflag:s10] =	ssyncadd.s32 $0xFFFFF800  }
0x61: {  	[spmem:s1] =	stream.indirect.scatter.add.f32 [tilespmem:s15], [sflag:$0x2], $0x10, s26, s14, $0xb8;
	[tilespmem:$0x1B000] =	vst v63  }
0x62: {  	_ =	swait.ge [sflag:s10], $0x800  }
0x63: {  	[sflag:s10] =	ssyncset.done $0x0  }
0x64: {  	[sflag:s10] =	ssyncadd.s32 $0xFFFFF800  }
0x65: {  	[spmem:s1] =	stream.indirect.scatter.add.f32 [tilespmem:s15], [sflag:$0x2], $0x10, s28, s14, $0xb8;
	[tilespmem:$0x1B000] =	vst v63  }
0x66: {  	_ =	swait.ge [sflag:s10], $0x800  }
0x67: {  	[sflag:s10] =	ssyncset.done $0x0  }
0x68: {  	[sflag:s10] =	ssyncadd.s32 $0xFFFFF800  }
0x69: {  	[spmem:s1] =	stream.indirect.scatter.add.f32 [tilespmem:s15], [sflag:$0x2], $0x10, s29, s14, $0xb8;
	[tilespmem:$0x1B000] =	vst v63  }
0x6a: {  	_ =	swait.ge [sflag:s10], $0x800  }
0x6b: {  	[sflag:s10] =	ssyncset.done $0x0  }
0x6c: {  	[sflag:s10] =	ssyncadd.s32 $0xFFFFF800  }
0x6d: {  	[spmem:s1] =	stream.indirect.scatter.add.f32 [tilespmem:s15], [sflag:$0x2], $0x10, s30, s14, $0xb8;
	[tilespmem:$0x1B000] =	vst v63  }
0x6e: {  	_ =	swait.ge [sflag:s10], $0x800  }
0x6f: {  	s8 =	smov.u32 s9;
	s0 =	simm.s32 $0x1;
	[sflag:s10] =	ssyncset.done $0x0  }
.LBB2_6:
0x70: {  	[sflag:s10] =	ssyncadd.s32 $0xFFFFF800  }
0x71: {  	s8 =	sadd.s32 $0x100, s8;
	s2 =	smov.u32 s0;
	s0 =	sadd.s32 $0x1, s0  }
0x72: {  	_ =	swait.ge [sflag:s12], $0x400;
	p0 =	sne.s32 s0, $0x5  }
0x73: {  	[sflag:s12] =	ssyncset.done $0x0  }
0x74: {  	s5 =	sadd.s32 $0xFFFFFF80, s8;
	[sflag:s12] =	ssyncadd.s32 $0xFFFFFC00  }
0x75: {  	[tilespmem:s13], [sflag:$0x1] =	stream.linear.gather [hbm4b:s5+s3], $0x400, $0x38;
	[tilespmem:$0x1B000] =	vst v63  }
0x76: {  	_ = 	snop  }
0x77: {  	[spmem:s1] =	stream.indirect.scatter.add.f32 [tilespmem:s15], [sflag:$0x2], $0x10, s11, s14, $0xb8;
	[tilespmem:$0x1B000] =	vst v63  }
0x78: {  	_ =	swait.ge [sflag:s10], $0x800  }
0x79: {  	[sflag:s10] =	ssyncset.done $0x0  }
0x7a: {  	[sflag:s10] =	ssyncadd.s32 $0xFFFFF800  }
0x7b: {  	[spmem:s1] =	stream.indirect.scatter.add.f32 [tilespmem:s15], [sflag:$0x2], $0x10, s16, s14, $0xb8;
	[tilespmem:$0x1B000] =	vst v63  }
0x7c: {  	_ =	swait.ge [sflag:s10], $0x800  }
0x7d: {  	[sflag:s10] =	ssyncset.done $0x0  }
0x7e: {  	[sflag:s10] =	ssyncadd.s32 $0xFFFFF800  }
0x7f: {  	[spmem:s1] =	stream.indirect.scatter.add.f32 [tilespmem:s15], [sflag:$0x2], $0x10, s17, s14, $0xb8;
	[tilespmem:$0x1B000] =	vst v63  }
0x80: {  	_ =	swait.ge [sflag:s10], $0x800  }
0x81: {  	[sflag:s10] =	ssyncset.done $0x0  }
0x82: {  	[sflag:s10] =	ssyncadd.s32 $0xFFFFF800  }
0x83: {  	[spmem:s1] =	stream.indirect.scatter.add.f32 [tilespmem:s15], [sflag:$0x2], $0x10, s18, s14, $0xb8;
	[tilespmem:$0x1B000] =	vst v63  }
0x84: {  	_ =	swait.ge [sflag:s10], $0x800  }
0x85: {  	[sflag:s10] =	ssyncset.done $0x0  }
0x86: {  	[sflag:s10] =	ssyncadd.s32 $0xFFFFF800  }
0x87: {  	[spmem:s1] =	stream.indirect.scatter.add.f32 [tilespmem:s15], [sflag:$0x2], $0x10, s19, s14, $0xb8;
	[tilespmem:$0x1B000] =	vst v63  }
0x88: {  	_ =	swait.ge [sflag:s10], $0x800  }
0x89: {  	[sflag:s10] =	ssyncset.done $0x0  }
0x8a: {  	[sflag:s10] =	ssyncadd.s32 $0xFFFFF800  }
0x8b: {  	[spmem:s1] =	stream.indirect.scatter.add.f32 [tilespmem:s15], [sflag:$0x2], $0x10, s20, s14, $0xb8;
	[tilespmem:$0x1B000] =	vst v63  }
0x8c: {  	_ =	swait.ge [sflag:s10], $0x800  }
0x8d: {  	[sflag:s10] =	ssyncset.done $0x0  }
0x8e: {  	[sflag:s10] =	ssyncadd.s32 $0xFFFFF800  }
0x8f: {  	[spmem:s1] =	stream.indirect.scatter.add.f32 [tilespmem:s15], [sflag:$0x2], $0x10, s21, s14, $0xb8;
	[tilespmem:$0x1B000] =	vst v63  }
0x90: {  	_ =	swait.ge [sflag:s10], $0x800  }
0x91: {  	[sflag:s10] =	ssyncset.done $0x0  }
0x92: {  	[sflag:s10] =	ssyncadd.s32 $0xFFFFF800  }
0x93: {  	[spmem:s1] =	stream.indirect.scatter.add.f32 [tilespmem:s15], [sflag:$0x2], $0x10, s22, s14, $0xb8;
	[tilespmem:$0x1B000] =	vst v63  }
0x94: {  	_ =	swait.ge [sflag:s10], $0x800  }
0x95: {  	[sflag:s10] =	ssyncset.done $0x0  }
0x96: {  	[sflag:s10] =	ssyncadd.s32 $0xFFFFF800  }
0x97: {  	_ =	swait.ge [sflag:s12], $0x400  }
0x98: {  	p1 =	sgt.u32 s2, $0x3;
	[sflag:s12] =	ssyncset.done $0x0  }
0x99: {  	s2 =	simm.s32 @!p1 $0x0;
	s5 =	simm.s32 @!p1 $0x2800;
	[sflag:s12] =	ssyncadd.s32 $0xFFFFFC00  }
0x9a: {  	[tilespmem:s5], [sflag:$0x1] =	stream.linear.gather @!p1 [hbm4b:s8+s2], $0x400, $0x38;
	[tilespmem:$0x1B000] =	vst v63  }
0x9b: {  	_ = 	snop  }
0x9c: {  	[spmem:s1] =	stream.indirect.scatter.add.f32 [tilespmem:s15], [sflag:$0x2], $0x10, s13, s14, $0xb8;
	[tilespmem:$0x1B000] =	vst v63  }
0x9d: {  	_ =	swait.ge [sflag:s10], $0x800  }
0x9e: {  	[sflag:s10] =	ssyncset.done $0x0  }
0x9f: {  	[sflag:s10] =	ssyncadd.s32 $0xFFFFF800  }
0xa0: {  	[spmem:s1] =	stream.indirect.scatter.add.f32 [tilespmem:s15], [sflag:$0x2], $0x10, s23, s14, $0xb8;
	[tilespmem:$0x1B000] =	vst v63  }
0xa1: {  	_ =	swait.ge [sflag:s10], $0x800  }
0xa2: {  	[sflag:s10] =	ssyncset.done $0x0  }
0xa3: {  	[sflag:s10] =	ssyncadd.s32 $0xFFFFF800  }
0xa4: {  	[spmem:s1] =	stream.indirect.scatter.add.f32 [tilespmem:s15], [sflag:$0x2], $0x10, s24, s14, $0xb8;
	[tilespmem:$0x1B000] =	vst v63  }
0xa5: {  	_ =	swait.ge [sflag:s10], $0x800  }
0xa6: {  	[sflag:s10] =	ssyncset.done $0x0  }
0xa7: {  	[sflag:s10] =	ssyncadd.s32 $0xFFFFF800  }
0xa8: {  	[spmem:s1] =	stream.indirect.scatter.add.f32 [tilespmem:s15], [sflag:$0x2], $0x10, s25, s14, $0xb8;
	[tilespmem:$0x1B000] =	vst v63  }
0xa9: {  	_ =	swait.ge [sflag:s10], $0x800  }
0xaa: {  	[sflag:s10] =	ssyncset.done $0x0  }
0xab: {  	[sflag:s10] =	ssyncadd.s32 $0xFFFFF800  }
0xac: {  	[spmem:s1] =	stream.indirect.scatter.add.f32 [tilespmem:s15], [sflag:$0x2], $0x10, s26, s14, $0xb8;
	[tilespmem:$0x1B000] =	vst v63  }
0xad: {  	_ =	swait.ge [sflag:s10], $0x800  }
0xae: {  	[sflag:s10] =	ssyncset.done $0x0  }
0xaf: {  	[sflag:s10] =	ssyncadd.s32 $0xFFFFF800  }
0xb0: {  	[spmem:s1] =	stream.indirect.scatter.add.f32 [tilespmem:s15], [sflag:$0x2], $0x10, s28, s14, $0xb8;
	[tilespmem:$0x1B000] =	vst v63  }
0xb1: {  	_ =	swait.ge [sflag:s10], $0x800  }
0xb2: {  	[sflag:s10] =	ssyncset.done $0x0  }
0xb3: {  	[sflag:s10] =	ssyncadd.s32 $0xFFFFF800  }
0xb4: {  	[spmem:s1] =	stream.indirect.scatter.add.f32 [tilespmem:s15], [sflag:$0x2], $0x10, s29, s14, $0xb8;
	[tilespmem:$0x1B000] =	vst v63  }
0xb5: {  	_ =	swait.ge [sflag:s10], $0x800  }
.Ltmp2:
0xb6: {  	[sflag:s10] =	ssyncset.done $0x0;
	(pc) =	sbr.rel @p0 .LBB2_6-.Ltmp2, $4  }
0xb7: {  	[sflag:s10] =	ssyncadd.s32 $0xFFFFF800  }
0xb8: {  	[spmem:s1] =	stream.indirect.scatter.add.f32 [tilespmem:s15], [sflag:$0x2], $0x10, s30, s14, $0xb8;
	[tilespmem:$0x1B000] =	vst v63  }
0xb9: {  	_ =	swait.ge [sflag:s10], $0x800  }
0xba: {  	[sflag:s10] =	ssyncset.done $0x0  }
0xbb: {  	[sflag:s10] =	ssyncadd.s32 $0xFFFFF800;
	s0 =	stileid.u32;
	s31 =	sadd.s32 $0x1, s31  }
0xbc: {  	s2 =	sshrl.u32 s4, $0x3;
	s0 =	sshll.u32 s0, $0x6;
	p0 =	sne.s32 s31, s7  }
.Ltmp3:
0xbd: {  	[bflag:$0x0] =	sbarrier.arrive $0xFFFF;
	s0 =	sor.u32 $0x1C02, s0;
	(pc) =	sbr.rel @p0 .LBB2_1-.Ltmp3, $4  }
0xbe: {  	[hbm:s6], [sflag:s0] =	dma.local [spmem:s2], $0x2800  }
0xbf: {  	_ =	swait.ge [sflag:s10], $0x2800  }
0xc0: {  	[sflag:s10] =	ssyncset.done $0x0  }
0xc1: {  	[sflag:s10] =	ssyncadd.s32 $0xFFFFD800  }
0xc2: {  	_ =	sfence.sel $0x180000  }
0xc3: {  	[bflag:$0x0] =	sbarrier.arrive $0xFFFF  }
0xc4: {  	_ =	strace $0x90000047  }
0xc5: {  	s0 =	stileid.u32;
	[bflag:$0x2] =	sbarrier.arrive $0xFFFF  }
0xc6: {  	p0 =	sne.s32 s0, $0x0;
	s0 =	rddreg [dreg:$0x2]  }
0xc7: {  	s0 =	sadd.s32 @!p0 $0x100000, s0  }
0xc8: {  	[sflag:s0] =	ssyncadd.tile.s32 @!p0 $0x1;
	_ =	shalt  }
.Lfunc_end2:
_tile_overlayer_lowered:
.L_overlay_start_2:
0xc9: {  	(tag) =	ssettag $0x2  }
0xca: {  	s0 =	rddreg [dreg:$0x0];
	s2 =	stileid.u32  }
0xcb: {  	s1 =	rddreg [dreg:$0x1];
	p0 =	sne.s32 s2, $0x0  }
0xcc: {  	s3 =	rddreg [dreg:$0x2];
	[bflag:$0x3] =	sbarrier.arrive $0xFFFF;
	s2 =	simm.s32 @!p0 $0x1C02  }
0xcd: {  	[timem:s3], [sflag:s2] =	dma.local @!p0 [hbm:s0], s1  }
0xce: {  	s0 =	simm.s32 @!p0 $0x2  }
0xcf: {  	_ =	swait.ge @!p0 [sflag:s0], s1  }
0xd0: {  	s1 =	ssub.s32 @!p0 $0x0, s1;
	[sflag:s0] =	ssyncset.done @!p0 $0x0  }
0xd1: {  	[sflag:s0] =	ssyncadd.s32 @!p0 s1  }
0xd2: {  	[bflag:$0x3] =	sbarrier.arrive $0xFFFF  }
0xd3: {  	_ =	shalt  }

</sc_bundles>
